<compile_context>
chip_gen: v7x
topology: tpu7x:2x2x1
jax: 0.10.2.dev20260603
libtpu: 0.0.44.dev20260713+nightly
codegen_flags: <defaults>
</compile_context>

<pallas_src>
import functools

import numpy as np
import jax
import jax.numpy as jnp
from jax import lax
from jax.experimental import pallas as pl
from jax.experimental.pallas import tpu as pltpu
from jax.experimental.pallas import tpu_sc as plsc

_PAD_TOKEN_ID = 0
_MASK_TOKEN_ID = 103
_VOCAB_SIZE = 50000
_SPAN = _VOCAB_SIZE - _MASK_TOKEN_ID
_MULT = ((65536 % _SPAN) * (65536 % _SPAN)) % _SPAN
_B16 = 65536 % _SPAN
_TH80 = 6710886
_TH10 = 838860

_ROTS = ((13, 15, 26, 6), (17, 29, 16, 24))


def _np_tf20(k0, k1, x0, x1):
    M = 0xFFFFFFFF
    ks = [int(k0), int(k1), (int(k0) ^ int(k1) ^ 0x1BD11BDA) & M]
    x0 = (int(x0) + ks[0]) & M
    x1 = (int(x1) + ks[1]) & M
    for j in range(5):
        for r in _ROTS[j % 2]:
            x0 = (x0 + x1) & M
            x1 = ((x1 << r) | (x1 >> (32 - r))) & M
            x1 ^= x0
        x0 = (x0 + ks[(j + 1) % 3]) & M
        x1 = (x1 + ks[(j + 2) % 3] + j + 1) & M
    return x0, x1


def _derive_subkeys():
    base = (0, 1234)
    kb = _np_tf20(base[0], base[1], 0, 0)
    k80 = _np_tf20(base[0], base[1], 0, 1)
    k10 = _np_tf20(base[0], base[1], 0, 2)
    kw = _np_tf20(base[0], base[1], 0, 3)
    kw1 = _np_tf20(kw[0], kw[1], 0, 0)
    kw2 = _np_tf20(kw[0], kw[1], 0, 1)
    return kb, k80, k10, kw1, kw2


_KB, _K80, _K10, _KW1, _KW2 = _derive_subkeys()


def _i32(v):
    v = int(v) & 0xFFFFFFFF
    return np.int32(v - 0x100000000 if v >= 0x80000000 else v)


def _cst(v, like, dtype=jnp.int32):
    return jnp.full(jnp.shape(like), v, dtype)


def _lsr(x, d):
    return lax.shift_right_logical(x, _cst(d, x))


def _shl(x, d):
    return lax.shift_left(x, _cst(d, x))


def _bc(s, shape=(16,)):
    return lax.broadcast(s, shape)


def _tf20_bits(kpair, x1):
    k0, k1 = int(kpair[0]), int(kpair[1])
    ks = (k0, k1, (k0 ^ k1 ^ 0x1BD11BDA) & 0xFFFFFFFF)
    x0v = x1 + _cst(_i32(ks[1] + ks[0]), x1)
    x1v = x1 + _cst(_i32(ks[1]), x1)
    x1v = _shl(x1v, 13) | _lsr(x1v, 19)
    x1v = x1v ^ x0v
    first = True
    for j in range(5):
        rots = _ROTS[j % 2]
        for idx, r in enumerate(rots):
            if first and idx == 0:
                first = False
                continue
            x0v = x0v + x1v
            x1v = _shl(x1v, r) | _lsr(x1v, 32 - r)
            x1v = x1v ^ x0v
        x0v = x0v + _cst(_i32(ks[(j + 1) % 3]), x1)
        x1v = x1v + _cst(_i32(ks[(j + 2) % 3] + j + 1), x1)
    return x0v ^ x1v


def _mod_span(t):
    span = _cst(_SPAN, t)
    q = (t.astype(jnp.float32)
         * _cst(np.float32(1.0 / _SPAN), t, jnp.float32)).astype(jnp.int32)
    r = t - q * span
    r = jnp.where(r < _cst(0, t), r + span, r)
    r = jnp.where(r >= span, r - span, r)
    return r


def _umod_span(x):
    span = _cst(_SPAN, x)
    xh = _lsr(x, 16)
    xl = x & _cst(0xFFFF, x)
    xh = jnp.where(xh >= span, xh - span, xh)
    return _mod_span(xh * _cst(_B16, x) + xl)


def _rand_words(pos):
    hi = _umod_span(_tf20_bits(_KW1, pos))
    lo = _umod_span(_tf20_bits(_KW2, pos))
    return _cst(_MASK_TOKEN_ID, pos) + _mod_span(hi * _cst(_MULT, pos) + lo)


_BLOCK_ROWS = 32
_L = 2048
_NBLK = 4



def _tc_kernel(inp_ref, msk_ref, sp_ref, out_inp_ref, out_msk_ref,
               out_lbl_ref, out_pk_ref):
    base = pl.program_id(0) * np.int32(_BLOCK_ROWS)
    rows = lax.broadcasted_iota(jnp.int32, (_BLOCK_ROWS, _L), 0)
    cols = lax.broadcasted_iota(jnp.int32, (_BLOCK_ROWS, _L), 1)
    i = (base + rows) * np.int32(_L) + cols

    inp = inp_ref[...]
    msk = msk_ref[...]
    sp = sp_ref[...]

    bits_b = _tf20_bits(_KB, i)
    masked = (bits_b >= 0) & jnp.logical_not(sp)

    bits_80 = _tf20_bits(_K80, i)
    replaced = (_lsr(bits_80, 9) <= np.int32(_TH80)) & masked

    bits_10 = _tf20_bits(_K10, i)
    is_rand = (_lsr(bits_10, 9) <= np.int32(_TH10)) & masked & \
        jnp.logical_not(replaced)

    out_msk_ref[...] = jnp.where(masked, np.int32(0), msk)
    out_lbl_ref[...] = jnp.where(masked, inp, np.int32(_PAD_TOKEN_ID))
    out_inp_ref[...] = jnp.where(replaced, np.int32(_MASK_TOKEN_ID), inp)

    packed = jnp.sum(jnp.where(is_rand, jnp.int32(1) << rows, np.int32(0)),
                     axis=0)
    out_pk_ref[...] = packed.reshape(1, 1, _L)


def _tc_pass(inputs, masks, special_tokens_mask):
    B, L = inputs.shape
    grid = (B // _BLOCK_ROWS,)
    blk = lambda: pl.BlockSpec((_BLOCK_ROWS, L), lambda b: (b, 0))
    pk_blk = pl.BlockSpec((1, 1, L), lambda b: (b, 0, 0))
    out_shapes = (
        jax.ShapeDtypeStruct((B, L), jnp.int32),
        jax.ShapeDtypeStruct((B, L), jnp.int32),
        jax.ShapeDtypeStruct((B, L), jnp.int32),
        jax.ShapeDtypeStruct((_NBLK, 1, L), jnp.int32),
    )
    return pl.pallas_call(
        _tc_kernel,
        grid=grid,
        in_specs=[blk(), blk(), blk()],
        out_specs=(blk(), blk(), blk(), pk_blk),
        out_shape=out_shapes,
        compiler_params=pltpu.CompilerParams(
            dimension_semantics=("arbitrary",),
        ),
    )(inputs, masks, special_tokens_mask)



_TROW = 32
_TCOL = 256
_MAXK = 144

_SC_FIX_CACHE = []


def _get_sc_fix():
    if not _SC_FIX_CACHE:
        mesh = plsc.VectorSubcoreMesh(
            core_axis_name="c", subcore_axis_name="s",
            num_cores=2, num_subcores=16)
        _SC_FIX_CACHE.append(functools.partial(
            pl.kernel,
            out_type=jax.ShapeDtypeStruct((128, _L), jnp.int32),
            mesh=mesh,
            compiler_params=pltpu.CompilerParams(needs_layout_passes=False),
            scratch_types=[
                pltpu.VMEM((_TROW, _TCOL), jnp.int32),
                pltpu.VMEM((_TCOL,), jnp.int32),
                pltpu.VMEM((_MAXK,), jnp.int32),
                pltpu.VMEM((_MAXK,), jnp.int32),
                pltpu.SMEM((1,), jnp.int32),
            ],
        )(_sc_fix_kernel))
    return _SC_FIX_CACHE[0]


def _sc_fix_kernel(tmp_hbm, pk_hbm, out_hbm, cpv, pkv, posv, locv, cnt_ref):
    wid = lax.axis_index("c") * 16 + lax.axis_index("s")
    blk = wid >> 3
    j = wid & 7
    row0 = blk * _TROW
    col0 = j * _TCOL

    pltpu.sync_copy(tmp_hbm.at[pl.ds(row0, _TROW), pl.ds(col0, _TCOL)], cpv)
    pltpu.sync_copy(pk_hbm.at[pl.ds(blk * _L + col0, _TCOL)], pkv)

    iota = lax.iota(jnp.int32, 16)
    cnt_ref[0] = 0

    one16 = _cst(1, iota)
    zero16 = _cst(0, iota)

    def vec_body(v, carry):
        wv = pkv[pl.ds(v * 16, 16)]
        for r in range(32):
            m = (_lsr(wv, r) & one16) != zero16
            s = plsc.all_reduce_population_count(m)[0]

            @pl.when(s != 0)
            def _(r=r, m=m, s=s):
                cn = cnt_ref[0]
                pos = iota + _bc((row0 + r) * np.int32(_L) + col0 + v * 16)
                loc = iota + _bc(np.int32(r * _TCOL) + v * 16)
                plsc.store_compressed(posv.at[pl.ds(cn, 16)], pos, mask=m)
                plsc.store_compressed(locv.at[pl.ds(cn, 16)], loc, mask=m)
                cnt_ref[0] = cn + s
        return carry

    lax.fori_loop(0, _TCOL // 16, vec_body, 0)
    cnt = cnt_ref[0]

    def chunk_body(t, carry):
        off = t * 16
        posx = posv[pl.ds(off, 16)]
        locx = locv[pl.ds(off, 16)]
        valid = (iota + _bc(off)) < _bc(cnt)
        wrd = _rand_words(posx)
        plsc.store_scatter(cpv, [_lsr(locx, 8), locx & _cst(255, locx)],
                           wrd, mask=valid)
        return carry

    lax.fori_loop(0, (cnt + 15) >> 4, chunk_body, 0)

    pltpu.sync_copy(cpv, out_hbm.at[pl.ds(row0, _TROW), pl.ds(col0, _TCOL)])


def kernel(inputs, masks, special_tokens_mask):
    inputs_tmp, masks_out, labels_out, pk = _tc_pass(
        inputs, masks, special_tokens_mask)
    pk_flat = pk.reshape(_NBLK * _L)
    inputs_out = _get_sc_fix()(inputs_tmp, pk_flat)
    return (inputs_out, masks_out, labels_out)

# --- scband reference (transcript-rebuilt; emitter-appended) ---
"""Pipeline reference for scband-mask-lm-3685081940695 (READ-ONLY COPY).

The authoritative reference and input builder live on the scoring server;
editing this copy changes nothing except your own understanding.
"""

import jax, jax.numpy as jnp
import numpy as np

MLM_PROBABILITY = 0.5
PAD_TOKEN_ID = 0
MASK_TOKEN_ID = 103
VOCAB_SIZE = 50000


def setup_inputs(seed: int = 0) -> dict:
    key = jax.random.key(seed)
    k1, k2 = jax.random.split(key)
    B, L = 128, 2048
    inputs = jax.random.randint(k1, (B, L), 0, 50000, dtype=jnp.int64 if jax.config.jax_enable_x64 else jnp.int32).astype(jnp.int32)
    masks = jnp.ones((B, L), dtype=jnp.int32)
    special_tokens_mask = jnp.zeros((B, L), dtype=jnp.bool_)
    return {"inputs": inputs, "masks": masks, "special_tokens_mask": special_tokens_mask}


def reference(inputs, masks, special_tokens_mask):
    # Faithful JAX translation of MaskLM.torch_mask_tokens
    labels = inputs
    if MLM_PROBABILITY <= 0.0:
        return (inputs, masks, labels)

    key = jax.random.key(1234)
    kb, kr80, kr10, kw = jax.random.split(key, 4)
    shape = labels.shape

    # probability matrix, zeroed on special tokens
    probability_matrix = jnp.full(shape, MLM_PROBABILITY, dtype=jnp.float32)
    probability_matrix = jnp.where(special_tokens_mask.astype(jnp.bool_), 0.0, probability_matrix)

    # masked_indices = bernoulli(probability_matrix)
    masked_indices = jax.random.uniform(kb, shape) < probability_matrix

    # masks[masked_indices] = 0
    masks_out = jnp.where(masked_indices, 0, masks)

    # labels[~masked_indices] = pad_token_id
    labels_out = jnp.where(masked_indices, labels, PAD_TOKEN_ID)

    # 80% of masked -> [MASK]
    indices_replaced = (jax.random.uniform(kr80, shape) < 0.8) & masked_indices
    inputs_out = jnp.where(indices_replaced, MASK_TOKEN_ID, inputs)

    # 10% of masked -> random word
    indices_random = (jax.random.uniform(kr10, shape) < 0.1) & masked_indices & (~indices_replaced)
    random_words = jax.random.randint(kw, shape, 103, VOCAB_SIZE, dtype=inputs.dtype)
    inputs_out = jnp.where(indices_random, random_words, inputs_out)

    return (inputs_out, masks_out, labels_out)

if __name__ == "__main__":
    import jax
    _d = setup_inputs()
    print(jax.jit(kernel)(*tuple(_d.values())))

</pallas_src>

<mosaic_0001>
#map = affine_map<(d0, d1) -> (0, 0)>
#map1 = affine_map<(d0, d1) -> (0)>
module attributes {stable_mosaic.version = 14 : i64} {
  func.func @_sc_fix_kernel(%arg0: i32, %arg1: i32, %arg2: memref<128x2048xi32, #tpu.memory_space<hbm>>, %arg3: memref<8192xi32, #tpu.memory_space<hbm>>, %arg4: memref<128x2048xi32, #tpu.memory_space<hbm>>, %arg5: memref<32x256xi32, #tpu.memory_space<vmem>>, %arg6: memref<256xi32, #tpu.memory_space<vmem>>, %arg7: memref<144xi32, #tpu.memory_space<vmem>>, %arg8: memref<144xi32, #tpu.memory_space<vmem>>, %arg9: memref<1xi32, #tpu.memory_space<smem>>) attributes {dimension_semantics = [#tpu.dimension_semantics<core_parallel>, #tpu.dimension_semantics<subcore_parallel>], iteration_bounds = array<i64: 2, 16>, scalar_prefetch = 0 : i64, scratch_operands = 5 : i64, tpu.core_type = #tpu.core_type<sc_vector_subcore>, window_params = [{transform_indices = #map}, {transform_indices = #map1}, {transform_indices = #map}]} {
    %mul3A = arith.constant 16 : i32
    %mul3A_0 = arith.muli %arg0, %mul3A : i32
    %add3A = arith.addi %mul3A_0, %arg1 : i32
    %shift_right_arithmetic3A = arith.constant 3 : i32
    %shift_right_arithmetic3A_1 = arith.shrsi %add3A, %shift_right_arithmetic3A : i32
    %and3A = arith.constant 7 : i32
    %and3A_2 = arith.andi %add3A, %and3A : i32
    %mul3A_3 = arith.constant 32 : i32
    %mul3A_4 = arith.muli %shift_right_arithmetic3A_1, %mul3A_3 : i32
    %mul3A_5 = arith.constant 256 : i32
    %mul3A_6 = arith.muli %and3A_2, %mul3A_5 : i32
    "tpu.region"() ({
      %run_scoped3A = tpu.sem_alloc : memref<!tpu.dma_semaphore, #tpu.memory_space<semaphore_mem>>
      %dma_start3A = tpu.memref_slice %arg2[%mul3A_4, %mul3A_6] : memref<128x2048xi32, #tpu.memory_space<hbm>> -> memref<32x256xi32, #tpu.memory_space<hbm>>
      %dma_start3A_36 = tpu.memref_slice %arg2[%mul3A_4, %mul3A_6] : memref<128x2048xi32, #tpu.memory_space<hbm>> -> memref<32x256xi32, #tpu.memory_space<hbm>>
      tpu.enqueue_dma source(%dma_start3A_36 : memref<32x256xi32, #tpu.memory_space<hbm>>) target(%arg5 : memref<32x256xi32, #tpu.memory_space<vmem>>) target_semaphore(%run_scoped3A : memref<!tpu.dma_semaphore, #tpu.memory_space<semaphore_mem>>)
      %dma_wait3A = tpu.memref_slice %arg2[%mul3A_4, %mul3A_6] : memref<128x2048xi32, #tpu.memory_space<hbm>> -> memref<32x256xi32, #tpu.memory_space<hbm>>
      %dma_wait3A_37 = tpu.memref_slice %arg2[%mul3A_4, %mul3A_6] : memref<128x2048xi32, #tpu.memory_space<hbm>> -> memref<32x256xi32, #tpu.memory_space<hbm>>
      tpu.wait_dma2 semaphore(%run_scoped3A : memref<!tpu.dma_semaphore, #tpu.memory_space<semaphore_mem>>) src(%dma_wait3A_37 : memref<32x256xi32, #tpu.memory_space<hbm>>) dst(%arg5 : memref<32x256xi32, #tpu.memory_space<vmem>>)
      tpu.yield
    }) : () -> ()
    %mul3A_7 = arith.constant 2048 : i32
    %mul3A_8 = arith.muli %shift_right_arithmetic3A_1, %mul3A_7 : i32
    %add3A_9 = arith.addi %mul3A_8, %mul3A_6 : i32
    "tpu.region"() ({
      %run_scoped3A = tpu.sem_alloc : memref<!tpu.dma_semaphore, #tpu.memory_space<semaphore_mem>>
      %dma_start3A = tpu.memref_slice %arg3[%add3A_9] : memref<8192xi32, #tpu.memory_space<hbm>> -> memref<256xi32, #tpu.memory_space<hbm>>
      %dma_start3A_36 = tpu.memref_slice %arg3[%add3A_9] : memref<8192xi32, #tpu.memory_space<hbm>> -> memref<256xi32, #tpu.memory_space<hbm>>
      tpu.enqueue_dma source(%dma_start3A_36 : memref<256xi32, #tpu.memory_space<hbm>>) target(%arg6 : memref<256xi32, #tpu.memory_space<vmem>>) target_semaphore(%run_scoped3A : memref<!tpu.dma_semaphore, #tpu.memory_space<semaphore_mem>>)
      %dma_wait3A = tpu.memref_slice %arg3[%add3A_9] : memref<8192xi32, #tpu.memory_space<hbm>> -> memref<256xi32, #tpu.memory_space<hbm>>
      %dma_wait3A_37 = tpu.memref_slice %arg3[%add3A_9] : memref<8192xi32, #tpu.memory_space<hbm>> -> memref<256xi32, #tpu.memory_space<hbm>>
      tpu.wait_dma2 semaphore(%run_scoped3A : memref<!tpu.dma_semaphore, #tpu.memory_space<semaphore_mem>>) src(%dma_wait3A_37 : memref<256xi32, #tpu.memory_space<hbm>>) dst(%arg6 : memref<256xi32, #tpu.memory_space<vmem>>)
      tpu.yield
    }) : () -> ()
    %iota3A = tpu.iota {dimensions = array<i32: 0>} : vector<16xi32>
    %swap3A = arith.constant 0 : i32
    %swap3A_10 = arith.constant 0 : i32
    %swap3A_11 = arith.index_cast %swap3A_10 : i32 to index
    %swap3A_12 = memref.load %arg9[%swap3A_11] : memref<1xi32, #tpu.memory_space<smem>>
    memref.store %swap3A, %arg9[%swap3A_11] : memref<1xi32, #tpu.memory_space<smem>>
    %broadcast_in_dim3A = arith.constant 1 : i32
    %broadcast_in_dim3A_13 = vector.broadcast %broadcast_in_dim3A : i32 to vector<16xi32>
    %broadcast_in_dim3A_14 = arith.constant 0 : i32
    %broadcast_in_dim3A_15 = vector.broadcast %broadcast_in_dim3A_14 : i32 to vector<16xi32>
    %scan3A = arith.constant 0 : i32
    %scan3A_16 = arith.constant 0 : i32
    %scan3A_17 = arith.constant 16 : i32
    %scan3A_18 = arith.addi %scan3A_16, %scan3A_17 : i32
    %scan3A_19 = arith.constant 1 : i32
    scf.for %scan3A_36 = %scan3A_16 to %scan3A_18 step %scan3A_19  : i32 {
      %mul3A_37 = arith.constant 16 : i32
      %mul3A_38 = arith.muli %scan3A_36, %mul3A_37 : i32
      %get3A_39 = arith.index_cast %mul3A_38 : i32 to index
      %get3A_40 = tpu.vector_load %arg6[%get3A_39] {strides = array<i32>} : memref<256xi32, #tpu.memory_space<vmem>>, vector<16xi32>,
      %broadcast_in_dim3A_41 = arith.constant 0 : i32
      %broadcast_in_dim3A_42 = vector.broadcast %broadcast_in_dim3A_41 : i32 to vector<16xi32>
      %shift_right_logical3A = arith.shrui %get3A_40, %broadcast_in_dim3A_42 : vector<16xi32>
      %and3A_43 = arith.andi %shift_right_logical3A, %broadcast_in_dim3A_13 : vector<16xi32>
      %ne3A = arith.cmpi ne, %and3A_43, %broadcast_in_dim3A_15 : vector<16xi32>
      %all_reduce_population_count3A = tpu.all_reduce %ne3A {dim = 0 : i64, kind = #tpu.reduction_kind<sum>} : vector<16xi1> -> vector<16xi32>
      %slice3A = vector.extract_strided_slice %all_reduce_population_count3A {offsets = [0], sizes = [1], strides = [1]} : vector<16xi32> to vector<1xi32>
      %squeeze3A = vector.extract %slice3A[0] : i32 from vector<1xi32>
      %ne3A_44 = arith.constant 0 : i32
      %ne3A_45 = arith.cmpi ne, %squeeze3A, %ne3A_44 : i32
      %convert_element_type3A = arith.extui %ne3A_45 : i1 to i32
      %cond3A = arith.constant 0 : i32
      %cond3A_46 = arith.cmpi ne, %convert_element_type3A, %cond3A : i32
      scf.if %cond3A_46 {
        %get3A_450 = arith.constant 0 : i32
        %get3A_451 = arith.index_cast %get3A_450 : i32 to index
        %get3A_452 = memref.load %arg9[%get3A_451] : memref<1xi32, #tpu.memory_space<smem>>
        %add3A_453 = arith.constant 0 : i32
        %add3A_454 = arith.addi %mul3A_4, %add3A_453 : i32
        %mul3A_455 = arith.constant 2048 : i32
        %mul3A_456 = arith.muli %add3A_454, %mul3A_455 : i32
        %add3A_457 = arith.addi %mul3A_456, %mul3A_6 : i32
        %mul3A_458 = arith.constant 16 : i32
        %mul3A_459 = arith.muli %scan3A_36, %mul3A_458 : i32
        %add3A_460 = arith.addi %add3A_457, %mul3A_459 : i32
        %broadcast_in_dim3A_461 = vector.broadcast %add3A_460 : i32 to vector<16xi32>
        %add3A_462 = arith.addi %iota3A, %broadcast_in_dim3A_461 : vector<16xi32>
        %mul3A_463 = arith.constant 16 : i32
        %mul3A_464 = arith.muli %scan3A_36, %mul3A_463 : i32
        %add3A_465 = arith.constant 0 : i32
        %add3A_466 = arith.addi %add3A_465, %mul3A_464 : i32
        %broadcast_in_dim3A_467 = vector.broadcast %add3A_466 : i32 to vector<16xi32>
        %add3A_468 = arith.addi %iota3A, %broadcast_in_dim3A_467 : vector<16xi32>
        %swap3A_469 = arith.index_cast %get3A_452 : i32 to index
        %swap3A_470 = tpu.vector_load %arg7[%swap3A_469] masked %ne3A {strides = array<i32>} : memref<144xi32, #tpu.memory_space<vmem>>, vector<16xi32>, vector<16xi1>
        tpu.vector_store %arg7[%swap3A_469], %add3A_462 masked %ne3A {strides = array<i32>} : memref<144xi32, #tpu.memory_space<vmem>>, vector<16xi32>, vector<16xi1>
        %swap3A_471 = arith.index_cast %get3A_452 : i32 to index
        %swap3A_472 = tpu.vector_load %arg8[%swap3A_471] masked %ne3A {strides = array<i32>} : memref<144xi32, #tpu.memory_space<vmem>>, vector<16xi32>, vector<16xi1>
        tpu.vector_store %arg8[%swap3A_471], %add3A_468 masked %ne3A {strides = array<i32>} : memref<144xi32, #tpu.memory_space<vmem>>, vector<16xi32>, vector<16xi1>
        %add3A_473 = arith.addi %get3A_452, %squeeze3A : i32
        %swap3A_474 = arith.constant 0 : i32
        %swap3A_475 = arith.index_cast %swap3A_474 : i32 to index
        %swap3A_476 = memref.load %arg9[%swap3A_475] : memref<1xi32, #tpu.memory_space<smem>>
        memref.store %add3A_473, %arg9[%swap3A_475] : memref<1xi32, #tpu.memory_space<smem>>
      } else {
      }
      %broadcast_in_dim3A_47 = arith.constant 1 : i32
      %broadcast_in_dim3A_48 = vector.broadcast %broadcast_in_dim3A_47 : i32 to vector<16xi32>
      %shift_right_logical3A_49 = arith.shrui %get3A_40, %broadcast_in_dim3A_48 : vector<16xi32>
      %and3A_50 = arith.andi %shift_right_logical3A_49, %broadcast_in_dim3A_13 : vector<16xi32>
      %ne3A_51 = arith.cmpi ne, %and3A_50, %broadcast_in_dim3A_15 : vector<16xi32>
      %all_reduce_population_count3A_52 = tpu.all_reduce %ne3A_51 {dim = 0 : i64, kind = #tpu.reduction_kind<sum>} : vector<16xi1> -> vector<16xi32>
      %slice3A_53 = vector.extract_strided_slice %all_reduce_population_count3A_52 {offsets = [0], sizes = [1], strides = [1]} : vector<16xi32> to vector<1xi32>
      %squeeze3A_54 = vector.extract %slice3A_53[0] : i32 from vector<1xi32>
      %ne3A_55 = arith.constant 0 : i32
      %ne3A_56 = arith.cmpi ne, %squeeze3A_54, %ne3A_55 : i32
      %convert_element_type3A_57 = arith.extui %ne3A_56 : i1 to i32
      %cond3A_58 = arith.constant 0 : i32
      %cond3A_59 = arith.cmpi ne, %convert_element_type3A_57, %cond3A_58 : i32
      scf.if %cond3A_59 {
        %get3A_450 = arith.constant 0 : i32
        %get3A_451 = arith.index_cast %get3A_450 : i32 to index
        %get3A_452 = memref.load %arg9[%get3A_451] : memref<1xi32, #tpu.memory_space<smem>>
        %add3A_453 = arith.constant 1 : i32
        %add3A_454 = arith.addi %mul3A_4, %add3A_453 : i32
        %mul3A_455 = arith.constant 2048 : i32
        %mul3A_456 = arith.muli %add3A_454, %mul3A_455 : i32
        %add3A_457 = arith.addi %mul3A_456, %mul3A_6 : i32
        %mul3A_458 = arith.constant 16 : i32
        %mul3A_459 = arith.muli %scan3A_36, %mul3A_458 : i32
        %add3A_460 = arith.addi %add3A_457, %mul3A_459 : i32
        %broadcast_in_dim3A_461 = vector.broadcast %add3A_460 : i32 to vector<16xi32>
        %add3A_462 = arith.addi %iota3A, %broadcast_in_dim3A_461 : vector<16xi32>
        %mul3A_463 = arith.constant 16 : i32
        %mul3A_464 = arith.muli %scan3A_36, %mul3A_463 : i32
        %add3A_465 = arith.constant 256 : i32
        %add3A_466 = arith.addi %add3A_465, %mul3A_464 : i32
        %broadcast_in_dim3A_467 = vector.broadcast %add3A_466 : i32 to vector<16xi32>
        %add3A_468 = arith.addi %iota3A, %broadcast_in_dim3A_467 : vector<16xi32>
        %swap3A_469 = arith.index_cast %get3A_452 : i32 to index
        %swap3A_470 = tpu.vector_load %arg7[%swap3A_469] masked %ne3A_51 {strides = array<i32>} : memref<144xi32, #tpu.memory_space<vmem>>, vector<16xi32>, vector<16xi1>
        tpu.vector_store %arg7[%swap3A_469], %add3A_462 masked %ne3A_51 {strides = array<i32>} : memref<144xi32, #tpu.memory_space<vmem>>, vector<16xi32>, vector<16xi1>
        %swap3A_471 = arith.index_cast %get3A_452 : i32 to index
        %swap3A_472 = tpu.vector_load %arg8[%swap3A_471] masked %ne3A_51 {strides = array<i32>} : memref<144xi32, #tpu.memory_space<vmem>>, vector<16xi32>, vector<16xi1>
        tpu.vector_store %arg8[%swap3A_471], %add3A_468 masked %ne3A_51 {strides = array<i32>} : memref<144xi32, #tpu.memory_space<vmem>>, vector<16xi32>, vector<16xi1>
        %add3A_473 = arith.addi %get3A_452, %squeeze3A_54 : i32
        %swap3A_474 = arith.constant 0 : i32
        %swap3A_475 = arith.index_cast %swap3A_474 : i32 to index
        %swap3A_476 = memref.load %arg9[%swap3A_475] : memref<1xi32, #tpu.memory_space<smem>>
        memref.store %add3A_473, %arg9[%swap3A_475] : memref<1xi32, #tpu.memory_space<smem>>
      } else {
      }
      %broadcast_in_dim3A_60 = arith.constant 2 : i32
      %broadcast_in_dim3A_61 = vector.broadcast %broadcast_in_dim3A_60 : i32 to vector<16xi32>
      %shift_right_logical3A_62 = arith.shrui %get3A_40, %broadcast_in_dim3A_61 : vector<16xi32>
      %and3A_63 = arith.andi %shift_right_logical3A_62, %broadcast_in_dim3A_13 : vector<16xi32>
      %ne3A_64 = arith.cmpi ne, %and3A_63, %broadcast_in_dim3A_15 : vector<16xi32>
      %all_reduce_population_count3A_65 = tpu.all_reduce %ne3A_64 {dim = 0 : i64, kind = #tpu.reduction_kind<sum>} : vector<16xi1> -> vector<16xi32>
      %slice3A_66 = vector.extract_strided_slice %all_reduce_population_count3A_65 {offsets = [0], sizes = [1], strides = [1]} : vector<16xi32> to vector<1xi32>
      %squeeze3A_67 = vector.extract %slice3A_66[0] : i32 from vector<1xi32>
      %ne3A_68 = arith.constant 0 : i32
      %ne3A_69 = arith.cmpi ne, %squeeze3A_67, %ne3A_68 : i32
      %convert_element_type3A_70 = arith.extui %ne3A_69 : i1 to i32
      %cond3A_71 = arith.constant 0 : i32
      %cond3A_72 = arith.cmpi ne, %convert_element_type3A_70, %cond3A_71 : i32
      scf.if %cond3A_72 {
        %get3A_450 = arith.constant 0 : i32
        %get3A_451 = arith.index_cast %get3A_450 : i32 to index
        %get3A_452 = memref.load %arg9[%get3A_451] : memref<1xi32, #tpu.memory_space<smem>>
        %add3A_453 = arith.constant 2 : i32
        %add3A_454 = arith.addi %mul3A_4, %add3A_453 : i32
        %mul3A_455 = arith.constant 2048 : i32
        %mul3A_456 = arith.muli %add3A_454, %mul3A_455 : i32
        %add3A_457 = arith.addi %mul3A_456, %mul3A_6 : i32
        %mul3A_458 = arith.constant 16 : i32
        %mul3A_459 = arith.muli %scan3A_36, %mul3A_458 : i32
        %add3A_460 = arith.addi %add3A_457, %mul3A_459 : i32
        %broadcast_in_dim3A_461 = vector.broadcast %add3A_460 : i32 to vector<16xi32>
        %add3A_462 = arith.addi %iota3A, %broadcast_in_dim3A_461 : vector<16xi32>
        %mul3A_463 = arith.constant 16 : i32
        %mul3A_464 = arith.muli %scan3A_36, %mul3A_463 : i32
        %add3A_465 = arith.constant 512 : i32
        %add3A_466 = arith.addi %add3A_465, %mul3A_464 : i32
        %broadcast_in_dim3A_467 = vector.broadcast %add3A_466 : i32 to vector<16xi32>
        %add3A_468 = arith.addi %iota3A, %broadcast_in_dim3A_467 : vector<16xi32>
        %swap3A_469 = arith.index_cast %get3A_452 : i32 to index
        %swap3A_470 = tpu.vector_load %arg7[%swap3A_469] masked %ne3A_64 {strides = array<i32>} : memref<144xi32, #tpu.memory_space<vmem>>, vector<16xi32>, vector<16xi1>
        tpu.vector_store %arg7[%swap3A_469], %add3A_462 masked %ne3A_64 {strides = array<i32>} : memref<144xi32, #tpu.memory_space<vmem>>, vector<16xi32>, vector<16xi1>
        %swap3A_471 = arith.index_cast %get3A_452 : i32 to index
        %swap3A_472 = tpu.vector_load %arg8[%swap3A_471] masked %ne3A_64 {strides = array<i32>} : memref<144xi32, #tpu.memory_space<vmem>>, vector<16xi32>, vector<16xi1>
        tpu.vector_store %arg8[%swap3A_471], %add3A_468 masked %ne3A_64 {strides = array<i32>} : memref<144xi32, #tpu.memory_space<vmem>>, vector<16xi32>, vector<16xi1>
        %add3A_473 = arith.addi %get3A_452, %squeeze3A_67 : i32
        %swap3A_474 = arith.constant 0 : i32
        %swap3A_475 = arith.index_cast %swap3A_474 : i32 to index
        %swap3A_476 = memref.load %arg9[%swap3A_475] : memref<1xi32, #tpu.memory_space<smem>>
        memref.store %add3A_473, %arg9[%swap3A_475] : memref<1xi32, #tpu.memory_space<smem>>
      } else {
      }
      %broadcast_in_dim3A_73 = arith.constant 3 : i32
      %broadcast_in_dim3A_74 = vector.broadcast %broadcast_in_dim3A_73 : i32 to vector<16xi32>
      %shift_right_logical3A_75 = arith.shrui %get3A_40, %broadcast_in_dim3A_74 : vector<16xi32>
      %and3A_76 = arith.andi %shift_right_logical3A_75, %broadcast_in_dim3A_13 : vector<16xi32>
      %ne3A_77 = arith.cmpi ne, %and3A_76, %broadcast_in_dim3A_15 : vector<16xi32>
      %all_reduce_population_count3A_78 = tpu.all_reduce %ne3A_77 {dim = 0 : i64, kind = #tpu.reduction_kind<sum>} : vector<16xi1> -> vector<16xi32>
      %slice3A_79 = vector.extract_strided_slice %all_reduce_population_count3A_78 {offsets = [0], sizes = [1], strides = [1]} : vector<16xi32> to vector<1xi32>
      %squeeze3A_80 = vector.extract %slice3A_79[0] : i32 from vector<1xi32>
      %ne3A_81 = arith.constant 0 : i32
      %ne3A_82 = arith.cmpi ne, %squeeze3A_80, %ne3A_81 : i32
      %convert_element_type3A_83 = arith.extui %ne3A_82 : i1 to i32
      %cond3A_84 = arith.constant 0 : i32
      %cond3A_85 = arith.cmpi ne, %convert_element_type3A_83, %cond3A_84 : i32
      scf.if %cond3A_85 {
        %get3A_450 = arith.constant 0 : i32
        %get3A_451 = arith.index_cast %get3A_450 : i32 to index
        %get3A_452 = memref.load %arg9[%get3A_451] : memref<1xi32, #tpu.memory_space<smem>>
        %add3A_453 = arith.constant 3 : i32
        %add3A_454 = arith.addi %mul3A_4, %add3A_453 : i32
        %mul3A_455 = arith.constant 2048 : i32
        %mul3A_456 = arith.muli %add3A_454, %mul3A_455 : i32
        %add3A_457 = arith.addi %mul3A_456, %mul3A_6 : i32
        %mul3A_458 = arith.constant 16 : i32
        %mul3A_459 = arith.muli %scan3A_36, %mul3A_458 : i32
        %add3A_460 = arith.addi %add3A_457, %mul3A_459 : i32
        %broadcast_in_dim3A_461 = vector.broadcast %add3A_460 : i32 to vector<16xi32>
        %add3A_462 = arith.addi %iota3A, %broadcast_in_dim3A_461 : vector<16xi32>
        %mul3A_463 = arith.constant 16 : i32
        %mul3A_464 = arith.muli %scan3A_36, %mul3A_463 : i32
        %add3A_465 = arith.constant 768 : i32
        %add3A_466 = arith.addi %add3A_465, %mul3A_464 : i32
        %broadcast_in_dim3A_467 = vector.broadcast %add3A_466 : i32 to vector<16xi32>
        %add3A_468 = arith.addi %iota3A, %broadcast_in_dim3A_467 : vector<16xi32>
        %swap3A_469 = arith.index_cast %get3A_452 : i32 to index
        %swap3A_470 = tpu.vector_load %arg7[%swap3A_469] masked %ne3A_77 {strides = array<i32>} : memref<144xi32, #tpu.memory_space<vmem>>, vector<16xi32>, vector<16xi1>
        tpu.vector_store %arg7[%swap3A_469], %add3A_462 masked %ne3A_77 {strides = array<i32>} : memref<144xi32, #tpu.memory_space<vmem>>, vector<16xi32>, vector<16xi1>
        %swap3A_471 = arith.index_cast %get3A_452 : i32 to index
        %swap3A_472 = tpu.vector_load %arg8[%swap3A_471] masked %ne3A_77 {strides = array<i32>} : memref<144xi32, #tpu.memory_space<vmem>>, vector<16xi32>, vector<16xi1>
        tpu.vector_store %arg8[%swap3A_471], %add3A_468 masked %ne3A_77 {strides = array<i32>} : memref<144xi32, #tpu.memory_space<vmem>>, vector<16xi32>, vector<16xi1>
        %add3A_473 = arith.addi %get3A_452, %squeeze3A_80 : i32
        %swap3A_474 = arith.constant 0 : i32
        %swap3A_475 = arith.index_cast %swap3A_474 : i32 to index
        %swap3A_476 = memref.load %arg9[%swap3A_475] : memref<1xi32, #tpu.memory_space<smem>>
        memref.store %add3A_473, %arg9[%swap3A_475] : memref<1xi32, #tpu.memory_space<smem>>
      } else {
      }
      %broadcast_in_dim3A_86 = arith.constant 4 : i32
      %broadcast_in_dim3A_87 = vector.broadcast %broadcast_in_dim3A_86 : i32 to vector<16xi32>
      %shift_right_logical3A_88 = arith.shrui %get3A_40, %broadcast_in_dim3A_87 : vector<16xi32>
      %and3A_89 = arith.andi %shift_right_logical3A_88, %broadcast_in_dim3A_13 : vector<16xi32>
      %ne3A_90 = arith.cmpi ne, %and3A_89, %broadcast_in_dim3A_15 : vector<16xi32>
      %all_reduce_population_count3A_91 = tpu.all_reduce %ne3A_90 {dim = 0 : i64, kind = #tpu.reduction_kind<sum>} : vector<16xi1> -> vector<16xi32>
      %slice3A_92 = vector.extract_strided_slice %all_reduce_population_count3A_91 {offsets = [0], sizes = [1], strides = [1]} : vector<16xi32> to vector<1xi32>
      %squeeze3A_93 = vector.extract %slice3A_92[0] : i32 from vector<1xi32>
      %ne3A_94 = arith.constant 0 : i32
      %ne3A_95 = arith.cmpi ne, %squeeze3A_93, %ne3A_94 : i32
      %convert_element_type3A_96 = arith.extui %ne3A_95 : i1 to i32
      %cond3A_97 = arith.constant 0 : i32
      %cond3A_98 = arith.cmpi ne, %convert_element_type3A_96, %cond3A_97 : i32
      scf.if %cond3A_98 {
        %get3A_450 = arith.constant 0 : i32
        %get3A_451 = arith.index_cast %get3A_450 : i32 to index
        %get3A_452 = memref.load %arg9[%get3A_451] : memref<1xi32, #tpu.memory_space<smem>>
        %add3A_453 = arith.constant 4 : i32
        %add3A_454 = arith.addi %mul3A_4, %add3A_453 : i32
        %mul3A_455 = arith.constant 2048 : i32
        %mul3A_456 = arith.muli %add3A_454, %mul3A_455 : i32
        %add3A_457 = arith.addi %mul3A_456, %mul3A_6 : i32
        %mul3A_458 = arith.constant 16 : i32
        %mul3A_459 = arith.muli %scan3A_36, %mul3A_458 : i32
        %add3A_460 = arith.addi %add3A_457, %mul3A_459 : i32
        %broadcast_in_dim3A_461 = vector.broadcast %add3A_460 : i32 to vector<16xi32>
        %add3A_462 = arith.addi %iota3A, %broadcast_in_dim3A_461 : vector<16xi32>
        %mul3A_463 = arith.constant 16 : i32
        %mul3A_464 = arith.muli %scan3A_36, %mul3A_463 : i32
        %add3A_465 = arith.constant 1024 : i32
        %add3A_466 = arith.addi %add3A_465, %mul3A_464 : i32
        %broadcast_in_dim3A_467 = vector.broadcast %add3A_466 : i32 to vector<16xi32>
        %add3A_468 = arith.addi %iota3A, %broadcast_in_dim3A_467 : vector<16xi32>
        %swap3A_469 = arith.index_cast %get3A_452 : i32 to index
        %swap3A_470 = tpu.vector_load %arg7[%swap3A_469] masked %ne3A_90 {strides = array<i32>} : memref<144xi32, #tpu.memory_space<vmem>>, vector<16xi32>, vector<16xi1>
        tpu.vector_store %arg7[%swap3A_469], %add3A_462 masked %ne3A_90 {strides = array<i32>} : memref<144xi32, #tpu.memory_space<vmem>>, vector<16xi32>, vector<16xi1>
        %swap3A_471 = arith.index_cast %get3A_452 : i32 to index
        %swap3A_472 = tpu.vector_load %arg8[%swap3A_471] masked %ne3A_90 {strides = array<i32>} : memref<144xi32, #tpu.memory_space<vmem>>, vector<16xi32>, vector<16xi1>
        tpu.vector_store %arg8[%swap3A_471], %add3A_468 masked %ne3A_90 {strides = array<i32>} : memref<144xi32, #tpu.memory_space<vmem>>, vector<16xi32>, vector<16xi1>
        %add3A_473 = arith.addi %get3A_452, %squeeze3A_93 : i32
        %swap3A_474 = arith.constant 0 : i32
        %swap3A_475 = arith.index_cast %swap3A_474 : i32 to index
        %swap3A_476 = memref.load %arg9[%swap3A_475] : memref<1xi32, #tpu.memory_space<smem>>
        memref.store %add3A_473, %arg9[%swap3A_475] : memref<1xi32, #tpu.memory_space<smem>>
      } else {
      }
      %broadcast_in_dim3A_99 = arith.constant 5 : i32
      %broadcast_in_dim3A_100 = vector.broadcast %broadcast_in_dim3A_99 : i32 to vector<16xi32>
      %shift_right_logical3A_101 = arith.shrui %get3A_40, %broadcast_in_dim3A_100 : vector<16xi32>
      %and3A_102 = arith.andi %shift_right_logical3A_101, %broadcast_in_dim3A_13 : vector<16xi32>
      %ne3A_103 = arith.cmpi ne, %and3A_102, %broadcast_in_dim3A_15 : vector<16xi32>
      %all_reduce_population_count3A_104 = tpu.all_reduce %ne3A_103 {dim = 0 : i64, kind = #tpu.reduction_kind<sum>} : vector<16xi1> -> vector<16xi32>
      %slice3A_105 = vector.extract_strided_slice %all_reduce_population_count3A_104 {offsets = [0], sizes = [1], strides = [1]} : vector<16xi32> to vector<1xi32>
      %squeeze3A_106 = vector.extract %slice3A_105[0] : i32 from vector<1xi32>
      %ne3A_107 = arith.constant 0 : i32
      %ne3A_108 = arith.cmpi ne, %squeeze3A_106, %ne3A_107 : i32
      %convert_element_type3A_109 = arith.extui %ne3A_108 : i1 to i32
      %cond3A_110 = arith.constant 0 : i32
      %cond3A_111 = arith.cmpi ne, %convert_element_type3A_109, %cond3A_110 : i32
      scf.if %cond3A_111 {
        %get3A_450 = arith.constant 0 : i32
        %get3A_451 = arith.index_cast %get3A_450 : i32 to index
        %get3A_452 = memref.load %arg9[%get3A_451] : memref<1xi32, #tpu.memory_space<smem>>
        %add3A_453 = arith.constant 5 : i32
        %add3A_454 = arith.addi %mul3A_4, %add3A_453 : i32
        %mul3A_455 = arith.constant 2048 : i32
        %mul3A_456 = arith.muli %add3A_454, %mul3A_455 : i32
        %add3A_457 = arith.addi %mul3A_456, %mul3A_6 : i32
        %mul3A_458 = arith.constant 16 : i32
        %mul3A_459 = arith.muli %scan3A_36, %mul3A_458 : i32
        %add3A_460 = arith.addi %add3A_457, %mul3A_459 : i32
        %broadcast_in_dim3A_461 = vector.broadcast %add3A_460 : i32 to vector<16xi32>
        %add3A_462 = arith.addi %iota3A, %broadcast_in_dim3A_461 : vector<16xi32>
        %mul3A_463 = arith.constant 16 : i32
        %mul3A_464 = arith.muli %scan3A_36, %mul3A_463 : i32
        %add3A_465 = arith.constant 1280 : i32
        %add3A_466 = arith.addi %add3A_465, %mul3A_464 : i32
        %broadcast_in_dim3A_467 = vector.broadcast %add3A_466 : i32 to vector<16xi32>
        %add3A_468 = arith.addi %iota3A, %broadcast_in_dim3A_467 : vector<16xi32>
        %swap3A_469 = arith.index_cast %get3A_452 : i32 to index
        %swap3A_470 = tpu.vector_load %arg7[%swap3A_469] masked %ne3A_103 {strides = array<i32>} : memref<144xi32, #tpu.memory_space<vmem>>, vector<16xi32>, vector<16xi1>
        tpu.vector_store %arg7[%swap3A_469], %add3A_462 masked %ne3A_103 {strides = array<i32>} : memref<144xi32, #tpu.memory_space<vmem>>, vector<16xi32>, vector<16xi1>
        %swap3A_471 = arith.index_cast %get3A_452 : i32 to index
        %swap3A_472 = tpu.vector_load %arg8[%swap3A_471] masked %ne3A_103 {strides = array<i32>} : memref<144xi32, #tpu.memory_space<vmem>>, vector<16xi32>, vector<16xi1>
        tpu.vector_store %arg8[%swap3A_471], %add3A_468 masked %ne3A_103 {strides = array<i32>} : memref<144xi32, #tpu.memory_space<vmem>>, vector<16xi32>, vector<16xi1>
        %add3A_473 = arith.addi %get3A_452, %squeeze3A_106 : i32
        %swap3A_474 = arith.constant 0 : i32
        %swap3A_475 = arith.index_cast %swap3A_474 : i32 to index
        %swap3A_476 = memref.load %arg9[%swap3A_475] : memref<1xi32, #tpu.memory_space<smem>>
        memref.store %add3A_473, %arg9[%swap3A_475] : memref<1xi32, #tpu.memory_space<smem>>
      } else {
      }
      %broadcast_in_dim3A_112 = arith.constant 6 : i32
      %broadcast_in_dim3A_113 = vector.broadcast %broadcast_in_dim3A_112 : i32 to vector<16xi32>
      %shift_right_logical3A_114 = arith.shrui %get3A_40, %broadcast_in_dim3A_113 : vector<16xi32>
      %and3A_115 = arith.andi %shift_right_logical3A_114, %broadcast_in_dim3A_13 : vector<16xi32>
      %ne3A_116 = arith.cmpi ne, %and3A_115, %broadcast_in_dim3A_15 : vector<16xi32>
      %all_reduce_population_count3A_117 = tpu.all_reduce %ne3A_116 {dim = 0 : i64, kind = #tpu.reduction_kind<sum>} : vector<16xi1> -> vector<16xi32>
      %slice3A_118 = vector.extract_strided_slice %all_reduce_population_count3A_117 {offsets = [0], sizes = [1], strides = [1]} : vector<16xi32> to vector<1xi32>
      %squeeze3A_119 = vector.extract %slice3A_118[0] : i32 from vector<1xi32>
      %ne3A_120 = arith.constant 0 : i32
      %ne3A_121 = arith.cmpi ne, %squeeze3A_119, %ne3A_120 : i32
      %convert_element_type3A_122 = arith.extui %ne3A_121 : i1 to i32
      %cond3A_123 = arith.constant 0 : i32
      %cond3A_124 = arith.cmpi ne, %convert_element_type3A_122, %cond3A_123 : i32
      scf.if %cond3A_124 {
        %get3A_450 = arith.constant 0 : i32
        %get3A_451 = arith.index_cast %get3A_450 : i32 to index
        %get3A_452 = memref.load %arg9[%get3A_451] : memref<1xi32, #tpu.memory_space<smem>>
        %add3A_453 = arith.constant 6 : i32
        %add3A_454 = arith.addi %mul3A_4, %add3A_453 : i32
        %mul3A_455 = arith.constant 2048 : i32
        %mul3A_456 = arith.muli %add3A_454, %mul3A_455 : i32
        %add3A_457 = arith.addi %mul3A_456, %mul3A_6 : i32
        %mul3A_458 = arith.constant 16 : i32
        %mul3A_459 = arith.muli %scan3A_36, %mul3A_458 : i32
        %add3A_460 = arith.addi %add3A_457, %mul3A_459 : i32
        %broadcast_in_dim3A_461 = vector.broadcast %add3A_460 : i32 to vector<16xi32>
        %add3A_462 = arith.addi %iota3A, %broadcast_in_dim3A_461 : vector<16xi32>
        %mul3A_463 = arith.constant 16 : i32
        %mul3A_464 = arith.muli %scan3A_36, %mul3A_463 : i32
        %add3A_465 = arith.constant 1536 : i32
        %add3A_466 = arith.addi %add3A_465, %mul3A_464 : i32
        %broadcast_in_dim3A_467 = vector.broadcast %add3A_466 : i32 to vector<16xi32>
        %add3A_468 = arith.addi %iota3A, %broadcast_in_dim3A_467 : vector<16xi32>
        %swap3A_469 = arith.index_cast %get3A_452 : i32 to index
        %swap3A_470 = tpu.vector_load %arg7[%swap3A_469] masked %ne3A_116 {strides = array<i32>} : memref<144xi32, #tpu.memory_space<vmem>>, vector<16xi32>, vector<16xi1>
        tpu.vector_store %arg7[%swap3A_469], %add3A_462 masked %ne3A_116 {strides = array<i32>} : memref<144xi32, #tpu.memory_space<vmem>>, vector<16xi32>, vector<16xi1>
        %swap3A_471 = arith.index_cast %get3A_452 : i32 to index
        %swap3A_472 = tpu.vector_load %arg8[%swap3A_471] masked %ne3A_116 {strides = array<i32>} : memref<144xi32, #tpu.memory_space<vmem>>, vector<16xi32>, vector<16xi1>
        tpu.vector_store %arg8[%swap3A_471], %add3A_468 masked %ne3A_116 {strides = array<i32>} : memref<144xi32, #tpu.memory_space<vmem>>, vector<16xi32>, vector<16xi1>
        %add3A_473 = arith.addi %get3A_452, %squeeze3A_119 : i32
        %swap3A_474 = arith.constant 0 : i32
        %swap3A_475 = arith.index_cast %swap3A_474 : i32 to index
        %swap3A_476 = memref.load %arg9[%swap3A_475] : memref<1xi32, #tpu.memory_space<smem>>
        memref.store %add3A_473, %arg9[%swap3A_475] : memref<1xi32, #tpu.memory_space<smem>>
      } else {
      }
      %broadcast_in_dim3A_125 = arith.constant 7 : i32
      %broadcast_in_dim3A_126 = vector.broadcast %broadcast_in_dim3A_125 : i32 to vector<16xi32>
      %shift_right_logical3A_127 = arith.shrui %get3A_40, %broadcast_in_dim3A_126 : vector<16xi32>
      %and3A_128 = arith.andi %shift_right_logical3A_127, %broadcast_in_dim3A_13 : vector<16xi32>
      %ne3A_129 = arith.cmpi ne, %and3A_128, %broadcast_in_dim3A_15 : vector<16xi32>
      %all_reduce_population_count3A_130 = tpu.all_reduce %ne3A_129 {dim = 0 : i64, kind = #tpu.reduction_kind<sum>} : vector<16xi1> -> vector<16xi32>
      %slice3A_131 = vector.extract_strided_slice %all_reduce_population_count3A_130 {offsets = [0], sizes = [1], strides = [1]} : vector<16xi32> to vector<1xi32>
      %squeeze3A_132 = vector.extract %slice3A_131[0] : i32 from vector<1xi32>
      %ne3A_133 = arith.constant 0 : i32
      %ne3A_134 = arith.cmpi ne, %squeeze3A_132, %ne3A_133 : i32
      %convert_element_type3A_135 = arith.extui %ne3A_134 : i1 to i32
      %cond3A_136 = arith.constant 0 : i32
      %cond3A_137 = arith.cmpi ne, %convert_element_type3A_135, %cond3A_136 : i32
      scf.if %cond3A_137 {
        %get3A_450 = arith.constant 0 : i32
        %get3A_451 = arith.index_cast %get3A_450 : i32 to index
        %get3A_452 = memref.load %arg9[%get3A_451] : memref<1xi32, #tpu.memory_space<smem>>
        %add3A_453 = arith.constant 7 : i32
        %add3A_454 = arith.addi %mul3A_4, %add3A_453 : i32
        %mul3A_455 = arith.constant 2048 : i32
        %mul3A_456 = arith.muli %add3A_454, %mul3A_455 : i32
        %add3A_457 = arith.addi %mul3A_456, %mul3A_6 : i32
        %mul3A_458 = arith.constant 16 : i32
        %mul3A_459 = arith.muli %scan3A_36, %mul3A_458 : i32
        %add3A_460 = arith.addi %add3A_457, %mul3A_459 : i32
        %broadcast_in_dim3A_461 = vector.broadcast %add3A_460 : i32 to vector<16xi32>
        %add3A_462 = arith.addi %iota3A, %broadcast_in_dim3A_461 : vector<16xi32>
        %mul3A_463 = arith.constant 16 : i32
        %mul3A_464 = arith.muli %scan3A_36, %mul3A_463 : i32
        %add3A_465 = arith.constant 1792 : i32
        %add3A_466 = arith.addi %add3A_465, %mul3A_464 : i32
        %broadcast_in_dim3A_467 = vector.broadcast %add3A_466 : i32 to vector<16xi32>
        %add3A_468 = arith.addi %iota3A, %broadcast_in_dim3A_467 : vector<16xi32>
        %swap3A_469 = arith.index_cast %get3A_452 : i32 to index
        %swap3A_470 = tpu.vector_load %arg7[%swap3A_469] masked %ne3A_129 {strides = array<i32>} : memref<144xi32, #tpu.memory_space<vmem>>, vector<16xi32>, vector<16xi1>
        tpu.vector_store %arg7[%swap3A_469], %add3A_462 masked %ne3A_129 {strides = array<i32>} : memref<144xi32, #tpu.memory_space<vmem>>, vector<16xi32>, vector<16xi1>
        %swap3A_471 = arith.index_cast %get3A_452 : i32 to index
        %swap3A_472 = tpu.vector_load %arg8[%swap3A_471] masked %ne3A_129 {strides = array<i32>} : memref<144xi32, #tpu.memory_space<vmem>>, vector<16xi32>, vector<16xi1>
        tpu.vector_store %arg8[%swap3A_471], %add3A_468 masked %ne3A_129 {strides = array<i32>} : memref<144xi32, #tpu.memory_space<vmem>>, vector<16xi32>, vector<16xi1>
        %add3A_473 = arith.addi %get3A_452, %squeeze3A_132 : i32
        %swap3A_474 = arith.constant 0 : i32
        %swap3A_475 = arith.index_cast %swap3A_474 : i32 to index
        %swap3A_476 = memref.load %arg9[%swap3A_475] : memref<1xi32, #tpu.memory_space<smem>>
        memref.store %add3A_473, %arg9[%swap3A_475] : memref<1xi32, #tpu.memory_space<smem>>
      } else {
      }
      %broadcast_in_dim3A_138 = arith.constant 8 : i32
      %broadcast_in_dim3A_139 = vector.broadcast %broadcast_in_dim3A_138 : i32 to vector<16xi32>
      %shift_right_logical3A_140 = arith.shrui %get3A_40, %broadcast_in_dim3A_139 : vector<16xi32>
      %and3A_141 = arith.andi %shift_right_logical3A_140, %broadcast_in_dim3A_13 : vector<16xi32>
      %ne3A_142 = arith.cmpi ne, %and3A_141, %broadcast_in_dim3A_15 : vector<16xi32>
      %all_reduce_population_count3A_143 = tpu.all_reduce %ne3A_142 {dim = 0 : i64, kind = #tpu.reduction_kind<sum>} : vector<16xi1> -> vector<16xi32>
      %slice3A_144 = vector.extract_strided_slice %all_reduce_population_count3A_143 {offsets = [0], sizes = [1], strides = [1]} : vector<16xi32> to vector<1xi32>
      %squeeze3A_145 = vector.extract %slice3A_144[0] : i32 from vector<1xi32>
      %ne3A_146 = arith.constant 0 : i32
      %ne3A_147 = arith.cmpi ne, %squeeze3A_145, %ne3A_146 : i32
      %convert_element_type3A_148 = arith.extui %ne3A_147 : i1 to i32
      %cond3A_149 = arith.constant 0 : i32
      %cond3A_150 = arith.cmpi ne, %convert_element_type3A_148, %cond3A_149 : i32
      scf.if %cond3A_150 {
        %get3A_450 = arith.constant 0 : i32
        %get3A_451 = arith.index_cast %get3A_450 : i32 to index
        %get3A_452 = memref.load %arg9[%get3A_451] : memref<1xi32, #tpu.memory_space<smem>>
        %add3A_453 = arith.constant 8 : i32
        %add3A_454 = arith.addi %mul3A_4, %add3A_453 : i32
        %mul3A_455 = arith.constant 2048 : i32
        %mul3A_456 = arith.muli %add3A_454, %mul3A_455 : i32
        %add3A_457 = arith.addi %mul3A_456, %mul3A_6 : i32
        %mul3A_458 = arith.constant 16 : i32
        %mul3A_459 = arith.muli %scan3A_36, %mul3A_458 : i32
        %add3A_460 = arith.addi %add3A_457, %mul3A_459 : i32
        %broadcast_in_dim3A_461 = vector.broadcast %add3A_460 : i32 to vector<16xi32>
        %add3A_462 = arith.addi %iota3A, %broadcast_in_dim3A_461 : vector<16xi32>
        %mul3A_463 = arith.constant 16 : i32
        %mul3A_464 = arith.muli %scan3A_36, %mul3A_463 : i32
        %add3A_465 = arith.constant 2048 : i32
        %add3A_466 = arith.addi %add3A_465, %mul3A_464 : i32
        %broadcast_in_dim3A_467 = vector.broadcast %add3A_466 : i32 to vector<16xi32>
        %add3A_468 = arith.addi %iota3A, %broadcast_in_dim3A_467 : vector<16xi32>
        %swap3A_469 = arith.index_cast %get3A_452 : i32 to index
        %swap3A_470 = tpu.vector_load %arg7[%swap3A_469] masked %ne3A_142 {strides = array<i32>} : memref<144xi32, #tpu.memory_space<vmem>>, vector<16xi32>, vector<16xi1>
        tpu.vector_store %arg7[%swap3A_469], %add3A_462 masked %ne3A_142 {strides = array<i32>} : memref<144xi32, #tpu.memory_space<vmem>>, vector<16xi32>, vector<16xi1>
        %swap3A_471 = arith.index_cast %get3A_452 : i32 to index
        %swap3A_472 = tpu.vector_load %arg8[%swap3A_471] masked %ne3A_142 {strides = array<i32>} : memref<144xi32, #tpu.memory_space<vmem>>, vector<16xi32>, vector<16xi1>
        tpu.vector_store %arg8[%swap3A_471], %add3A_468 masked %ne3A_142 {strides = array<i32>} : memref<144xi32, #tpu.memory_space<vmem>>, vector<16xi32>, vector<16xi1>
        %add3A_473 = arith.addi %get3A_452, %squeeze3A_145 : i32
        %swap3A_474 = arith.constant 0 : i32
        %swap3A_475 = arith.index_cast %swap3A_474 : i32 to index
        %swap3A_476 = memref.load %arg9[%swap3A_475] : memref<1xi32, #tpu.memory_space<smem>>
        memref.store %add3A_473, %arg9[%swap3A_475] : memref<1xi32, #tpu.memory_space<smem>>
      } else {
      }
      %broadcast_in_dim3A_151 = arith.constant 9 : i32
      %broadcast_in_dim3A_152 = vector.broadcast %broadcast_in_dim3A_151 : i32 to vector<16xi32>
      %shift_right_logical3A_153 = arith.shrui %get3A_40, %broadcast_in_dim3A_152 : vector<16xi32>
      %and3A_154 = arith.andi %shift_right_logical3A_153, %broadcast_in_dim3A_13 : vector<16xi32>
      %ne3A_155 = arith.cmpi ne, %and3A_154, %broadcast_in_dim3A_15 : vector<16xi32>
      %all_reduce_population_count3A_156 = tpu.all_reduce %ne3A_155 {dim = 0 : i64, kind = #tpu.reduction_kind<sum>} : vector<16xi1> -> vector<16xi32>
      %slice3A_157 = vector.extract_strided_slice %all_reduce_population_count3A_156 {offsets = [0], sizes = [1], strides = [1]} : vector<16xi32> to vector<1xi32>
      %squeeze3A_158 = vector.extract %slice3A_157[0] : i32 from vector<1xi32>
      %ne3A_159 = arith.constant 0 : i32
      %ne3A_160 = arith.cmpi ne, %squeeze3A_158, %ne3A_159 : i32
      %convert_element_type3A_161 = arith.extui %ne3A_160 : i1 to i32
      %cond3A_162 = arith.constant 0 : i32
      %cond3A_163 = arith.cmpi ne, %convert_element_type3A_161, %cond3A_162 : i32
      scf.if %cond3A_163 {
        %get3A_450 = arith.constant 0 : i32
        %get3A_451 = arith.index_cast %get3A_450 : i32 to index
        %get3A_452 = memref.load %arg9[%get3A_451] : memref<1xi32, #tpu.memory_space<smem>>
        %add3A_453 = arith.constant 9 : i32
        %add3A_454 = arith.addi %mul3A_4, %add3A_453 : i32
        %mul3A_455 = arith.constant 2048 : i32
        %mul3A_456 = arith.muli %add3A_454, %mul3A_455 : i32
        %add3A_457 = arith.addi %mul3A_456, %mul3A_6 : i32
        %mul3A_458 = arith.constant 16 : i32
        %mul3A_459 = arith.muli %scan3A_36, %mul3A_458 : i32
        %add3A_460 = arith.addi %add3A_457, %mul3A_459 : i32
        %broadcast_in_dim3A_461 = vector.broadcast %add3A_460 : i32 to vector<16xi32>
        %add3A_462 = arith.addi %iota3A, %broadcast_in_dim3A_461 : vector<16xi32>
        %mul3A_463 = arith.constant 16 : i32
        %mul3A_464 = arith.muli %scan3A_36, %mul3A_463 : i32
        %add3A_465 = arith.constant 2304 : i32
        %add3A_466 = arith.addi %add3A_465, %mul3A_464 : i32
        %broadcast_in_dim3A_467 = vector.broadcast %add3A_466 : i32 to vector<16xi32>
        %add3A_468 = arith.addi %iota3A, %broadcast_in_dim3A_467 : vector<16xi32>
        %swap3A_469 = arith.index_cast %get3A_452 : i32 to index
        %swap3A_470 = tpu.vector_load %arg7[%swap3A_469] masked %ne3A_155 {strides = array<i32>} : memref<144xi32, #tpu.memory_space<vmem>>, vector<16xi32>, vector<16xi1>
        tpu.vector_store %arg7[%swap3A_469], %add3A_462 masked %ne3A_155 {strides = array<i32>} : memref<144xi32, #tpu.memory_space<vmem>>, vector<16xi32>, vector<16xi1>
        %swap3A_471 = arith.index_cast %get3A_452 : i32 to index
        %swap3A_472 = tpu.vector_load %arg8[%swap3A_471] masked %ne3A_155 {strides = array<i32>} : memref<144xi32, #tpu.memory_space<vmem>>, vector<16xi32>, vector<16xi1>
        tpu.vector_store %arg8[%swap3A_471], %add3A_468 masked %ne3A_155 {strides = array<i32>} : memref<144xi32, #tpu.memory_space<vmem>>, vector<16xi32>, vector<16xi1>
        %add3A_473 = arith.addi %get3A_452, %squeeze3A_158 : i32
        %swap3A_474 = arith.constant 0 : i32
        %swap3A_475 = arith.index_cast %swap3A_474 : i32 to index
        %swap3A_476 = memref.load %arg9[%swap3A_475] : memref<1xi32, #tpu.memory_space<smem>>
        memref.store %add3A_473, %arg9[%swap3A_475] : memref<1xi32, #tpu.memory_space<smem>>
      } else {
      }
      %broadcast_in_dim3A_164 = arith.constant 10 : i32
      %broadcast_in_dim3A_165 = vector.broadcast %broadcast_in_dim3A_164 : i32 to vector<16xi32>
      %shift_right_logical3A_166 = arith.shrui %get3A_40, %broadcast_in_dim3A_165 : vector<16xi32>
      %and3A_167 = arith.andi %shift_right_logical3A_166, %broadcast_in_dim3A_13 : vector<16xi32>
      %ne3A_168 = arith.cmpi ne, %and3A_167, %broadcast_in_dim3A_15 : vector<16xi32>
      %all_reduce_population_count3A_169 = tpu.all_reduce %ne3A_168 {dim = 0 : i64, kind = #tpu.reduction_kind<sum>} : vector<16xi1> -> vector<16xi32>
      %slice3A_170 = vector.extract_strided_slice %all_reduce_population_count3A_169 {offsets = [0], sizes = [1], strides = [1]} : vector<16xi32> to vector<1xi32>
      %squeeze3A_171 = vector.extract %slice3A_170[0] : i32 from vector<1xi32>
      %ne3A_172 = arith.constant 0 : i32
      %ne3A_173 = arith.cmpi ne, %squeeze3A_171, %ne3A_172 : i32
      %convert_element_type3A_174 = arith.extui %ne3A_173 : i1 to i32
      %cond3A_175 = arith.constant 0 : i32
      %cond3A_176 = arith.cmpi ne, %convert_element_type3A_174, %cond3A_175 : i32
      scf.if %cond3A_176 {
        %get3A_450 = arith.constant 0 : i32
        %get3A_451 = arith.index_cast %get3A_450 : i32 to index
        %get3A_452 = memref.load %arg9[%get3A_451] : memref<1xi32, #tpu.memory_space<smem>>
        %add3A_453 = arith.constant 10 : i32
        %add3A_454 = arith.addi %mul3A_4, %add3A_453 : i32
        %mul3A_455 = arith.constant 2048 : i32
        %mul3A_456 = arith.muli %add3A_454, %mul3A_455 : i32
        %add3A_457 = arith.addi %mul3A_456, %mul3A_6 : i32
        %mul3A_458 = arith.constant 16 : i32
        %mul3A_459 = arith.muli %scan3A_36, %mul3A_458 : i32
        %add3A_460 = arith.addi %add3A_457, %mul3A_459 : i32
        %broadcast_in_dim3A_461 = vector.broadcast %add3A_460 : i32 to vector<16xi32>
        %add3A_462 = arith.addi %iota3A, %broadcast_in_dim3A_461 : vector<16xi32>
        %mul3A_463 = arith.constant 16 : i32
        %mul3A_464 = arith.muli %scan3A_36, %mul3A_463 : i32
        %add3A_465 = arith.constant 2560 : i32
        %add3A_466 = arith.addi %add3A_465, %mul3A_464 : i32
        %broadcast_in_dim3A_467 = vector.broadcast %add3A_466 : i32 to vector<16xi32>
        %add3A_468 = arith.addi %iota3A, %broadcast_in_dim3A_467 : vector<16xi32>
        %swap3A_469 = arith.index_cast %get3A_452 : i32 to index
        %swap3A_470 = tpu.vector_load %arg7[%swap3A_469] masked %ne3A_168 {strides = array<i32>} : memref<144xi32, #tpu.memory_space<vmem>>, vector<16xi32>, vector<16xi1>
        tpu.vector_store %arg7[%swap3A_469], %add3A_462 masked %ne3A_168 {strides = array<i32>} : memref<144xi32, #tpu.memory_space<vmem>>, vector<16xi32>, vector<16xi1>
        %swap3A_471 = arith.index_cast %get3A_452 : i32 to index
        %swap3A_472 = tpu.vector_load %arg8[%swap3A_471] masked %ne3A_168 {strides = array<i32>} : memref<144xi32, #tpu.memory_space<vmem>>, vector<16xi32>, vector<16xi1>
        tpu.vector_store %arg8[%swap3A_471], %add3A_468 masked %ne3A_168 {strides = array<i32>} : memref<144xi32, #tpu.memory_space<vmem>>, vector<16xi32>, vector<16xi1>
        %add3A_473 = arith.addi %get3A_452, %squeeze3A_171 : i32
        %swap3A_474 = arith.constant 0 : i32
        %swap3A_475 = arith.index_cast %swap3A_474 : i32 to index
        %swap3A_476 = memref.load %arg9[%swap3A_475] : memref<1xi32, #tpu.memory_space<smem>>
        memref.store %add3A_473, %arg9[%swap3A_475] : memref<1xi32, #tpu.memory_space<smem>>
      } else {
      }
      %broadcast_in_dim3A_177 = arith.constant 11 : i32
      %broadcast_in_dim3A_178 = vector.broadcast %broadcast_in_dim3A_177 : i32 to vector<16xi32>
      %shift_right_logical3A_179 = arith.shrui %get3A_40, %broadcast_in_dim3A_178 : vector<16xi32>
      %and3A_180 = arith.andi %shift_right_logical3A_179, %broadcast_in_dim3A_13 : vector<16xi32>
      %ne3A_181 = arith.cmpi ne, %and3A_180, %broadcast_in_dim3A_15 : vector<16xi32>
      %all_reduce_population_count3A_182 = tpu.all_reduce %ne3A_181 {dim = 0 : i64, kind = #tpu.reduction_kind<sum>} : vector<16xi1> -> vector<16xi32>
      %slice3A_183 = vector.extract_strided_slice %all_reduce_population_count3A_182 {offsets = [0], sizes = [1], strides = [1]} : vector<16xi32> to vector<1xi32>
      %squeeze3A_184 = vector.extract %slice3A_183[0] : i32 from vector<1xi32>
      %ne3A_185 = arith.constant 0 : i32
      %ne3A_186 = arith.cmpi ne, %squeeze3A_184, %ne3A_185 : i32
      %convert_element_type3A_187 = arith.extui %ne3A_186 : i1 to i32
      %cond3A_188 = arith.constant 0 : i32
      %cond3A_189 = arith.cmpi ne, %convert_element_type3A_187, %cond3A_188 : i32
      scf.if %cond3A_189 {
        %get3A_450 = arith.constant 0 : i32
        %get3A_451 = arith.index_cast %get3A_450 : i32 to index
        %get3A_452 = memref.load %arg9[%get3A_451] : memref<1xi32, #tpu.memory_space<smem>>
        %add3A_453 = arith.constant 11 : i32
        %add3A_454 = arith.addi %mul3A_4, %add3A_453 : i32
        %mul3A_455 = arith.constant 2048 : i32
        %mul3A_456 = arith.muli %add3A_454, %mul3A_455 : i32
        %add3A_457 = arith.addi %mul3A_456, %mul3A_6 : i32
        %mul3A_458 = arith.constant 16 : i32
        %mul3A_459 = arith.muli %scan3A_36, %mul3A_458 : i32
        %add3A_460 = arith.addi %add3A_457, %mul3A_459 : i32
        %broadcast_in_dim3A_461 = vector.broadcast %add3A_460 : i32 to vector<16xi32>
        %add3A_462 = arith.addi %iota3A, %broadcast_in_dim3A_461 : vector<16xi32>
        %mul3A_463 = arith.constant 16 : i32
        %mul3A_464 = arith.muli %scan3A_36, %mul3A_463 : i32
        %add3A_465 = arith.constant 2816 : i32
        %add3A_466 = arith.addi %add3A_465, %mul3A_464 : i32
        %broadcast_in_dim3A_467 = vector.broadcast %add3A_466 : i32 to vector<16xi32>
        %add3A_468 = arith.addi %iota3A, %broadcast_in_dim3A_467 : vector<16xi32>
        %swap3A_469 = arith.index_cast %get3A_452 : i32 to index
        %swap3A_470 = tpu.vector_load %arg7[%swap3A_469] masked %ne3A_181 {strides = array<i32>} : memref<144xi32, #tpu.memory_space<vmem>>, vector<16xi32>, vector<16xi1>
        tpu.vector_store %arg7[%swap3A_469], %add3A_462 masked %ne3A_181 {strides = array<i32>} : memref<144xi32, #tpu.memory_space<vmem>>, vector<16xi32>, vector<16xi1>
        %swap3A_471 = arith.index_cast %get3A_452 : i32 to index
        %swap3A_472 = tpu.vector_load %arg8[%swap3A_471] masked %ne3A_181 {strides = array<i32>} : memref<144xi32, #tpu.memory_space<vmem>>, vector<16xi32>, vector<16xi1>
        tpu.vector_store %arg8[%swap3A_471], %add3A_468 masked %ne3A_181 {strides = array<i32>} : memref<144xi32, #tpu.memory_space<vmem>>, vector<16xi32>, vector<16xi1>
        %add3A_473 = arith.addi %get3A_452, %squeeze3A_184 : i32
        %swap3A_474 = arith.constant 0 : i32
        %swap3A_475 = arith.index_cast %swap3A_474 : i32 to index
        %swap3A_476 = memref.load %arg9[%swap3A_475] : memref<1xi32, #tpu.memory_space<smem>>
        memref.store %add3A_473, %arg9[%swap3A_475] : memref<1xi32, #tpu.memory_space<smem>>
      } else {
      }
      %broadcast_in_dim3A_190 = arith.constant 12 : i32
      %broadcast_in_dim3A_191 = vector.broadcast %broadcast_in_dim3A_190 : i32 to vector<16xi32>
      %shift_right_logical3A_192 = arith.shrui %get3A_40, %broadcast_in_dim3A_191 : vector<16xi32>
      %and3A_193 = arith.andi %shift_right_logical3A_192, %broadcast_in_dim3A_13 : vector<16xi32>
      %ne3A_194 = arith.cmpi ne, %and3A_193, %broadcast_in_dim3A_15 : vector<16xi32>
      %all_reduce_population_count3A_195 = tpu.all_reduce %ne3A_194 {dim = 0 : i64, kind = #tpu.reduction_kind<sum>} : vector<16xi1> -> vector<16xi32>
      %slice3A_196 = vector.extract_strided_slice %all_reduce_population_count3A_195 {offsets = [0], sizes = [1], strides = [1]} : vector<16xi32> to vector<1xi32>
      %squeeze3A_197 = vector.extract %slice3A_196[0] : i32 from vector<1xi32>
      %ne3A_198 = arith.constant 0 : i32
      %ne3A_199 = arith.cmpi ne, %squeeze3A_197, %ne3A_198 : i32
      %convert_element_type3A_200 = arith.extui %ne3A_199 : i1 to i32
      %cond3A_201 = arith.constant 0 : i32
      %cond3A_202 = arith.cmpi ne, %convert_element_type3A_200, %cond3A_201 : i32
      scf.if %cond3A_202 {
        %get3A_450 = arith.constant 0 : i32
        %get3A_451 = arith.index_cast %get3A_450 : i32 to index
        %get3A_452 = memref.load %arg9[%get3A_451] : memref<1xi32, #tpu.memory_space<smem>>
        %add3A_453 = arith.constant 12 : i32
        %add3A_454 = arith.addi %mul3A_4, %add3A_453 : i32
        %mul3A_455 = arith.constant 2048 : i32
        %mul3A_456 = arith.muli %add3A_454, %mul3A_455 : i32
        %add3A_457 = arith.addi %mul3A_456, %mul3A_6 : i32
        %mul3A_458 = arith.constant 16 : i32
        %mul3A_459 = arith.muli %scan3A_36, %mul3A_458 : i32
        %add3A_460 = arith.addi %add3A_457, %mul3A_459 : i32
        %broadcast_in_dim3A_461 = vector.broadcast %add3A_460 : i32 to vector<16xi32>
        %add3A_462 = arith.addi %iota3A, %broadcast_in_dim3A_461 : vector<16xi32>
        %mul3A_463 = arith.constant 16 : i32
        %mul3A_464 = arith.muli %scan3A_36, %mul3A_463 : i32
        %add3A_465 = arith.constant 3072 : i32
        %add3A_466 = arith.addi %add3A_465, %mul3A_464 : i32
        %broadcast_in_dim3A_467 = vector.broadcast %add3A_466 : i32 to vector<16xi32>
        %add3A_468 = arith.addi %iota3A, %broadcast_in_dim3A_467 : vector<16xi32>
        %swap3A_469 = arith.index_cast %get3A_452 : i32 to index
        %swap3A_470 = tpu.vector_load %arg7[%swap3A_469] masked %ne3A_194 {strides = array<i32>} : memref<144xi32, #tpu.memory_space<vmem>>, vector<16xi32>, vector<16xi1>
        tpu.vector_store %arg7[%swap3A_469], %add3A_462 masked %ne3A_194 {strides = array<i32>} : memref<144xi32, #tpu.memory_space<vmem>>, vector<16xi32>, vector<16xi1>
        %swap3A_471 = arith.index_cast %get3A_452 : i32 to index
        %swap3A_472 = tpu.vector_load %arg8[%swap3A_471] masked %ne3A_194 {strides = array<i32>} : memref<144xi32, #tpu.memory_space<vmem>>, vector<16xi32>, vector<16xi1>
        tpu.vector_store %arg8[%swap3A_471], %add3A_468 masked %ne3A_194 {strides = array<i32>} : memref<144xi32, #tpu.memory_space<vmem>>, vector<16xi32>, vector<16xi1>
        %add3A_473 = arith.addi %get3A_452, %squeeze3A_197 : i32
        %swap3A_474 = arith.constant 0 : i32
        %swap3A_475 = arith.index_cast %swap3A_474 : i32 to index
        %swap3A_476 = memref.load %arg9[%swap3A_475] : memref<1xi32, #tpu.memory_space<smem>>
        memref.store %add3A_473, %arg9[%swap3A_475] : memref<1xi32, #tpu.memory_space<smem>>
      } else {
      }
      %broadcast_in_dim3A_203 = arith.constant 13 : i32
      %broadcast_in_dim3A_204 = vector.broadcast %broadcast_in_dim3A_203 : i32 to vector<16xi32>
      %shift_right_logical3A_205 = arith.shrui %get3A_40, %broadcast_in_dim3A_204 : vector<16xi32>
      %and3A_206 = arith.andi %shift_right_logical3A_205, %broadcast_in_dim3A_13 : vector<16xi32>
      %ne3A_207 = arith.cmpi ne, %and3A_206, %broadcast_in_dim3A_15 : vector<16xi32>
      %all_reduce_population_count3A_208 = tpu.all_reduce %ne3A_207 {dim = 0 : i64, kind = #tpu.reduction_kind<sum>} : vector<16xi1> -> vector<16xi32>
      %slice3A_209 = vector.extract_strided_slice %all_reduce_population_count3A_208 {offsets = [0], sizes = [1], strides = [1]} : vector<16xi32> to vector<1xi32>
      %squeeze3A_210 = vector.extract %slice3A_209[0] : i32 from vector<1xi32>
      %ne3A_211 = arith.constant 0 : i32
      %ne3A_212 = arith.cmpi ne, %squeeze3A_210, %ne3A_211 : i32
      %convert_element_type3A_213 = arith.extui %ne3A_212 : i1 to i32
      %cond3A_214 = arith.constant 0 : i32
      %cond3A_215 = arith.cmpi ne, %convert_element_type3A_213, %cond3A_214 : i32
      scf.if %cond3A_215 {
        %get3A_450 = arith.constant 0 : i32
        %get3A_451 = arith.index_cast %get3A_450 : i32 to index
        %get3A_452 = memref.load %arg9[%get3A_451] : memref<1xi32, #tpu.memory_space<smem>>
        %add3A_453 = arith.constant 13 : i32
        %add3A_454 = arith.addi %mul3A_4, %add3A_453 : i32
        %mul3A_455 = arith.constant 2048 : i32
        %mul3A_456 = arith.muli %add3A_454, %mul3A_455 : i32
        %add3A_457 = arith.addi %mul3A_456, %mul3A_6 : i32
        %mul3A_458 = arith.constant 16 : i32
        %mul3A_459 = arith.muli %scan3A_36, %mul3A_458 : i32
        %add3A_460 = arith.addi %add3A_457, %mul3A_459 : i32
        %broadcast_in_dim3A_461 = vector.broadcast %add3A_460 : i32 to vector<16xi32>
        %add3A_462 = arith.addi %iota3A, %broadcast_in_dim3A_461 : vector<16xi32>
        %mul3A_463 = arith.constant 16 : i32
        %mul3A_464 = arith.muli %scan3A_36, %mul3A_463 : i32
        %add3A_465 = arith.constant 3328 : i32
        %add3A_466 = arith.addi %add3A_465, %mul3A_464 : i32
        %broadcast_in_dim3A_467 = vector.broadcast %add3A_466 : i32 to vector<16xi32>
        %add3A_468 = arith.addi %iota3A, %broadcast_in_dim3A_467 : vector<16xi32>
        %swap3A_469 = arith.index_cast %get3A_452 : i32 to index
        %swap3A_470 = tpu.vector_load %arg7[%swap3A_469] masked %ne3A_207 {strides = array<i32>} : memref<144xi32, #tpu.memory_space<vmem>>, vector<16xi32>, vector<16xi1>
        tpu.vector_store %arg7[%swap3A_469], %add3A_462 masked %ne3A_207 {strides = array<i32>} : memref<144xi32, #tpu.memory_space<vmem>>, vector<16xi32>, vector<16xi1>
        %swap3A_471 = arith.index_cast %get3A_452 : i32 to index
        %swap3A_472 = tpu.vector_load %arg8[%swap3A_471] masked %ne3A_207 {strides = array<i32>} : memref<144xi32, #tpu.memory_space<vmem>>, vector<16xi32>, vector<16xi1>
        tpu.vector_store %arg8[%swap3A_471], %add3A_468 masked %ne3A_207 {strides = array<i32>} : memref<144xi32, #tpu.memory_space<vmem>>, vector<16xi32>, vector<16xi1>
        %add3A_473 = arith.addi %get3A_452, %squeeze3A_210 : i32
        %swap3A_474 = arith.constant 0 : i32
        %swap3A_475 = arith.index_cast %swap3A_474 : i32 to index
        %swap3A_476 = memref.load %arg9[%swap3A_475] : memref<1xi32, #tpu.memory_space<smem>>
        memref.store %add3A_473, %arg9[%swap3A_475] : memref<1xi32, #tpu.memory_space<smem>>
      } else {
      }
      %broadcast_in_dim3A_216 = arith.constant 14 : i32
      %broadcast_in_dim3A_217 = vector.broadcast %broadcast_in_dim3A_216 : i32 to vector<16xi32>
      %shift_right_logical3A_218 = arith.shrui %get3A_40, %broadcast_in_dim3A_217 : vector<16xi32>
      %and3A_219 = arith.andi %shift_right_logical3A_218, %broadcast_in_dim3A_13 : vector<16xi32>
      %ne3A_220 = arith.cmpi ne, %and3A_219, %broadcast_in_dim3A_15 : vector<16xi32>
      %all_reduce_population_count3A_221 = tpu.all_reduce %ne3A_220 {dim = 0 : i64, kind = #tpu.reduction_kind<sum>} : vector<16xi1> -> vector<16xi32>
      %slice3A_222 = vector.extract_strided_slice %all_reduce_population_count3A_221 {offsets = [0], sizes = [1], strides = [1]} : vector<16xi32> to vector<1xi32>
      %squeeze3A_223 = vector.extract %slice3A_222[0] : i32 from vector<1xi32>
      %ne3A_224 = arith.constant 0 : i32
      %ne3A_225 = arith.cmpi ne, %squeeze3A_223, %ne3A_224 : i32
      %convert_element_type3A_226 = arith.extui %ne3A_225 : i1 to i32
      %cond3A_227 = arith.constant 0 : i32
      %cond3A_228 = arith.cmpi ne, %convert_element_type3A_226, %cond3A_227 : i32
      scf.if %cond3A_228 {
        %get3A_450 = arith.constant 0 : i32
        %get3A_451 = arith.index_cast %get3A_450 : i32 to index
        %get3A_452 = memref.load %arg9[%get3A_451] : memref<1xi32, #tpu.memory_space<smem>>
        %add3A_453 = arith.constant 14 : i32
        %add3A_454 = arith.addi %mul3A_4, %add3A_453 : i32
        %mul3A_455 = arith.constant 2048 : i32
        %mul3A_456 = arith.muli %add3A_454, %mul3A_455 : i32
        %add3A_457 = arith.addi %mul3A_456, %mul3A_6 : i32
        %mul3A_458 = arith.constant 16 : i32
        %mul3A_459 = arith.muli %scan3A_36, %mul3A_458 : i32
        %add3A_460 = arith.addi %add3A_457, %mul3A_459 : i32
        %broadcast_in_dim3A_461 = vector.broadcast %add3A_460 : i32 to vector<16xi32>
        %add3A_462 = arith.addi %iota3A, %broadcast_in_dim3A_461 : vector<16xi32>
        %mul3A_463 = arith.constant 16 : i32
        %mul3A_464 = arith.muli %scan3A_36, %mul3A_463 : i32
        %add3A_465 = arith.constant 3584 : i32
        %add3A_466 = arith.addi %add3A_465, %mul3A_464 : i32
        %broadcast_in_dim3A_467 = vector.broadcast %add3A_466 : i32 to vector<16xi32>
        %add3A_468 = arith.addi %iota3A, %broadcast_in_dim3A_467 : vector<16xi32>
        %swap3A_469 = arith.index_cast %get3A_452 : i32 to index
        %swap3A_470 = tpu.vector_load %arg7[%swap3A_469] masked %ne3A_220 {strides = array<i32>} : memref<144xi32, #tpu.memory_space<vmem>>, vector<16xi32>, vector<16xi1>
        tpu.vector_store %arg7[%swap3A_469], %add3A_462 masked %ne3A_220 {strides = array<i32>} : memref<144xi32, #tpu.memory_space<vmem>>, vector<16xi32>, vector<16xi1>
        %swap3A_471 = arith.index_cast %get3A_452 : i32 to index
        %swap3A_472 = tpu.vector_load %arg8[%swap3A_471] masked %ne3A_220 {strides = array<i32>} : memref<144xi32, #tpu.memory_space<vmem>>, vector<16xi32>, vector<16xi1>
        tpu.vector_store %arg8[%swap3A_471], %add3A_468 masked %ne3A_220 {strides = array<i32>} : memref<144xi32, #tpu.memory_space<vmem>>, vector<16xi32>, vector<16xi1>
        %add3A_473 = arith.addi %get3A_452, %squeeze3A_223 : i32
        %swap3A_474 = arith.constant 0 : i32
        %swap3A_475 = arith.index_cast %swap3A_474 : i32 to index
        %swap3A_476 = memref.load %arg9[%swap3A_475] : memref<1xi32, #tpu.memory_space<smem>>
        memref.store %add3A_473, %arg9[%swap3A_475] : memref<1xi32, #tpu.memory_space<smem>>
      } else {
      }
      %broadcast_in_dim3A_229 = arith.constant 15 : i32
      %broadcast_in_dim3A_230 = vector.broadcast %broadcast_in_dim3A_229 : i32 to vector<16xi32>
      %shift_right_logical3A_231 = arith.shrui %get3A_40, %broadcast_in_dim3A_230 : vector<16xi32>
      %and3A_232 = arith.andi %shift_right_logical3A_231, %broadcast_in_dim3A_13 : vector<16xi32>
      %ne3A_233 = arith.cmpi ne, %and3A_232, %broadcast_in_dim3A_15 : vector<16xi32>
      %all_reduce_population_count3A_234 = tpu.all_reduce %ne3A_233 {dim = 0 : i64, kind = #tpu.reduction_kind<sum>} : vector<16xi1> -> vector<16xi32>
      %slice3A_235 = vector.extract_strided_slice %all_reduce_population_count3A_234 {offsets = [0], sizes = [1], strides = [1]} : vector<16xi32> to vector<1xi32>
      %squeeze3A_236 = vector.extract %slice3A_235[0] : i32 from vector<1xi32>
      %ne3A_237 = arith.constant 0 : i32
      %ne3A_238 = arith.cmpi ne, %squeeze3A_236, %ne3A_237 : i32
      %convert_element_type3A_239 = arith.extui %ne3A_238 : i1 to i32
      %cond3A_240 = arith.constant 0 : i32
      %cond3A_241 = arith.cmpi ne, %convert_element_type3A_239, %cond3A_240 : i32
      scf.if %cond3A_241 {
        %get3A_450 = arith.constant 0 : i32
        %get3A_451 = arith.index_cast %get3A_450 : i32 to index
        %get3A_452 = memref.load %arg9[%get3A_451] : memref<1xi32, #tpu.memory_space<smem>>
        %add3A_453 = arith.constant 15 : i32
        %add3A_454 = arith.addi %mul3A_4, %add3A_453 : i32
        %mul3A_455 = arith.constant 2048 : i32
        %mul3A_456 = arith.muli %add3A_454, %mul3A_455 : i32
        %add3A_457 = arith.addi %mul3A_456, %mul3A_6 : i32
        %mul3A_458 = arith.constant 16 : i32
        %mul3A_459 = arith.muli %scan3A_36, %mul3A_458 : i32
        %add3A_460 = arith.addi %add3A_457, %mul3A_459 : i32
        %broadcast_in_dim3A_461 = vector.broadcast %add3A_460 : i32 to vector<16xi32>
        %add3A_462 = arith.addi %iota3A, %broadcast_in_dim3A_461 : vector<16xi32>
        %mul3A_463 = arith.constant 16 : i32
        %mul3A_464 = arith.muli %scan3A_36, %mul3A_463 : i32
        %add3A_465 = arith.constant 3840 : i32
        %add3A_466 = arith.addi %add3A_465, %mul3A_464 : i32
        %broadcast_in_dim3A_467 = vector.broadcast %add3A_466 : i32 to vector<16xi32>
        %add3A_468 = arith.addi %iota3A, %broadcast_in_dim3A_467 : vector<16xi32>
        %swap3A_469 = arith.index_cast %get3A_452 : i32 to index
        %swap3A_470 = tpu.vector_load %arg7[%swap3A_469] masked %ne3A_233 {strides = array<i32>} : memref<144xi32, #tpu.memory_space<vmem>>, vector<16xi32>, vector<16xi1>
        tpu.vector_store %arg7[%swap3A_469], %add3A_462 masked %ne3A_233 {strides = array<i32>} : memref<144xi32, #tpu.memory_space<vmem>>, vector<16xi32>, vector<16xi1>
        %swap3A_471 = arith.index_cast %get3A_452 : i32 to index
        %swap3A_472 = tpu.vector_load %arg8[%swap3A_471] masked %ne3A_233 {strides = array<i32>} : memref<144xi32, #tpu.memory_space<vmem>>, vector<16xi32>, vector<16xi1>
        tpu.vector_store %arg8[%swap3A_471], %add3A_468 masked %ne3A_233 {strides = array<i32>} : memref<144xi32, #tpu.memory_space<vmem>>, vector<16xi32>, vector<16xi1>
        %add3A_473 = arith.addi %get3A_452, %squeeze3A_236 : i32
        %swap3A_474 = arith.constant 0 : i32
        %swap3A_475 = arith.index_cast %swap3A_474 : i32 to index
        %swap3A_476 = memref.load %arg9[%swap3A_475] : memref<1xi32, #tpu.memory_space<smem>>
        memref.store %add3A_473, %arg9[%swap3A_475] : memref<1xi32, #tpu.memory_space<smem>>
      } else {
      }
      %broadcast_in_dim3A_242 = arith.constant 16 : i32
      %broadcast_in_dim3A_243 = vector.broadcast %broadcast_in_dim3A_242 : i32 to vector<16xi32>
      %shift_right_logical3A_244 = arith.shrui %get3A_40, %broadcast_in_dim3A_243 : vector<16xi32>
      %and3A_245 = arith.andi %shift_right_logical3A_244, %broadcast_in_dim3A_13 : vector<16xi32>
      %ne3A_246 = arith.cmpi ne, %and3A_245, %broadcast_in_dim3A_15 : vector<16xi32>
      %all_reduce_population_count3A_247 = tpu.all_reduce %ne3A_246 {dim = 0 : i64, kind = #tpu.reduction_kind<sum>} : vector<16xi1> -> vector<16xi32>
      %slice3A_248 = vector.extract_strided_slice %all_reduce_population_count3A_247 {offsets = [0], sizes = [1], strides = [1]} : vector<16xi32> to vector<1xi32>
      %squeeze3A_249 = vector.extract %slice3A_248[0] : i32 from vector<1xi32>
      %ne3A_250 = arith.constant 0 : i32
      %ne3A_251 = arith.cmpi ne, %squeeze3A_249, %ne3A_250 : i32
      %convert_element_type3A_252 = arith.extui %ne3A_251 : i1 to i32
      %cond3A_253 = arith.constant 0 : i32
      %cond3A_254 = arith.cmpi ne, %convert_element_type3A_252, %cond3A_253 : i32
      scf.if %cond3A_254 {
        %get3A_450 = arith.constant 0 : i32
        %get3A_451 = arith.index_cast %get3A_450 : i32 to index
        %get3A_452 = memref.load %arg9[%get3A_451] : memref<1xi32, #tpu.memory_space<smem>>
        %add3A_453 = arith.constant 16 : i32
        %add3A_454 = arith.addi %mul3A_4, %add3A_453 : i32
        %mul3A_455 = arith.constant 2048 : i32
        %mul3A_456 = arith.muli %add3A_454, %mul3A_455 : i32
        %add3A_457 = arith.addi %mul3A_456, %mul3A_6 : i32
        %mul3A_458 = arith.constant 16 : i32
        %mul3A_459 = arith.muli %scan3A_36, %mul3A_458 : i32
        %add3A_460 = arith.addi %add3A_457, %mul3A_459 : i32
        %broadcast_in_dim3A_461 = vector.broadcast %add3A_460 : i32 to vector<16xi32>
        %add3A_462 = arith.addi %iota3A, %broadcast_in_dim3A_461 : vector<16xi32>
        %mul3A_463 = arith.constant 16 : i32
        %mul3A_464 = arith.muli %scan3A_36, %mul3A_463 : i32
        %add3A_465 = arith.constant 4096 : i32
        %add3A_466 = arith.addi %add3A_465, %mul3A_464 : i32
        %broadcast_in_dim3A_467 = vector.broadcast %add3A_466 : i32 to vector<16xi32>
        %add3A_468 = arith.addi %iota3A, %broadcast_in_dim3A_467 : vector<16xi32>
        %swap3A_469 = arith.index_cast %get3A_452 : i32 to index
        %swap3A_470 = tpu.vector_load %arg7[%swap3A_469] masked %ne3A_246 {strides = array<i32>} : memref<144xi32, #tpu.memory_space<vmem>>, vector<16xi32>, vector<16xi1>
        tpu.vector_store %arg7[%swap3A_469], %add3A_462 masked %ne3A_246 {strides = array<i32>} : memref<144xi32, #tpu.memory_space<vmem>>, vector<16xi32>, vector<16xi1>
        %swap3A_471 = arith.index_cast %get3A_452 : i32 to index
        %swap3A_472 = tpu.vector_load %arg8[%swap3A_471] masked %ne3A_246 {strides = array<i32>} : memref<144xi32, #tpu.memory_space<vmem>>, vector<16xi32>, vector<16xi1>
        tpu.vector_store %arg8[%swap3A_471], %add3A_468 masked %ne3A_246 {strides = array<i32>} : memref<144xi32, #tpu.memory_space<vmem>>, vector<16xi32>, vector<16xi1>
        %add3A_473 = arith.addi %get3A_452, %squeeze3A_249 : i32
        %swap3A_474 = arith.constant 0 : i32
        %swap3A_475 = arith.index_cast %swap3A_474 : i32 to index
        %swap3A_476 = memref.load %arg9[%swap3A_475] : memref<1xi32, #tpu.memory_space<smem>>
        memref.store %add3A_473, %arg9[%swap3A_475] : memref<1xi32, #tpu.memory_space<smem>>
      } else {
      }
      %broadcast_in_dim3A_255 = arith.constant 17 : i32
      %broadcast_in_dim3A_256 = vector.broadcast %broadcast_in_dim3A_255 : i32 to vector<16xi32>
      %shift_right_logical3A_257 = arith.shrui %get3A_40, %broadcast_in_dim3A_256 : vector<16xi32>
      %and3A_258 = arith.andi %shift_right_logical3A_257, %broadcast_in_dim3A_13 : vector<16xi32>
      %ne3A_259 = arith.cmpi ne, %and3A_258, %broadcast_in_dim3A_15 : vector<16xi32>
      %all_reduce_population_count3A_260 = tpu.all_reduce %ne3A_259 {dim = 0 : i64, kind = #tpu.reduction_kind<sum>} : vector<16xi1> -> vector<16xi32>
      %slice3A_261 = vector.extract_strided_slice %all_reduce_population_count3A_260 {offsets = [0], sizes = [1], strides = [1]} : vector<16xi32> to vector<1xi32>
      %squeeze3A_262 = vector.extract %slice3A_261[0] : i32 from vector<1xi32>
      %ne3A_263 = arith.constant 0 : i32
      %ne3A_264 = arith.cmpi ne, %squeeze3A_262, %ne3A_263 : i32
      %convert_element_type3A_265 = arith.extui %ne3A_264 : i1 to i32
      %cond3A_266 = arith.constant 0 : i32
      %cond3A_267 = arith.cmpi ne, %convert_element_type3A_265, %cond3A_266 : i32
      scf.if %cond3A_267 {
        %get3A_450 = arith.constant 0 : i32
        %get3A_451 = arith.index_cast %get3A_450 : i32 to index
        %get3A_452 = memref.load %arg9[%get3A_451] : memref<1xi32, #tpu.memory_space<smem>>
        %add3A_453 = arith.constant 17 : i32
        %add3A_454 = arith.addi %mul3A_4, %add3A_453 : i32
        %mul3A_455 = arith.constant 2048 : i32
        %mul3A_456 = arith.muli %add3A_454, %mul3A_455 : i32
        %add3A_457 = arith.addi %mul3A_456, %mul3A_6 : i32
        %mul3A_458 = arith.constant 16 : i32
        %mul3A_459 = arith.muli %scan3A_36, %mul3A_458 : i32
        %add3A_460 = arith.addi %add3A_457, %mul3A_459 : i32
        %broadcast_in_dim3A_461 = vector.broadcast %add3A_460 : i32 to vector<16xi32>
        %add3A_462 = arith.addi %iota3A, %broadcast_in_dim3A_461 : vector<16xi32>
        %mul3A_463 = arith.constant 16 : i32
        %mul3A_464 = arith.muli %scan3A_36, %mul3A_463 : i32
        %add3A_465 = arith.constant 4352 : i32
        %add3A_466 = arith.addi %add3A_465, %mul3A_464 : i32
        %broadcast_in_dim3A_467 = vector.broadcast %add3A_466 : i32 to vector<16xi32>
        %add3A_468 = arith.addi %iota3A, %broadcast_in_dim3A_467 : vector<16xi32>
        %swap3A_469 = arith.index_cast %get3A_452 : i32 to index
        %swap3A_470 = tpu.vector_load %arg7[%swap3A_469] masked %ne3A_259 {strides = array<i32>} : memref<144xi32, #tpu.memory_space<vmem>>, vector<16xi32>, vector<16xi1>
        tpu.vector_store %arg7[%swap3A_469], %add3A_462 masked %ne3A_259 {strides = array<i32>} : memref<144xi32, #tpu.memory_space<vmem>>, vector<16xi32>, vector<16xi1>
        %swap3A_471 = arith.index_cast %get3A_452 : i32 to index
        %swap3A_472 = tpu.vector_load %arg8[%swap3A_471] masked %ne3A_259 {strides = array<i32>} : memref<144xi32, #tpu.memory_space<vmem>>, vector<16xi32>, vector<16xi1>
        tpu.vector_store %arg8[%swap3A_471], %add3A_468 masked %ne3A_259 {strides = array<i32>} : memref<144xi32, #tpu.memory_space<vmem>>, vector<16xi32>, vector<16xi1>
        %add3A_473 = arith.addi %get3A_452, %squeeze3A_262 : i32
        %swap3A_474 = arith.constant 0 : i32
        %swap3A_475 = arith.index_cast %swap3A_474 : i32 to index
        %swap3A_476 = memref.load %arg9[%swap3A_475] : memref<1xi32, #tpu.memory_space<smem>>
        memref.store %add3A_473, %arg9[%swap3A_475] : memref<1xi32, #tpu.memory_space<smem>>
      } else {
      }
      %broadcast_in_dim3A_268 = arith.constant 18 : i32
      %broadcast_in_dim3A_269 = vector.broadcast %broadcast_in_dim3A_268 : i32 to vector<16xi32>
      %shift_right_logical3A_270 = arith.shrui %get3A_40, %broadcast_in_dim3A_269 : vector<16xi32>
      %and3A_271 = arith.andi %shift_right_logical3A_270, %broadcast_in_dim3A_13 : vector<16xi32>
      %ne3A_272 = arith.cmpi ne, %and3A_271, %broadcast_in_dim3A_15 : vector<16xi32>
      %all_reduce_population_count3A_273 = tpu.all_reduce %ne3A_272 {dim = 0 : i64, kind = #tpu.reduction_kind<sum>} : vector<16xi1> -> vector<16xi32>
      %slice3A_274 = vector.extract_strided_slice %all_reduce_population_count3A_273 {offsets = [0], sizes = [1], strides = [1]} : vector<16xi32> to vector<1xi32>
      %squeeze3A_275 = vector.extract %slice3A_274[0] : i32 from vector<1xi32>
      %ne3A_276 = arith.constant 0 : i32
      %ne3A_277 = arith.cmpi ne, %squeeze3A_275, %ne3A_276 : i32
      %convert_element_type3A_278 = arith.extui %ne3A_277 : i1 to i32
      %cond3A_279 = arith.constant 0 : i32
      %cond3A_280 = arith.cmpi ne, %convert_element_type3A_278, %cond3A_279 : i32
      scf.if %cond3A_280 {
        %get3A_450 = arith.constant 0 : i32
        %get3A_451 = arith.index_cast %get3A_450 : i32 to index
        %get3A_452 = memref.load %arg9[%get3A_451] : memref<1xi32, #tpu.memory_space<smem>>
        %add3A_453 = arith.constant 18 : i32
        %add3A_454 = arith.addi %mul3A_4, %add3A_453 : i32
        %mul3A_455 = arith.constant 2048 : i32
        %mul3A_456 = arith.muli %add3A_454, %mul3A_455 : i32
        %add3A_457 = arith.addi %mul3A_456, %mul3A_6 : i32
        %mul3A_458 = arith.constant 16 : i32
        %mul3A_459 = arith.muli %scan3A_36, %mul3A_458 : i32
        %add3A_460 = arith.addi %add3A_457, %mul3A_459 : i32
        %broadcast_in_dim3A_461 = vector.broadcast %add3A_460 : i32 to vector<16xi32>
        %add3A_462 = arith.addi %iota3A, %broadcast_in_dim3A_461 : vector<16xi32>
        %mul3A_463 = arith.constant 16 : i32
        %mul3A_464 = arith.muli %scan3A_36, %mul3A_463 : i32
        %add3A_465 = arith.constant 4608 : i32
        %add3A_466 = arith.addi %add3A_465, %mul3A_464 : i32
        %broadcast_in_dim3A_467 = vector.broadcast %add3A_466 : i32 to vector<16xi32>
        %add3A_468 = arith.addi %iota3A, %broadcast_in_dim3A_467 : vector<16xi32>
        %swap3A_469 = arith.index_cast %get3A_452 : i32 to index
        %swap3A_470 = tpu.vector_load %arg7[%swap3A_469] masked %ne3A_272 {strides = array<i32>} : memref<144xi32, #tpu.memory_space<vmem>>, vector<16xi32>, vector<16xi1>
        tpu.vector_store %arg7[%swap3A_469], %add3A_462 masked %ne3A_272 {strides = array<i32>} : memref<144xi32, #tpu.memory_space<vmem>>, vector<16xi32>, vector<16xi1>
        %swap3A_471 = arith.index_cast %get3A_452 : i32 to index
        %swap3A_472 = tpu.vector_load %arg8[%swap3A_471] masked %ne3A_272 {strides = array<i32>} : memref<144xi32, #tpu.memory_space<vmem>>, vector<16xi32>, vector<16xi1>
        tpu.vector_store %arg8[%swap3A_471], %add3A_468 masked %ne3A_272 {strides = array<i32>} : memref<144xi32, #tpu.memory_space<vmem>>, vector<16xi32>, vector<16xi1>
        %add3A_473 = arith.addi %get3A_452, %squeeze3A_275 : i32
        %swap3A_474 = arith.constant 0 : i32
        %swap3A_475 = arith.index_cast %swap3A_474 : i32 to index
        %swap3A_476 = memref.load %arg9[%swap3A_475] : memref<1xi32, #tpu.memory_space<smem>>
        memref.store %add3A_473, %arg9[%swap3A_475] : memref<1xi32, #tpu.memory_space<smem>>
      } else {
      }
      %broadcast_in_dim3A_281 = arith.constant 19 : i32
      %broadcast_in_dim3A_282 = vector.broadcast %broadcast_in_dim3A_281 : i32 to vector<16xi32>
      %shift_right_logical3A_283 = arith.shrui %get3A_40, %broadcast_in_dim3A_282 : vector<16xi32>
      %and3A_284 = arith.andi %shift_right_logical3A_283, %broadcast_in_dim3A_13 : vector<16xi32>
      %ne3A_285 = arith.cmpi ne, %and3A_284, %broadcast_in_dim3A_15 : vector<16xi32>
      %all_reduce_population_count3A_286 = tpu.all_reduce %ne3A_285 {dim = 0 : i64, kind = #tpu.reduction_kind<sum>} : vector<16xi1> -> vector<16xi32>
      %slice3A_287 = vector.extract_strided_slice %all_reduce_population_count3A_286 {offsets = [0], sizes = [1], strides = [1]} : vector<16xi32> to vector<1xi32>
      %squeeze3A_288 = vector.extract %slice3A_287[0] : i32 from vector<1xi32>
      %ne3A_289 = arith.constant 0 : i32
      %ne3A_290 = arith.cmpi ne, %squeeze3A_288, %ne3A_289 : i32
      %convert_element_type3A_291 = arith.extui %ne3A_290 : i1 to i32
      %cond3A_292 = arith.constant 0 : i32
      %cond3A_293 = arith.cmpi ne, %convert_element_type3A_291, %cond3A_292 : i32
      scf.if %cond3A_293 {
        %get3A_450 = arith.constant 0 : i32
        %get3A_451 = arith.index_cast %get3A_450 : i32 to index
        %get3A_452 = memref.load %arg9[%get3A_451] : memref<1xi32, #tpu.memory_space<smem>>
        %add3A_453 = arith.constant 19 : i32
        %add3A_454 = arith.addi %mul3A_4, %add3A_453 : i32
        %mul3A_455 = arith.constant 2048 : i32
        %mul3A_456 = arith.muli %add3A_454, %mul3A_455 : i32
        %add3A_457 = arith.addi %mul3A_456, %mul3A_6 : i32
        %mul3A_458 = arith.constant 16 : i32
        %mul3A_459 = arith.muli %scan3A_36, %mul3A_458 : i32
        %add3A_460 = arith.addi %add3A_457, %mul3A_459 : i32
        %broadcast_in_dim3A_461 = vector.broadcast %add3A_460 : i32 to vector<16xi32>
        %add3A_462 = arith.addi %iota3A, %broadcast_in_dim3A_461 : vector<16xi32>
        %mul3A_463 = arith.constant 16 : i32
        %mul3A_464 = arith.muli %scan3A_36, %mul3A_463 : i32
        %add3A_465 = arith.constant 4864 : i32
        %add3A_466 = arith.addi %add3A_465, %mul3A_464 : i32
        %broadcast_in_dim3A_467 = vector.broadcast %add3A_466 : i32 to vector<16xi32>
        %add3A_468 = arith.addi %iota3A, %broadcast_in_dim3A_467 : vector<16xi32>
        %swap3A_469 = arith.index_cast %get3A_452 : i32 to index
        %swap3A_470 = tpu.vector_load %arg7[%swap3A_469] masked %ne3A_285 {strides = array<i32>} : memref<144xi32, #tpu.memory_space<vmem>>, vector<16xi32>, vector<16xi1>
        tpu.vector_store %arg7[%swap3A_469], %add3A_462 masked %ne3A_285 {strides = array<i32>} : memref<144xi32, #tpu.memory_space<vmem>>, vector<16xi32>, vector<16xi1>
        %swap3A_471 = arith.index_cast %get3A_452 : i32 to index
        %swap3A_472 = tpu.vector_load %arg8[%swap3A_471] masked %ne3A_285 {strides = array<i32>} : memref<144xi32, #tpu.memory_space<vmem>>, vector<16xi32>, vector<16xi1>
        tpu.vector_store %arg8[%swap3A_471], %add3A_468 masked %ne3A_285 {strides = array<i32>} : memref<144xi32, #tpu.memory_space<vmem>>, vector<16xi32>, vector<16xi1>
        %add3A_473 = arith.addi %get3A_452, %squeeze3A_288 : i32
        %swap3A_474 = arith.constant 0 : i32
        %swap3A_475 = arith.index_cast %swap3A_474 : i32 to index
        %swap3A_476 = memref.load %arg9[%swap3A_475] : memref<1xi32, #tpu.memory_space<smem>>
        memref.store %add3A_473, %arg9[%swap3A_475] : memref<1xi32, #tpu.memory_space<smem>>
      } else {
      }
      %broadcast_in_dim3A_294 = arith.constant 20 : i32
      %broadcast_in_dim3A_295 = vector.broadcast %broadcast_in_dim3A_294 : i32 to vector<16xi32>
      %shift_right_logical3A_296 = arith.shrui %get3A_40, %broadcast_in_dim3A_295 : vector<16xi32>
      %and3A_297 = arith.andi %shift_right_logical3A_296, %broadcast_in_dim3A_13 : vector<16xi32>
      %ne3A_298 = arith.cmpi ne, %and3A_297, %broadcast_in_dim3A_15 : vector<16xi32>
      %all_reduce_population_count3A_299 = tpu.all_reduce %ne3A_298 {dim = 0 : i64, kind = #tpu.reduction_kind<sum>} : vector<16xi1> -> vector<16xi32>
      %slice3A_300 = vector.extract_strided_slice %all_reduce_population_count3A_299 {offsets = [0], sizes = [1], strides = [1]} : vector<16xi32> to vector<1xi32>
      %squeeze3A_301 = vector.extract %slice3A_300[0] : i32 from vector<1xi32>
      %ne3A_302 = arith.constant 0 : i32
      %ne3A_303 = arith.cmpi ne, %squeeze3A_301, %ne3A_302 : i32
      %convert_element_type3A_304 = arith.extui %ne3A_303 : i1 to i32
      %cond3A_305 = arith.constant 0 : i32
      %cond3A_306 = arith.cmpi ne, %convert_element_type3A_304, %cond3A_305 : i32
      scf.if %cond3A_306 {
        %get3A_450 = arith.constant 0 : i32
        %get3A_451 = arith.index_cast %get3A_450 : i32 to index
        %get3A_452 = memref.load %arg9[%get3A_451] : memref<1xi32, #tpu.memory_space<smem>>
        %add3A_453 = arith.constant 20 : i32
        %add3A_454 = arith.addi %mul3A_4, %add3A_453 : i32
        %mul3A_455 = arith.constant 2048 : i32
        %mul3A_456 = arith.muli %add3A_454, %mul3A_455 : i32
        %add3A_457 = arith.addi %mul3A_456, %mul3A_6 : i32
        %mul3A_458 = arith.constant 16 : i32
        %mul3A_459 = arith.muli %scan3A_36, %mul3A_458 : i32
        %add3A_460 = arith.addi %add3A_457, %mul3A_459 : i32
        %broadcast_in_dim3A_461 = vector.broadcast %add3A_460 : i32 to vector<16xi32>
        %add3A_462 = arith.addi %iota3A, %broadcast_in_dim3A_461 : vector<16xi32>
        %mul3A_463 = arith.constant 16 : i32
        %mul3A_464 = arith.muli %scan3A_36, %mul3A_463 : i32
        %add3A_465 = arith.constant 5120 : i32
        %add3A_466 = arith.addi %add3A_465, %mul3A_464 : i32
        %broadcast_in_dim3A_467 = vector.broadcast %add3A_466 : i32 to vector<16xi32>
        %add3A_468 = arith.addi %iota3A, %broadcast_in_dim3A_467 : vector<16xi32>
        %swap3A_469 = arith.index_cast %get3A_452 : i32 to index
        %swap3A_470 = tpu.vector_load %arg7[%swap3A_469] masked %ne3A_298 {strides = array<i32>} : memref<144xi32, #tpu.memory_space<vmem>>, vector<16xi32>, vector<16xi1>
        tpu.vector_store %arg7[%swap3A_469], %add3A_462 masked %ne3A_298 {strides = array<i32>} : memref<144xi32, #tpu.memory_space<vmem>>, vector<16xi32>, vector<16xi1>
        %swap3A_471 = arith.index_cast %get3A_452 : i32 to index
        %swap3A_472 = tpu.vector_load %arg8[%swap3A_471] masked %ne3A_298 {strides = array<i32>} : memref<144xi32, #tpu.memory_space<vmem>>, vector<16xi32>, vector<16xi1>
        tpu.vector_store %arg8[%swap3A_471], %add3A_468 masked %ne3A_298 {strides = array<i32>} : memref<144xi32, #tpu.memory_space<vmem>>, vector<16xi32>, vector<16xi1>
        %add3A_473 = arith.addi %get3A_452, %squeeze3A_301 : i32
        %swap3A_474 = arith.constant 0 : i32
        %swap3A_475 = arith.index_cast %swap3A_474 : i32 to index
        %swap3A_476 = memref.load %arg9[%swap3A_475] : memref<1xi32, #tpu.memory_space<smem>>
        memref.store %add3A_473, %arg9[%swap3A_475] : memref<1xi32, #tpu.memory_space<smem>>
      } else {
      }
      %broadcast_in_dim3A_307 = arith.constant 21 : i32
      %broadcast_in_dim3A_308 = vector.broadcast %broadcast_in_dim3A_307 : i32 to vector<16xi32>
      %shift_right_logical3A_309 = arith.shrui %get3A_40, %broadcast_in_dim3A_308 : vector<16xi32>
      %and3A_310 = arith.andi %shift_right_logical3A_309, %broadcast_in_dim3A_13 : vector<16xi32>
      %ne3A_311 = arith.cmpi ne, %and3A_310, %broadcast_in_dim3A_15 : vector<16xi32>
      %all_reduce_population_count3A_312 = tpu.all_reduce %ne3A_311 {dim = 0 : i64, kind = #tpu.reduction_kind<sum>} : vector<16xi1> -> vector<16xi32>
      %slice3A_313 = vector.extract_strided_slice %all_reduce_population_count3A_312 {offsets = [0], sizes = [1], strides = [1]} : vector<16xi32> to vector<1xi32>
      %squeeze3A_314 = vector.extract %slice3A_313[0] : i32 from vector<1xi32>
      %ne3A_315 = arith.constant 0 : i32
      %ne3A_316 = arith.cmpi ne, %squeeze3A_314, %ne3A_315 : i32
      %convert_element_type3A_317 = arith.extui %ne3A_316 : i1 to i32
      %cond3A_318 = arith.constant 0 : i32
      %cond3A_319 = arith.cmpi ne, %convert_element_type3A_317, %cond3A_318 : i32
      scf.if %cond3A_319 {
        %get3A_450 = arith.constant 0 : i32
        %get3A_451 = arith.index_cast %get3A_450 : i32 to index
        %get3A_452 = memref.load %arg9[%get3A_451] : memref<1xi32, #tpu.memory_space<smem>>
        %add3A_453 = arith.constant 21 : i32
        %add3A_454 = arith.addi %mul3A_4, %add3A_453 : i32
        %mul3A_455 = arith.constant 2048 : i32
        %mul3A_456 = arith.muli %add3A_454, %mul3A_455 : i32
        %add3A_457 = arith.addi %mul3A_456, %mul3A_6 : i32
        %mul3A_458 = arith.constant 16 : i32
        %mul3A_459 = arith.muli %scan3A_36, %mul3A_458 : i32
        %add3A_460 = arith.addi %add3A_457, %mul3A_459 : i32
        %broadcast_in_dim3A_461 = vector.broadcast %add3A_460 : i32 to vector<16xi32>
        %add3A_462 = arith.addi %iota3A, %broadcast_in_dim3A_461 : vector<16xi32>
        %mul3A_463 = arith.constant 16 : i32
        %mul3A_464 = arith.muli %scan3A_36, %mul3A_463 : i32
        %add3A_465 = arith.constant 5376 : i32
        %add3A_466 = arith.addi %add3A_465, %mul3A_464 : i32
        %broadcast_in_dim3A_467 = vector.broadcast %add3A_466 : i32 to vector<16xi32>
        %add3A_468 = arith.addi %iota3A, %broadcast_in_dim3A_467 : vector<16xi32>
        %swap3A_469 = arith.index_cast %get3A_452 : i32 to index
        %swap3A_470 = tpu.vector_load %arg7[%swap3A_469] masked %ne3A_311 {strides = array<i32>} : memref<144xi32, #tpu.memory_space<vmem>>, vector<16xi32>, vector<16xi1>
        tpu.vector_store %arg7[%swap3A_469], %add3A_462 masked %ne3A_311 {strides = array<i32>} : memref<144xi32, #tpu.memory_space<vmem>>, vector<16xi32>, vector<16xi1>
        %swap3A_471 = arith.index_cast %get3A_452 : i32 to index
        %swap3A_472 = tpu.vector_load %arg8[%swap3A_471] masked %ne3A_311 {strides = array<i32>} : memref<144xi32, #tpu.memory_space<vmem>>, vector<16xi32>, vector<16xi1>
        tpu.vector_store %arg8[%swap3A_471], %add3A_468 masked %ne3A_311 {strides = array<i32>} : memref<144xi32, #tpu.memory_space<vmem>>, vector<16xi32>, vector<16xi1>
        %add3A_473 = arith.addi %get3A_452, %squeeze3A_314 : i32
        %swap3A_474 = arith.constant 0 : i32
        %swap3A_475 = arith.index_cast %swap3A_474 : i32 to index
        %swap3A_476 = memref.load %arg9[%swap3A_475] : memref<1xi32, #tpu.memory_space<smem>>
        memref.store %add3A_473, %arg9[%swap3A_475] : memref<1xi32, #tpu.memory_space<smem>>
      } else {
      }
      %broadcast_in_dim3A_320 = arith.constant 22 : i32
      %broadcast_in_dim3A_321 = vector.broadcast %broadcast_in_dim3A_320 : i32 to vector<16xi32>
      %shift_right_logical3A_322 = arith.shrui %get3A_40, %broadcast_in_dim3A_321 : vector<16xi32>
      %and3A_323 = arith.andi %shift_right_logical3A_322, %broadcast_in_dim3A_13 : vector<16xi32>
      %ne3A_324 = arith.cmpi ne, %and3A_323, %broadcast_in_dim3A_15 : vector<16xi32>
      %all_reduce_population_count3A_325 = tpu.all_reduce %ne3A_324 {dim = 0 : i64, kind = #tpu.reduction_kind<sum>} : vector<16xi1> -> vector<16xi32>
      %slice3A_326 = vector.extract_strided_slice %all_reduce_population_count3A_325 {offsets = [0], sizes = [1], strides = [1]} : vector<16xi32> to vector<1xi32>
      %squeeze3A_327 = vector.extract %slice3A_326[0] : i32 from vector<1xi32>
      %ne3A_328 = arith.constant 0 : i32
      %ne3A_329 = arith.cmpi ne, %squeeze3A_327, %ne3A_328 : i32
      %convert_element_type3A_330 = arith.extui %ne3A_329 : i1 to i32
      %cond3A_331 = arith.constant 0 : i32
      %cond3A_332 = arith.cmpi ne, %convert_element_type3A_330, %cond3A_331 : i32
      scf.if %cond3A_332 {
        %get3A_450 = arith.constant 0 : i32
        %get3A_451 = arith.index_cast %get3A_450 : i32 to index
        %get3A_452 = memref.load %arg9[%get3A_451] : memref<1xi32, #tpu.memory_space<smem>>
        %add3A_453 = arith.constant 22 : i32
        %add3A_454 = arith.addi %mul3A_4, %add3A_453 : i32
        %mul3A_455 = arith.constant 2048 : i32
        %mul3A_456 = arith.muli %add3A_454, %mul3A_455 : i32
        %add3A_457 = arith.addi %mul3A_456, %mul3A_6 : i32
        %mul3A_458 = arith.constant 16 : i32
        %mul3A_459 = arith.muli %scan3A_36, %mul3A_458 : i32
        %add3A_460 = arith.addi %add3A_457, %mul3A_459 : i32
        %broadcast_in_dim3A_461 = vector.broadcast %add3A_460 : i32 to vector<16xi32>
        %add3A_462 = arith.addi %iota3A, %broadcast_in_dim3A_461 : vector<16xi32>
        %mul3A_463 = arith.constant 16 : i32
        %mul3A_464 = arith.muli %scan3A_36, %mul3A_463 : i32
        %add3A_465 = arith.constant 5632 : i32
        %add3A_466 = arith.addi %add3A_465, %mul3A_464 : i32
        %broadcast_in_dim3A_467 = vector.broadcast %add3A_466 : i32 to vector<16xi32>
        %add3A_468 = arith.addi %iota3A, %broadcast_in_dim3A_467 : vector<16xi32>
        %swap3A_469 = arith.index_cast %get3A_452 : i32 to index
        %swap3A_470 = tpu.vector_load %arg7[%swap3A_469] masked %ne3A_324 {strides = array<i32>} : memref<144xi32, #tpu.memory_space<vmem>>, vector<16xi32>, vector<16xi1>
        tpu.vector_store %arg7[%swap3A_469], %add3A_462 masked %ne3A_324 {strides = array<i32>} : memref<144xi32, #tpu.memory_space<vmem>>, vector<16xi32>, vector<16xi1>
        %swap3A_471 = arith.index_cast %get3A_452 : i32 to index
        %swap3A_472 = tpu.vector_load %arg8[%swap3A_471] masked %ne3A_324 {strides = array<i32>} : memref<144xi32, #tpu.memory_space<vmem>>, vector<16xi32>, vector<16xi1>
        tpu.vector_store %arg8[%swap3A_471], %add3A_468 masked %ne3A_324 {strides = array<i32>} : memref<144xi32, #tpu.memory_space<vmem>>, vector<16xi32>, vector<16xi1>
        %add3A_473 = arith.addi %get3A_452, %squeeze3A_327 : i32
        %swap3A_474 = arith.constant 0 : i32
        %swap3A_475 = arith.index_cast %swap3A_474 : i32 to index
        %swap3A_476 = memref.load %arg9[%swap3A_475] : memref<1xi32, #tpu.memory_space<smem>>
        memref.store %add3A_473, %arg9[%swap3A_475] : memref<1xi32, #tpu.memory_space<smem>>
      } else {
      }
      %broadcast_in_dim3A_333 = arith.constant 23 : i32
      %broadcast_in_dim3A_334 = vector.broadcast %broadcast_in_dim3A_333 : i32 to vector<16xi32>
      %shift_right_logical3A_335 = arith.shrui %get3A_40, %broadcast_in_dim3A_334 : vector<16xi32>
      %and3A_336 = arith.andi %shift_right_logical3A_335, %broadcast_in_dim3A_13 : vector<16xi32>
      %ne3A_337 = arith.cmpi ne, %and3A_336, %broadcast_in_dim3A_15 : vector<16xi32>
      %all_reduce_population_count3A_338 = tpu.all_reduce %ne3A_337 {dim = 0 : i64, kind = #tpu.reduction_kind<sum>} : vector<16xi1> -> vector<16xi32>
      %slice3A_339 = vector.extract_strided_slice %all_reduce_population_count3A_338 {offsets = [0], sizes = [1], strides = [1]} : vector<16xi32> to vector<1xi32>
      %squeeze3A_340 = vector.extract %slice3A_339[0] : i32 from vector<1xi32>
      %ne3A_341 = arith.constant 0 : i32
      %ne3A_342 = arith.cmpi ne, %squeeze3A_340, %ne3A_341 : i32
      %convert_element_type3A_343 = arith.extui %ne3A_342 : i1 to i32
      %cond3A_344 = arith.constant 0 : i32
      %cond3A_345 = arith.cmpi ne, %convert_element_type3A_343, %cond3A_344 : i32
      scf.if %cond3A_345 {
        %get3A_450 = arith.constant 0 : i32
        %get3A_451 = arith.index_cast %get3A_450 : i32 to index
        %get3A_452 = memref.load %arg9[%get3A_451] : memref<1xi32, #tpu.memory_space<smem>>
        %add3A_453 = arith.constant 23 : i32
        %add3A_454 = arith.addi %mul3A_4, %add3A_453 : i32
        %mul3A_455 = arith.constant 2048 : i32
        %mul3A_456 = arith.muli %add3A_454, %mul3A_455 : i32
        %add3A_457 = arith.addi %mul3A_456, %mul3A_6 : i32
        %mul3A_458 = arith.constant 16 : i32
        %mul3A_459 = arith.muli %scan3A_36, %mul3A_458 : i32
        %add3A_460 = arith.addi %add3A_457, %mul3A_459 : i32
        %broadcast_in_dim3A_461 = vector.broadcast %add3A_460 : i32 to vector<16xi32>
        %add3A_462 = arith.addi %iota3A, %broadcast_in_dim3A_461 : vector<16xi32>
        %mul3A_463 = arith.constant 16 : i32
        %mul3A_464 = arith.muli %scan3A_36, %mul3A_463 : i32
        %add3A_465 = arith.constant 5888 : i32
        %add3A_466 = arith.addi %add3A_465, %mul3A_464 : i32
        %broadcast_in_dim3A_467 = vector.broadcast %add3A_466 : i32 to vector<16xi32>
        %add3A_468 = arith.addi %iota3A, %broadcast_in_dim3A_467 : vector<16xi32>
        %swap3A_469 = arith.index_cast %get3A_452 : i32 to index
        %swap3A_470 = tpu.vector_load %arg7[%swap3A_469] masked %ne3A_337 {strides = array<i32>} : memref<144xi32, #tpu.memory_space<vmem>>, vector<16xi32>, vector<16xi1>
        tpu.vector_store %arg7[%swap3A_469], %add3A_462 masked %ne3A_337 {strides = array<i32>} : memref<144xi32, #tpu.memory_space<vmem>>, vector<16xi32>, vector<16xi1>
        %swap3A_471 = arith.index_cast %get3A_452 : i32 to index
        %swap3A_472 = tpu.vector_load %arg8[%swap3A_471] masked %ne3A_337 {strides = array<i32>} : memref<144xi32, #tpu.memory_space<vmem>>, vector<16xi32>, vector<16xi1>
        tpu.vector_store %arg8[%swap3A_471], %add3A_468 masked %ne3A_337 {strides = array<i32>} : memref<144xi32, #tpu.memory_space<vmem>>, vector<16xi32>, vector<16xi1>
        %add3A_473 = arith.addi %get3A_452, %squeeze3A_340 : i32
        %swap3A_474 = arith.constant 0 : i32
        %swap3A_475 = arith.index_cast %swap3A_474 : i32 to index
        %swap3A_476 = memref.load %arg9[%swap3A_475] : memref<1xi32, #tpu.memory_space<smem>>
        memref.store %add3A_473, %arg9[%swap3A_475] : memref<1xi32, #tpu.memory_space<smem>>
      } else {
      }
      %broadcast_in_dim3A_346 = arith.constant 24 : i32
      %broadcast_in_dim3A_347 = vector.broadcast %broadcast_in_dim3A_346 : i32 to vector<16xi32>
      %shift_right_logical3A_348 = arith.shrui %get3A_40, %broadcast_in_dim3A_347 : vector<16xi32>
      %and3A_349 = arith.andi %shift_right_logical3A_348, %broadcast_in_dim3A_13 : vector<16xi32>
      %ne3A_350 = arith.cmpi ne, %and3A_349, %broadcast_in_dim3A_15 : vector<16xi32>
      %all_reduce_population_count3A_351 = tpu.all_reduce %ne3A_350 {dim = 0 : i64, kind = #tpu.reduction_kind<sum>} : vector<16xi1> -> vector<16xi32>
      %slice3A_352 = vector.extract_strided_slice %all_reduce_population_count3A_351 {offsets = [0], sizes = [1], strides = [1]} : vector<16xi32> to vector<1xi32>
      %squeeze3A_353 = vector.extract %slice3A_352[0] : i32 from vector<1xi32>
      %ne3A_354 = arith.constant 0 : i32
      %ne3A_355 = arith.cmpi ne, %squeeze3A_353, %ne3A_354 : i32
      %convert_element_type3A_356 = arith.extui %ne3A_355 : i1 to i32
      %cond3A_357 = arith.constant 0 : i32
      %cond3A_358 = arith.cmpi ne, %convert_element_type3A_356, %cond3A_357 : i32
      scf.if %cond3A_358 {
        %get3A_450 = arith.constant 0 : i32
        %get3A_451 = arith.index_cast %get3A_450 : i32 to index
        %get3A_452 = memref.load %arg9[%get3A_451] : memref<1xi32, #tpu.memory_space<smem>>
        %add3A_453 = arith.constant 24 : i32
        %add3A_454 = arith.addi %mul3A_4, %add3A_453 : i32
        %mul3A_455 = arith.constant 2048 : i32
        %mul3A_456 = arith.muli %add3A_454, %mul3A_455 : i32
        %add3A_457 = arith.addi %mul3A_456, %mul3A_6 : i32
        %mul3A_458 = arith.constant 16 : i32
        %mul3A_459 = arith.muli %scan3A_36, %mul3A_458 : i32
        %add3A_460 = arith.addi %add3A_457, %mul3A_459 : i32
        %broadcast_in_dim3A_461 = vector.broadcast %add3A_460 : i32 to vector<16xi32>
        %add3A_462 = arith.addi %iota3A, %broadcast_in_dim3A_461 : vector<16xi32>
        %mul3A_463 = arith.constant 16 : i32
        %mul3A_464 = arith.muli %scan3A_36, %mul3A_463 : i32
        %add3A_465 = arith.constant 6144 : i32
        %add3A_466 = arith.addi %add3A_465, %mul3A_464 : i32
        %broadcast_in_dim3A_467 = vector.broadcast %add3A_466 : i32 to vector<16xi32>
        %add3A_468 = arith.addi %iota3A, %broadcast_in_dim3A_467 : vector<16xi32>
        %swap3A_469 = arith.index_cast %get3A_452 : i32 to index
        %swap3A_470 = tpu.vector_load %arg7[%swap3A_469] masked %ne3A_350 {strides = array<i32>} : memref<144xi32, #tpu.memory_space<vmem>>, vector<16xi32>, vector<16xi1>
        tpu.vector_store %arg7[%swap3A_469], %add3A_462 masked %ne3A_350 {strides = array<i32>} : memref<144xi32, #tpu.memory_space<vmem>>, vector<16xi32>, vector<16xi1>
        %swap3A_471 = arith.index_cast %get3A_452 : i32 to index
        %swap3A_472 = tpu.vector_load %arg8[%swap3A_471] masked %ne3A_350 {strides = array<i32>} : memref<144xi32, #tpu.memory_space<vmem>>, vector<16xi32>, vector<16xi1>
        tpu.vector_store %arg8[%swap3A_471], %add3A_468 masked %ne3A_350 {strides = array<i32>} : memref<144xi32, #tpu.memory_space<vmem>>, vector<16xi32>, vector<16xi1>
        %add3A_473 = arith.addi %get3A_452, %squeeze3A_353 : i32
        %swap3A_474 = arith.constant 0 : i32
        %swap3A_475 = arith.index_cast %swap3A_474 : i32 to index
        %swap3A_476 = memref.load %arg9[%swap3A_475] : memref<1xi32, #tpu.memory_space<smem>>
        memref.store %add3A_473, %arg9[%swap3A_475] : memref<1xi32, #tpu.memory_space<smem>>
      } else {
      }
      %broadcast_in_dim3A_359 = arith.constant 25 : i32
      %broadcast_in_dim3A_360 = vector.broadcast %broadcast_in_dim3A_359 : i32 to vector<16xi32>
      %shift_right_logical3A_361 = arith.shrui %get3A_40, %broadcast_in_dim3A_360 : vector<16xi32>
      %and3A_362 = arith.andi %shift_right_logical3A_361, %broadcast_in_dim3A_13 : vector<16xi32>
      %ne3A_363 = arith.cmpi ne, %and3A_362, %broadcast_in_dim3A_15 : vector<16xi32>
      %all_reduce_population_count3A_364 = tpu.all_reduce %ne3A_363 {dim = 0 : i64, kind = #tpu.reduction_kind<sum>} : vector<16xi1> -> vector<16xi32>
      %slice3A_365 = vector.extract_strided_slice %all_reduce_population_count3A_364 {offsets = [0], sizes = [1], strides = [1]} : vector<16xi32> to vector<1xi32>
      %squeeze3A_366 = vector.extract %slice3A_365[0] : i32 from vector<1xi32>
      %ne3A_367 = arith.constant 0 : i32
      %ne3A_368 = arith.cmpi ne, %squeeze3A_366, %ne3A_367 : i32
      %convert_element_type3A_369 = arith.extui %ne3A_368 : i1 to i32
      %cond3A_370 = arith.constant 0 : i32
      %cond3A_371 = arith.cmpi ne, %convert_element_type3A_369, %cond3A_370 : i32
      scf.if %cond3A_371 {
        %get3A_450 = arith.constant 0 : i32
        %get3A_451 = arith.index_cast %get3A_450 : i32 to index
        %get3A_452 = memref.load %arg9[%get3A_451] : memref<1xi32, #tpu.memory_space<smem>>
        %add3A_453 = arith.constant 25 : i32
        %add3A_454 = arith.addi %mul3A_4, %add3A_453 : i32
        %mul3A_455 = arith.constant 2048 : i32
        %mul3A_456 = arith.muli %add3A_454, %mul3A_455 : i32
        %add3A_457 = arith.addi %mul3A_456, %mul3A_6 : i32
        %mul3A_458 = arith.constant 16 : i32
        %mul3A_459 = arith.muli %scan3A_36, %mul3A_458 : i32
        %add3A_460 = arith.addi %add3A_457, %mul3A_459 : i32
        %broadcast_in_dim3A_461 = vector.broadcast %add3A_460 : i32 to vector<16xi32>
        %add3A_462 = arith.addi %iota3A, %broadcast_in_dim3A_461 : vector<16xi32>
        %mul3A_463 = arith.constant 16 : i32
        %mul3A_464 = arith.muli %scan3A_36, %mul3A_463 : i32
        %add3A_465 = arith.constant 6400 : i32
        %add3A_466 = arith.addi %add3A_465, %mul3A_464 : i32
        %broadcast_in_dim3A_467 = vector.broadcast %add3A_466 : i32 to vector<16xi32>
        %add3A_468 = arith.addi %iota3A, %broadcast_in_dim3A_467 : vector<16xi32>
        %swap3A_469 = arith.index_cast %get3A_452 : i32 to index
        %swap3A_470 = tpu.vector_load %arg7[%swap3A_469] masked %ne3A_363 {strides = array<i32>} : memref<144xi32, #tpu.memory_space<vmem>>, vector<16xi32>, vector<16xi1>
        tpu.vector_store %arg7[%swap3A_469], %add3A_462 masked %ne3A_363 {strides = array<i32>} : memref<144xi32, #tpu.memory_space<vmem>>, vector<16xi32>, vector<16xi1>
        %swap3A_471 = arith.index_cast %get3A_452 : i32 to index
        %swap3A_472 = tpu.vector_load %arg8[%swap3A_471] masked %ne3A_363 {strides = array<i32>} : memref<144xi32, #tpu.memory_space<vmem>>, vector<16xi32>, vector<16xi1>
        tpu.vector_store %arg8[%swap3A_471], %add3A_468 masked %ne3A_363 {strides = array<i32>} : memref<144xi32, #tpu.memory_space<vmem>>, vector<16xi32>, vector<16xi1>
        %add3A_473 = arith.addi %get3A_452, %squeeze3A_366 : i32
        %swap3A_474 = arith.constant 0 : i32
        %swap3A_475 = arith.index_cast %swap3A_474 : i32 to index
        %swap3A_476 = memref.load %arg9[%swap3A_475] : memref<1xi32, #tpu.memory_space<smem>>
        memref.store %add3A_473, %arg9[%swap3A_475] : memref<1xi32, #tpu.memory_space<smem>>
      } else {
      }
      %broadcast_in_dim3A_372 = arith.constant 26 : i32
      %broadcast_in_dim3A_373 = vector.broadcast %broadcast_in_dim3A_372 : i32 to vector<16xi32>
      %shift_right_logical3A_374 = arith.shrui %get3A_40, %broadcast_in_dim3A_373 : vector<16xi32>
      %and3A_375 = arith.andi %shift_right_logical3A_374, %broadcast_in_dim3A_13 : vector<16xi32>
      %ne3A_376 = arith.cmpi ne, %and3A_375, %broadcast_in_dim3A_15 : vector<16xi32>
      %all_reduce_population_count3A_377 = tpu.all_reduce %ne3A_376 {dim = 0 : i64, kind = #tpu.reduction_kind<sum>} : vector<16xi1> -> vector<16xi32>
      %slice3A_378 = vector.extract_strided_slice %all_reduce_population_count3A_377 {offsets = [0], sizes = [1], strides = [1]} : vector<16xi32> to vector<1xi32>
      %squeeze3A_379 = vector.extract %slice3A_378[0] : i32 from vector<1xi32>
      %ne3A_380 = arith.constant 0 : i32
      %ne3A_381 = arith.cmpi ne, %squeeze3A_379, %ne3A_380 : i32
      %convert_element_type3A_382 = arith.extui %ne3A_381 : i1 to i32
      %cond3A_383 = arith.constant 0 : i32
      %cond3A_384 = arith.cmpi ne, %convert_element_type3A_382, %cond3A_383 : i32
      scf.if %cond3A_384 {
        %get3A_450 = arith.constant 0 : i32
        %get3A_451 = arith.index_cast %get3A_450 : i32 to index
        %get3A_452 = memref.load %arg9[%get3A_451] : memref<1xi32, #tpu.memory_space<smem>>
        %add3A_453 = arith.constant 26 : i32
        %add3A_454 = arith.addi %mul3A_4, %add3A_453 : i32
        %mul3A_455 = arith.constant 2048 : i32
        %mul3A_456 = arith.muli %add3A_454, %mul3A_455 : i32
        %add3A_457 = arith.addi %mul3A_456, %mul3A_6 : i32
        %mul3A_458 = arith.constant 16 : i32
        %mul3A_459 = arith.muli %scan3A_36, %mul3A_458 : i32
        %add3A_460 = arith.addi %add3A_457, %mul3A_459 : i32
        %broadcast_in_dim3A_461 = vector.broadcast %add3A_460 : i32 to vector<16xi32>
        %add3A_462 = arith.addi %iota3A, %broadcast_in_dim3A_461 : vector<16xi32>
        %mul3A_463 = arith.constant 16 : i32
        %mul3A_464 = arith.muli %scan3A_36, %mul3A_463 : i32
        %add3A_465 = arith.constant 6656 : i32
        %add3A_466 = arith.addi %add3A_465, %mul3A_464 : i32
        %broadcast_in_dim3A_467 = vector.broadcast %add3A_466 : i32 to vector<16xi32>
        %add3A_468 = arith.addi %iota3A, %broadcast_in_dim3A_467 : vector<16xi32>
        %swap3A_469 = arith.index_cast %get3A_452 : i32 to index
        %swap3A_470 = tpu.vector_load %arg7[%swap3A_469] masked %ne3A_376 {strides = array<i32>} : memref<144xi32, #tpu.memory_space<vmem>>, vector<16xi32>, vector<16xi1>
        tpu.vector_store %arg7[%swap3A_469], %add3A_462 masked %ne3A_376 {strides = array<i32>} : memref<144xi32, #tpu.memory_space<vmem>>, vector<16xi32>, vector<16xi1>
        %swap3A_471 = arith.index_cast %get3A_452 : i32 to index
        %swap3A_472 = tpu.vector_load %arg8[%swap3A_471] masked %ne3A_376 {strides = array<i32>} : memref<144xi32, #tpu.memory_space<vmem>>, vector<16xi32>, vector<16xi1>
        tpu.vector_store %arg8[%swap3A_471], %add3A_468 masked %ne3A_376 {strides = array<i32>} : memref<144xi32, #tpu.memory_space<vmem>>, vector<16xi32>, vector<16xi1>
        %add3A_473 = arith.addi %get3A_452, %squeeze3A_379 : i32
        %swap3A_474 = arith.constant 0 : i32
        %swap3A_475 = arith.index_cast %swap3A_474 : i32 to index
        %swap3A_476 = memref.load %arg9[%swap3A_475] : memref<1xi32, #tpu.memory_space<smem>>
        memref.store %add3A_473, %arg9[%swap3A_475] : memref<1xi32, #tpu.memory_space<smem>>
      } else {
      }
      %broadcast_in_dim3A_385 = arith.constant 27 : i32
      %broadcast_in_dim3A_386 = vector.broadcast %broadcast_in_dim3A_385 : i32 to vector<16xi32>
      %shift_right_logical3A_387 = arith.shrui %get3A_40, %broadcast_in_dim3A_386 : vector<16xi32>
      %and3A_388 = arith.andi %shift_right_logical3A_387, %broadcast_in_dim3A_13 : vector<16xi32>
      %ne3A_389 = arith.cmpi ne, %and3A_388, %broadcast_in_dim3A_15 : vector<16xi32>
      %all_reduce_population_count3A_390 = tpu.all_reduce %ne3A_389 {dim = 0 : i64, kind = #tpu.reduction_kind<sum>} : vector<16xi1> -> vector<16xi32>
      %slice3A_391 = vector.extract_strided_slice %all_reduce_population_count3A_390 {offsets = [0], sizes = [1], strides = [1]} : vector<16xi32> to vector<1xi32>
      %squeeze3A_392 = vector.extract %slice3A_391[0] : i32 from vector<1xi32>
      %ne3A_393 = arith.constant 0 : i32
      %ne3A_394 = arith.cmpi ne, %squeeze3A_392, %ne3A_393 : i32
      %convert_element_type3A_395 = arith.extui %ne3A_394 : i1 to i32
      %cond3A_396 = arith.constant 0 : i32
      %cond3A_397 = arith.cmpi ne, %convert_element_type3A_395, %cond3A_396 : i32
      scf.if %cond3A_397 {
        %get3A_450 = arith.constant 0 : i32
        %get3A_451 = arith.index_cast %get3A_450 : i32 to index
        %get3A_452 = memref.load %arg9[%get3A_451] : memref<1xi32, #tpu.memory_space<smem>>
        %add3A_453 = arith.constant 27 : i32
        %add3A_454 = arith.addi %mul3A_4, %add3A_453 : i32
        %mul3A_455 = arith.constant 2048 : i32
        %mul3A_456 = arith.muli %add3A_454, %mul3A_455 : i32
        %add3A_457 = arith.addi %mul3A_456, %mul3A_6 : i32
        %mul3A_458 = arith.constant 16 : i32
        %mul3A_459 = arith.muli %scan3A_36, %mul3A_458 : i32
        %add3A_460 = arith.addi %add3A_457, %mul3A_459 : i32
        %broadcast_in_dim3A_461 = vector.broadcast %add3A_460 : i32 to vector<16xi32>
        %add3A_462 = arith.addi %iota3A, %broadcast_in_dim3A_461 : vector<16xi32>
        %mul3A_463 = arith.constant 16 : i32
        %mul3A_464 = arith.muli %scan3A_36, %mul3A_463 : i32
        %add3A_465 = arith.constant 6912 : i32
        %add3A_466 = arith.addi %add3A_465, %mul3A_464 : i32
        %broadcast_in_dim3A_467 = vector.broadcast %add3A_466 : i32 to vector<16xi32>
        %add3A_468 = arith.addi %iota3A, %broadcast_in_dim3A_467 : vector<16xi32>
        %swap3A_469 = arith.index_cast %get3A_452 : i32 to index
        %swap3A_470 = tpu.vector_load %arg7[%swap3A_469] masked %ne3A_389 {strides = array<i32>} : memref<144xi32, #tpu.memory_space<vmem>>, vector<16xi32>, vector<16xi1>
        tpu.vector_store %arg7[%swap3A_469], %add3A_462 masked %ne3A_389 {strides = array<i32>} : memref<144xi32, #tpu.memory_space<vmem>>, vector<16xi32>, vector<16xi1>
        %swap3A_471 = arith.index_cast %get3A_452 : i32 to index
        %swap3A_472 = tpu.vector_load %arg8[%swap3A_471] masked %ne3A_389 {strides = array<i32>} : memref<144xi32, #tpu.memory_space<vmem>>, vector<16xi32>, vector<16xi1>
        tpu.vector_store %arg8[%swap3A_471], %add3A_468 masked %ne3A_389 {strides = array<i32>} : memref<144xi32, #tpu.memory_space<vmem>>, vector<16xi32>, vector<16xi1>
        %add3A_473 = arith.addi %get3A_452, %squeeze3A_392 : i32
        %swap3A_474 = arith.constant 0 : i32
        %swap3A_475 = arith.index_cast %swap3A_474 : i32 to index
        %swap3A_476 = memref.load %arg9[%swap3A_475] : memref<1xi32, #tpu.memory_space<smem>>
        memref.store %add3A_473, %arg9[%swap3A_475] : memref<1xi32, #tpu.memory_space<smem>>
      } else {
      }
      %broadcast_in_dim3A_398 = arith.constant 28 : i32
      %broadcast_in_dim3A_399 = vector.broadcast %broadcast_in_dim3A_398 : i32 to vector<16xi32>
      %shift_right_logical3A_400 = arith.shrui %get3A_40, %broadcast_in_dim3A_399 : vector<16xi32>
      %and3A_401 = arith.andi %shift_right_logical3A_400, %broadcast_in_dim3A_13 : vector<16xi32>
      %ne3A_402 = arith.cmpi ne, %and3A_401, %broadcast_in_dim3A_15 : vector<16xi32>
      %all_reduce_population_count3A_403 = tpu.all_reduce %ne3A_402 {dim = 0 : i64, kind = #tpu.reduction_kind<sum>} : vector<16xi1> -> vector<16xi32>
      %slice3A_404 = vector.extract_strided_slice %all_reduce_population_count3A_403 {offsets = [0], sizes = [1], strides = [1]} : vector<16xi32> to vector<1xi32>
      %squeeze3A_405 = vector.extract %slice3A_404[0] : i32 from vector<1xi32>
      %ne3A_406 = arith.constant 0 : i32
      %ne3A_407 = arith.cmpi ne, %squeeze3A_405, %ne3A_406 : i32
      %convert_element_type3A_408 = arith.extui %ne3A_407 : i1 to i32
      %cond3A_409 = arith.constant 0 : i32
      %cond3A_410 = arith.cmpi ne, %convert_element_type3A_408, %cond3A_409 : i32
      scf.if %cond3A_410 {
        %get3A_450 = arith.constant 0 : i32
        %get3A_451 = arith.index_cast %get3A_450 : i32 to index
        %get3A_452 = memref.load %arg9[%get3A_451] : memref<1xi32, #tpu.memory_space<smem>>
        %add3A_453 = arith.constant 28 : i32
        %add3A_454 = arith.addi %mul3A_4, %add3A_453 : i32
        %mul3A_455 = arith.constant 2048 : i32
        %mul3A_456 = arith.muli %add3A_454, %mul3A_455 : i32
        %add3A_457 = arith.addi %mul3A_456, %mul3A_6 : i32
        %mul3A_458 = arith.constant 16 : i32
        %mul3A_459 = arith.muli %scan3A_36, %mul3A_458 : i32
        %add3A_460 = arith.addi %add3A_457, %mul3A_459 : i32
        %broadcast_in_dim3A_461 = vector.broadcast %add3A_460 : i32 to vector<16xi32>
        %add3A_462 = arith.addi %iota3A, %broadcast_in_dim3A_461 : vector<16xi32>
        %mul3A_463 = arith.constant 16 : i32
        %mul3A_464 = arith.muli %scan3A_36, %mul3A_463 : i32
        %add3A_465 = arith.constant 7168 : i32
        %add3A_466 = arith.addi %add3A_465, %mul3A_464 : i32
        %broadcast_in_dim3A_467 = vector.broadcast %add3A_466 : i32 to vector<16xi32>
        %add3A_468 = arith.addi %iota3A, %broadcast_in_dim3A_467 : vector<16xi32>
        %swap3A_469 = arith.index_cast %get3A_452 : i32 to index
        %swap3A_470 = tpu.vector_load %arg7[%swap3A_469] masked %ne3A_402 {strides = array<i32>} : memref<144xi32, #tpu.memory_space<vmem>>, vector<16xi32>, vector<16xi1>
        tpu.vector_store %arg7[%swap3A_469], %add3A_462 masked %ne3A_402 {strides = array<i32>} : memref<144xi32, #tpu.memory_space<vmem>>, vector<16xi32>, vector<16xi1>
        %swap3A_471 = arith.index_cast %get3A_452 : i32 to index
        %swap3A_472 = tpu.vector_load %arg8[%swap3A_471] masked %ne3A_402 {strides = array<i32>} : memref<144xi32, #tpu.memory_space<vmem>>, vector<16xi32>, vector<16xi1>
        tpu.vector_store %arg8[%swap3A_471], %add3A_468 masked %ne3A_402 {strides = array<i32>} : memref<144xi32, #tpu.memory_space<vmem>>, vector<16xi32>, vector<16xi1>
        %add3A_473 = arith.addi %get3A_452, %squeeze3A_405 : i32
        %swap3A_474 = arith.constant 0 : i32
        %swap3A_475 = arith.index_cast %swap3A_474 : i32 to index
        %swap3A_476 = memref.load %arg9[%swap3A_475] : memref<1xi32, #tpu.memory_space<smem>>
        memref.store %add3A_473, %arg9[%swap3A_475] : memref<1xi32, #tpu.memory_space<smem>>
      } else {
      }
      %broadcast_in_dim3A_411 = arith.constant 29 : i32
      %broadcast_in_dim3A_412 = vector.broadcast %broadcast_in_dim3A_411 : i32 to vector<16xi32>
      %shift_right_logical3A_413 = arith.shrui %get3A_40, %broadcast_in_dim3A_412 : vector<16xi32>
      %and3A_414 = arith.andi %shift_right_logical3A_413, %broadcast_in_dim3A_13 : vector<16xi32>
      %ne3A_415 = arith.cmpi ne, %and3A_414, %broadcast_in_dim3A_15 : vector<16xi32>
      %all_reduce_population_count3A_416 = tpu.all_reduce %ne3A_415 {dim = 0 : i64, kind = #tpu.reduction_kind<sum>} : vector<16xi1> -> vector<16xi32>
      %slice3A_417 = vector.extract_strided_slice %all_reduce_population_count3A_416 {offsets = [0], sizes = [1], strides = [1]} : vector<16xi32> to vector<1xi32>
      %squeeze3A_418 = vector.extract %slice3A_417[0] : i32 from vector<1xi32>
      %ne3A_419 = arith.constant 0 : i32
      %ne3A_420 = arith.cmpi ne, %squeeze3A_418, %ne3A_419 : i32
      %convert_element_type3A_421 = arith.extui %ne3A_420 : i1 to i32
      %cond3A_422 = arith.constant 0 : i32
      %cond3A_423 = arith.cmpi ne, %convert_element_type3A_421, %cond3A_422 : i32
      scf.if %cond3A_423 {
        %get3A_450 = arith.constant 0 : i32
        %get3A_451 = arith.index_cast %get3A_450 : i32 to index
        %get3A_452 = memref.load %arg9[%get3A_451] : memref<1xi32, #tpu.memory_space<smem>>
        %add3A_453 = arith.constant 29 : i32
        %add3A_454 = arith.addi %mul3A_4, %add3A_453 : i32
        %mul3A_455 = arith.constant 2048 : i32
        %mul3A_456 = arith.muli %add3A_454, %mul3A_455 : i32
        %add3A_457 = arith.addi %mul3A_456, %mul3A_6 : i32
        %mul3A_458 = arith.constant 16 : i32
        %mul3A_459 = arith.muli %scan3A_36, %mul3A_458 : i32
        %add3A_460 = arith.addi %add3A_457, %mul3A_459 : i32
        %broadcast_in_dim3A_461 = vector.broadcast %add3A_460 : i32 to vector<16xi32>
        %add3A_462 = arith.addi %iota3A, %broadcast_in_dim3A_461 : vector<16xi32>
        %mul3A_463 = arith.constant 16 : i32
        %mul3A_464 = arith.muli %scan3A_36, %mul3A_463 : i32
        %add3A_465 = arith.constant 7424 : i32
        %add3A_466 = arith.addi %add3A_465, %mul3A_464 : i32
        %broadcast_in_dim3A_467 = vector.broadcast %add3A_466 : i32 to vector<16xi32>
        %add3A_468 = arith.addi %iota3A, %broadcast_in_dim3A_467 : vector<16xi32>
        %swap3A_469 = arith.index_cast %get3A_452 : i32 to index
        %swap3A_470 = tpu.vector_load %arg7[%swap3A_469] masked %ne3A_415 {strides = array<i32>} : memref<144xi32, #tpu.memory_space<vmem>>, vector<16xi32>, vector<16xi1>
        tpu.vector_store %arg7[%swap3A_469], %add3A_462 masked %ne3A_415 {strides = array<i32>} : memref<144xi32, #tpu.memory_space<vmem>>, vector<16xi32>, vector<16xi1>
        %swap3A_471 = arith.index_cast %get3A_452 : i32 to index
        %swap3A_472 = tpu.vector_load %arg8[%swap3A_471] masked %ne3A_415 {strides = array<i32>} : memref<144xi32, #tpu.memory_space<vmem>>, vector<16xi32>, vector<16xi1>
        tpu.vector_store %arg8[%swap3A_471], %add3A_468 masked %ne3A_415 {strides = array<i32>} : memref<144xi32, #tpu.memory_space<vmem>>, vector<16xi32>, vector<16xi1>
        %add3A_473 = arith.addi %get3A_452, %squeeze3A_418 : i32
        %swap3A_474 = arith.constant 0 : i32
        %swap3A_475 = arith.index_cast %swap3A_474 : i32 to index
        %swap3A_476 = memref.load %arg9[%swap3A_475] : memref<1xi32, #tpu.memory_space<smem>>
        memref.store %add3A_473, %arg9[%swap3A_475] : memref<1xi32, #tpu.memory_space<smem>>
      } else {
      }
      %broadcast_in_dim3A_424 = arith.constant 30 : i32
      %broadcast_in_dim3A_425 = vector.broadcast %broadcast_in_dim3A_424 : i32 to vector<16xi32>
      %shift_right_logical3A_426 = arith.shrui %get3A_40, %broadcast_in_dim3A_425 : vector<16xi32>
      %and3A_427 = arith.andi %shift_right_logical3A_426, %broadcast_in_dim3A_13 : vector<16xi32>
      %ne3A_428 = arith.cmpi ne, %and3A_427, %broadcast_in_dim3A_15 : vector<16xi32>
      %all_reduce_population_count3A_429 = tpu.all_reduce %ne3A_428 {dim = 0 : i64, kind = #tpu.reduction_kind<sum>} : vector<16xi1> -> vector<16xi32>
      %slice3A_430 = vector.extract_strided_slice %all_reduce_population_count3A_429 {offsets = [0], sizes = [1], strides = [1]} : vector<16xi32> to vector<1xi32>
      %squeeze3A_431 = vector.extract %slice3A_430[0] : i32 from vector<1xi32>
      %ne3A_432 = arith.constant 0 : i32
      %ne3A_433 = arith.cmpi ne, %squeeze3A_431, %ne3A_432 : i32
      %convert_element_type3A_434 = arith.extui %ne3A_433 : i1 to i32
      %cond3A_435 = arith.constant 0 : i32
      %cond3A_436 = arith.cmpi ne, %convert_element_type3A_434, %cond3A_435 : i32
      scf.if %cond3A_436 {
        %get3A_450 = arith.constant 0 : i32
        %get3A_451 = arith.index_cast %get3A_450 : i32 to index
        %get3A_452 = memref.load %arg9[%get3A_451] : memref<1xi32, #tpu.memory_space<smem>>
        %add3A_453 = arith.constant 30 : i32
        %add3A_454 = arith.addi %mul3A_4, %add3A_453 : i32
        %mul3A_455 = arith.constant 2048 : i32
        %mul3A_456 = arith.muli %add3A_454, %mul3A_455 : i32
        %add3A_457 = arith.addi %mul3A_456, %mul3A_6 : i32
        %mul3A_458 = arith.constant 16 : i32
        %mul3A_459 = arith.muli %scan3A_36, %mul3A_458 : i32
        %add3A_460 = arith.addi %add3A_457, %mul3A_459 : i32
        %broadcast_in_dim3A_461 = vector.broadcast %add3A_460 : i32 to vector<16xi32>
        %add3A_462 = arith.addi %iota3A, %broadcast_in_dim3A_461 : vector<16xi32>
        %mul3A_463 = arith.constant 16 : i32
        %mul3A_464 = arith.muli %scan3A_36, %mul3A_463 : i32
        %add3A_465 = arith.constant 7680 : i32
        %add3A_466 = arith.addi %add3A_465, %mul3A_464 : i32
        %broadcast_in_dim3A_467 = vector.broadcast %add3A_466 : i32 to vector<16xi32>
        %add3A_468 = arith.addi %iota3A, %broadcast_in_dim3A_467 : vector<16xi32>
        %swap3A_469 = arith.index_cast %get3A_452 : i32 to index
        %swap3A_470 = tpu.vector_load %arg7[%swap3A_469] masked %ne3A_428 {strides = array<i32>} : memref<144xi32, #tpu.memory_space<vmem>>, vector<16xi32>, vector<16xi1>
        tpu.vector_store %arg7[%swap3A_469], %add3A_462 masked %ne3A_428 {strides = array<i32>} : memref<144xi32, #tpu.memory_space<vmem>>, vector<16xi32>, vector<16xi1>
        %swap3A_471 = arith.index_cast %get3A_452 : i32 to index
        %swap3A_472 = tpu.vector_load %arg8[%swap3A_471] masked %ne3A_428 {strides = array<i32>} : memref<144xi32, #tpu.memory_space<vmem>>, vector<16xi32>, vector<16xi1>
        tpu.vector_store %arg8[%swap3A_471], %add3A_468 masked %ne3A_428 {strides = array<i32>} : memref<144xi32, #tpu.memory_space<vmem>>, vector<16xi32>, vector<16xi1>
        %add3A_473 = arith.addi %get3A_452, %squeeze3A_431 : i32
        %swap3A_474 = arith.constant 0 : i32
        %swap3A_475 = arith.index_cast %swap3A_474 : i32 to index
        %swap3A_476 = memref.load %arg9[%swap3A_475] : memref<1xi32, #tpu.memory_space<smem>>
        memref.store %add3A_473, %arg9[%swap3A_475] : memref<1xi32, #tpu.memory_space<smem>>
      } else {
      }
      %broadcast_in_dim3A_437 = arith.constant 31 : i32
      %broadcast_in_dim3A_438 = vector.broadcast %broadcast_in_dim3A_437 : i32 to vector<16xi32>
      %shift_right_logical3A_439 = arith.shrui %get3A_40, %broadcast_in_dim3A_438 : vector<16xi32>
      %and3A_440 = arith.andi %shift_right_logical3A_439, %broadcast_in_dim3A_13 : vector<16xi32>
      %ne3A_441 = arith.cmpi ne, %and3A_440, %broadcast_in_dim3A_15 : vector<16xi32>
      %all_reduce_population_count3A_442 = tpu.all_reduce %ne3A_441 {dim = 0 : i64, kind = #tpu.reduction_kind<sum>} : vector<16xi1> -> vector<16xi32>
      %slice3A_443 = vector.extract_strided_slice %all_reduce_population_count3A_442 {offsets = [0], sizes = [1], strides = [1]} : vector<16xi32> to vector<1xi32>
      %squeeze3A_444 = vector.extract %slice3A_443[0] : i32 from vector<1xi32>
      %ne3A_445 = arith.constant 0 : i32
      %ne3A_446 = arith.cmpi ne, %squeeze3A_444, %ne3A_445 : i32
      %convert_element_type3A_447 = arith.extui %ne3A_446 : i1 to i32
      %cond3A_448 = arith.constant 0 : i32
      %cond3A_449 = arith.cmpi ne, %convert_element_type3A_447, %cond3A_448 : i32
      scf.if %cond3A_449 {
        %get3A_450 = arith.constant 0 : i32
        %get3A_451 = arith.index_cast %get3A_450 : i32 to index
        %get3A_452 = memref.load %arg9[%get3A_451] : memref<1xi32, #tpu.memory_space<smem>>
        %add3A_453 = arith.constant 31 : i32
        %add3A_454 = arith.addi %mul3A_4, %add3A_453 : i32
        %mul3A_455 = arith.constant 2048 : i32
        %mul3A_456 = arith.muli %add3A_454, %mul3A_455 : i32
        %add3A_457 = arith.addi %mul3A_456, %mul3A_6 : i32
        %mul3A_458 = arith.constant 16 : i32
        %mul3A_459 = arith.muli %scan3A_36, %mul3A_458 : i32
        %add3A_460 = arith.addi %add3A_457, %mul3A_459 : i32
        %broadcast_in_dim3A_461 = vector.broadcast %add3A_460 : i32 to vector<16xi32>
        %add3A_462 = arith.addi %iota3A, %broadcast_in_dim3A_461 : vector<16xi32>
        %mul3A_463 = arith.constant 16 : i32
        %mul3A_464 = arith.muli %scan3A_36, %mul3A_463 : i32
        %add3A_465 = arith.constant 7936 : i32
        %add3A_466 = arith.addi %add3A_465, %mul3A_464 : i32
        %broadcast_in_dim3A_467 = vector.broadcast %add3A_466 : i32 to vector<16xi32>
        %add3A_468 = arith.addi %iota3A, %broadcast_in_dim3A_467 : vector<16xi32>
        %swap3A_469 = arith.index_cast %get3A_452 : i32 to index
        %swap3A_470 = tpu.vector_load %arg7[%swap3A_469] masked %ne3A_441 {strides = array<i32>} : memref<144xi32, #tpu.memory_space<vmem>>, vector<16xi32>, vector<16xi1>
        tpu.vector_store %arg7[%swap3A_469], %add3A_462 masked %ne3A_441 {strides = array<i32>} : memref<144xi32, #tpu.memory_space<vmem>>, vector<16xi32>, vector<16xi1>
        %swap3A_471 = arith.index_cast %get3A_452 : i32 to index
        %swap3A_472 = tpu.vector_load %arg8[%swap3A_471] masked %ne3A_441 {strides = array<i32>} : memref<144xi32, #tpu.memory_space<vmem>>, vector<16xi32>, vector<16xi1>
        tpu.vector_store %arg8[%swap3A_471], %add3A_468 masked %ne3A_441 {strides = array<i32>} : memref<144xi32, #tpu.memory_space<vmem>>, vector<16xi32>, vector<16xi1>
        %add3A_473 = arith.addi %get3A_452, %squeeze3A_444 : i32
        %swap3A_474 = arith.constant 0 : i32
        %swap3A_475 = arith.index_cast %swap3A_474 : i32 to index
        %swap3A_476 = memref.load %arg9[%swap3A_475] : memref<1xi32, #tpu.memory_space<smem>>
        memref.store %add3A_473, %arg9[%swap3A_475] : memref<1xi32, #tpu.memory_space<smem>>
      } else {
      }
    }
    %scan3A_20 = arith.constant 16 : i32
    %get3A = arith.constant 0 : i32
    %get3A_21 = arith.index_cast %get3A : i32 to index
    %get3A_22 = memref.load %arg9[%get3A_21] : memref<1xi32, #tpu.memory_space<smem>>
    %add3A_23 = arith.constant 15 : i32
    %add3A_24 = arith.addi %get3A_22, %add3A_23 : i32
    %shift_right_arithmetic3A_25 = arith.constant 4 : i32
    %shift_right_arithmetic3A_26 = arith.shrsi %add3A_24, %shift_right_arithmetic3A_25 : i32
    %while3A = arith.constant 0 : i32
    %while3A_27 = arith.constant 0 : i32
    %while3A_28 = arith.subi %shift_right_arithmetic3A_26, %while3A_27 : i32
    %while3A_29 = arith.addi %while3A_27, %while3A_28 : i32
    %while3A_30 = arith.constant 1 : i32
    %while3A_31 = arith.divsi %while3A_28, %while3A_30 : i32
    %while3A_32 = arith.muli %while3A_31, %while3A_30 : i32
    %while3A_33 = arith.addi %while3A_27, %while3A_32 : i32
    %while3A_34 = arith.constant 1 : i32
    scf.for %while3A_36 = %while3A_27 to %while3A_33 step %while3A_34  : i32 {
      %mul3A_37 = arith.constant 16 : i32
      %mul3A_38 = arith.muli %while3A_36, %mul3A_37 : i32
      %get3A_39 = arith.index_cast %mul3A_38 : i32 to index
      %get3A_40 = tpu.vector_load %arg7[%get3A_39] {strides = array<i32>} : memref<144xi32, #tpu.memory_space<vmem>>, vector<16xi32>,
      %get3A_41 = arith.index_cast %mul3A_38 : i32 to index
      %get3A_42 = tpu.vector_load %arg8[%get3A_41] {strides = array<i32>} : memref<144xi32, #tpu.memory_space<vmem>>, vector<16xi32>,
      %broadcast_in_dim3A_43 = vector.broadcast %mul3A_38 : i32 to vector<16xi32>
      %add3A_44 = arith.addi %iota3A, %broadcast_in_dim3A_43 : vector<16xi32>
      %broadcast_in_dim3A_45 = vector.broadcast %get3A_22 : i32 to vector<16xi32>
      %lt3A = arith.cmpi slt, %add3A_44, %broadcast_in_dim3A_45 : vector<16xi32>
      %broadcast_in_dim3A_46 = arith.constant -63730761 : i32
      %broadcast_in_dim3A_47 = vector.broadcast %broadcast_in_dim3A_46 : i32 to vector<16xi32>
      %add3A_48 = arith.addi %get3A_40, %broadcast_in_dim3A_47 : vector<16xi32>
      %broadcast_in_dim3A_49 = arith.constant 1905316645 : i32
      %broadcast_in_dim3A_50 = vector.broadcast %broadcast_in_dim3A_49 : i32 to vector<16xi32>
      %add3A_51 = arith.addi %get3A_40, %broadcast_in_dim3A_50 : vector<16xi32>
      %broadcast_in_dim3A_52 = arith.constant 13 : i32
      %broadcast_in_dim3A_53 = vector.broadcast %broadcast_in_dim3A_52 : i32 to vector<16xi32>
      %shift_left3A = arith.shli %add3A_51, %broadcast_in_dim3A_53 : vector<16xi32>
      %broadcast_in_dim3A_54 = arith.constant 19 : i32
      %broadcast_in_dim3A_55 = vector.broadcast %broadcast_in_dim3A_54 : i32 to vector<16xi32>
      %shift_right_logical3A = arith.shrui %add3A_51, %broadcast_in_dim3A_55 : vector<16xi32>
      %or3A = arith.ori %shift_left3A, %shift_right_logical3A : vector<16xi32>
      %xor3A = arith.xori %or3A, %add3A_48 : vector<16xi32>
      %add3A_56 = arith.addi %add3A_48, %xor3A : vector<16xi32>
      %broadcast_in_dim3A_57 = arith.constant 15 : i32
      %broadcast_in_dim3A_58 = vector.broadcast %broadcast_in_dim3A_57 : i32 to vector<16xi32>
      %shift_left3A_59 = arith.shli %xor3A, %broadcast_in_dim3A_58 : vector<16xi32>
      %broadcast_in_dim3A_60 = arith.constant 17 : i32
      %broadcast_in_dim3A_61 = vector.broadcast %broadcast_in_dim3A_60 : i32 to vector<16xi32>
      %shift_right_logical3A_62 = arith.shrui %xor3A, %broadcast_in_dim3A_61 : vector<16xi32>
      %or3A_63 = arith.ori %shift_left3A_59, %shift_right_logical3A_62 : vector<16xi32>
      %xor3A_64 = arith.xori %or3A_63, %add3A_56 : vector<16xi32>
      %add3A_65 = arith.addi %add3A_56, %xor3A_64 : vector<16xi32>
      %broadcast_in_dim3A_66 = arith.constant 26 : i32
      %broadcast_in_dim3A_67 = vector.broadcast %broadcast_in_dim3A_66 : i32 to vector<16xi32>
      %shift_left3A_68 = arith.shli %xor3A_64, %broadcast_in_dim3A_67 : vector<16xi32>
      %broadcast_in_dim3A_69 = arith.constant 6 : i32
      %broadcast_in_dim3A_70 = vector.broadcast %broadcast_in_dim3A_69 : i32 to vector<16xi32>
      %shift_right_logical3A_71 = arith.shrui %xor3A_64, %broadcast_in_dim3A_70 : vector<16xi32>
      %or3A_72 = arith.ori %shift_left3A_68, %shift_right_logical3A_71 : vector<16xi32>
      %xor3A_73 = arith.xori %or3A_72, %add3A_65 : vector<16xi32>
      %add3A_74 = arith.addi %add3A_65, %xor3A_73 : vector<16xi32>
      %broadcast_in_dim3A_75 = arith.constant 6 : i32
      %broadcast_in_dim3A_76 = vector.broadcast %broadcast_in_dim3A_75 : i32 to vector<16xi32>
      %shift_left3A_77 = arith.shli %xor3A_73, %broadcast_in_dim3A_76 : vector<16xi32>
      %broadcast_in_dim3A_78 = arith.constant 26 : i32
      %broadcast_in_dim3A_79 = vector.broadcast %broadcast_in_dim3A_78 : i32 to vector<16xi32>
      %shift_right_logical3A_80 = arith.shrui %xor3A_73, %broadcast_in_dim3A_79 : vector<16xi32>
      %or3A_81 = arith.ori %shift_left3A_77, %shift_right_logical3A_80 : vector<16xi32>
      %xor3A_82 = arith.xori %or3A_81, %add3A_74 : vector<16xi32>
      %broadcast_in_dim3A_83 = arith.constant 1905316645 : i32
      %broadcast_in_dim3A_84 = vector.broadcast %broadcast_in_dim3A_83 : i32 to vector<16xi32>
      %add3A_85 = arith.addi %add3A_74, %broadcast_in_dim3A_84 : vector<16xi32>
      %broadcast_in_dim3A_86 = arith.constant -521965458 : i32
      %broadcast_in_dim3A_87 = vector.broadcast %broadcast_in_dim3A_86 : i32 to vector<16xi32>
      %add3A_88 = arith.addi %xor3A_82, %broadcast_in_dim3A_87 : vector<16xi32>
      %add3A_89 = arith.addi %add3A_85, %add3A_88 : vector<16xi32>
      %broadcast_in_dim3A_90 = arith.constant 17 : i32
      %broadcast_in_dim3A_91 = vector.broadcast %broadcast_in_dim3A_90 : i32 to vector<16xi32>
      %shift_left3A_92 = arith.shli %add3A_88, %broadcast_in_dim3A_91 : vector<16xi32>
      %broadcast_in_dim3A_93 = arith.constant 15 : i32
      %broadcast_in_dim3A_94 = vector.broadcast %broadcast_in_dim3A_93 : i32 to vector<16xi32>
      %shift_right_logical3A_95 = arith.shrui %add3A_88, %broadcast_in_dim3A_94 : vector<16xi32>
      %or3A_96 = arith.ori %shift_left3A_92, %shift_right_logical3A_95 : vector<16xi32>
      %xor3A_97 = arith.xori %or3A_96, %add3A_89 : vector<16xi32>
      %add3A_98 = arith.addi %add3A_89, %xor3A_97 : vector<16xi32>
      %broadcast_in_dim3A_99 = arith.constant 29 : i32
      %broadcast_in_dim3A_100 = vector.broadcast %broadcast_in_dim3A_99 : i32 to vector<16xi32>
      %shift_left3A_101 = arith.shli %xor3A_97, %broadcast_in_dim3A_100 : vector<16xi32>
      %broadcast_in_dim3A_102 = arith.constant 3 : i32
      %broadcast_in_dim3A_103 = vector.broadcast %broadcast_in_dim3A_102 : i32 to vector<16xi32>
      %shift_right_logical3A_104 = arith.shrui %xor3A_97, %broadcast_in_dim3A_103 : vector<16xi32>
      %or3A_105 = arith.ori %shift_left3A_101, %shift_right_logical3A_104 : vector<16xi32>
      %xor3A_106 = arith.xori %or3A_105, %add3A_98 : vector<16xi32>
      %add3A_107 = arith.addi %add3A_98, %xor3A_106 : vector<16xi32>
      %broadcast_in_dim3A_108 = arith.constant 16 : i32
      %broadcast_in_dim3A_109 = vector.broadcast %broadcast_in_dim3A_108 : i32 to vector<16xi32>
      %shift_left3A_110 = arith.shli %xor3A_106, %broadcast_in_dim3A_109 : vector<16xi32>
      %broadcast_in_dim3A_111 = arith.constant 16 : i32
      %broadcast_in_dim3A_112 = vector.broadcast %broadcast_in_dim3A_111 : i32 to vector<16xi32>
      %shift_right_logical3A_113 = arith.shrui %xor3A_106, %broadcast_in_dim3A_112 : vector<16xi32>
      %or3A_114 = arith.ori %shift_left3A_110, %shift_right_logical3A_113 : vector<16xi32>
      %xor3A_115 = arith.xori %or3A_114, %add3A_107 : vector<16xi32>
      %add3A_116 = arith.addi %add3A_107, %xor3A_115 : vector<16xi32>
      %broadcast_in_dim3A_117 = arith.constant 24 : i32
      %broadcast_in_dim3A_118 = vector.broadcast %broadcast_in_dim3A_117 : i32 to vector<16xi32>
      %shift_left3A_119 = arith.shli %xor3A_115, %broadcast_in_dim3A_118 : vector<16xi32>
      %broadcast_in_dim3A_120 = arith.constant 8 : i32
      %broadcast_in_dim3A_121 = vector.broadcast %broadcast_in_dim3A_120 : i32 to vector<16xi32>
      %shift_right_logical3A_122 = arith.shrui %xor3A_115, %broadcast_in_dim3A_121 : vector<16xi32>
      %or3A_123 = arith.ori %shift_left3A_119, %shift_right_logical3A_122 : vector<16xi32>
      %xor3A_124 = arith.xori %or3A_123, %add3A_116 : vector<16xi32>
      %broadcast_in_dim3A_125 = arith.constant -521965459 : i32
      %broadcast_in_dim3A_126 = vector.broadcast %broadcast_in_dim3A_125 : i32 to vector<16xi32>
      %add3A_127 = arith.addi %add3A_116, %broadcast_in_dim3A_126 : vector<16xi32>
      %broadcast_in_dim3A_128 = arith.constant -1969047404 : i32
      %broadcast_in_dim3A_129 = vector.broadcast %broadcast_in_dim3A_128 : i32 to vector<16xi32>
      %add3A_130 = arith.addi %xor3A_124, %broadcast_in_dim3A_129 : vector<16xi32>
      %add3A_131 = arith.addi %add3A_127, %add3A_130 : vector<16xi32>
      %broadcast_in_dim3A_132 = arith.constant 13 : i32
      %broadcast_in_dim3A_133 = vector.broadcast %broadcast_in_dim3A_132 : i32 to vector<16xi32>
      %shift_left3A_134 = arith.shli %add3A_130, %broadcast_in_dim3A_133 : vector<16xi32>
      %broadcast_in_dim3A_135 = arith.constant 19 : i32
      %broadcast_in_dim3A_136 = vector.broadcast %broadcast_in_dim3A_135 : i32 to vector<16xi32>
      %shift_right_logical3A_137 = arith.shrui %add3A_130, %broadcast_in_dim3A_136 : vector<16xi32>
      %or3A_138 = arith.ori %shift_left3A_134, %shift_right_logical3A_137 : vector<16xi32>
      %xor3A_139 = arith.xori %or3A_138, %add3A_131 : vector<16xi32>
      %add3A_140 = arith.addi %add3A_131, %xor3A_139 : vector<16xi32>
      %broadcast_in_dim3A_141 = arith.constant 15 : i32
      %broadcast_in_dim3A_142 = vector.broadcast %broadcast_in_dim3A_141 : i32 to vector<16xi32>
      %shift_left3A_143 = arith.shli %xor3A_139, %broadcast_in_dim3A_142 : vector<16xi32>
      %broadcast_in_dim3A_144 = arith.constant 17 : i32
      %broadcast_in_dim3A_145 = vector.broadcast %broadcast_in_dim3A_144 : i32 to vector<16xi32>
      %shift_right_logical3A_146 = arith.shrui %xor3A_139, %broadcast_in_dim3A_145 : vector<16xi32>
      %or3A_147 = arith.ori %shift_left3A_143, %shift_right_logical3A_146 : vector<16xi32>
      %xor3A_148 = arith.xori %or3A_147, %add3A_140 : vector<16xi32>
      %add3A_149 = arith.addi %add3A_140, %xor3A_148 : vector<16xi32>
      %broadcast_in_dim3A_150 = arith.constant 26 : i32
      %broadcast_in_dim3A_151 = vector.broadcast %broadcast_in_dim3A_150 : i32 to vector<16xi32>
      %shift_left3A_152 = arith.shli %xor3A_148, %broadcast_in_dim3A_151 : vector<16xi32>
      %broadcast_in_dim3A_153 = arith.constant 6 : i32
      %broadcast_in_dim3A_154 = vector.broadcast %broadcast_in_dim3A_153 : i32 to vector<16xi32>
      %shift_right_logical3A_155 = arith.shrui %xor3A_148, %broadcast_in_dim3A_154 : vector<16xi32>
      %or3A_156 = arith.ori %shift_left3A_152, %shift_right_logical3A_155 : vector<16xi32>
      %xor3A_157 = arith.xori %or3A_156, %add3A_149 : vector<16xi32>
      %add3A_158 = arith.addi %add3A_149, %xor3A_157 : vector<16xi32>
      %broadcast_in_dim3A_159 = arith.constant 6 : i32
      %broadcast_in_dim3A_160 = vector.broadcast %broadcast_in_dim3A_159 : i32 to vector<16xi32>
      %shift_left3A_161 = arith.shli %xor3A_157, %broadcast_in_dim3A_160 : vector<16xi32>
      %broadcast_in_dim3A_162 = arith.constant 26 : i32
      %broadcast_in_dim3A_163 = vector.broadcast %broadcast_in_dim3A_162 : i32 to vector<16xi32>
      %shift_right_logical3A_164 = arith.shrui %xor3A_157, %broadcast_in_dim3A_163 : vector<16xi32>
      %or3A_165 = arith.ori %shift_left3A_161, %shift_right_logical3A_164 : vector<16xi32>
      %xor3A_166 = arith.xori %or3A_165, %add3A_158 : vector<16xi32>
      %broadcast_in_dim3A_167 = arith.constant -1969047406 : i32
      %broadcast_in_dim3A_168 = vector.broadcast %broadcast_in_dim3A_167 : i32 to vector<16xi32>
      %add3A_169 = arith.addi %add3A_158, %broadcast_in_dim3A_168 : vector<16xi32>
      %broadcast_in_dim3A_170 = arith.constant 1905316648 : i32
      %broadcast_in_dim3A_171 = vector.broadcast %broadcast_in_dim3A_170 : i32 to vector<16xi32>
      %add3A_172 = arith.addi %xor3A_166, %broadcast_in_dim3A_171 : vector<16xi32>
      %add3A_173 = arith.addi %add3A_169, %add3A_172 : vector<16xi32>
      %broadcast_in_dim3A_174 = arith.constant 17 : i32
      %broadcast_in_dim3A_175 = vector.broadcast %broadcast_in_dim3A_174 : i32 to vector<16xi32>
      %shift_left3A_176 = arith.shli %add3A_172, %broadcast_in_dim3A_175 : vector<16xi32>
      %broadcast_in_dim3A_177 = arith.constant 15 : i32
      %broadcast_in_dim3A_178 = vector.broadcast %broadcast_in_dim3A_177 : i32 to vector<16xi32>
      %shift_right_logical3A_179 = arith.shrui %add3A_172, %broadcast_in_dim3A_178 : vector<16xi32>
      %or3A_180 = arith.ori %shift_left3A_176, %shift_right_logical3A_179 : vector<16xi32>
      %xor3A_181 = arith.xori %or3A_180, %add3A_173 : vector<16xi32>
      %add3A_182 = arith.addi %add3A_173, %xor3A_181 : vector<16xi32>
      %broadcast_in_dim3A_183 = arith.constant 29 : i32
      %broadcast_in_dim3A_184 = vector.broadcast %broadcast_in_dim3A_183 : i32 to vector<16xi32>
      %shift_left3A_185 = arith.shli %xor3A_181, %broadcast_in_dim3A_184 : vector<16xi32>
      %broadcast_in_dim3A_186 = arith.constant 3 : i32
      %broadcast_in_dim3A_187 = vector.broadcast %broadcast_in_dim3A_186 : i32 to vector<16xi32>
      %shift_right_logical3A_188 = arith.shrui %xor3A_181, %broadcast_in_dim3A_187 : vector<16xi32>
      %or3A_189 = arith.ori %shift_left3A_185, %shift_right_logical3A_188 : vector<16xi32>
      %xor3A_190 = arith.xori %or3A_189, %add3A_182 : vector<16xi32>
      %add3A_191 = arith.addi %add3A_182, %xor3A_190 : vector<16xi32>
      %broadcast_in_dim3A_192 = arith.constant 16 : i32
      %broadcast_in_dim3A_193 = vector.broadcast %broadcast_in_dim3A_192 : i32 to vector<16xi32>
      %shift_left3A_194 = arith.shli %xor3A_190, %broadcast_in_dim3A_193 : vector<16xi32>
      %broadcast_in_dim3A_195 = arith.constant 16 : i32
      %broadcast_in_dim3A_196 = vector.broadcast %broadcast_in_dim3A_195 : i32 to vector<16xi32>
      %shift_right_logical3A_197 = arith.shrui %xor3A_190, %broadcast_in_dim3A_196 : vector<16xi32>
      %or3A_198 = arith.ori %shift_left3A_194, %shift_right_logical3A_197 : vector<16xi32>
      %xor3A_199 = arith.xori %or3A_198, %add3A_191 : vector<16xi32>
      %add3A_200 = arith.addi %add3A_191, %xor3A_199 : vector<16xi32>
      %broadcast_in_dim3A_201 = arith.constant 24 : i32
      %broadcast_in_dim3A_202 = vector.broadcast %broadcast_in_dim3A_201 : i32 to vector<16xi32>
      %shift_left3A_203 = arith.shli %xor3A_199, %broadcast_in_dim3A_202 : vector<16xi32>
      %broadcast_in_dim3A_204 = arith.constant 8 : i32
      %broadcast_in_dim3A_205 = vector.broadcast %broadcast_in_dim3A_204 : i32 to vector<16xi32>
      %shift_right_logical3A_206 = arith.shrui %xor3A_199, %broadcast_in_dim3A_205 : vector<16xi32>
      %or3A_207 = arith.ori %shift_left3A_203, %shift_right_logical3A_206 : vector<16xi32>
      %xor3A_208 = arith.xori %or3A_207, %add3A_200 : vector<16xi32>
      %broadcast_in_dim3A_209 = arith.constant 1905316645 : i32
      %broadcast_in_dim3A_210 = vector.broadcast %broadcast_in_dim3A_209 : i32 to vector<16xi32>
      %add3A_211 = arith.addi %add3A_200, %broadcast_in_dim3A_210 : vector<16xi32>
      %broadcast_in_dim3A_212 = arith.constant -521965455 : i32
      %broadcast_in_dim3A_213 = vector.broadcast %broadcast_in_dim3A_212 : i32 to vector<16xi32>
      %add3A_214 = arith.addi %xor3A_208, %broadcast_in_dim3A_213 : vector<16xi32>
      %add3A_215 = arith.addi %add3A_211, %add3A_214 : vector<16xi32>
      %broadcast_in_dim3A_216 = arith.constant 13 : i32
      %broadcast_in_dim3A_217 = vector.broadcast %broadcast_in_dim3A_216 : i32 to vector<16xi32>
      %shift_left3A_218 = arith.shli %add3A_214, %broadcast_in_dim3A_217 : vector<16xi32>
      %broadcast_in_dim3A_219 = arith.constant 19 : i32
      %broadcast_in_dim3A_220 = vector.broadcast %broadcast_in_dim3A_219 : i32 to vector<16xi32>
      %shift_right_logical3A_221 = arith.shrui %add3A_214, %broadcast_in_dim3A_220 : vector<16xi32>
      %or3A_222 = arith.ori %shift_left3A_218, %shift_right_logical3A_221 : vector<16xi32>
      %xor3A_223 = arith.xori %or3A_222, %add3A_215 : vector<16xi32>
      %add3A_224 = arith.addi %add3A_215, %xor3A_223 : vector<16xi32>
      %broadcast_in_dim3A_225 = arith.constant 15 : i32
      %broadcast_in_dim3A_226 = vector.broadcast %broadcast_in_dim3A_225 : i32 to vector<16xi32>
      %shift_left3A_227 = arith.shli %xor3A_223, %broadcast_in_dim3A_226 : vector<16xi32>
      %broadcast_in_dim3A_228 = arith.constant 17 : i32
      %broadcast_in_dim3A_229 = vector.broadcast %broadcast_in_dim3A_228 : i32 to vector<16xi32>
      %shift_right_logical3A_230 = arith.shrui %xor3A_223, %broadcast_in_dim3A_229 : vector<16xi32>
      %or3A_231 = arith.ori %shift_left3A_227, %shift_right_logical3A_230 : vector<16xi32>
      %xor3A_232 = arith.xori %or3A_231, %add3A_224 : vector<16xi32>
      %add3A_233 = arith.addi %add3A_224, %xor3A_232 : vector<16xi32>
      %broadcast_in_dim3A_234 = arith.constant 26 : i32
      %broadcast_in_dim3A_235 = vector.broadcast %broadcast_in_dim3A_234 : i32 to vector<16xi32>
      %shift_left3A_236 = arith.shli %xor3A_232, %broadcast_in_dim3A_235 : vector<16xi32>
      %broadcast_in_dim3A_237 = arith.constant 6 : i32
      %broadcast_in_dim3A_238 = vector.broadcast %broadcast_in_dim3A_237 : i32 to vector<16xi32>
      %shift_right_logical3A_239 = arith.shrui %xor3A_232, %broadcast_in_dim3A_238 : vector<16xi32>
      %or3A_240 = arith.ori %shift_left3A_236, %shift_right_logical3A_239 : vector<16xi32>
      %xor3A_241 = arith.xori %or3A_240, %add3A_233 : vector<16xi32>
      %add3A_242 = arith.addi %add3A_233, %xor3A_241 : vector<16xi32>
      %broadcast_in_dim3A_243 = arith.constant 6 : i32
      %broadcast_in_dim3A_244 = vector.broadcast %broadcast_in_dim3A_243 : i32 to vector<16xi32>
      %shift_left3A_245 = arith.shli %xor3A_241, %broadcast_in_dim3A_244 : vector<16xi32>
      %broadcast_in_dim3A_246 = arith.constant 26 : i32
      %broadcast_in_dim3A_247 = vector.broadcast %broadcast_in_dim3A_246 : i32 to vector<16xi32>
      %shift_right_logical3A_248 = arith.shrui %xor3A_241, %broadcast_in_dim3A_247 : vector<16xi32>
      %or3A_249 = arith.ori %shift_left3A_245, %shift_right_logical3A_248 : vector<16xi32>
      %xor3A_250 = arith.xori %or3A_249, %add3A_242 : vector<16xi32>
      %broadcast_in_dim3A_251 = arith.constant -521965459 : i32
      %broadcast_in_dim3A_252 = vector.broadcast %broadcast_in_dim3A_251 : i32 to vector<16xi32>
      %add3A_253 = arith.addi %add3A_242, %broadcast_in_dim3A_252 : vector<16xi32>
      %broadcast_in_dim3A_254 = arith.constant -1969047401 : i32
      %broadcast_in_dim3A_255 = vector.broadcast %broadcast_in_dim3A_254 : i32 to vector<16xi32>
      %add3A_256 = arith.addi %xor3A_250, %broadcast_in_dim3A_255 : vector<16xi32>
      %xor3A_257 = arith.xori %add3A_253, %add3A_256 : vector<16xi32>
      %broadcast_in_dim3A_258 = arith.constant 49897 : i32
      %broadcast_in_dim3A_259 = vector.broadcast %broadcast_in_dim3A_258 : i32 to vector<16xi32>
      %broadcast_in_dim3A_260 = arith.constant 16 : i32
      %broadcast_in_dim3A_261 = vector.broadcast %broadcast_in_dim3A_260 : i32 to vector<16xi32>
      %shift_right_logical3A_262 = arith.shrui %xor3A_257, %broadcast_in_dim3A_261 : vector<16xi32>
      %broadcast_in_dim3A_263 = arith.constant 65535 : i32
      %broadcast_in_dim3A_264 = vector.broadcast %broadcast_in_dim3A_263 : i32 to vector<16xi32>
      %and3A_265 = arith.andi %xor3A_257, %broadcast_in_dim3A_264 : vector<16xi32>
      %ge3A = arith.cmpi sge, %shift_right_logical3A_262, %broadcast_in_dim3A_259 : vector<16xi32>
      %sub3A = arith.subi %shift_right_logical3A_262, %broadcast_in_dim3A_259 : vector<16xi32>
      %select_n3A = arith.select %ge3A, %sub3A, %shift_right_logical3A_262 : vector<16xi1>, vector<16xi32>
      %broadcast_in_dim3A_266 = arith.constant 15639 : i32
      %broadcast_in_dim3A_267 = vector.broadcast %broadcast_in_dim3A_266 : i32 to vector<16xi32>
      %mul3A_268 = arith.muli %select_n3A, %broadcast_in_dim3A_267 : vector<16xi32>
      %add3A_269 = arith.addi %mul3A_268, %and3A_265 : vector<16xi32>
      %broadcast_in_dim3A_270 = arith.constant 49897 : i32
      %broadcast_in_dim3A_271 = vector.broadcast %broadcast_in_dim3A_270 : i32 to vector<16xi32>
      %convert_element_type3A = arith.sitofp %add3A_269 : vector<16xi32> to vector<16xf32>
      %broadcast_in_dim3A_272 = arith.constant 2.00412851E-5 : f32
      %broadcast_in_dim3A_273 = vector.broadcast %broadcast_in_dim3A_272 : f32 to vector<16xf32>
      %mul3A_274 = arith.mulf %convert_element_type3A, %broadcast_in_dim3A_273 : vector<16xf32>
      %convert_element_type3A_275 = arith.fptosi %mul3A_274 : vector<16xf32> to vector<16xi32>
      %mul3A_276 = arith.muli %convert_element_type3A_275, %broadcast_in_dim3A_271 : vector<16xi32>
      %sub3A_277 = arith.subi %add3A_269, %mul3A_276 : vector<16xi32>
      %broadcast_in_dim3A_278 = arith.constant 0 : i32
      %broadcast_in_dim3A_279 = vector.broadcast %broadcast_in_dim3A_278 : i32 to vector<16xi32>
      %lt3A_280 = arith.cmpi slt, %sub3A_277, %broadcast_in_dim3A_279 : vector<16xi32>
      %add3A_281 = arith.addi %sub3A_277, %broadcast_in_dim3A_271 : vector<16xi32>
      %select_n3A_282 = arith.select %lt3A_280, %add3A_281, %sub3A_277 : vector<16xi1>, vector<16xi32>
      %ge3A_283 = arith.cmpi sge, %select_n3A_282, %broadcast_in_dim3A_271 : vector<16xi32>
      %sub3A_284 = arith.subi %select_n3A_282, %broadcast_in_dim3A_271 : vector<16xi32>
      %select_n3A_285 = arith.select %ge3A_283, %sub3A_284, %select_n3A_282 : vector<16xi1>, vector<16xi32>
      %broadcast_in_dim3A_286 = arith.constant 2120384577 : i32
      %broadcast_in_dim3A_287 = vector.broadcast %broadcast_in_dim3A_286 : i32 to vector<16xi32>
      %add3A_288 = arith.addi %get3A_40, %broadcast_in_dim3A_287 : vector<16xi32>
      %broadcast_in_dim3A_289 = arith.constant -379754626 : i32
      %broadcast_in_dim3A_290 = vector.broadcast %broadcast_in_dim3A_289 : i32 to vector<16xi32>
      %add3A_291 = arith.addi %get3A_40, %broadcast_in_dim3A_290 : vector<16xi32>
      %broadcast_in_dim3A_292 = arith.constant 13 : i32
      %broadcast_in_dim3A_293 = vector.broadcast %broadcast_in_dim3A_292 : i32 to vector<16xi32>
      %shift_left3A_294 = arith.shli %add3A_291, %broadcast_in_dim3A_293 : vector<16xi32>
      %broadcast_in_dim3A_295 = arith.constant 19 : i32
      %broadcast_in_dim3A_296 = vector.broadcast %broadcast_in_dim3A_295 : i32 to vector<16xi32>
      %shift_right_logical3A_297 = arith.shrui %add3A_291, %broadcast_in_dim3A_296 : vector<16xi32>
      %or3A_298 = arith.ori %shift_left3A_294, %shift_right_logical3A_297 : vector<16xi32>
      %xor3A_299 = arith.xori %or3A_298, %add3A_288 : vector<16xi32>
      %add3A_300 = arith.addi %add3A_288, %xor3A_299 : vector<16xi32>
      %broadcast_in_dim3A_301 = arith.constant 15 : i32
      %broadcast_in_dim3A_302 = vector.broadcast %broadcast_in_dim3A_301 : i32 to vector<16xi32>
      %shift_left3A_303 = arith.shli %xor3A_299, %broadcast_in_dim3A_302 : vector<16xi32>
      %broadcast_in_dim3A_304 = arith.constant 17 : i32
      %broadcast_in_dim3A_305 = vector.broadcast %broadcast_in_dim3A_304 : i32 to vector<16xi32>
      %shift_right_logical3A_306 = arith.shrui %xor3A_299, %broadcast_in_dim3A_305 : vector<16xi32>
      %or3A_307 = arith.ori %shift_left3A_303, %shift_right_logical3A_306 : vector<16xi32>
      %xor3A_308 = arith.xori %or3A_307, %add3A_300 : vector<16xi32>
      %add3A_309 = arith.addi %add3A_300, %xor3A_308 : vector<16xi32>
      %broadcast_in_dim3A_310 = arith.constant 26 : i32
      %broadcast_in_dim3A_311 = vector.broadcast %broadcast_in_dim3A_310 : i32 to vector<16xi32>
      %shift_left3A_312 = arith.shli %xor3A_308, %broadcast_in_dim3A_311 : vector<16xi32>
      %broadcast_in_dim3A_313 = arith.constant 6 : i32
      %broadcast_in_dim3A_314 = vector.broadcast %broadcast_in_dim3A_313 : i32 to vector<16xi32>
      %shift_right_logical3A_315 = arith.shrui %xor3A_308, %broadcast_in_dim3A_314 : vector<16xi32>
      %or3A_316 = arith.ori %shift_left3A_312, %shift_right_logical3A_315 : vector<16xi32>
      %xor3A_317 = arith.xori %or3A_316, %add3A_309 : vector<16xi32>
      %add3A_318 = arith.addi %add3A_309, %xor3A_317 : vector<16xi32>
      %broadcast_in_dim3A_319 = arith.constant 6 : i32
      %broadcast_in_dim3A_320 = vector.broadcast %broadcast_in_dim3A_319 : i32 to vector<16xi32>
      %shift_left3A_321 = arith.shli %xor3A_317, %broadcast_in_dim3A_320 : vector<16xi32>
      %broadcast_in_dim3A_322 = arith.constant 26 : i32
      %broadcast_in_dim3A_323 = vector.broadcast %broadcast_in_dim3A_322 : i32 to vector<16xi32>
      %shift_right_logical3A_324 = arith.shrui %xor3A_317, %broadcast_in_dim3A_323 : vector<16xi32>
      %or3A_325 = arith.ori %shift_left3A_321, %shift_right_logical3A_324 : vector<16xi32>
      %xor3A_326 = arith.xori %or3A_325, %add3A_318 : vector<16xi32>
      %broadcast_in_dim3A_327 = arith.constant -379754626 : i32
      %broadcast_in_dim3A_328 = vector.broadcast %broadcast_in_dim3A_327 : i32 to vector<16xi32>
      %add3A_329 = arith.addi %add3A_318, %broadcast_in_dim3A_328 : vector<16xi32>
      %broadcast_in_dim3A_330 = arith.constant 1737057384 : i32
      %broadcast_in_dim3A_331 = vector.broadcast %broadcast_in_dim3A_330 : i32 to vector<16xi32>
      %add3A_332 = arith.addi %xor3A_326, %broadcast_in_dim3A_331 : vector<16xi32>
      %add3A_333 = arith.addi %add3A_329, %add3A_332 : vector<16xi32>
      %broadcast_in_dim3A_334 = arith.constant 17 : i32
      %broadcast_in_dim3A_335 = vector.broadcast %broadcast_in_dim3A_334 : i32 to vector<16xi32>
      %shift_left3A_336 = arith.shli %add3A_332, %broadcast_in_dim3A_335 : vector<16xi32>
      %broadcast_in_dim3A_337 = arith.constant 15 : i32
      %broadcast_in_dim3A_338 = vector.broadcast %broadcast_in_dim3A_337 : i32 to vector<16xi32>
      %shift_right_logical3A_339 = arith.shrui %add3A_332, %broadcast_in_dim3A_338 : vector<16xi32>
      %or3A_340 = arith.ori %shift_left3A_336, %shift_right_logical3A_339 : vector<16xi32>
      %xor3A_341 = arith.xori %or3A_340, %add3A_333 : vector<16xi32>
      %add3A_342 = arith.addi %add3A_333, %xor3A_341 : vector<16xi32>
      %broadcast_in_dim3A_343 = arith.constant 29 : i32
      %broadcast_in_dim3A_344 = vector.broadcast %broadcast_in_dim3A_343 : i32 to vector<16xi32>
      %shift_left3A_345 = arith.shli %xor3A_341, %broadcast_in_dim3A_344 : vector<16xi32>
      %broadcast_in_dim3A_346 = arith.constant 3 : i32
      %broadcast_in_dim3A_347 = vector.broadcast %broadcast_in_dim3A_346 : i32 to vector<16xi32>
      %shift_right_logical3A_348 = arith.shrui %xor3A_341, %broadcast_in_dim3A_347 : vector<16xi32>
      %or3A_349 = arith.ori %shift_left3A_345, %shift_right_logical3A_348 : vector<16xi32>
      %xor3A_350 = arith.xori %or3A_349, %add3A_342 : vector<16xi32>
      %add3A_351 = arith.addi %add3A_342, %xor3A_350 : vector<16xi32>
      %broadcast_in_dim3A_352 = arith.constant 16 : i32
      %broadcast_in_dim3A_353 = vector.broadcast %broadcast_in_dim3A_352 : i32 to vector<16xi32>
      %shift_left3A_354 = arith.shli %xor3A_350, %broadcast_in_dim3A_353 : vector<16xi32>
      %broadcast_in_dim3A_355 = arith.constant 16 : i32
      %broadcast_in_dim3A_356 = vector.broadcast %broadcast_in_dim3A_355 : i32 to vector<16xi32>
      %shift_right_logical3A_357 = arith.shrui %xor3A_350, %broadcast_in_dim3A_356 : vector<16xi32>
      %or3A_358 = arith.ori %shift_left3A_354, %shift_right_logical3A_357 : vector<16xi32>
      %xor3A_359 = arith.xori %or3A_358, %add3A_351 : vector<16xi32>
      %add3A_360 = arith.addi %add3A_351, %xor3A_359 : vector<16xi32>
      %broadcast_in_dim3A_361 = arith.constant 24 : i32
      %broadcast_in_dim3A_362 = vector.broadcast %broadcast_in_dim3A_361 : i32 to vector<16xi32>
      %shift_left3A_363 = arith.shli %xor3A_359, %broadcast_in_dim3A_362 : vector<16xi32>
      %broadcast_in_dim3A_364 = arith.constant 8 : i32
      %broadcast_in_dim3A_365 = vector.broadcast %broadcast_in_dim3A_364 : i32 to vector<16xi32>
      %shift_right_logical3A_366 = arith.shrui %xor3A_359, %broadcast_in_dim3A_365 : vector<16xi32>
      %or3A_367 = arith.ori %shift_left3A_363, %shift_right_logical3A_366 : vector<16xi32>
      %xor3A_368 = arith.xori %or3A_367, %add3A_360 : vector<16xi32>
      %broadcast_in_dim3A_369 = arith.constant 1737057383 : i32
      %broadcast_in_dim3A_370 = vector.broadcast %broadcast_in_dim3A_369 : i32 to vector<16xi32>
      %add3A_371 = arith.addi %add3A_360, %broadcast_in_dim3A_370 : vector<16xi32>
      %broadcast_in_dim3A_372 = arith.constant -1794828091 : i32
      %broadcast_in_dim3A_373 = vector.broadcast %broadcast_in_dim3A_372 : i32 to vector<16xi32>
      %add3A_374 = arith.addi %xor3A_368, %broadcast_in_dim3A_373 : vector<16xi32>
      %add3A_375 = arith.addi %add3A_371, %add3A_374 : vector<16xi32>
      %broadcast_in_dim3A_376 = arith.constant 13 : i32
      %broadcast_in_dim3A_377 = vector.broadcast %broadcast_in_dim3A_376 : i32 to vector<16xi32>
      %shift_left3A_378 = arith.shli %add3A_374, %broadcast_in_dim3A_377 : vector<16xi32>
      %broadcast_in_dim3A_379 = arith.constant 19 : i32
      %broadcast_in_dim3A_380 = vector.broadcast %broadcast_in_dim3A_379 : i32 to vector<16xi32>
      %shift_right_logical3A_381 = arith.shrui %add3A_374, %broadcast_in_dim3A_380 : vector<16xi32>
      %or3A_382 = arith.ori %shift_left3A_378, %shift_right_logical3A_381 : vector<16xi32>
      %xor3A_383 = arith.xori %or3A_382, %add3A_375 : vector<16xi32>
      %add3A_384 = arith.addi %add3A_375, %xor3A_383 : vector<16xi32>
      %broadcast_in_dim3A_385 = arith.constant 15 : i32
      %broadcast_in_dim3A_386 = vector.broadcast %broadcast_in_dim3A_385 : i32 to vector<16xi32>
      %shift_left3A_387 = arith.shli %xor3A_383, %broadcast_in_dim3A_386 : vector<16xi32>
      %broadcast_in_dim3A_388 = arith.constant 17 : i32
      %broadcast_in_dim3A_389 = vector.broadcast %broadcast_in_dim3A_388 : i32 to vector<16xi32>
      %shift_right_logical3A_390 = arith.shrui %xor3A_383, %broadcast_in_dim3A_389 : vector<16xi32>
      %or3A_391 = arith.ori %shift_left3A_387, %shift_right_logical3A_390 : vector<16xi32>
      %xor3A_392 = arith.xori %or3A_391, %add3A_384 : vector<16xi32>
      %add3A_393 = arith.addi %add3A_384, %xor3A_392 : vector<16xi32>
      %broadcast_in_dim3A_394 = arith.constant 26 : i32
      %broadcast_in_dim3A_395 = vector.broadcast %broadcast_in_dim3A_394 : i32 to vector<16xi32>
      %shift_left3A_396 = arith.shli %xor3A_392, %broadcast_in_dim3A_395 : vector<16xi32>
      %broadcast_in_dim3A_397 = arith.constant 6 : i32
      %broadcast_in_dim3A_398 = vector.broadcast %broadcast_in_dim3A_397 : i32 to vector<16xi32>
      %shift_right_logical3A_399 = arith.shrui %xor3A_392, %broadcast_in_dim3A_398 : vector<16xi32>
      %or3A_400 = arith.ori %shift_left3A_396, %shift_right_logical3A_399 : vector<16xi32>
      %xor3A_401 = arith.xori %or3A_400, %add3A_393 : vector<16xi32>
      %add3A_402 = arith.addi %add3A_393, %xor3A_401 : vector<16xi32>
      %broadcast_in_dim3A_403 = arith.constant 6 : i32
      %broadcast_in_dim3A_404 = vector.broadcast %broadcast_in_dim3A_403 : i32 to vector<16xi32>
      %shift_left3A_405 = arith.shli %xor3A_401, %broadcast_in_dim3A_404 : vector<16xi32>
      %broadcast_in_dim3A_406 = arith.constant 26 : i32
      %broadcast_in_dim3A_407 = vector.broadcast %broadcast_in_dim3A_406 : i32 to vector<16xi32>
      %shift_right_logical3A_408 = arith.shrui %xor3A_401, %broadcast_in_dim3A_407 : vector<16xi32>
      %or3A_409 = arith.ori %shift_left3A_405, %shift_right_logical3A_408 : vector<16xi32>
      %xor3A_410 = arith.xori %or3A_409, %add3A_402 : vector<16xi32>
      %broadcast_in_dim3A_411 = arith.constant -1794828093 : i32
      %broadcast_in_dim3A_412 = vector.broadcast %broadcast_in_dim3A_411 : i32 to vector<16xi32>
      %add3A_413 = arith.addi %add3A_402, %broadcast_in_dim3A_412 : vector<16xi32>
      %broadcast_in_dim3A_414 = arith.constant -379754623 : i32
      %broadcast_in_dim3A_415 = vector.broadcast %broadcast_in_dim3A_414 : i32 to vector<16xi32>
      %add3A_416 = arith.addi %xor3A_410, %broadcast_in_dim3A_415 : vector<16xi32>
      %add3A_417 = arith.addi %add3A_413, %add3A_416 : vector<16xi32>
      %broadcast_in_dim3A_418 = arith.constant 17 : i32
      %broadcast_in_dim3A_419 = vector.broadcast %broadcast_in_dim3A_418 : i32 to vector<16xi32>
      %shift_left3A_420 = arith.shli %add3A_416, %broadcast_in_dim3A_419 : vector<16xi32>
      %broadcast_in_dim3A_421 = arith.constant 15 : i32
      %broadcast_in_dim3A_422 = vector.broadcast %broadcast_in_dim3A_421 : i32 to vector<16xi32>
      %shift_right_logical3A_423 = arith.shrui %add3A_416, %broadcast_in_dim3A_422 : vector<16xi32>
      %or3A_424 = arith.ori %shift_left3A_420, %shift_right_logical3A_423 : vector<16xi32>
      %xor3A_425 = arith.xori %or3A_424, %add3A_417 : vector<16xi32>
      %add3A_426 = arith.addi %add3A_417, %xor3A_425 : vector<16xi32>
      %broadcast_in_dim3A_427 = arith.constant 29 : i32
      %broadcast_in_dim3A_428 = vector.broadcast %broadcast_in_dim3A_427 : i32 to vector<16xi32>
      %shift_left3A_429 = arith.shli %xor3A_425, %broadcast_in_dim3A_428 : vector<16xi32>
      %broadcast_in_dim3A_430 = arith.constant 3 : i32
      %broadcast_in_dim3A_431 = vector.broadcast %broadcast_in_dim3A_430 : i32 to vector<16xi32>
      %shift_right_logical3A_432 = arith.shrui %xor3A_425, %broadcast_in_dim3A_431 : vector<16xi32>
      %or3A_433 = arith.ori %shift_left3A_429, %shift_right_logical3A_432 : vector<16xi32>
      %xor3A_434 = arith.xori %or3A_433, %add3A_426 : vector<16xi32>
      %add3A_435 = arith.addi %add3A_426, %xor3A_434 : vector<16xi32>
      %broadcast_in_dim3A_436 = arith.constant 16 : i32
      %broadcast_in_dim3A_437 = vector.broadcast %broadcast_in_dim3A_436 : i32 to vector<16xi32>
      %shift_left3A_438 = arith.shli %xor3A_434, %broadcast_in_dim3A_437 : vector<16xi32>
      %broadcast_in_dim3A_439 = arith.constant 16 : i32
      %broadcast_in_dim3A_440 = vector.broadcast %broadcast_in_dim3A_439 : i32 to vector<16xi32>
      %shift_right_logical3A_441 = arith.shrui %xor3A_434, %broadcast_in_dim3A_440 : vector<16xi32>
      %or3A_442 = arith.ori %shift_left3A_438, %shift_right_logical3A_441 : vector<16xi32>
      %xor3A_443 = arith.xori %or3A_442, %add3A_435 : vector<16xi32>
      %add3A_444 = arith.addi %add3A_435, %xor3A_443 : vector<16xi32>
      %broadcast_in_dim3A_445 = arith.constant 24 : i32
      %broadcast_in_dim3A_446 = vector.broadcast %broadcast_in_dim3A_445 : i32 to vector<16xi32>
      %shift_left3A_447 = arith.shli %xor3A_443, %broadcast_in_dim3A_446 : vector<16xi32>
      %broadcast_in_dim3A_448 = arith.constant 8 : i32
      %broadcast_in_dim3A_449 = vector.broadcast %broadcast_in_dim3A_448 : i32 to vector<16xi32>
      %shift_right_logical3A_450 = arith.shrui %xor3A_443, %broadcast_in_dim3A_449 : vector<16xi32>
      %or3A_451 = arith.ori %shift_left3A_447, %shift_right_logical3A_450 : vector<16xi32>
      %xor3A_452 = arith.xori %or3A_451, %add3A_444 : vector<16xi32>
      %broadcast_in_dim3A_453 = arith.constant -379754626 : i32
      %broadcast_in_dim3A_454 = vector.broadcast %broadcast_in_dim3A_453 : i32 to vector<16xi32>
      %add3A_455 = arith.addi %add3A_444, %broadcast_in_dim3A_454 : vector<16xi32>
      %broadcast_in_dim3A_456 = arith.constant 1737057387 : i32
      %broadcast_in_dim3A_457 = vector.broadcast %broadcast_in_dim3A_456 : i32 to vector<16xi32>
      %add3A_458 = arith.addi %xor3A_452, %broadcast_in_dim3A_457 : vector<16xi32>
      %add3A_459 = arith.addi %add3A_455, %add3A_458 : vector<16xi32>
      %broadcast_in_dim3A_460 = arith.constant 13 : i32
      %broadcast_in_dim3A_461 = vector.broadcast %broadcast_in_dim3A_460 : i32 to vector<16xi32>
      %shift_left3A_462 = arith.shli %add3A_458, %broadcast_in_dim3A_461 : vector<16xi32>
      %broadcast_in_dim3A_463 = arith.constant 19 : i32
      %broadcast_in_dim3A_464 = vector.broadcast %broadcast_in_dim3A_463 : i32 to vector<16xi32>
      %shift_right_logical3A_465 = arith.shrui %add3A_458, %broadcast_in_dim3A_464 : vector<16xi32>
      %or3A_466 = arith.ori %shift_left3A_462, %shift_right_logical3A_465 : vector<16xi32>
      %xor3A_467 = arith.xori %or3A_466, %add3A_459 : vector<16xi32>
      %add3A_468 = arith.addi %add3A_459, %xor3A_467 : vector<16xi32>
      %broadcast_in_dim3A_469 = arith.constant 15 : i32
      %broadcast_in_dim3A_470 = vector.broadcast %broadcast_in_dim3A_469 : i32 to vector<16xi32>
      %shift_left3A_471 = arith.shli %xor3A_467, %broadcast_in_dim3A_470 : vector<16xi32>
      %broadcast_in_dim3A_472 = arith.constant 17 : i32
      %broadcast_in_dim3A_473 = vector.broadcast %broadcast_in_dim3A_472 : i32 to vector<16xi32>
      %shift_right_logical3A_474 = arith.shrui %xor3A_467, %broadcast_in_dim3A_473 : vector<16xi32>
      %or3A_475 = arith.ori %shift_left3A_471, %shift_right_logical3A_474 : vector<16xi32>
      %xor3A_476 = arith.xori %or3A_475, %add3A_468 : vector<16xi32>
      %add3A_477 = arith.addi %add3A_468, %xor3A_476 : vector<16xi32>
      %broadcast_in_dim3A_478 = arith.constant 26 : i32
      %broadcast_in_dim3A_479 = vector.broadcast %broadcast_in_dim3A_478 : i32 to vector<16xi32>
      %shift_left3A_480 = arith.shli %xor3A_476, %broadcast_in_dim3A_479 : vector<16xi32>
      %broadcast_in_dim3A_481 = arith.constant 6 : i32
      %broadcast_in_dim3A_482 = vector.broadcast %broadcast_in_dim3A_481 : i32 to vector<16xi32>
      %shift_right_logical3A_483 = arith.shrui %xor3A_476, %broadcast_in_dim3A_482 : vector<16xi32>
      %or3A_484 = arith.ori %shift_left3A_480, %shift_right_logical3A_483 : vector<16xi32>
      %xor3A_485 = arith.xori %or3A_484, %add3A_477 : vector<16xi32>
      %add3A_486 = arith.addi %add3A_477, %xor3A_485 : vector<16xi32>
      %broadcast_in_dim3A_487 = arith.constant 6 : i32
      %broadcast_in_dim3A_488 = vector.broadcast %broadcast_in_dim3A_487 : i32 to vector<16xi32>
      %shift_left3A_489 = arith.shli %xor3A_485, %broadcast_in_dim3A_488 : vector<16xi32>
      %broadcast_in_dim3A_490 = arith.constant 26 : i32
      %broadcast_in_dim3A_491 = vector.broadcast %broadcast_in_dim3A_490 : i32 to vector<16xi32>
      %shift_right_logical3A_492 = arith.shrui %xor3A_485, %broadcast_in_dim3A_491 : vector<16xi32>
      %or3A_493 = arith.ori %shift_left3A_489, %shift_right_logical3A_492 : vector<16xi32>
      %xor3A_494 = arith.xori %or3A_493, %add3A_486 : vector<16xi32>
      %broadcast_in_dim3A_495 = arith.constant 1737057383 : i32
      %broadcast_in_dim3A_496 = vector.broadcast %broadcast_in_dim3A_495 : i32 to vector<16xi32>
      %add3A_497 = arith.addi %add3A_486, %broadcast_in_dim3A_496 : vector<16xi32>
      %broadcast_in_dim3A_498 = arith.constant -1794828088 : i32
      %broadcast_in_dim3A_499 = vector.broadcast %broadcast_in_dim3A_498 : i32 to vector<16xi32>
      %add3A_500 = arith.addi %xor3A_494, %broadcast_in_dim3A_499 : vector<16xi32>
      %xor3A_501 = arith.xori %add3A_497, %add3A_500 : vector<16xi32>
      %broadcast_in_dim3A_502 = arith.constant 49897 : i32
      %broadcast_in_dim3A_503 = vector.broadcast %broadcast_in_dim3A_502 : i32 to vector<16xi32>
      %broadcast_in_dim3A_504 = arith.constant 16 : i32
      %broadcast_in_dim3A_505 = vector.broadcast %broadcast_in_dim3A_504 : i32 to vector<16xi32>
      %shift_right_logical3A_506 = arith.shrui %xor3A_501, %broadcast_in_dim3A_505 : vector<16xi32>
      %broadcast_in_dim3A_507 = arith.constant 65535 : i32
      %broadcast_in_dim3A_508 = vector.broadcast %broadcast_in_dim3A_507 : i32 to vector<16xi32>
      %and3A_509 = arith.andi %xor3A_501, %broadcast_in_dim3A_508 : vector<16xi32>
      %ge3A_510 = arith.cmpi sge, %shift_right_logical3A_506, %broadcast_in_dim3A_503 : vector<16xi32>
      %sub3A_511 = arith.subi %shift_right_logical3A_506, %broadcast_in_dim3A_503 : vector<16xi32>
      %select_n3A_512 = arith.select %ge3A_510, %sub3A_511, %shift_right_logical3A_506 : vector<16xi1>, vector<16xi32>
      %broadcast_in_dim3A_513 = arith.constant 15639 : i32
      %broadcast_in_dim3A_514 = vector.broadcast %broadcast_in_dim3A_513 : i32 to vector<16xi32>
      %mul3A_515 = arith.muli %select_n3A_512, %broadcast_in_dim3A_514 : vector<16xi32>
      %add3A_516 = arith.addi %mul3A_515, %and3A_509 : vector<16xi32>
      %broadcast_in_dim3A_517 = arith.constant 49897 : i32
      %broadcast_in_dim3A_518 = vector.broadcast %broadcast_in_dim3A_517 : i32 to vector<16xi32>
      %convert_element_type3A_519 = arith.sitofp %add3A_516 : vector<16xi32> to vector<16xf32>
      %broadcast_in_dim3A_520 = arith.constant 2.00412851E-5 : f32
      %broadcast_in_dim3A_521 = vector.broadcast %broadcast_in_dim3A_520 : f32 to vector<16xf32>
      %mul3A_522 = arith.mulf %convert_element_type3A_519, %broadcast_in_dim3A_521 : vector<16xf32>
      %convert_element_type3A_523 = arith.fptosi %mul3A_522 : vector<16xf32> to vector<16xi32>
      %mul3A_524 = arith.muli %convert_element_type3A_523, %broadcast_in_dim3A_518 : vector<16xi32>
      %sub3A_525 = arith.subi %add3A_516, %mul3A_524 : vector<16xi32>
      %broadcast_in_dim3A_526 = arith.constant 0 : i32
      %broadcast_in_dim3A_527 = vector.broadcast %broadcast_in_dim3A_526 : i32 to vector<16xi32>
      %lt3A_528 = arith.cmpi slt, %sub3A_525, %broadcast_in_dim3A_527 : vector<16xi32>
      %add3A_529 = arith.addi %sub3A_525, %broadcast_in_dim3A_518 : vector<16xi32>
      %select_n3A_530 = arith.select %lt3A_528, %add3A_529, %sub3A_525 : vector<16xi1>, vector<16xi32>
      %ge3A_531 = arith.cmpi sge, %select_n3A_530, %broadcast_in_dim3A_518 : vector<16xi32>
      %sub3A_532 = arith.subi %select_n3A_530, %broadcast_in_dim3A_518 : vector<16xi32>
      %select_n3A_533 = arith.select %ge3A_531, %sub3A_532, %select_n3A_530 : vector<16xi1>, vector<16xi32>
      %broadcast_in_dim3A_534 = arith.constant 103 : i32
      %broadcast_in_dim3A_535 = vector.broadcast %broadcast_in_dim3A_534 : i32 to vector<16xi32>
      %broadcast_in_dim3A_536 = arith.constant 33124 : i32
      %broadcast_in_dim3A_537 = vector.broadcast %broadcast_in_dim3A_536 : i32 to vector<16xi32>
      %mul3A_538 = arith.muli %select_n3A_285, %broadcast_in_dim3A_537 : vector<16xi32>
      %add3A_539 = arith.addi %mul3A_538, %select_n3A_533 : vector<16xi32>
      %broadcast_in_dim3A_540 = arith.constant 49897 : i32
      %broadcast_in_dim3A_541 = vector.broadcast %broadcast_in_dim3A_540 : i32 to vector<16xi32>
      %convert_element_type3A_542 = arith.sitofp %add3A_539 : vector<16xi32> to vector<16xf32>
      %broadcast_in_dim3A_543 = arith.constant 2.00412851E-5 : f32
      %broadcast_in_dim3A_544 = vector.broadcast %broadcast_in_dim3A_543 : f32 to vector<16xf32>
      %mul3A_545 = arith.mulf %convert_element_type3A_542, %broadcast_in_dim3A_544 : vector<16xf32>
      %convert_element_type3A_546 = arith.fptosi %mul3A_545 : vector<16xf32> to vector<16xi32>
      %mul3A_547 = arith.muli %convert_element_type3A_546, %broadcast_in_dim3A_541 : vector<16xi32>
      %sub3A_548 = arith.subi %add3A_539, %mul3A_547 : vector<16xi32>
      %broadcast_in_dim3A_549 = arith.constant 0 : i32
      %broadcast_in_dim3A_550 = vector.broadcast %broadcast_in_dim3A_549 : i32 to vector<16xi32>
      %lt3A_551 = arith.cmpi slt, %sub3A_548, %broadcast_in_dim3A_550 : vector<16xi32>
      %add3A_552 = arith.addi %sub3A_548, %broadcast_in_dim3A_541 : vector<16xi32>
      %select_n3A_553 = arith.select %lt3A_551, %add3A_552, %sub3A_548 : vector<16xi1>, vector<16xi32>
      %ge3A_554 = arith.cmpi sge, %select_n3A_553, %broadcast_in_dim3A_541 : vector<16xi32>
      %sub3A_555 = arith.subi %select_n3A_553, %broadcast_in_dim3A_541 : vector<16xi32>
      %select_n3A_556 = arith.select %ge3A_554, %sub3A_555, %select_n3A_553 : vector<16xi1>, vector<16xi32>
      %add3A_557 = arith.addi %broadcast_in_dim3A_535, %select_n3A_556 : vector<16xi32>
      %broadcast_in_dim3A_558 = arith.constant 8 : i32
      %broadcast_in_dim3A_559 = vector.broadcast %broadcast_in_dim3A_558 : i32 to vector<16xi32>
      %shift_right_logical3A_560 = arith.shrui %get3A_42, %broadcast_in_dim3A_559 : vector<16xi32>
      %broadcast_in_dim3A_561 = arith.constant 255 : i32
      %broadcast_in_dim3A_562 = vector.broadcast %broadcast_in_dim3A_561 : i32 to vector<16xi32>
      %and3A_563 = arith.andi %get3A_42, %broadcast_in_dim3A_562 : vector<16xi32>
      tpu.vector_store_idx %arg5[%shift_right_logical3A_560, %and3A_563], %add3A_557 masked %lt3A : memref<32x256xi32, #tpu.memory_space<vmem>>[vector<16xi32>, vector<16xi32>], vector<16xi32>, vector<16xi1>
    }
    %while3A_35 = arith.constant 1 : i32
    scf.for %while3A_36 = %while3A_33 to %while3A_29 step %while3A_35  : i32 {
      %mul3A_37 = arith.constant 16 : i32
      %mul3A_38 = arith.muli %while3A_36, %mul3A_37 : i32
      %get3A_39 = arith.index_cast %mul3A_38 : i32 to index
      %get3A_40 = tpu.vector_load %arg7[%get3A_39] {strides = array<i32>} : memref<144xi32, #tpu.memory_space<vmem>>, vector<16xi32>,
      %get3A_41 = arith.index_cast %mul3A_38 : i32 to index
      %get3A_42 = tpu.vector_load %arg8[%get3A_41] {strides = array<i32>} : memref<144xi32, #tpu.memory_space<vmem>>, vector<16xi32>,
      %broadcast_in_dim3A_43 = vector.broadcast %mul3A_38 : i32 to vector<16xi32>
      %add3A_44 = arith.addi %iota3A, %broadcast_in_dim3A_43 : vector<16xi32>
      %broadcast_in_dim3A_45 = vector.broadcast %get3A_22 : i32 to vector<16xi32>
      %lt3A = arith.cmpi slt, %add3A_44, %broadcast_in_dim3A_45 : vector<16xi32>
      %broadcast_in_dim3A_46 = arith.constant -63730761 : i32
      %broadcast_in_dim3A_47 = vector.broadcast %broadcast_in_dim3A_46 : i32 to vector<16xi32>
      %add3A_48 = arith.addi %get3A_40, %broadcast_in_dim3A_47 : vector<16xi32>
      %broadcast_in_dim3A_49 = arith.constant 1905316645 : i32
      %broadcast_in_dim3A_50 = vector.broadcast %broadcast_in_dim3A_49 : i32 to vector<16xi32>
      %add3A_51 = arith.addi %get3A_40, %broadcast_in_dim3A_50 : vector<16xi32>
      %broadcast_in_dim3A_52 = arith.constant 13 : i32
      %broadcast_in_dim3A_53 = vector.broadcast %broadcast_in_dim3A_52 : i32 to vector<16xi32>
      %shift_left3A = arith.shli %add3A_51, %broadcast_in_dim3A_53 : vector<16xi32>
      %broadcast_in_dim3A_54 = arith.constant 19 : i32
      %broadcast_in_dim3A_55 = vector.broadcast %broadcast_in_dim3A_54 : i32 to vector<16xi32>
      %shift_right_logical3A = arith.shrui %add3A_51, %broadcast_in_dim3A_55 : vector<16xi32>
      %or3A = arith.ori %shift_left3A, %shift_right_logical3A : vector<16xi32>
      %xor3A = arith.xori %or3A, %add3A_48 : vector<16xi32>
      %add3A_56 = arith.addi %add3A_48, %xor3A : vector<16xi32>
      %broadcast_in_dim3A_57 = arith.constant 15 : i32
      %broadcast_in_dim3A_58 = vector.broadcast %broadcast_in_dim3A_57 : i32 to vector<16xi32>
      %shift_left3A_59 = arith.shli %xor3A, %broadcast_in_dim3A_58 : vector<16xi32>
      %broadcast_in_dim3A_60 = arith.constant 17 : i32
      %broadcast_in_dim3A_61 = vector.broadcast %broadcast_in_dim3A_60 : i32 to vector<16xi32>
      %shift_right_logical3A_62 = arith.shrui %xor3A, %broadcast_in_dim3A_61 : vector<16xi32>
      %or3A_63 = arith.ori %shift_left3A_59, %shift_right_logical3A_62 : vector<16xi32>
      %xor3A_64 = arith.xori %or3A_63, %add3A_56 : vector<16xi32>
      %add3A_65 = arith.addi %add3A_56, %xor3A_64 : vector<16xi32>
      %broadcast_in_dim3A_66 = arith.constant 26 : i32
      %broadcast_in_dim3A_67 = vector.broadcast %broadcast_in_dim3A_66 : i32 to vector<16xi32>
      %shift_left3A_68 = arith.shli %xor3A_64, %broadcast_in_dim3A_67 : vector<16xi32>
      %broadcast_in_dim3A_69 = arith.constant 6 : i32
      %broadcast_in_dim3A_70 = vector.broadcast %broadcast_in_dim3A_69 : i32 to vector<16xi32>
      %shift_right_logical3A_71 = arith.shrui %xor3A_64, %broadcast_in_dim3A_70 : vector<16xi32>
      %or3A_72 = arith.ori %shift_left3A_68, %shift_right_logical3A_71 : vector<16xi32>
      %xor3A_73 = arith.xori %or3A_72, %add3A_65 : vector<16xi32>
      %add3A_74 = arith.addi %add3A_65, %xor3A_73 : vector<16xi32>
      %broadcast_in_dim3A_75 = arith.constant 6 : i32
      %broadcast_in_dim3A_76 = vector.broadcast %broadcast_in_dim3A_75 : i32 to vector<16xi32>
      %shift_left3A_77 = arith.shli %xor3A_73, %broadcast_in_dim3A_76 : vector<16xi32>
      %broadcast_in_dim3A_78 = arith.constant 26 : i32
      %broadcast_in_dim3A_79 = vector.broadcast %broadcast_in_dim3A_78 : i32 to vector<16xi32>
      %shift_right_logical3A_80 = arith.shrui %xor3A_73, %broadcast_in_dim3A_79 : vector<16xi32>
      %or3A_81 = arith.ori %shift_left3A_77, %shift_right_logical3A_80 : vector<16xi32>
      %xor3A_82 = arith.xori %or3A_81, %add3A_74 : vector<16xi32>
      %broadcast_in_dim3A_83 = arith.constant 1905316645 : i32
      %broadcast_in_dim3A_84 = vector.broadcast %broadcast_in_dim3A_83 : i32 to vector<16xi32>
      %add3A_85 = arith.addi %add3A_74, %broadcast_in_dim3A_84 : vector<16xi32>
      %broadcast_in_dim3A_86 = arith.constant -521965458 : i32
      %broadcast_in_dim3A_87 = vector.broadcast %broadcast_in_dim3A_86 : i32 to vector<16xi32>
      %add3A_88 = arith.addi %xor3A_82, %broadcast_in_dim3A_87 : vector<16xi32>
      %add3A_89 = arith.addi %add3A_85, %add3A_88 : vector<16xi32>
      %broadcast_in_dim3A_90 = arith.constant 17 : i32
      %broadcast_in_dim3A_91 = vector.broadcast %broadcast_in_dim3A_90 : i32 to vector<16xi32>
      %shift_left3A_92 = arith.shli %add3A_88, %broadcast_in_dim3A_91 : vector<16xi32>
      %broadcast_in_dim3A_93 = arith.constant 15 : i32
      %broadcast_in_dim3A_94 = vector.broadcast %broadcast_in_dim3A_93 : i32 to vector<16xi32>
      %shift_right_logical3A_95 = arith.shrui %add3A_88, %broadcast_in_dim3A_94 : vector<16xi32>
      %or3A_96 = arith.ori %shift_left3A_92, %shift_right_logical3A_95 : vector<16xi32>
      %xor3A_97 = arith.xori %or3A_96, %add3A_89 : vector<16xi32>
      %add3A_98 = arith.addi %add3A_89, %xor3A_97 : vector<16xi32>
      %broadcast_in_dim3A_99 = arith.constant 29 : i32
      %broadcast_in_dim3A_100 = vector.broadcast %broadcast_in_dim3A_99 : i32 to vector<16xi32>
      %shift_left3A_101 = arith.shli %xor3A_97, %broadcast_in_dim3A_100 : vector<16xi32>
      %broadcast_in_dim3A_102 = arith.constant 3 : i32
      %broadcast_in_dim3A_103 = vector.broadcast %broadcast_in_dim3A_102 : i32 to vector<16xi32>
      %shift_right_logical3A_104 = arith.shrui %xor3A_97, %broadcast_in_dim3A_103 : vector<16xi32>
      %or3A_105 = arith.ori %shift_left3A_101, %shift_right_logical3A_104 : vector<16xi32>
      %xor3A_106 = arith.xori %or3A_105, %add3A_98 : vector<16xi32>
      %add3A_107 = arith.addi %add3A_98, %xor3A_106 : vector<16xi32>
      %broadcast_in_dim3A_108 = arith.constant 16 : i32
      %broadcast_in_dim3A_109 = vector.broadcast %broadcast_in_dim3A_108 : i32 to vector<16xi32>
      %shift_left3A_110 = arith.shli %xor3A_106, %broadcast_in_dim3A_109 : vector<16xi32>
      %broadcast_in_dim3A_111 = arith.constant 16 : i32
      %broadcast_in_dim3A_112 = vector.broadcast %broadcast_in_dim3A_111 : i32 to vector<16xi32>
      %shift_right_logical3A_113 = arith.shrui %xor3A_106, %broadcast_in_dim3A_112 : vector<16xi32>
      %or3A_114 = arith.ori %shift_left3A_110, %shift_right_logical3A_113 : vector<16xi32>
      %xor3A_115 = arith.xori %or3A_114, %add3A_107 : vector<16xi32>
      %add3A_116 = arith.addi %add3A_107, %xor3A_115 : vector<16xi32>
      %broadcast_in_dim3A_117 = arith.constant 24 : i32
      %broadcast_in_dim3A_118 = vector.broadcast %broadcast_in_dim3A_117 : i32 to vector<16xi32>
      %shift_left3A_119 = arith.shli %xor3A_115, %broadcast_in_dim3A_118 : vector<16xi32>
      %broadcast_in_dim3A_120 = arith.constant 8 : i32
      %broadcast_in_dim3A_121 = vector.broadcast %broadcast_in_dim3A_120 : i32 to vector<16xi32>
      %shift_right_logical3A_122 = arith.shrui %xor3A_115, %broadcast_in_dim3A_121 : vector<16xi32>
      %or3A_123 = arith.ori %shift_left3A_119, %shift_right_logical3A_122 : vector<16xi32>
      %xor3A_124 = arith.xori %or3A_123, %add3A_116 : vector<16xi32>
      %broadcast_in_dim3A_125 = arith.constant -521965459 : i32
      %broadcast_in_dim3A_126 = vector.broadcast %broadcast_in_dim3A_125 : i32 to vector<16xi32>
      %add3A_127 = arith.addi %add3A_116, %broadcast_in_dim3A_126 : vector<16xi32>
      %broadcast_in_dim3A_128 = arith.constant -1969047404 : i32
      %broadcast_in_dim3A_129 = vector.broadcast %broadcast_in_dim3A_128 : i32 to vector<16xi32>
      %add3A_130 = arith.addi %xor3A_124, %broadcast_in_dim3A_129 : vector<16xi32>
      %add3A_131 = arith.addi %add3A_127, %add3A_130 : vector<16xi32>
      %broadcast_in_dim3A_132 = arith.constant 13 : i32
      %broadcast_in_dim3A_133 = vector.broadcast %broadcast_in_dim3A_132 : i32 to vector<16xi32>
      %shift_left3A_134 = arith.shli %add3A_130, %broadcast_in_dim3A_133 : vector<16xi32>
      %broadcast_in_dim3A_135 = arith.constant 19 : i32
      %broadcast_in_dim3A_136 = vector.broadcast %broadcast_in_dim3A_135 : i32 to vector<16xi32>
      %shift_right_logical3A_137 = arith.shrui %add3A_130, %broadcast_in_dim3A_136 : vector<16xi32>
      %or3A_138 = arith.ori %shift_left3A_134, %shift_right_logical3A_137 : vector<16xi32>
      %xor3A_139 = arith.xori %or3A_138, %add3A_131 : vector<16xi32>
      %add3A_140 = arith.addi %add3A_131, %xor3A_139 : vector<16xi32>
      %broadcast_in_dim3A_141 = arith.constant 15 : i32
      %broadcast_in_dim3A_142 = vector.broadcast %broadcast_in_dim3A_141 : i32 to vector<16xi32>
      %shift_left3A_143 = arith.shli %xor3A_139, %broadcast_in_dim3A_142 : vector<16xi32>
      %broadcast_in_dim3A_144 = arith.constant 17 : i32
      %broadcast_in_dim3A_145 = vector.broadcast %broadcast_in_dim3A_144 : i32 to vector<16xi32>
      %shift_right_logical3A_146 = arith.shrui %xor3A_139, %broadcast_in_dim3A_145 : vector<16xi32>
      %or3A_147 = arith.ori %shift_left3A_143, %shift_right_logical3A_146 : vector<16xi32>
      %xor3A_148 = arith.xori %or3A_147, %add3A_140 : vector<16xi32>
      %add3A_149 = arith.addi %add3A_140, %xor3A_148 : vector<16xi32>
      %broadcast_in_dim3A_150 = arith.constant 26 : i32
      %broadcast_in_dim3A_151 = vector.broadcast %broadcast_in_dim3A_150 : i32 to vector<16xi32>
      %shift_left3A_152 = arith.shli %xor3A_148, %broadcast_in_dim3A_151 : vector<16xi32>
      %broadcast_in_dim3A_153 = arith.constant 6 : i32
      %broadcast_in_dim3A_154 = vector.broadcast %broadcast_in_dim3A_153 : i32 to vector<16xi32>
      %shift_right_logical3A_155 = arith.shrui %xor3A_148, %broadcast_in_dim3A_154 : vector<16xi32>
      %or3A_156 = arith.ori %shift_left3A_152, %shift_right_logical3A_155 : vector<16xi32>
      %xor3A_157 = arith.xori %or3A_156, %add3A_149 : vector<16xi32>
      %add3A_158 = arith.addi %add3A_149, %xor3A_157 : vector<16xi32>
      %broadcast_in_dim3A_159 = arith.constant 6 : i32
      %broadcast_in_dim3A_160 = vector.broadcast %broadcast_in_dim3A_159 : i32 to vector<16xi32>
      %shift_left3A_161 = arith.shli %xor3A_157, %broadcast_in_dim3A_160 : vector<16xi32>
      %broadcast_in_dim3A_162 = arith.constant 26 : i32
      %broadcast_in_dim3A_163 = vector.broadcast %broadcast_in_dim3A_162 : i32 to vector<16xi32>
      %shift_right_logical3A_164 = arith.shrui %xor3A_157, %broadcast_in_dim3A_163 : vector<16xi32>
      %or3A_165 = arith.ori %shift_left3A_161, %shift_right_logical3A_164 : vector<16xi32>
      %xor3A_166 = arith.xori %or3A_165, %add3A_158 : vector<16xi32>
      %broadcast_in_dim3A_167 = arith.constant -1969047406 : i32
      %broadcast_in_dim3A_168 = vector.broadcast %broadcast_in_dim3A_167 : i32 to vector<16xi32>
      %add3A_169 = arith.addi %add3A_158, %broadcast_in_dim3A_168 : vector<16xi32>
      %broadcast_in_dim3A_170 = arith.constant 1905316648 : i32
      %broadcast_in_dim3A_171 = vector.broadcast %broadcast_in_dim3A_170 : i32 to vector<16xi32>
      %add3A_172 = arith.addi %xor3A_166, %broadcast_in_dim3A_171 : vector<16xi32>
      %add3A_173 = arith.addi %add3A_169, %add3A_172 : vector<16xi32>
      %broadcast_in_dim3A_174 = arith.constant 17 : i32
      %broadcast_in_dim3A_175 = vector.broadcast %broadcast_in_dim3A_174 : i32 to vector<16xi32>
      %shift_left3A_176 = arith.shli %add3A_172, %broadcast_in_dim3A_175 : vector<16xi32>
      %broadcast_in_dim3A_177 = arith.constant 15 : i32
      %broadcast_in_dim3A_178 = vector.broadcast %broadcast_in_dim3A_177 : i32 to vector<16xi32>
      %shift_right_logical3A_179 = arith.shrui %add3A_172, %broadcast_in_dim3A_178 : vector<16xi32>
      %or3A_180 = arith.ori %shift_left3A_176, %shift_right_logical3A_179 : vector<16xi32>
      %xor3A_181 = arith.xori %or3A_180, %add3A_173 : vector<16xi32>
      %add3A_182 = arith.addi %add3A_173, %xor3A_181 : vector<16xi32>
      %broadcast_in_dim3A_183 = arith.constant 29 : i32
      %broadcast_in_dim3A_184 = vector.broadcast %broadcast_in_dim3A_183 : i32 to vector<16xi32>
      %shift_left3A_185 = arith.shli %xor3A_181, %broadcast_in_dim3A_184 : vector<16xi32>
      %broadcast_in_dim3A_186 = arith.constant 3 : i32
      %broadcast_in_dim3A_187 = vector.broadcast %broadcast_in_dim3A_186 : i32 to vector<16xi32>
      %shift_right_logical3A_188 = arith.shrui %xor3A_181, %broadcast_in_dim3A_187 : vector<16xi32>
      %or3A_189 = arith.ori %shift_left3A_185, %shift_right_logical3A_188 : vector<16xi32>
      %xor3A_190 = arith.xori %or3A_189, %add3A_182 : vector<16xi32>
      %add3A_191 = arith.addi %add3A_182, %xor3A_190 : vector<16xi32>
      %broadcast_in_dim3A_192 = arith.constant 16 : i32
      %broadcast_in_dim3A_193 = vector.broadcast %broadcast_in_dim3A_192 : i32 to vector<16xi32>
      %shift_left3A_194 = arith.shli %xor3A_190, %broadcast_in_dim3A_193 : vector<16xi32>
      %broadcast_in_dim3A_195 = arith.constant 16 : i32
      %broadcast_in_dim3A_196 = vector.broadcast %broadcast_in_dim3A_195 : i32 to vector<16xi32>
      %shift_right_logical3A_197 = arith.shrui %xor3A_190, %broadcast_in_dim3A_196 : vector<16xi32>
      %or3A_198 = arith.ori %shift_left3A_194, %shift_right_logical3A_197 : vector<16xi32>
      %xor3A_199 = arith.xori %or3A_198, %add3A_191 : vector<16xi32>
      %add3A_200 = arith.addi %add3A_191, %xor3A_199 : vector<16xi32>
      %broadcast_in_dim3A_201 = arith.constant 24 : i32
      %broadcast_in_dim3A_202 = vector.broadcast %broadcast_in_dim3A_201 : i32 to vector<16xi32>
      %shift_left3A_203 = arith.shli %xor3A_199, %broadcast_in_dim3A_202 : vector<16xi32>
      %broadcast_in_dim3A_204 = arith.constant 8 : i32
      %broadcast_in_dim3A_205 = vector.broadcast %broadcast_in_dim3A_204 : i32 to vector<16xi32>
      %shift_right_logical3A_206 = arith.shrui %xor3A_199, %broadcast_in_dim3A_205 : vector<16xi32>
      %or3A_207 = arith.ori %shift_left3A_203, %shift_right_logical3A_206 : vector<16xi32>
      %xor3A_208 = arith.xori %or3A_207, %add3A_200 : vector<16xi32>
      %broadcast_in_dim3A_209 = arith.constant 1905316645 : i32
      %broadcast_in_dim3A_210 = vector.broadcast %broadcast_in_dim3A_209 : i32 to vector<16xi32>
      %add3A_211 = arith.addi %add3A_200, %broadcast_in_dim3A_210 : vector<16xi32>
      %broadcast_in_dim3A_212 = arith.constant -521965455 : i32
      %broadcast_in_dim3A_213 = vector.broadcast %broadcast_in_dim3A_212 : i32 to vector<16xi32>
      %add3A_214 = arith.addi %xor3A_208, %broadcast_in_dim3A_213 : vector<16xi32>
      %add3A_215 = arith.addi %add3A_211, %add3A_214 : vector<16xi32>
      %broadcast_in_dim3A_216 = arith.constant 13 : i32
      %broadcast_in_dim3A_217 = vector.broadcast %broadcast_in_dim3A_216 : i32 to vector<16xi32>
      %shift_left3A_218 = arith.shli %add3A_214, %broadcast_in_dim3A_217 : vector<16xi32>
      %broadcast_in_dim3A_219 = arith.constant 19 : i32
      %broadcast_in_dim3A_220 = vector.broadcast %broadcast_in_dim3A_219 : i32 to vector<16xi32>
      %shift_right_logical3A_221 = arith.shrui %add3A_214, %broadcast_in_dim3A_220 : vector<16xi32>
      %or3A_222 = arith.ori %shift_left3A_218, %shift_right_logical3A_221 : vector<16xi32>
      %xor3A_223 = arith.xori %or3A_222, %add3A_215 : vector<16xi32>
      %add3A_224 = arith.addi %add3A_215, %xor3A_223 : vector<16xi32>
      %broadcast_in_dim3A_225 = arith.constant 15 : i32
      %broadcast_in_dim3A_226 = vector.broadcast %broadcast_in_dim3A_225 : i32 to vector<16xi32>
      %shift_left3A_227 = arith.shli %xor3A_223, %broadcast_in_dim3A_226 : vector<16xi32>
      %broadcast_in_dim3A_228 = arith.constant 17 : i32
      %broadcast_in_dim3A_229 = vector.broadcast %broadcast_in_dim3A_228 : i32 to vector<16xi32>
      %shift_right_logical3A_230 = arith.shrui %xor3A_223, %broadcast_in_dim3A_229 : vector<16xi32>
      %or3A_231 = arith.ori %shift_left3A_227, %shift_right_logical3A_230 : vector<16xi32>
      %xor3A_232 = arith.xori %or3A_231, %add3A_224 : vector<16xi32>
      %add3A_233 = arith.addi %add3A_224, %xor3A_232 : vector<16xi32>
      %broadcast_in_dim3A_234 = arith.constant 26 : i32
      %broadcast_in_dim3A_235 = vector.broadcast %broadcast_in_dim3A_234 : i32 to vector<16xi32>
      %shift_left3A_236 = arith.shli %xor3A_232, %broadcast_in_dim3A_235 : vector<16xi32>
      %broadcast_in_dim3A_237 = arith.constant 6 : i32
      %broadcast_in_dim3A_238 = vector.broadcast %broadcast_in_dim3A_237 : i32 to vector<16xi32>
      %shift_right_logical3A_239 = arith.shrui %xor3A_232, %broadcast_in_dim3A_238 : vector<16xi32>
      %or3A_240 = arith.ori %shift_left3A_236, %shift_right_logical3A_239 : vector<16xi32>
      %xor3A_241 = arith.xori %or3A_240, %add3A_233 : vector<16xi32>
      %add3A_242 = arith.addi %add3A_233, %xor3A_241 : vector<16xi32>
      %broadcast_in_dim3A_243 = arith.constant 6 : i32
      %broadcast_in_dim3A_244 = vector.broadcast %broadcast_in_dim3A_243 : i32 to vector<16xi32>
      %shift_left3A_245 = arith.shli %xor3A_241, %broadcast_in_dim3A_244 : vector<16xi32>
      %broadcast_in_dim3A_246 = arith.constant 26 : i32
      %broadcast_in_dim3A_247 = vector.broadcast %broadcast_in_dim3A_246 : i32 to vector<16xi32>
      %shift_right_logical3A_248 = arith.shrui %xor3A_241, %broadcast_in_dim3A_247 : vector<16xi32>
      %or3A_249 = arith.ori %shift_left3A_245, %shift_right_logical3A_248 : vector<16xi32>
      %xor3A_250 = arith.xori %or3A_249, %add3A_242 : vector<16xi32>
      %broadcast_in_dim3A_251 = arith.constant -521965459 : i32
      %broadcast_in_dim3A_252 = vector.broadcast %broadcast_in_dim3A_251 : i32 to vector<16xi32>
      %add3A_253 = arith.addi %add3A_242, %broadcast_in_dim3A_252 : vector<16xi32>
      %broadcast_in_dim3A_254 = arith.constant -1969047401 : i32
      %broadcast_in_dim3A_255 = vector.broadcast %broadcast_in_dim3A_254 : i32 to vector<16xi32>
      %add3A_256 = arith.addi %xor3A_250, %broadcast_in_dim3A_255 : vector<16xi32>
      %xor3A_257 = arith.xori %add3A_253, %add3A_256 : vector<16xi32>
      %broadcast_in_dim3A_258 = arith.constant 49897 : i32
      %broadcast_in_dim3A_259 = vector.broadcast %broadcast_in_dim3A_258 : i32 to vector<16xi32>
      %broadcast_in_dim3A_260 = arith.constant 16 : i32
      %broadcast_in_dim3A_261 = vector.broadcast %broadcast_in_dim3A_260 : i32 to vector<16xi32>
      %shift_right_logical3A_262 = arith.shrui %xor3A_257, %broadcast_in_dim3A_261 : vector<16xi32>
      %broadcast_in_dim3A_263 = arith.constant 65535 : i32
      %broadcast_in_dim3A_264 = vector.broadcast %broadcast_in_dim3A_263 : i32 to vector<16xi32>
      %and3A_265 = arith.andi %xor3A_257, %broadcast_in_dim3A_264 : vector<16xi32>
      %ge3A = arith.cmpi sge, %shift_right_logical3A_262, %broadcast_in_dim3A_259 : vector<16xi32>
      %sub3A = arith.subi %shift_right_logical3A_262, %broadcast_in_dim3A_259 : vector<16xi32>
      %select_n3A = arith.select %ge3A, %sub3A, %shift_right_logical3A_262 : vector<16xi1>, vector<16xi32>
      %broadcast_in_dim3A_266 = arith.constant 15639 : i32
      %broadcast_in_dim3A_267 = vector.broadcast %broadcast_in_dim3A_266 : i32 to vector<16xi32>
      %mul3A_268 = arith.muli %select_n3A, %broadcast_in_dim3A_267 : vector<16xi32>
      %add3A_269 = arith.addi %mul3A_268, %and3A_265 : vector<16xi32>
      %broadcast_in_dim3A_270 = arith.constant 49897 : i32
      %broadcast_in_dim3A_271 = vector.broadcast %broadcast_in_dim3A_270 : i32 to vector<16xi32>
      %convert_element_type3A = arith.sitofp %add3A_269 : vector<16xi32> to vector<16xf32>
      %broadcast_in_dim3A_272 = arith.constant 2.00412851E-5 : f32
      %broadcast_in_dim3A_273 = vector.broadcast %broadcast_in_dim3A_272 : f32 to vector<16xf32>
      %mul3A_274 = arith.mulf %convert_element_type3A, %broadcast_in_dim3A_273 : vector<16xf32>
      %convert_element_type3A_275 = arith.fptosi %mul3A_274 : vector<16xf32> to vector<16xi32>
      %mul3A_276 = arith.muli %convert_element_type3A_275, %broadcast_in_dim3A_271 : vector<16xi32>
      %sub3A_277 = arith.subi %add3A_269, %mul3A_276 : vector<16xi32>
      %broadcast_in_dim3A_278 = arith.constant 0 : i32
      %broadcast_in_dim3A_279 = vector.broadcast %broadcast_in_dim3A_278 : i32 to vector<16xi32>
      %lt3A_280 = arith.cmpi slt, %sub3A_277, %broadcast_in_dim3A_279 : vector<16xi32>
      %add3A_281 = arith.addi %sub3A_277, %broadcast_in_dim3A_271 : vector<16xi32>
      %select_n3A_282 = arith.select %lt3A_280, %add3A_281, %sub3A_277 : vector<16xi1>, vector<16xi32>
      %ge3A_283 = arith.cmpi sge, %select_n3A_282, %broadcast_in_dim3A_271 : vector<16xi32>
      %sub3A_284 = arith.subi %select_n3A_282, %broadcast_in_dim3A_271 : vector<16xi32>
      %select_n3A_285 = arith.select %ge3A_283, %sub3A_284, %select_n3A_282 : vector<16xi1>, vector<16xi32>
      %broadcast_in_dim3A_286 = arith.constant 2120384577 : i32
      %broadcast_in_dim3A_287 = vector.broadcast %broadcast_in_dim3A_286 : i32 to vector<16xi32>
      %add3A_288 = arith.addi %get3A_40, %broadcast_in_dim3A_287 : vector<16xi32>
      %broadcast_in_dim3A_289 = arith.constant -379754626 : i32
      %broadcast_in_dim3A_290 = vector.broadcast %broadcast_in_dim3A_289 : i32 to vector<16xi32>
      %add3A_291 = arith.addi %get3A_40, %broadcast_in_dim3A_290 : vector<16xi32>
      %broadcast_in_dim3A_292 = arith.constant 13 : i32
      %broadcast_in_dim3A_293 = vector.broadcast %broadcast_in_dim3A_292 : i32 to vector<16xi32>
      %shift_left3A_294 = arith.shli %add3A_291, %broadcast_in_dim3A_293 : vector<16xi32>
      %broadcast_in_dim3A_295 = arith.constant 19 : i32
      %broadcast_in_dim3A_296 = vector.broadcast %broadcast_in_dim3A_295 : i32 to vector<16xi32>
      %shift_right_logical3A_297 = arith.shrui %add3A_291, %broadcast_in_dim3A_296 : vector<16xi32>
      %or3A_298 = arith.ori %shift_left3A_294, %shift_right_logical3A_297 : vector<16xi32>
      %xor3A_299 = arith.xori %or3A_298, %add3A_288 : vector<16xi32>
      %add3A_300 = arith.addi %add3A_288, %xor3A_299 : vector<16xi32>
      %broadcast_in_dim3A_301 = arith.constant 15 : i32
      %broadcast_in_dim3A_302 = vector.broadcast %broadcast_in_dim3A_301 : i32 to vector<16xi32>
      %shift_left3A_303 = arith.shli %xor3A_299, %broadcast_in_dim3A_302 : vector<16xi32>
      %broadcast_in_dim3A_304 = arith.constant 17 : i32
      %broadcast_in_dim3A_305 = vector.broadcast %broadcast_in_dim3A_304 : i32 to vector<16xi32>
      %shift_right_logical3A_306 = arith.shrui %xor3A_299, %broadcast_in_dim3A_305 : vector<16xi32>
      %or3A_307 = arith.ori %shift_left3A_303, %shift_right_logical3A_306 : vector<16xi32>
      %xor3A_308 = arith.xori %or3A_307, %add3A_300 : vector<16xi32>
      %add3A_309 = arith.addi %add3A_300, %xor3A_308 : vector<16xi32>
      %broadcast_in_dim3A_310 = arith.constant 26 : i32
      %broadcast_in_dim3A_311 = vector.broadcast %broadcast_in_dim3A_310 : i32 to vector<16xi32>
      %shift_left3A_312 = arith.shli %xor3A_308, %broadcast_in_dim3A_311 : vector<16xi32>
      %broadcast_in_dim3A_313 = arith.constant 6 : i32
      %broadcast_in_dim3A_314 = vector.broadcast %broadcast_in_dim3A_313 : i32 to vector<16xi32>
      %shift_right_logical3A_315 = arith.shrui %xor3A_308, %broadcast_in_dim3A_314 : vector<16xi32>
      %or3A_316 = arith.ori %shift_left3A_312, %shift_right_logical3A_315 : vector<16xi32>
      %xor3A_317 = arith.xori %or3A_316, %add3A_309 : vector<16xi32>
      %add3A_318 = arith.addi %add3A_309, %xor3A_317 : vector<16xi32>
      %broadcast_in_dim3A_319 = arith.constant 6 : i32
      %broadcast_in_dim3A_320 = vector.broadcast %broadcast_in_dim3A_319 : i32 to vector<16xi32>
      %shift_left3A_321 = arith.shli %xor3A_317, %broadcast_in_dim3A_320 : vector<16xi32>
      %broadcast_in_dim3A_322 = arith.constant 26 : i32
      %broadcast_in_dim3A_323 = vector.broadcast %broadcast_in_dim3A_322 : i32 to vector<16xi32>
      %shift_right_logical3A_324 = arith.shrui %xor3A_317, %broadcast_in_dim3A_323 : vector<16xi32>
      %or3A_325 = arith.ori %shift_left3A_321, %shift_right_logical3A_324 : vector<16xi32>
      %xor3A_326 = arith.xori %or3A_325, %add3A_318 : vector<16xi32>
      %broadcast_in_dim3A_327 = arith.constant -379754626 : i32
      %broadcast_in_dim3A_328 = vector.broadcast %broadcast_in_dim3A_327 : i32 to vector<16xi32>
      %add3A_329 = arith.addi %add3A_318, %broadcast_in_dim3A_328 : vector<16xi32>
      %broadcast_in_dim3A_330 = arith.constant 1737057384 : i32
      %broadcast_in_dim3A_331 = vector.broadcast %broadcast_in_dim3A_330 : i32 to vector<16xi32>
      %add3A_332 = arith.addi %xor3A_326, %broadcast_in_dim3A_331 : vector<16xi32>
      %add3A_333 = arith.addi %add3A_329, %add3A_332 : vector<16xi32>
      %broadcast_in_dim3A_334 = arith.constant 17 : i32
      %broadcast_in_dim3A_335 = vector.broadcast %broadcast_in_dim3A_334 : i32 to vector<16xi32>
      %shift_left3A_336 = arith.shli %add3A_332, %broadcast_in_dim3A_335 : vector<16xi32>
      %broadcast_in_dim3A_337 = arith.constant 15 : i32
      %broadcast_in_dim3A_338 = vector.broadcast %broadcast_in_dim3A_337 : i32 to vector<16xi32>
      %shift_right_logical3A_339 = arith.shrui %add3A_332, %broadcast_in_dim3A_338 : vector<16xi32>
      %or3A_340 = arith.ori %shift_left3A_336, %shift_right_logical3A_339 : vector<16xi32>
      %xor3A_341 = arith.xori %or3A_340, %add3A_333 : vector<16xi32>
      %add3A_342 = arith.addi %add3A_333, %xor3A_341 : vector<16xi32>
      %broadcast_in_dim3A_343 = arith.constant 29 : i32
      %broadcast_in_dim3A_344 = vector.broadcast %broadcast_in_dim3A_343 : i32 to vector<16xi32>
      %shift_left3A_345 = arith.shli %xor3A_341, %broadcast_in_dim3A_344 : vector<16xi32>
      %broadcast_in_dim3A_346 = arith.constant 3 : i32
      %broadcast_in_dim3A_347 = vector.broadcast %broadcast_in_dim3A_346 : i32 to vector<16xi32>
      %shift_right_logical3A_348 = arith.shrui %xor3A_341, %broadcast_in_dim3A_347 : vector<16xi32>
      %or3A_349 = arith.ori %shift_left3A_345, %shift_right_logical3A_348 : vector<16xi32>
      %xor3A_350 = arith.xori %or3A_349, %add3A_342 : vector<16xi32>
      %add3A_351 = arith.addi %add3A_342, %xor3A_350 : vector<16xi32>
      %broadcast_in_dim3A_352 = arith.constant 16 : i32
      %broadcast_in_dim3A_353 = vector.broadcast %broadcast_in_dim3A_352 : i32 to vector<16xi32>
      %shift_left3A_354 = arith.shli %xor3A_350, %broadcast_in_dim3A_353 : vector<16xi32>
      %broadcast_in_dim3A_355 = arith.constant 16 : i32
      %broadcast_in_dim3A_356 = vector.broadcast %broadcast_in_dim3A_355 : i32 to vector<16xi32>
      %shift_right_logical3A_357 = arith.shrui %xor3A_350, %broadcast_in_dim3A_356 : vector<16xi32>
      %or3A_358 = arith.ori %shift_left3A_354, %shift_right_logical3A_357 : vector<16xi32>
      %xor3A_359 = arith.xori %or3A_358, %add3A_351 : vector<16xi32>
      %add3A_360 = arith.addi %add3A_351, %xor3A_359 : vector<16xi32>
      %broadcast_in_dim3A_361 = arith.constant 24 : i32
      %broadcast_in_dim3A_362 = vector.broadcast %broadcast_in_dim3A_361 : i32 to vector<16xi32>
      %shift_left3A_363 = arith.shli %xor3A_359, %broadcast_in_dim3A_362 : vector<16xi32>
      %broadcast_in_dim3A_364 = arith.constant 8 : i32
      %broadcast_in_dim3A_365 = vector.broadcast %broadcast_in_dim3A_364 : i32 to vector<16xi32>
      %shift_right_logical3A_366 = arith.shrui %xor3A_359, %broadcast_in_dim3A_365 : vector<16xi32>
      %or3A_367 = arith.ori %shift_left3A_363, %shift_right_logical3A_366 : vector<16xi32>
      %xor3A_368 = arith.xori %or3A_367, %add3A_360 : vector<16xi32>
      %broadcast_in_dim3A_369 = arith.constant 1737057383 : i32
      %broadcast_in_dim3A_370 = vector.broadcast %broadcast_in_dim3A_369 : i32 to vector<16xi32>
      %add3A_371 = arith.addi %add3A_360, %broadcast_in_dim3A_370 : vector<16xi32>
      %broadcast_in_dim3A_372 = arith.constant -1794828091 : i32
      %broadcast_in_dim3A_373 = vector.broadcast %broadcast_in_dim3A_372 : i32 to vector<16xi32>
      %add3A_374 = arith.addi %xor3A_368, %broadcast_in_dim3A_373 : vector<16xi32>
      %add3A_375 = arith.addi %add3A_371, %add3A_374 : vector<16xi32>
      %broadcast_in_dim3A_376 = arith.constant 13 : i32
      %broadcast_in_dim3A_377 = vector.broadcast %broadcast_in_dim3A_376 : i32 to vector<16xi32>
      %shift_left3A_378 = arith.shli %add3A_374, %broadcast_in_dim3A_377 : vector<16xi32>
      %broadcast_in_dim3A_379 = arith.constant 19 : i32
      %broadcast_in_dim3A_380 = vector.broadcast %broadcast_in_dim3A_379 : i32 to vector<16xi32>
      %shift_right_logical3A_381 = arith.shrui %add3A_374, %broadcast_in_dim3A_380 : vector<16xi32>
      %or3A_382 = arith.ori %shift_left3A_378, %shift_right_logical3A_381 : vector<16xi32>
      %xor3A_383 = arith.xori %or3A_382, %add3A_375 : vector<16xi32>
      %add3A_384 = arith.addi %add3A_375, %xor3A_383 : vector<16xi32>
      %broadcast_in_dim3A_385 = arith.constant 15 : i32
      %broadcast_in_dim3A_386 = vector.broadcast %broadcast_in_dim3A_385 : i32 to vector<16xi32>
      %shift_left3A_387 = arith.shli %xor3A_383, %broadcast_in_dim3A_386 : vector<16xi32>
      %broadcast_in_dim3A_388 = arith.constant 17 : i32
      %broadcast_in_dim3A_389 = vector.broadcast %broadcast_in_dim3A_388 : i32 to vector<16xi32>
      %shift_right_logical3A_390 = arith.shrui %xor3A_383, %broadcast_in_dim3A_389 : vector<16xi32>
      %or3A_391 = arith.ori %shift_left3A_387, %shift_right_logical3A_390 : vector<16xi32>
      %xor3A_392 = arith.xori %or3A_391, %add3A_384 : vector<16xi32>
      %add3A_393 = arith.addi %add3A_384, %xor3A_392 : vector<16xi32>
      %broadcast_in_dim3A_394 = arith.constant 26 : i32
      %broadcast_in_dim3A_395 = vector.broadcast %broadcast_in_dim3A_394 : i32 to vector<16xi32>
      %shift_left3A_396 = arith.shli %xor3A_392, %broadcast_in_dim3A_395 : vector<16xi32>
      %broadcast_in_dim3A_397 = arith.constant 6 : i32
      %broadcast_in_dim3A_398 = vector.broadcast %broadcast_in_dim3A_397 : i32 to vector<16xi32>
      %shift_right_logical3A_399 = arith.shrui %xor3A_392, %broadcast_in_dim3A_398 : vector<16xi32>
      %or3A_400 = arith.ori %shift_left3A_396, %shift_right_logical3A_399 : vector<16xi32>
      %xor3A_401 = arith.xori %or3A_400, %add3A_393 : vector<16xi32>
      %add3A_402 = arith.addi %add3A_393, %xor3A_401 : vector<16xi32>
      %broadcast_in_dim3A_403 = arith.constant 6 : i32
      %broadcast_in_dim3A_404 = vector.broadcast %broadcast_in_dim3A_403 : i32 to vector<16xi32>
      %shift_left3A_405 = arith.shli %xor3A_401, %broadcast_in_dim3A_404 : vector<16xi32>
      %broadcast_in_dim3A_406 = arith.constant 26 : i32
      %broadcast_in_dim3A_407 = vector.broadcast %broadcast_in_dim3A_406 : i32 to vector<16xi32>
      %shift_right_logical3A_408 = arith.shrui %xor3A_401, %broadcast_in_dim3A_407 : vector<16xi32>
      %or3A_409 = arith.ori %shift_left3A_405, %shift_right_logical3A_408 : vector<16xi32>
      %xor3A_410 = arith.xori %or3A_409, %add3A_402 : vector<16xi32>
      %broadcast_in_dim3A_411 = arith.constant -1794828093 : i32
      %broadcast_in_dim3A_412 = vector.broadcast %broadcast_in_dim3A_411 : i32 to vector<16xi32>
      %add3A_413 = arith.addi %add3A_402, %broadcast_in_dim3A_412 : vector<16xi32>
      %broadcast_in_dim3A_414 = arith.constant -379754623 : i32
      %broadcast_in_dim3A_415 = vector.broadcast %broadcast_in_dim3A_414 : i32 to vector<16xi32>
      %add3A_416 = arith.addi %xor3A_410, %broadcast_in_dim3A_415 : vector<16xi32>
      %add3A_417 = arith.addi %add3A_413, %add3A_416 : vector<16xi32>
      %broadcast_in_dim3A_418 = arith.constant 17 : i32
      %broadcast_in_dim3A_419 = vector.broadcast %broadcast_in_dim3A_418 : i32 to vector<16xi32>
      %shift_left3A_420 = arith.shli %add3A_416, %broadcast_in_dim3A_419 : vector<16xi32>
      %broadcast_in_dim3A_421 = arith.constant 15 : i32
      %broadcast_in_dim3A_422 = vector.broadcast %broadcast_in_dim3A_421 : i32 to vector<16xi32>
      %shift_right_logical3A_423 = arith.shrui %add3A_416, %broadcast_in_dim3A_422 : vector<16xi32>
      %or3A_424 = arith.ori %shift_left3A_420, %shift_right_logical3A_423 : vector<16xi32>
      %xor3A_425 = arith.xori %or3A_424, %add3A_417 : vector<16xi32>
      %add3A_426 = arith.addi %add3A_417, %xor3A_425 : vector<16xi32>
      %broadcast_in_dim3A_427 = arith.constant 29 : i32
      %broadcast_in_dim3A_428 = vector.broadcast %broadcast_in_dim3A_427 : i32 to vector<16xi32>
      %shift_left3A_429 = arith.shli %xor3A_425, %broadcast_in_dim3A_428 : vector<16xi32>
      %broadcast_in_dim3A_430 = arith.constant 3 : i32
      %broadcast_in_dim3A_431 = vector.broadcast %broadcast_in_dim3A_430 : i32 to vector<16xi32>
      %shift_right_logical3A_432 = arith.shrui %xor3A_425, %broadcast_in_dim3A_431 : vector<16xi32>
      %or3A_433 = arith.ori %shift_left3A_429, %shift_right_logical3A_432 : vector<16xi32>
      %xor3A_434 = arith.xori %or3A_433, %add3A_426 : vector<16xi32>
      %add3A_435 = arith.addi %add3A_426, %xor3A_434 : vector<16xi32>
      %broadcast_in_dim3A_436 = arith.constant 16 : i32
      %broadcast_in_dim3A_437 = vector.broadcast %broadcast_in_dim3A_436 : i32 to vector<16xi32>
      %shift_left3A_438 = arith.shli %xor3A_434, %broadcast_in_dim3A_437 : vector<16xi32>
      %broadcast_in_dim3A_439 = arith.constant 16 : i32
      %broadcast_in_dim3A_440 = vector.broadcast %broadcast_in_dim3A_439 : i32 to vector<16xi32>
      %shift_right_logical3A_441 = arith.shrui %xor3A_434, %broadcast_in_dim3A_440 : vector<16xi32>
      %or3A_442 = arith.ori %shift_left3A_438, %shift_right_logical3A_441 : vector<16xi32>
      %xor3A_443 = arith.xori %or3A_442, %add3A_435 : vector<16xi32>
      %add3A_444 = arith.addi %add3A_435, %xor3A_443 : vector<16xi32>
      %broadcast_in_dim3A_445 = arith.constant 24 : i32
      %broadcast_in_dim3A_446 = vector.broadcast %broadcast_in_dim3A_445 : i32 to vector<16xi32>
      %shift_left3A_447 = arith.shli %xor3A_443, %broadcast_in_dim3A_446 : vector<16xi32>
      %broadcast_in_dim3A_448 = arith.constant 8 : i32
      %broadcast_in_dim3A_449 = vector.broadcast %broadcast_in_dim3A_448 : i32 to vector<16xi32>
      %shift_right_logical3A_450 = arith.shrui %xor3A_443, %broadcast_in_dim3A_449 : vector<16xi32>
      %or3A_451 = arith.ori %shift_left3A_447, %shift_right_logical3A_450 : vector<16xi32>
      %xor3A_452 = arith.xori %or3A_451, %add3A_444 : vector<16xi32>
      %broadcast_in_dim3A_453 = arith.constant -379754626 : i32
      %broadcast_in_dim3A_454 = vector.broadcast %broadcast_in_dim3A_453 : i32 to vector<16xi32>
      %add3A_455 = arith.addi %add3A_444, %broadcast_in_dim3A_454 : vector<16xi32>
      %broadcast_in_dim3A_456 = arith.constant 1737057387 : i32
      %broadcast_in_dim3A_457 = vector.broadcast %broadcast_in_dim3A_456 : i32 to vector<16xi32>
      %add3A_458 = arith.addi %xor3A_452, %broadcast_in_dim3A_457 : vector<16xi32>
      %add3A_459 = arith.addi %add3A_455, %add3A_458 : vector<16xi32>
      %broadcast_in_dim3A_460 = arith.constant 13 : i32
      %broadcast_in_dim3A_461 = vector.broadcast %broadcast_in_dim3A_460 : i32 to vector<16xi32>
      %shift_left3A_462 = arith.shli %add3A_458, %broadcast_in_dim3A_461 : vector<16xi32>
      %broadcast_in_dim3A_463 = arith.constant 19 : i32
      %broadcast_in_dim3A_464 = vector.broadcast %broadcast_in_dim3A_463 : i32 to vector<16xi32>
      %shift_right_logical3A_465 = arith.shrui %add3A_458, %broadcast_in_dim3A_464 : vector<16xi32>
      %or3A_466 = arith.ori %shift_left3A_462, %shift_right_logical3A_465 : vector<16xi32>
      %xor3A_467 = arith.xori %or3A_466, %add3A_459 : vector<16xi32>
      %add3A_468 = arith.addi %add3A_459, %xor3A_467 : vector<16xi32>
      %broadcast_in_dim3A_469 = arith.constant 15 : i32
      %broadcast_in_dim3A_470 = vector.broadcast %broadcast_in_dim3A_469 : i32 to vector<16xi32>
      %shift_left3A_471 = arith.shli %xor3A_467, %broadcast_in_dim3A_470 : vector<16xi32>
      %broadcast_in_dim3A_472 = arith.constant 17 : i32
      %broadcast_in_dim3A_473 = vector.broadcast %broadcast_in_dim3A_472 : i32 to vector<16xi32>
      %shift_right_logical3A_474 = arith.shrui %xor3A_467, %broadcast_in_dim3A_473 : vector<16xi32>
      %or3A_475 = arith.ori %shift_left3A_471, %shift_right_logical3A_474 : vector<16xi32>
      %xor3A_476 = arith.xori %or3A_475, %add3A_468 : vector<16xi32>
      %add3A_477 = arith.addi %add3A_468, %xor3A_476 : vector<16xi32>
      %broadcast_in_dim3A_478 = arith.constant 26 : i32
      %broadcast_in_dim3A_479 = vector.broadcast %broadcast_in_dim3A_478 : i32 to vector<16xi32>
      %shift_left3A_480 = arith.shli %xor3A_476, %broadcast_in_dim3A_479 : vector<16xi32>
      %broadcast_in_dim3A_481 = arith.constant 6 : i32
      %broadcast_in_dim3A_482 = vector.broadcast %broadcast_in_dim3A_481 : i32 to vector<16xi32>
      %shift_right_logical3A_483 = arith.shrui %xor3A_476, %broadcast_in_dim3A_482 : vector<16xi32>
      %or3A_484 = arith.ori %shift_left3A_480, %shift_right_logical3A_483 : vector<16xi32>
      %xor3A_485 = arith.xori %or3A_484, %add3A_477 : vector<16xi32>
      %add3A_486 = arith.addi %add3A_477, %xor3A_485 : vector<16xi32>
      %broadcast_in_dim3A_487 = arith.constant 6 : i32
      %broadcast_in_dim3A_488 = vector.broadcast %broadcast_in_dim3A_487 : i32 to vector<16xi32>
      %shift_left3A_489 = arith.shli %xor3A_485, %broadcast_in_dim3A_488 : vector<16xi32>
      %broadcast_in_dim3A_490 = arith.constant 26 : i32
      %broadcast_in_dim3A_491 = vector.broadcast %broadcast_in_dim3A_490 : i32 to vector<16xi32>
      %shift_right_logical3A_492 = arith.shrui %xor3A_485, %broadcast_in_dim3A_491 : vector<16xi32>
      %or3A_493 = arith.ori %shift_left3A_489, %shift_right_logical3A_492 : vector<16xi32>
      %xor3A_494 = arith.xori %or3A_493, %add3A_486 : vector<16xi32>
      %broadcast_in_dim3A_495 = arith.constant 1737057383 : i32
      %broadcast_in_dim3A_496 = vector.broadcast %broadcast_in_dim3A_495 : i32 to vector<16xi32>
      %add3A_497 = arith.addi %add3A_486, %broadcast_in_dim3A_496 : vector<16xi32>
      %broadcast_in_dim3A_498 = arith.constant -1794828088 : i32
      %broadcast_in_dim3A_499 = vector.broadcast %broadcast_in_dim3A_498 : i32 to vector<16xi32>
      %add3A_500 = arith.addi %xor3A_494, %broadcast_in_dim3A_499 : vector<16xi32>
      %xor3A_501 = arith.xori %add3A_497, %add3A_500 : vector<16xi32>
      %broadcast_in_dim3A_502 = arith.constant 49897 : i32
      %broadcast_in_dim3A_503 = vector.broadcast %broadcast_in_dim3A_502 : i32 to vector<16xi32>
      %broadcast_in_dim3A_504 = arith.constant 16 : i32
      %broadcast_in_dim3A_505 = vector.broadcast %broadcast_in_dim3A_504 : i32 to vector<16xi32>
      %shift_right_logical3A_506 = arith.shrui %xor3A_501, %broadcast_in_dim3A_505 : vector<16xi32>
      %broadcast_in_dim3A_507 = arith.constant 65535 : i32
      %broadcast_in_dim3A_508 = vector.broadcast %broadcast_in_dim3A_507 : i32 to vector<16xi32>
      %and3A_509 = arith.andi %xor3A_501, %broadcast_in_dim3A_508 : vector<16xi32>
      %ge3A_510 = arith.cmpi sge, %shift_right_logical3A_506, %broadcast_in_dim3A_503 : vector<16xi32>
      %sub3A_511 = arith.subi %shift_right_logical3A_506, %broadcast_in_dim3A_503 : vector<16xi32>
      %select_n3A_512 = arith.select %ge3A_510, %sub3A_511, %shift_right_logical3A_506 : vector<16xi1>, vector<16xi32>
      %broadcast_in_dim3A_513 = arith.constant 15639 : i32
      %broadcast_in_dim3A_514 = vector.broadcast %broadcast_in_dim3A_513 : i32 to vector<16xi32>
      %mul3A_515 = arith.muli %select_n3A_512, %broadcast_in_dim3A_514 : vector<16xi32>
      %add3A_516 = arith.addi %mul3A_515, %and3A_509 : vector<16xi32>
      %broadcast_in_dim3A_517 = arith.constant 49897 : i32
      %broadcast_in_dim3A_518 = vector.broadcast %broadcast_in_dim3A_517 : i32 to vector<16xi32>
      %convert_element_type3A_519 = arith.sitofp %add3A_516 : vector<16xi32> to vector<16xf32>
      %broadcast_in_dim3A_520 = arith.constant 2.00412851E-5 : f32
      %broadcast_in_dim3A_521 = vector.broadcast %broadcast_in_dim3A_520 : f32 to vector<16xf32>
      %mul3A_522 = arith.mulf %convert_element_type3A_519, %broadcast_in_dim3A_521 : vector<16xf32>
      %convert_element_type3A_523 = arith.fptosi %mul3A_522 : vector<16xf32> to vector<16xi32>
      %mul3A_524 = arith.muli %convert_element_type3A_523, %broadcast_in_dim3A_518 : vector<16xi32>
      %sub3A_525 = arith.subi %add3A_516, %mul3A_524 : vector<16xi32>
      %broadcast_in_dim3A_526 = arith.constant 0 : i32
      %broadcast_in_dim3A_527 = vector.broadcast %broadcast_in_dim3A_526 : i32 to vector<16xi32>
      %lt3A_528 = arith.cmpi slt, %sub3A_525, %broadcast_in_dim3A_527 : vector<16xi32>
      %add3A_529 = arith.addi %sub3A_525, %broadcast_in_dim3A_518 : vector<16xi32>
      %select_n3A_530 = arith.select %lt3A_528, %add3A_529, %sub3A_525 : vector<16xi1>, vector<16xi32>
      %ge3A_531 = arith.cmpi sge, %select_n3A_530, %broadcast_in_dim3A_518 : vector<16xi32>
      %sub3A_532 = arith.subi %select_n3A_530, %broadcast_in_dim3A_518 : vector<16xi32>
      %select_n3A_533 = arith.select %ge3A_531, %sub3A_532, %select_n3A_530 : vector<16xi1>, vector<16xi32>
      %broadcast_in_dim3A_534 = arith.constant 103 : i32
      %broadcast_in_dim3A_535 = vector.broadcast %broadcast_in_dim3A_534 : i32 to vector<16xi32>
      %broadcast_in_dim3A_536 = arith.constant 33124 : i32
      %broadcast_in_dim3A_537 = vector.broadcast %broadcast_in_dim3A_536 : i32 to vector<16xi32>
      %mul3A_538 = arith.muli %select_n3A_285, %broadcast_in_dim3A_537 : vector<16xi32>
      %add3A_539 = arith.addi %mul3A_538, %select_n3A_533 : vector<16xi32>
      %broadcast_in_dim3A_540 = arith.constant 49897 : i32
      %broadcast_in_dim3A_541 = vector.broadcast %broadcast_in_dim3A_540 : i32 to vector<16xi32>
      %convert_element_type3A_542 = arith.sitofp %add3A_539 : vector<16xi32> to vector<16xf32>
      %broadcast_in_dim3A_543 = arith.constant 2.00412851E-5 : f32
      %broadcast_in_dim3A_544 = vector.broadcast %broadcast_in_dim3A_543 : f32 to vector<16xf32>
      %mul3A_545 = arith.mulf %convert_element_type3A_542, %broadcast_in_dim3A_544 : vector<16xf32>
      %convert_element_type3A_546 = arith.fptosi %mul3A_545 : vector<16xf32> to vector<16xi32>
      %mul3A_547 = arith.muli %convert_element_type3A_546, %broadcast_in_dim3A_541 : vector<16xi32>
      %sub3A_548 = arith.subi %add3A_539, %mul3A_547 : vector<16xi32>
      %broadcast_in_dim3A_549 = arith.constant 0 : i32
      %broadcast_in_dim3A_550 = vector.broadcast %broadcast_in_dim3A_549 : i32 to vector<16xi32>
      %lt3A_551 = arith.cmpi slt, %sub3A_548, %broadcast_in_dim3A_550 : vector<16xi32>
      %add3A_552 = arith.addi %sub3A_548, %broadcast_in_dim3A_541 : vector<16xi32>
      %select_n3A_553 = arith.select %lt3A_551, %add3A_552, %sub3A_548 : vector<16xi1>, vector<16xi32>
      %ge3A_554 = arith.cmpi sge, %select_n3A_553, %broadcast_in_dim3A_541 : vector<16xi32>
      %sub3A_555 = arith.subi %select_n3A_553, %broadcast_in_dim3A_541 : vector<16xi32>
      %select_n3A_556 = arith.select %ge3A_554, %sub3A_555, %select_n3A_553 : vector<16xi1>, vector<16xi32>
      %add3A_557 = arith.addi %broadcast_in_dim3A_535, %select_n3A_556 : vector<16xi32>
      %broadcast_in_dim3A_558 = arith.constant 8 : i32
      %broadcast_in_dim3A_559 = vector.broadcast %broadcast_in_dim3A_558 : i32 to vector<16xi32>
      %shift_right_logical3A_560 = arith.shrui %get3A_42, %broadcast_in_dim3A_559 : vector<16xi32>
      %broadcast_in_dim3A_561 = arith.constant 255 : i32
      %broadcast_in_dim3A_562 = vector.broadcast %broadcast_in_dim3A_561 : i32 to vector<16xi32>
      %and3A_563 = arith.andi %get3A_42, %broadcast_in_dim3A_562 : vector<16xi32>
      tpu.vector_store_idx %arg5[%shift_right_logical3A_560, %and3A_563], %add3A_557 masked %lt3A : memref<32x256xi32, #tpu.memory_space<vmem>>[vector<16xi32>, vector<16xi32>], vector<16xi32>, vector<16xi1>
    }
    "tpu.region"() ({
      %run_scoped3A = tpu.sem_alloc : memref<!tpu.dma_semaphore, #tpu.memory_space<semaphore_mem>>
      %dma_start3A = tpu.memref_slice %arg4[%mul3A_4, %mul3A_6] : memref<128x2048xi32, #tpu.memory_space<hbm>> -> memref<32x256xi32, #tpu.memory_space<hbm>>
      %dma_start3A_36 = tpu.memref_slice %arg4[%mul3A_4, %mul3A_6] : memref<128x2048xi32, #tpu.memory_space<hbm>> -> memref<32x256xi32, #tpu.memory_space<hbm>>
      tpu.enqueue_dma source(%arg5 : memref<32x256xi32, #tpu.memory_space<vmem>>) target(%dma_start3A_36 : memref<32x256xi32, #tpu.memory_space<hbm>>) target_semaphore(%run_scoped3A : memref<!tpu.dma_semaphore, #tpu.memory_space<semaphore_mem>>)
      %dma_wait3A = tpu.memref_slice %arg4[%mul3A_4, %mul3A_6] : memref<128x2048xi32, #tpu.memory_space<hbm>> -> memref<32x256xi32, #tpu.memory_space<hbm>>
      %dma_wait3A_37 = tpu.memref_slice %arg4[%mul3A_4, %mul3A_6] : memref<128x2048xi32, #tpu.memory_space<hbm>> -> memref<32x256xi32, #tpu.memory_space<hbm>>
      tpu.wait_dma2 semaphore(%run_scoped3A : memref<!tpu.dma_semaphore, #tpu.memory_space<semaphore_mem>>) src(%arg5 : memref<32x256xi32, #tpu.memory_space<vmem>>) dst(%dma_wait3A_37 : memref<32x256xi32, #tpu.memory_space<hbm>>)
      tpu.yield
    }) : () -> ()
    return
  }
}

module attributes {stable_mosaic.version = 14 : i64} {
  func.func @_tc_kernel(%arg0: i32, %arg1: memref<32x2048xi32, #tpu.memory_space<vmem>>, %arg2: memref<32x2048xi32, #tpu.memory_space<vmem>>, %arg3: memref<32x2048xi32, #tpu.memory_space<vmem>>, %arg4: memref<32x2048xi32, #tpu.memory_space<vmem>>, %arg5: memref<32x2048xi32, #tpu.memory_space<vmem>>, %arg6: memref<32x2048xi32, #tpu.memory_space<vmem>>, %arg7: memref<1x1x2048xi32, #tpu.memory_space<vmem>>) attributes {dimension_semantics = [#tpu.dimension_semantics<arbitrary>], iteration_bounds = array<i64: 4>, scalar_prefetch = 0 : i64, scratch_operands = 0 : i64, tpu.core_type = #tpu.core_type<tc>, window_params = [{transform_indices = @transform_0, window_bounds = array<i64: 32, 2048>}, {transform_indices = @transform_1, window_bounds = array<i64: 32, 2048>}, {transform_indices = @transform_2, window_bounds = array<i64: 32, 2048>}, {transform_indices = @transform_3, window_bounds = array<i64: 32, 2048>}, {transform_indices = @transform_4, window_bounds = array<i64: 32, 2048>}, {transform_indices = @transform_5, window_bounds = array<i64: 32, 2048>}, {transform_indices = @transform_6, window_bounds = array<i64: 1, 1, 2048>}]} {
    %mul3A = arith.constant 32 : i32
    %mul3A_0 = arith.muli %arg0, %mul3A : i32
    %iota3A = tpu.iota {dimensions = array<i32: 0>} : vector<32x2048xi32>
    %iota3A_1 = tpu.iota {dimensions = array<i32: 1>} : vector<32x2048xi32>
    %add3A = vector.broadcast %mul3A_0 : i32 to vector<32x2048xi32>
    %add3A_2 = arith.addi %add3A, %iota3A : vector<32x2048xi32>
    %mul3A_3 = arith.constant 2048 : i32
    %mul3A_4 = vector.broadcast %mul3A_3 : i32 to vector<32x2048xi32>
    %mul3A_5 = arith.muli %add3A_2, %mul3A_4 : vector<32x2048xi32>
    %add3A_6 = arith.addi %mul3A_5, %iota3A_1 : vector<32x2048xi32>
    %get3A = arith.constant 0 : index
    %get3A_7 = arith.constant 0 : index
    %get3A_8 = vector.load %arg1[%get3A, %get3A_7] : memref<32x2048xi32, #tpu.memory_space<vmem>>, vector<32x2048xi32>
    %get3A_9 = arith.constant 0 : index
    %get3A_10 = arith.constant 0 : index
    %get3A_11 = vector.load %arg2[%get3A_9, %get3A_10] : memref<32x2048xi32, #tpu.memory_space<vmem>>, vector<32x2048xi32>
    %get3A_12 = arith.constant 0 : index
    %get3A_13 = arith.constant 0 : index
    %get3A_14 = vector.load %arg3[%get3A_12, %get3A_13] : memref<32x2048xi32, #tpu.memory_space<vmem>>, vector<32x2048xi32>
    %get3A_15 = arith.constant dense<0> : vector<32x2048xi32>
    %get3A_16 = arith.cmpi ne, %get3A_14, %get3A_15 : vector<32x2048xi32>
    %broadcast_in_dim3A = arith.constant -511853709 : i32
    %broadcast_in_dim3A_17 = vector.broadcast %broadcast_in_dim3A : i32 to vector<32x2048xi32>
    %add3A_18 = arith.addi %add3A_6, %broadcast_in_dim3A_17 : vector<32x2048xi32>
    %broadcast_in_dim3A_19 = arith.constant -1776851121 : i32
    %broadcast_in_dim3A_20 = vector.broadcast %broadcast_in_dim3A_19 : i32 to vector<32x2048xi32>
    %add3A_21 = arith.addi %add3A_6, %broadcast_in_dim3A_20 : vector<32x2048xi32>
    %broadcast_in_dim3A_22 = arith.constant 13 : i32
    %broadcast_in_dim3A_23 = vector.broadcast %broadcast_in_dim3A_22 : i32 to vector<32x2048xi32>
    %shift_left3A = arith.shli %add3A_21, %broadcast_in_dim3A_23 : vector<32x2048xi32>
    %broadcast_in_dim3A_24 = arith.constant 19 : i32
    %broadcast_in_dim3A_25 = vector.broadcast %broadcast_in_dim3A_24 : i32 to vector<32x2048xi32>
    %shift_right_logical3A = arith.shrui %add3A_21, %broadcast_in_dim3A_25 : vector<32x2048xi32>
    %or3A = arith.ori %shift_left3A, %shift_right_logical3A : vector<32x2048xi32>
    %xor3A = arith.xori %or3A, %add3A_18 : vector<32x2048xi32>
    %add3A_26 = arith.addi %add3A_18, %xor3A : vector<32x2048xi32>
    %broadcast_in_dim3A_27 = arith.constant 15 : i32
    %broadcast_in_dim3A_28 = vector.broadcast %broadcast_in_dim3A_27 : i32 to vector<32x2048xi32>
    %shift_left3A_29 = arith.shli %xor3A, %broadcast_in_dim3A_28 : vector<32x2048xi32>
    %broadcast_in_dim3A_30 = arith.constant 17 : i32
    %broadcast_in_dim3A_31 = vector.broadcast %broadcast_in_dim3A_30 : i32 to vector<32x2048xi32>
    %shift_right_logical3A_32 = arith.shrui %xor3A, %broadcast_in_dim3A_31 : vector<32x2048xi32>
    %or3A_33 = arith.ori %shift_left3A_29, %shift_right_logical3A_32 : vector<32x2048xi32>
    %xor3A_34 = arith.xori %or3A_33, %add3A_26 : vector<32x2048xi32>
    %add3A_35 = arith.addi %add3A_26, %xor3A_34 : vector<32x2048xi32>
    %broadcast_in_dim3A_36 = arith.constant 26 : i32
    %broadcast_in_dim3A_37 = vector.broadcast %broadcast_in_dim3A_36 : i32 to vector<32x2048xi32>
    %shift_left3A_38 = arith.shli %xor3A_34, %broadcast_in_dim3A_37 : vector<32x2048xi32>
    %broadcast_in_dim3A_39 = arith.constant 6 : i32
    %broadcast_in_dim3A_40 = vector.broadcast %broadcast_in_dim3A_39 : i32 to vector<32x2048xi32>
    %shift_right_logical3A_41 = arith.shrui %xor3A_34, %broadcast_in_dim3A_40 : vector<32x2048xi32>
    %or3A_42 = arith.ori %shift_left3A_38, %shift_right_logical3A_41 : vector<32x2048xi32>
    %xor3A_43 = arith.xori %or3A_42, %add3A_35 : vector<32x2048xi32>
    %add3A_44 = arith.addi %add3A_35, %xor3A_43 : vector<32x2048xi32>
    %broadcast_in_dim3A_45 = arith.constant 6 : i32
    %broadcast_in_dim3A_46 = vector.broadcast %broadcast_in_dim3A_45 : i32 to vector<32x2048xi32>
    %shift_left3A_47 = arith.shli %xor3A_43, %broadcast_in_dim3A_46 : vector<32x2048xi32>
    %broadcast_in_dim3A_48 = arith.constant 26 : i32
    %broadcast_in_dim3A_49 = vector.broadcast %broadcast_in_dim3A_48 : i32 to vector<32x2048xi32>
    %shift_right_logical3A_50 = arith.shrui %xor3A_43, %broadcast_in_dim3A_49 : vector<32x2048xi32>
    %or3A_51 = arith.ori %shift_left3A_47, %shift_right_logical3A_50 : vector<32x2048xi32>
    %xor3A_52 = arith.xori %or3A_51, %add3A_44 : vector<32x2048xi32>
    %broadcast_in_dim3A_53 = arith.constant -1776851121 : i32
    %broadcast_in_dim3A_54 = vector.broadcast %broadcast_in_dim3A_53 : i32 to vector<32x2048xi32>
    %add3A_55 = arith.addi %add3A_44, %broadcast_in_dim3A_54 : vector<32x2048xi32>
    %broadcast_in_dim3A_56 = arith.constant -962582350 : i32
    %broadcast_in_dim3A_57 = vector.broadcast %broadcast_in_dim3A_56 : i32 to vector<32x2048xi32>
    %add3A_58 = arith.addi %xor3A_52, %broadcast_in_dim3A_57 : vector<32x2048xi32>
    %add3A_59 = arith.addi %add3A_55, %add3A_58 : vector<32x2048xi32>
    %broadcast_in_dim3A_60 = arith.constant 17 : i32
    %broadcast_in_dim3A_61 = vector.broadcast %broadcast_in_dim3A_60 : i32 to vector<32x2048xi32>
    %shift_left3A_62 = arith.shli %add3A_58, %broadcast_in_dim3A_61 : vector<32x2048xi32>
    %broadcast_in_dim3A_63 = arith.constant 15 : i32
    %broadcast_in_dim3A_64 = vector.broadcast %broadcast_in_dim3A_63 : i32 to vector<32x2048xi32>
    %shift_right_logical3A_65 = arith.shrui %add3A_58, %broadcast_in_dim3A_64 : vector<32x2048xi32>
    %or3A_66 = arith.ori %shift_left3A_62, %shift_right_logical3A_65 : vector<32x2048xi32>
    %xor3A_67 = arith.xori %or3A_66, %add3A_59 : vector<32x2048xi32>
    %add3A_68 = arith.addi %add3A_59, %xor3A_67 : vector<32x2048xi32>
    %broadcast_in_dim3A_69 = arith.constant 29 : i32
    %broadcast_in_dim3A_70 = vector.broadcast %broadcast_in_dim3A_69 : i32 to vector<32x2048xi32>
    %shift_left3A_71 = arith.shli %xor3A_67, %broadcast_in_dim3A_70 : vector<32x2048xi32>
    %broadcast_in_dim3A_72 = arith.constant 3 : i32
    %broadcast_in_dim3A_73 = vector.broadcast %broadcast_in_dim3A_72 : i32 to vector<32x2048xi32>
    %shift_right_logical3A_74 = arith.shrui %xor3A_67, %broadcast_in_dim3A_73 : vector<32x2048xi32>
    %or3A_75 = arith.ori %shift_left3A_71, %shift_right_logical3A_74 : vector<32x2048xi32>
    %xor3A_76 = arith.xori %or3A_75, %add3A_68 : vector<32x2048xi32>
    %add3A_77 = arith.addi %add3A_68, %xor3A_76 : vector<32x2048xi32>
    %broadcast_in_dim3A_78 = arith.constant 16 : i32
    %broadcast_in_dim3A_79 = vector.broadcast %broadcast_in_dim3A_78 : i32 to vector<32x2048xi32>
    %shift_left3A_80 = arith.shli %xor3A_76, %broadcast_in_dim3A_79 : vector<32x2048xi32>
    %broadcast_in_dim3A_81 = arith.constant 16 : i32
    %broadcast_in_dim3A_82 = vector.broadcast %broadcast_in_dim3A_81 : i32 to vector<32x2048xi32>
    %shift_right_logical3A_83 = arith.shrui %xor3A_76, %broadcast_in_dim3A_82 : vector<32x2048xi32>
    %or3A_84 = arith.ori %shift_left3A_80, %shift_right_logical3A_83 : vector<32x2048xi32>
    %xor3A_85 = arith.xori %or3A_84, %add3A_77 : vector<32x2048xi32>
    %add3A_86 = arith.addi %add3A_77, %xor3A_85 : vector<32x2048xi32>
    %broadcast_in_dim3A_87 = arith.constant 24 : i32
    %broadcast_in_dim3A_88 = vector.broadcast %broadcast_in_dim3A_87 : i32 to vector<32x2048xi32>
    %shift_left3A_89 = arith.shli %xor3A_85, %broadcast_in_dim3A_88 : vector<32x2048xi32>
    %broadcast_in_dim3A_90 = arith.constant 8 : i32
    %broadcast_in_dim3A_91 = vector.broadcast %broadcast_in_dim3A_90 : i32 to vector<32x2048xi32>
    %shift_right_logical3A_92 = arith.shrui %xor3A_85, %broadcast_in_dim3A_91 : vector<32x2048xi32>
    %or3A_93 = arith.ori %shift_left3A_89, %shift_right_logical3A_92 : vector<32x2048xi32>
    %xor3A_94 = arith.xori %or3A_93, %add3A_86 : vector<32x2048xi32>
    %broadcast_in_dim3A_95 = arith.constant -962582351 : i32
    %broadcast_in_dim3A_96 = vector.broadcast %broadcast_in_dim3A_95 : i32 to vector<32x2048xi32>
    %add3A_97 = arith.addi %add3A_86, %broadcast_in_dim3A_96 : vector<32x2048xi32>
    %broadcast_in_dim3A_98 = arith.constant 1264997414 : i32
    %broadcast_in_dim3A_99 = vector.broadcast %broadcast_in_dim3A_98 : i32 to vector<32x2048xi32>
    %add3A_100 = arith.addi %xor3A_94, %broadcast_in_dim3A_99 : vector<32x2048xi32>
    %add3A_101 = arith.addi %add3A_97, %add3A_100 : vector<32x2048xi32>
    %broadcast_in_dim3A_102 = arith.constant 13 : i32
    %broadcast_in_dim3A_103 = vector.broadcast %broadcast_in_dim3A_102 : i32 to vector<32x2048xi32>
    %shift_left3A_104 = arith.shli %add3A_100, %broadcast_in_dim3A_103 : vector<32x2048xi32>
    %broadcast_in_dim3A_105 = arith.constant 19 : i32
    %broadcast_in_dim3A_106 = vector.broadcast %broadcast_in_dim3A_105 : i32 to vector<32x2048xi32>
    %shift_right_logical3A_107 = arith.shrui %add3A_100, %broadcast_in_dim3A_106 : vector<32x2048xi32>
    %or3A_108 = arith.ori %shift_left3A_104, %shift_right_logical3A_107 : vector<32x2048xi32>
    %xor3A_109 = arith.xori %or3A_108, %add3A_101 : vector<32x2048xi32>
    %add3A_110 = arith.addi %add3A_101, %xor3A_109 : vector<32x2048xi32>
    %broadcast_in_dim3A_111 = arith.constant 15 : i32
    %broadcast_in_dim3A_112 = vector.broadcast %broadcast_in_dim3A_111 : i32 to vector<32x2048xi32>
    %shift_left3A_113 = arith.shli %xor3A_109, %broadcast_in_dim3A_112 : vector<32x2048xi32>
    %broadcast_in_dim3A_114 = arith.constant 17 : i32
    %broadcast_in_dim3A_115 = vector.broadcast %broadcast_in_dim3A_114 : i32 to vector<32x2048xi32>
    %shift_right_logical3A_116 = arith.shrui %xor3A_109, %broadcast_in_dim3A_115 : vector<32x2048xi32>
    %or3A_117 = arith.ori %shift_left3A_113, %shift_right_logical3A_116 : vector<32x2048xi32>
    %xor3A_118 = arith.xori %or3A_117, %add3A_110 : vector<32x2048xi32>
    %add3A_119 = arith.addi %add3A_110, %xor3A_118 : vector<32x2048xi32>
    %broadcast_in_dim3A_120 = arith.constant 26 : i32
    %broadcast_in_dim3A_121 = vector.broadcast %broadcast_in_dim3A_120 : i32 to vector<32x2048xi32>
    %shift_left3A_122 = arith.shli %xor3A_118, %broadcast_in_dim3A_121 : vector<32x2048xi32>
    %broadcast_in_dim3A_123 = arith.constant 6 : i32
    %broadcast_in_dim3A_124 = vector.broadcast %broadcast_in_dim3A_123 : i32 to vector<32x2048xi32>
    %shift_right_logical3A_125 = arith.shrui %xor3A_118, %broadcast_in_dim3A_124 : vector<32x2048xi32>
    %or3A_126 = arith.ori %shift_left3A_122, %shift_right_logical3A_125 : vector<32x2048xi32>
    %xor3A_127 = arith.xori %or3A_126, %add3A_119 : vector<32x2048xi32>
    %add3A_128 = arith.addi %add3A_119, %xor3A_127 : vector<32x2048xi32>
    %broadcast_in_dim3A_129 = arith.constant 6 : i32
    %broadcast_in_dim3A_130 = vector.broadcast %broadcast_in_dim3A_129 : i32 to vector<32x2048xi32>
    %shift_left3A_131 = arith.shli %xor3A_127, %broadcast_in_dim3A_130 : vector<32x2048xi32>
    %broadcast_in_dim3A_132 = arith.constant 26 : i32
    %broadcast_in_dim3A_133 = vector.broadcast %broadcast_in_dim3A_132 : i32 to vector<32x2048xi32>
    %shift_right_logical3A_134 = arith.shrui %xor3A_127, %broadcast_in_dim3A_133 : vector<32x2048xi32>
    %or3A_135 = arith.ori %shift_left3A_131, %shift_right_logical3A_134 : vector<32x2048xi32>
    %xor3A_136 = arith.xori %or3A_135, %add3A_128 : vector<32x2048xi32>
    %broadcast_in_dim3A_137 = arith.constant 1264997412 : i32
    %broadcast_in_dim3A_138 = vector.broadcast %broadcast_in_dim3A_137 : i32 to vector<32x2048xi32>
    %add3A_139 = arith.addi %add3A_128, %broadcast_in_dim3A_138 : vector<32x2048xi32>
    %broadcast_in_dim3A_140 = arith.constant -1776851118 : i32
    %broadcast_in_dim3A_141 = vector.broadcast %broadcast_in_dim3A_140 : i32 to vector<32x2048xi32>
    %add3A_142 = arith.addi %xor3A_136, %broadcast_in_dim3A_141 : vector<32x2048xi32>
    %add3A_143 = arith.addi %add3A_139, %add3A_142 : vector<32x2048xi32>
    %broadcast_in_dim3A_144 = arith.constant 17 : i32
    %broadcast_in_dim3A_145 = vector.broadcast %broadcast_in_dim3A_144 : i32 to vector<32x2048xi32>
    %shift_left3A_146 = arith.shli %add3A_142, %broadcast_in_dim3A_145 : vector<32x2048xi32>
    %broadcast_in_dim3A_147 = arith.constant 15 : i32
    %broadcast_in_dim3A_148 = vector.broadcast %broadcast_in_dim3A_147 : i32 to vector<32x2048xi32>
    %shift_right_logical3A_149 = arith.shrui %add3A_142, %broadcast_in_dim3A_148 : vector<32x2048xi32>
    %or3A_150 = arith.ori %shift_left3A_146, %shift_right_logical3A_149 : vector<32x2048xi32>
    %xor3A_151 = arith.xori %or3A_150, %add3A_143 : vector<32x2048xi32>
    %add3A_152 = arith.addi %add3A_143, %xor3A_151 : vector<32x2048xi32>
    %broadcast_in_dim3A_153 = arith.constant 29 : i32
    %broadcast_in_dim3A_154 = vector.broadcast %broadcast_in_dim3A_153 : i32 to vector<32x2048xi32>
    %shift_left3A_155 = arith.shli %xor3A_151, %broadcast_in_dim3A_154 : vector<32x2048xi32>
    %broadcast_in_dim3A_156 = arith.constant 3 : i32
    %broadcast_in_dim3A_157 = vector.broadcast %broadcast_in_dim3A_156 : i32 to vector<32x2048xi32>
    %shift_right_logical3A_158 = arith.shrui %xor3A_151, %broadcast_in_dim3A_157 : vector<32x2048xi32>
    %or3A_159 = arith.ori %shift_left3A_155, %shift_right_logical3A_158 : vector<32x2048xi32>
    %xor3A_160 = arith.xori %or3A_159, %add3A_152 : vector<32x2048xi32>
    %add3A_161 = arith.addi %add3A_152, %xor3A_160 : vector<32x2048xi32>
    %broadcast_in_dim3A_162 = arith.constant 16 : i32
    %broadcast_in_dim3A_163 = vector.broadcast %broadcast_in_dim3A_162 : i32 to vector<32x2048xi32>
    %shift_left3A_164 = arith.shli %xor3A_160, %broadcast_in_dim3A_163 : vector<32x2048xi32>
    %broadcast_in_dim3A_165 = arith.constant 16 : i32
    %broadcast_in_dim3A_166 = vector.broadcast %broadcast_in_dim3A_165 : i32 to vector<32x2048xi32>
    %shift_right_logical3A_167 = arith.shrui %xor3A_160, %broadcast_in_dim3A_166 : vector<32x2048xi32>
    %or3A_168 = arith.ori %shift_left3A_164, %shift_right_logical3A_167 : vector<32x2048xi32>
    %xor3A_169 = arith.xori %or3A_168, %add3A_161 : vector<32x2048xi32>
    %add3A_170 = arith.addi %add3A_161, %xor3A_169 : vector<32x2048xi32>
    %broadcast_in_dim3A_171 = arith.constant 24 : i32
    %broadcast_in_dim3A_172 = vector.broadcast %broadcast_in_dim3A_171 : i32 to vector<32x2048xi32>
    %shift_left3A_173 = arith.shli %xor3A_169, %broadcast_in_dim3A_172 : vector<32x2048xi32>
    %broadcast_in_dim3A_174 = arith.constant 8 : i32
    %broadcast_in_dim3A_175 = vector.broadcast %broadcast_in_dim3A_174 : i32 to vector<32x2048xi32>
    %shift_right_logical3A_176 = arith.shrui %xor3A_169, %broadcast_in_dim3A_175 : vector<32x2048xi32>
    %or3A_177 = arith.ori %shift_left3A_173, %shift_right_logical3A_176 : vector<32x2048xi32>
    %xor3A_178 = arith.xori %or3A_177, %add3A_170 : vector<32x2048xi32>
    %broadcast_in_dim3A_179 = arith.constant -1776851121 : i32
    %broadcast_in_dim3A_180 = vector.broadcast %broadcast_in_dim3A_179 : i32 to vector<32x2048xi32>
    %add3A_181 = arith.addi %add3A_170, %broadcast_in_dim3A_180 : vector<32x2048xi32>
    %broadcast_in_dim3A_182 = arith.constant -962582347 : i32
    %broadcast_in_dim3A_183 = vector.broadcast %broadcast_in_dim3A_182 : i32 to vector<32x2048xi32>
    %add3A_184 = arith.addi %xor3A_178, %broadcast_in_dim3A_183 : vector<32x2048xi32>
    %add3A_185 = arith.addi %add3A_181, %add3A_184 : vector<32x2048xi32>
    %broadcast_in_dim3A_186 = arith.constant 13 : i32
    %broadcast_in_dim3A_187 = vector.broadcast %broadcast_in_dim3A_186 : i32 to vector<32x2048xi32>
    %shift_left3A_188 = arith.shli %add3A_184, %broadcast_in_dim3A_187 : vector<32x2048xi32>
    %broadcast_in_dim3A_189 = arith.constant 19 : i32
    %broadcast_in_dim3A_190 = vector.broadcast %broadcast_in_dim3A_189 : i32 to vector<32x2048xi32>
    %shift_right_logical3A_191 = arith.shrui %add3A_184, %broadcast_in_dim3A_190 : vector<32x2048xi32>
    %or3A_192 = arith.ori %shift_left3A_188, %shift_right_logical3A_191 : vector<32x2048xi32>
    %xor3A_193 = arith.xori %or3A_192, %add3A_185 : vector<32x2048xi32>
    %add3A_194 = arith.addi %add3A_185, %xor3A_193 : vector<32x2048xi32>
    %broadcast_in_dim3A_195 = arith.constant 15 : i32
    %broadcast_in_dim3A_196 = vector.broadcast %broadcast_in_dim3A_195 : i32 to vector<32x2048xi32>
    %shift_left3A_197 = arith.shli %xor3A_193, %broadcast_in_dim3A_196 : vector<32x2048xi32>
    %broadcast_in_dim3A_198 = arith.constant 17 : i32
    %broadcast_in_dim3A_199 = vector.broadcast %broadcast_in_dim3A_198 : i32 to vector<32x2048xi32>
    %shift_right_logical3A_200 = arith.shrui %xor3A_193, %broadcast_in_dim3A_199 : vector<32x2048xi32>
    %or3A_201 = arith.ori %shift_left3A_197, %shift_right_logical3A_200 : vector<32x2048xi32>
    %xor3A_202 = arith.xori %or3A_201, %add3A_194 : vector<32x2048xi32>
    %add3A_203 = arith.addi %add3A_194, %xor3A_202 : vector<32x2048xi32>
    %broadcast_in_dim3A_204 = arith.constant 26 : i32
    %broadcast_in_dim3A_205 = vector.broadcast %broadcast_in_dim3A_204 : i32 to vector<32x2048xi32>
    %shift_left3A_206 = arith.shli %xor3A_202, %broadcast_in_dim3A_205 : vector<32x2048xi32>
    %broadcast_in_dim3A_207 = arith.constant 6 : i32
    %broadcast_in_dim3A_208 = vector.broadcast %broadcast_in_dim3A_207 : i32 to vector<32x2048xi32>
    %shift_right_logical3A_209 = arith.shrui %xor3A_202, %broadcast_in_dim3A_208 : vector<32x2048xi32>
    %or3A_210 = arith.ori %shift_left3A_206, %shift_right_logical3A_209 : vector<32x2048xi32>
    %xor3A_211 = arith.xori %or3A_210, %add3A_203 : vector<32x2048xi32>
    %add3A_212 = arith.addi %add3A_203, %xor3A_211 : vector<32x2048xi32>
    %broadcast_in_dim3A_213 = arith.constant 6 : i32
    %broadcast_in_dim3A_214 = vector.broadcast %broadcast_in_dim3A_213 : i32 to vector<32x2048xi32>
    %shift_left3A_215 = arith.shli %xor3A_211, %broadcast_in_dim3A_214 : vector<32x2048xi32>
    %broadcast_in_dim3A_216 = arith.constant 26 : i32
    %broadcast_in_dim3A_217 = vector.broadcast %broadcast_in_dim3A_216 : i32 to vector<32x2048xi32>
    %shift_right_logical3A_218 = arith.shrui %xor3A_211, %broadcast_in_dim3A_217 : vector<32x2048xi32>
    %or3A_219 = arith.ori %shift_left3A_215, %shift_right_logical3A_218 : vector<32x2048xi32>
    %xor3A_220 = arith.xori %or3A_219, %add3A_212 : vector<32x2048xi32>
    %broadcast_in_dim3A_221 = arith.constant -962582351 : i32
    %broadcast_in_dim3A_222 = vector.broadcast %broadcast_in_dim3A_221 : i32 to vector<32x2048xi32>
    %add3A_223 = arith.addi %add3A_212, %broadcast_in_dim3A_222 : vector<32x2048xi32>
    %broadcast_in_dim3A_224 = arith.constant 1264997417 : i32
    %broadcast_in_dim3A_225 = vector.broadcast %broadcast_in_dim3A_224 : i32 to vector<32x2048xi32>
    %add3A_226 = arith.addi %xor3A_220, %broadcast_in_dim3A_225 : vector<32x2048xi32>
    %xor3A_227 = arith.xori %add3A_223, %add3A_226 : vector<32x2048xi32>
    %ge3A = arith.constant 0 : i32
    %ge3A_228 = vector.broadcast %ge3A : i32 to vector<32x2048xi32>
    %ge3A_229 = arith.cmpi sge, %xor3A_227, %ge3A_228 : vector<32x2048xi32>
    %not3A = arith.constant dense<true> : vector<32x2048xi1>
    %not3A_230 = arith.xori %get3A_16, %not3A : vector<32x2048xi1>
    %and3A = arith.andi %ge3A_229, %not3A_230 : vector<32x2048xi1>
    %broadcast_in_dim3A_231 = arith.constant 279763981 : i32
    %broadcast_in_dim3A_232 = vector.broadcast %broadcast_in_dim3A_231 : i32 to vector<32x2048xi32>
    %add3A_233 = arith.addi %add3A_6, %broadcast_in_dim3A_232 : vector<32x2048xi32>
    %broadcast_in_dim3A_234 = arith.constant 1697627890 : i32
    %broadcast_in_dim3A_235 = vector.broadcast %broadcast_in_dim3A_234 : i32 to vector<32x2048xi32>
    %add3A_236 = arith.addi %add3A_6, %broadcast_in_dim3A_235 : vector<32x2048xi32>
    %broadcast_in_dim3A_237 = arith.constant 13 : i32
    %broadcast_in_dim3A_238 = vector.broadcast %broadcast_in_dim3A_237 : i32 to vector<32x2048xi32>
    %shift_left3A_239 = arith.shli %add3A_236, %broadcast_in_dim3A_238 : vector<32x2048xi32>
    %broadcast_in_dim3A_240 = arith.constant 19 : i32
    %broadcast_in_dim3A_241 = vector.broadcast %broadcast_in_dim3A_240 : i32 to vector<32x2048xi32>
    %shift_right_logical3A_242 = arith.shrui %add3A_236, %broadcast_in_dim3A_241 : vector<32x2048xi32>
    %or3A_243 = arith.ori %shift_left3A_239, %shift_right_logical3A_242 : vector<32x2048xi32>
    %xor3A_244 = arith.xori %or3A_243, %add3A_233 : vector<32x2048xi32>
    %add3A_245 = arith.addi %add3A_233, %xor3A_244 : vector<32x2048xi32>
    %broadcast_in_dim3A_246 = arith.constant 15 : i32
    %broadcast_in_dim3A_247 = vector.broadcast %broadcast_in_dim3A_246 : i32 to vector<32x2048xi32>
    %shift_left3A_248 = arith.shli %xor3A_244, %broadcast_in_dim3A_247 : vector<32x2048xi32>
    %broadcast_in_dim3A_249 = arith.constant 17 : i32
    %broadcast_in_dim3A_250 = vector.broadcast %broadcast_in_dim3A_249 : i32 to vector<32x2048xi32>
    %shift_right_logical3A_251 = arith.shrui %xor3A_244, %broadcast_in_dim3A_250 : vector<32x2048xi32>
    %or3A_252 = arith.ori %shift_left3A_248, %shift_right_logical3A_251 : vector<32x2048xi32>
    %xor3A_253 = arith.xori %or3A_252, %add3A_245 : vector<32x2048xi32>
    %add3A_254 = arith.addi %add3A_245, %xor3A_253 : vector<32x2048xi32>
    %broadcast_in_dim3A_255 = arith.constant 26 : i32
    %broadcast_in_dim3A_256 = vector.broadcast %broadcast_in_dim3A_255 : i32 to vector<32x2048xi32>
    %shift_left3A_257 = arith.shli %xor3A_253, %broadcast_in_dim3A_256 : vector<32x2048xi32>
    %broadcast_in_dim3A_258 = arith.constant 6 : i32
    %broadcast_in_dim3A_259 = vector.broadcast %broadcast_in_dim3A_258 : i32 to vector<32x2048xi32>
    %shift_right_logical3A_260 = arith.shrui %xor3A_253, %broadcast_in_dim3A_259 : vector<32x2048xi32>
    %or3A_261 = arith.ori %shift_left3A_257, %shift_right_logical3A_260 : vector<32x2048xi32>
    %xor3A_262 = arith.xori %or3A_261, %add3A_254 : vector<32x2048xi32>
    %add3A_263 = arith.addi %add3A_254, %xor3A_262 : vector<32x2048xi32>
    %broadcast_in_dim3A_264 = arith.constant 6 : i32
    %broadcast_in_dim3A_265 = vector.broadcast %broadcast_in_dim3A_264 : i32 to vector<32x2048xi32>
    %shift_left3A_266 = arith.shli %xor3A_262, %broadcast_in_dim3A_265 : vector<32x2048xi32>
    %broadcast_in_dim3A_267 = arith.constant 26 : i32
    %broadcast_in_dim3A_268 = vector.broadcast %broadcast_in_dim3A_267 : i32 to vector<32x2048xi32>
    %shift_right_logical3A_269 = arith.shrui %xor3A_262, %broadcast_in_dim3A_268 : vector<32x2048xi32>
    %or3A_270 = arith.ori %shift_left3A_266, %shift_right_logical3A_269 : vector<32x2048xi32>
    %xor3A_271 = arith.xori %or3A_270, %add3A_263 : vector<32x2048xi32>
    %broadcast_in_dim3A_272 = arith.constant 1697627890 : i32
    %broadcast_in_dim3A_273 = vector.broadcast %broadcast_in_dim3A_272 : i32 to vector<32x2048xi32>
    %add3A_274 = arith.addi %add3A_263, %broadcast_in_dim3A_273 : vector<32x2048xi32>
    %broadcast_in_dim3A_275 = arith.constant -712787916 : i32
    %broadcast_in_dim3A_276 = vector.broadcast %broadcast_in_dim3A_275 : i32 to vector<32x2048xi32>
    %add3A_277 = arith.addi %xor3A_271, %broadcast_in_dim3A_276 : vector<32x2048xi32>
    %add3A_278 = arith.addi %add3A_274, %add3A_277 : vector<32x2048xi32>
    %broadcast_in_dim3A_279 = arith.constant 17 : i32
    %broadcast_in_dim3A_280 = vector.broadcast %broadcast_in_dim3A_279 : i32 to vector<32x2048xi32>
    %shift_left3A_281 = arith.shli %add3A_277, %broadcast_in_dim3A_280 : vector<32x2048xi32>
    %broadcast_in_dim3A_282 = arith.constant 15 : i32
    %broadcast_in_dim3A_283 = vector.broadcast %broadcast_in_dim3A_282 : i32 to vector<32x2048xi32>
    %shift_right_logical3A_284 = arith.shrui %add3A_277, %broadcast_in_dim3A_283 : vector<32x2048xi32>
    %or3A_285 = arith.ori %shift_left3A_281, %shift_right_logical3A_284 : vector<32x2048xi32>
    %xor3A_286 = arith.xori %or3A_285, %add3A_278 : vector<32x2048xi32>
    %add3A_287 = arith.addi %add3A_278, %xor3A_286 : vector<32x2048xi32>
    %broadcast_in_dim3A_288 = arith.constant 29 : i32
    %broadcast_in_dim3A_289 = vector.broadcast %broadcast_in_dim3A_288 : i32 to vector<32x2048xi32>
    %shift_left3A_290 = arith.shli %xor3A_286, %broadcast_in_dim3A_289 : vector<32x2048xi32>
    %broadcast_in_dim3A_291 = arith.constant 3 : i32
    %broadcast_in_dim3A_292 = vector.broadcast %broadcast_in_dim3A_291 : i32 to vector<32x2048xi32>
    %shift_right_logical3A_293 = arith.shrui %xor3A_286, %broadcast_in_dim3A_292 : vector<32x2048xi32>
    %or3A_294 = arith.ori %shift_left3A_290, %shift_right_logical3A_293 : vector<32x2048xi32>
    %xor3A_295 = arith.xori %or3A_294, %add3A_287 : vector<32x2048xi32>
    %add3A_296 = arith.addi %add3A_287, %xor3A_295 : vector<32x2048xi32>
    %broadcast_in_dim3A_297 = arith.constant 16 : i32
    %broadcast_in_dim3A_298 = vector.broadcast %broadcast_in_dim3A_297 : i32 to vector<32x2048xi32>
    %shift_left3A_299 = arith.shli %xor3A_295, %broadcast_in_dim3A_298 : vector<32x2048xi32>
    %broadcast_in_dim3A_300 = arith.constant 16 : i32
    %broadcast_in_dim3A_301 = vector.broadcast %broadcast_in_dim3A_300 : i32 to vector<32x2048xi32>
    %shift_right_logical3A_302 = arith.shrui %xor3A_295, %broadcast_in_dim3A_301 : vector<32x2048xi32>
    %or3A_303 = arith.ori %shift_left3A_299, %shift_right_logical3A_302 : vector<32x2048xi32>
    %xor3A_304 = arith.xori %or3A_303, %add3A_296 : vector<32x2048xi32>
    %add3A_305 = arith.addi %add3A_296, %xor3A_304 : vector<32x2048xi32>
    %broadcast_in_dim3A_306 = arith.constant 24 : i32
    %broadcast_in_dim3A_307 = vector.broadcast %broadcast_in_dim3A_306 : i32 to vector<32x2048xi32>
    %shift_left3A_308 = arith.shli %xor3A_304, %broadcast_in_dim3A_307 : vector<32x2048xi32>
    %broadcast_in_dim3A_309 = arith.constant 8 : i32
    %broadcast_in_dim3A_310 = vector.broadcast %broadcast_in_dim3A_309 : i32 to vector<32x2048xi32>
    %shift_right_logical3A_311 = arith.shrui %xor3A_304, %broadcast_in_dim3A_310 : vector<32x2048xi32>
    %or3A_312 = arith.ori %shift_left3A_308, %shift_right_logical3A_311 : vector<32x2048xi32>
    %xor3A_313 = arith.xori %or3A_312, %add3A_305 : vector<32x2048xi32>
    %broadcast_in_dim3A_314 = arith.constant -712787917 : i32
    %broadcast_in_dim3A_315 = vector.broadcast %broadcast_in_dim3A_314 : i32 to vector<32x2048xi32>
    %add3A_316 = arith.addi %add3A_305, %broadcast_in_dim3A_315 : vector<32x2048xi32>
    %broadcast_in_dim3A_317 = arith.constant -1417863907 : i32
    %broadcast_in_dim3A_318 = vector.broadcast %broadcast_in_dim3A_317 : i32 to vector<32x2048xi32>
    %add3A_319 = arith.addi %xor3A_313, %broadcast_in_dim3A_318 : vector<32x2048xi32>
    %add3A_320 = arith.addi %add3A_316, %add3A_319 : vector<32x2048xi32>
    %broadcast_in_dim3A_321 = arith.constant 13 : i32
    %broadcast_in_dim3A_322 = vector.broadcast %broadcast_in_dim3A_321 : i32 to vector<32x2048xi32>
    %shift_left3A_323 = arith.shli %add3A_319, %broadcast_in_dim3A_322 : vector<32x2048xi32>
    %broadcast_in_dim3A_324 = arith.constant 19 : i32
    %broadcast_in_dim3A_325 = vector.broadcast %broadcast_in_dim3A_324 : i32 to vector<32x2048xi32>
    %shift_right_logical3A_326 = arith.shrui %add3A_319, %broadcast_in_dim3A_325 : vector<32x2048xi32>
    %or3A_327 = arith.ori %shift_left3A_323, %shift_right_logical3A_326 : vector<32x2048xi32>
    %xor3A_328 = arith.xori %or3A_327, %add3A_320 : vector<32x2048xi32>
    %add3A_329 = arith.addi %add3A_320, %xor3A_328 : vector<32x2048xi32>
    %broadcast_in_dim3A_330 = arith.constant 15 : i32
    %broadcast_in_dim3A_331 = vector.broadcast %broadcast_in_dim3A_330 : i32 to vector<32x2048xi32>
    %shift_left3A_332 = arith.shli %xor3A_328, %broadcast_in_dim3A_331 : vector<32x2048xi32>
    %broadcast_in_dim3A_333 = arith.constant 17 : i32
    %broadcast_in_dim3A_334 = vector.broadcast %broadcast_in_dim3A_333 : i32 to vector<32x2048xi32>
    %shift_right_logical3A_335 = arith.shrui %xor3A_328, %broadcast_in_dim3A_334 : vector<32x2048xi32>
    %or3A_336 = arith.ori %shift_left3A_332, %shift_right_logical3A_335 : vector<32x2048xi32>
    %xor3A_337 = arith.xori %or3A_336, %add3A_329 : vector<32x2048xi32>
    %add3A_338 = arith.addi %add3A_329, %xor3A_337 : vector<32x2048xi32>
    %broadcast_in_dim3A_339 = arith.constant 26 : i32
    %broadcast_in_dim3A_340 = vector.broadcast %broadcast_in_dim3A_339 : i32 to vector<32x2048xi32>
    %shift_left3A_341 = arith.shli %xor3A_337, %broadcast_in_dim3A_340 : vector<32x2048xi32>
    %broadcast_in_dim3A_342 = arith.constant 6 : i32
    %broadcast_in_dim3A_343 = vector.broadcast %broadcast_in_dim3A_342 : i32 to vector<32x2048xi32>
    %shift_right_logical3A_344 = arith.shrui %xor3A_337, %broadcast_in_dim3A_343 : vector<32x2048xi32>
    %or3A_345 = arith.ori %shift_left3A_341, %shift_right_logical3A_344 : vector<32x2048xi32>
    %xor3A_346 = arith.xori %or3A_345, %add3A_338 : vector<32x2048xi32>
    %add3A_347 = arith.addi %add3A_338, %xor3A_346 : vector<32x2048xi32>
    %broadcast_in_dim3A_348 = arith.constant 6 : i32
    %broadcast_in_dim3A_349 = vector.broadcast %broadcast_in_dim3A_348 : i32 to vector<32x2048xi32>
    %shift_left3A_350 = arith.shli %xor3A_346, %broadcast_in_dim3A_349 : vector<32x2048xi32>
    %broadcast_in_dim3A_351 = arith.constant 26 : i32
    %broadcast_in_dim3A_352 = vector.broadcast %broadcast_in_dim3A_351 : i32 to vector<32x2048xi32>
    %shift_right_logical3A_353 = arith.shrui %xor3A_346, %broadcast_in_dim3A_352 : vector<32x2048xi32>
    %or3A_354 = arith.ori %shift_left3A_350, %shift_right_logical3A_353 : vector<32x2048xi32>
    %xor3A_355 = arith.xori %or3A_354, %add3A_347 : vector<32x2048xi32>
    %broadcast_in_dim3A_356 = arith.constant -1417863909 : i32
    %broadcast_in_dim3A_357 = vector.broadcast %broadcast_in_dim3A_356 : i32 to vector<32x2048xi32>
    %add3A_358 = arith.addi %add3A_347, %broadcast_in_dim3A_357 : vector<32x2048xi32>
    %broadcast_in_dim3A_359 = arith.constant 1697627893 : i32
    %broadcast_in_dim3A_360 = vector.broadcast %broadcast_in_dim3A_359 : i32 to vector<32x2048xi32>
    %add3A_361 = arith.addi %xor3A_355, %broadcast_in_dim3A_360 : vector<32x2048xi32>
    %add3A_362 = arith.addi %add3A_358, %add3A_361 : vector<32x2048xi32>
    %broadcast_in_dim3A_363 = arith.constant 17 : i32
    %broadcast_in_dim3A_364 = vector.broadcast %broadcast_in_dim3A_363 : i32 to vector<32x2048xi32>
    %shift_left3A_365 = arith.shli %add3A_361, %broadcast_in_dim3A_364 : vector<32x2048xi32>
    %broadcast_in_dim3A_366 = arith.constant 15 : i32
    %broadcast_in_dim3A_367 = vector.broadcast %broadcast_in_dim3A_366 : i32 to vector<32x2048xi32>
    %shift_right_logical3A_368 = arith.shrui %add3A_361, %broadcast_in_dim3A_367 : vector<32x2048xi32>
    %or3A_369 = arith.ori %shift_left3A_365, %shift_right_logical3A_368 : vector<32x2048xi32>
    %xor3A_370 = arith.xori %or3A_369, %add3A_362 : vector<32x2048xi32>
    %add3A_371 = arith.addi %add3A_362, %xor3A_370 : vector<32x2048xi32>
    %broadcast_in_dim3A_372 = arith.constant 29 : i32
    %broadcast_in_dim3A_373 = vector.broadcast %broadcast_in_dim3A_372 : i32 to vector<32x2048xi32>
    %shift_left3A_374 = arith.shli %xor3A_370, %broadcast_in_dim3A_373 : vector<32x2048xi32>
    %broadcast_in_dim3A_375 = arith.constant 3 : i32
    %broadcast_in_dim3A_376 = vector.broadcast %broadcast_in_dim3A_375 : i32 to vector<32x2048xi32>
    %shift_right_logical3A_377 = arith.shrui %xor3A_370, %broadcast_in_dim3A_376 : vector<32x2048xi32>
    %or3A_378 = arith.ori %shift_left3A_374, %shift_right_logical3A_377 : vector<32x2048xi32>
    %xor3A_379 = arith.xori %or3A_378, %add3A_371 : vector<32x2048xi32>
    %add3A_380 = arith.addi %add3A_371, %xor3A_379 : vector<32x2048xi32>
    %broadcast_in_dim3A_381 = arith.constant 16 : i32
    %broadcast_in_dim3A_382 = vector.broadcast %broadcast_in_dim3A_381 : i32 to vector<32x2048xi32>
    %shift_left3A_383 = arith.shli %xor3A_379, %broadcast_in_dim3A_382 : vector<32x2048xi32>
    %broadcast_in_dim3A_384 = arith.constant 16 : i32
    %broadcast_in_dim3A_385 = vector.broadcast %broadcast_in_dim3A_384 : i32 to vector<32x2048xi32>
    %shift_right_logical3A_386 = arith.shrui %xor3A_379, %broadcast_in_dim3A_385 : vector<32x2048xi32>
    %or3A_387 = arith.ori %shift_left3A_383, %shift_right_logical3A_386 : vector<32x2048xi32>
    %xor3A_388 = arith.xori %or3A_387, %add3A_380 : vector<32x2048xi32>
    %add3A_389 = arith.addi %add3A_380, %xor3A_388 : vector<32x2048xi32>
    %broadcast_in_dim3A_390 = arith.constant 24 : i32
    %broadcast_in_dim3A_391 = vector.broadcast %broadcast_in_dim3A_390 : i32 to vector<32x2048xi32>
    %shift_left3A_392 = arith.shli %xor3A_388, %broadcast_in_dim3A_391 : vector<32x2048xi32>
    %broadcast_in_dim3A_393 = arith.constant 8 : i32
    %broadcast_in_dim3A_394 = vector.broadcast %broadcast_in_dim3A_393 : i32 to vector<32x2048xi32>
    %shift_right_logical3A_395 = arith.shrui %xor3A_388, %broadcast_in_dim3A_394 : vector<32x2048xi32>
    %or3A_396 = arith.ori %shift_left3A_392, %shift_right_logical3A_395 : vector<32x2048xi32>
    %xor3A_397 = arith.xori %or3A_396, %add3A_389 : vector<32x2048xi32>
    %broadcast_in_dim3A_398 = arith.constant 1697627890 : i32
    %broadcast_in_dim3A_399 = vector.broadcast %broadcast_in_dim3A_398 : i32 to vector<32x2048xi32>
    %add3A_400 = arith.addi %add3A_389, %broadcast_in_dim3A_399 : vector<32x2048xi32>
    %broadcast_in_dim3A_401 = arith.constant -712787913 : i32
    %broadcast_in_dim3A_402 = vector.broadcast %broadcast_in_dim3A_401 : i32 to vector<32x2048xi32>
    %add3A_403 = arith.addi %xor3A_397, %broadcast_in_dim3A_402 : vector<32x2048xi32>
    %add3A_404 = arith.addi %add3A_400, %add3A_403 : vector<32x2048xi32>
    %broadcast_in_dim3A_405 = arith.constant 13 : i32
    %broadcast_in_dim3A_406 = vector.broadcast %broadcast_in_dim3A_405 : i32 to vector<32x2048xi32>
    %shift_left3A_407 = arith.shli %add3A_403, %broadcast_in_dim3A_406 : vector<32x2048xi32>
    %broadcast_in_dim3A_408 = arith.constant 19 : i32
    %broadcast_in_dim3A_409 = vector.broadcast %broadcast_in_dim3A_408 : i32 to vector<32x2048xi32>
    %shift_right_logical3A_410 = arith.shrui %add3A_403, %broadcast_in_dim3A_409 : vector<32x2048xi32>
    %or3A_411 = arith.ori %shift_left3A_407, %shift_right_logical3A_410 : vector<32x2048xi32>
    %xor3A_412 = arith.xori %or3A_411, %add3A_404 : vector<32x2048xi32>
    %add3A_413 = arith.addi %add3A_404, %xor3A_412 : vector<32x2048xi32>
    %broadcast_in_dim3A_414 = arith.constant 15 : i32
    %broadcast_in_dim3A_415 = vector.broadcast %broadcast_in_dim3A_414 : i32 to vector<32x2048xi32>
    %shift_left3A_416 = arith.shli %xor3A_412, %broadcast_in_dim3A_415 : vector<32x2048xi32>
    %broadcast_in_dim3A_417 = arith.constant 17 : i32
    %broadcast_in_dim3A_418 = vector.broadcast %broadcast_in_dim3A_417 : i32 to vector<32x2048xi32>
    %shift_right_logical3A_419 = arith.shrui %xor3A_412, %broadcast_in_dim3A_418 : vector<32x2048xi32>
    %or3A_420 = arith.ori %shift_left3A_416, %shift_right_logical3A_419 : vector<32x2048xi32>
    %xor3A_421 = arith.xori %or3A_420, %add3A_413 : vector<32x2048xi32>
    %add3A_422 = arith.addi %add3A_413, %xor3A_421 : vector<32x2048xi32>
    %broadcast_in_dim3A_423 = arith.constant 26 : i32
    %broadcast_in_dim3A_424 = vector.broadcast %broadcast_in_dim3A_423 : i32 to vector<32x2048xi32>
    %shift_left3A_425 = arith.shli %xor3A_421, %broadcast_in_dim3A_424 : vector<32x2048xi32>
    %broadcast_in_dim3A_426 = arith.constant 6 : i32
    %broadcast_in_dim3A_427 = vector.broadcast %broadcast_in_dim3A_426 : i32 to vector<32x2048xi32>
    %shift_right_logical3A_428 = arith.shrui %xor3A_421, %broadcast_in_dim3A_427 : vector<32x2048xi32>
    %or3A_429 = arith.ori %shift_left3A_425, %shift_right_logical3A_428 : vector<32x2048xi32>
    %xor3A_430 = arith.xori %or3A_429, %add3A_422 : vector<32x2048xi32>
    %add3A_431 = arith.addi %add3A_422, %xor3A_430 : vector<32x2048xi32>
    %broadcast_in_dim3A_432 = arith.constant 6 : i32
    %broadcast_in_dim3A_433 = vector.broadcast %broadcast_in_dim3A_432 : i32 to vector<32x2048xi32>
    %shift_left3A_434 = arith.shli %xor3A_430, %broadcast_in_dim3A_433 : vector<32x2048xi32>
    %broadcast_in_dim3A_435 = arith.constant 26 : i32
    %broadcast_in_dim3A_436 = vector.broadcast %broadcast_in_dim3A_435 : i32 to vector<32x2048xi32>
    %shift_right_logical3A_437 = arith.shrui %xor3A_430, %broadcast_in_dim3A_436 : vector<32x2048xi32>
    %or3A_438 = arith.ori %shift_left3A_434, %shift_right_logical3A_437 : vector<32x2048xi32>
    %xor3A_439 = arith.xori %or3A_438, %add3A_431 : vector<32x2048xi32>
    %broadcast_in_dim3A_440 = arith.constant -712787917 : i32
    %broadcast_in_dim3A_441 = vector.broadcast %broadcast_in_dim3A_440 : i32 to vector<32x2048xi32>
    %add3A_442 = arith.addi %add3A_431, %broadcast_in_dim3A_441 : vector<32x2048xi32>
    %broadcast_in_dim3A_443 = arith.constant -1417863904 : i32
    %broadcast_in_dim3A_444 = vector.broadcast %broadcast_in_dim3A_443 : i32 to vector<32x2048xi32>
    %add3A_445 = arith.addi %xor3A_439, %broadcast_in_dim3A_444 : vector<32x2048xi32>
    %xor3A_446 = arith.xori %add3A_442, %add3A_445 : vector<32x2048xi32>
    %broadcast_in_dim3A_447 = arith.constant 9 : i32
    %broadcast_in_dim3A_448 = vector.broadcast %broadcast_in_dim3A_447 : i32 to vector<32x2048xi32>
    %shift_right_logical3A_449 = arith.shrui %xor3A_446, %broadcast_in_dim3A_448 : vector<32x2048xi32>
    %le3A = arith.constant 6710886 : i32
    %le3A_450 = vector.broadcast %le3A : i32 to vector<32x2048xi32>
    %le3A_451 = arith.cmpi sle, %shift_right_logical3A_449, %le3A_450 : vector<32x2048xi32>
    %and3A_452 = arith.andi %le3A_451, %and3A : vector<32x2048xi1>
    %broadcast_in_dim3A_453 = arith.constant -1578094948 : i32
    %broadcast_in_dim3A_454 = vector.broadcast %broadcast_in_dim3A_453 : i32 to vector<32x2048xi32>
    %add3A_455 = arith.addi %add3A_6, %broadcast_in_dim3A_454 : vector<32x2048xi32>
    %broadcast_in_dim3A_456 = arith.constant 603280156 : i32
    %broadcast_in_dim3A_457 = vector.broadcast %broadcast_in_dim3A_456 : i32 to vector<32x2048xi32>
    %add3A_458 = arith.addi %add3A_6, %broadcast_in_dim3A_457 : vector<32x2048xi32>
    %broadcast_in_dim3A_459 = arith.constant 13 : i32
    %broadcast_in_dim3A_460 = vector.broadcast %broadcast_in_dim3A_459 : i32 to vector<32x2048xi32>
    %shift_left3A_461 = arith.shli %add3A_458, %broadcast_in_dim3A_460 : vector<32x2048xi32>
    %broadcast_in_dim3A_462 = arith.constant 19 : i32
    %broadcast_in_dim3A_463 = vector.broadcast %broadcast_in_dim3A_462 : i32 to vector<32x2048xi32>
    %shift_right_logical3A_464 = arith.shrui %add3A_458, %broadcast_in_dim3A_463 : vector<32x2048xi32>
    %or3A_465 = arith.ori %shift_left3A_461, %shift_right_logical3A_464 : vector<32x2048xi32>
    %xor3A_466 = arith.xori %or3A_465, %add3A_455 : vector<32x2048xi32>
    %add3A_467 = arith.addi %add3A_455, %xor3A_466 : vector<32x2048xi32>
    %broadcast_in_dim3A_468 = arith.constant 15 : i32
    %broadcast_in_dim3A_469 = vector.broadcast %broadcast_in_dim3A_468 : i32 to vector<32x2048xi32>
    %shift_left3A_470 = arith.shli %xor3A_466, %broadcast_in_dim3A_469 : vector<32x2048xi32>
    %broadcast_in_dim3A_471 = arith.constant 17 : i32
    %broadcast_in_dim3A_472 = vector.broadcast %broadcast_in_dim3A_471 : i32 to vector<32x2048xi32>
    %shift_right_logical3A_473 = arith.shrui %xor3A_466, %broadcast_in_dim3A_472 : vector<32x2048xi32>
    %or3A_474 = arith.ori %shift_left3A_470, %shift_right_logical3A_473 : vector<32x2048xi32>
    %xor3A_475 = arith.xori %or3A_474, %add3A_467 : vector<32x2048xi32>
    %add3A_476 = arith.addi %add3A_467, %xor3A_475 : vector<32x2048xi32>
    %broadcast_in_dim3A_477 = arith.constant 26 : i32
    %broadcast_in_dim3A_478 = vector.broadcast %broadcast_in_dim3A_477 : i32 to vector<32x2048xi32>
    %shift_left3A_479 = arith.shli %xor3A_475, %broadcast_in_dim3A_478 : vector<32x2048xi32>
    %broadcast_in_dim3A_480 = arith.constant 6 : i32
    %broadcast_in_dim3A_481 = vector.broadcast %broadcast_in_dim3A_480 : i32 to vector<32x2048xi32>
    %shift_right_logical3A_482 = arith.shrui %xor3A_475, %broadcast_in_dim3A_481 : vector<32x2048xi32>
    %or3A_483 = arith.ori %shift_left3A_479, %shift_right_logical3A_482 : vector<32x2048xi32>
    %xor3A_484 = arith.xori %or3A_483, %add3A_476 : vector<32x2048xi32>
    %add3A_485 = arith.addi %add3A_476, %xor3A_484 : vector<32x2048xi32>
    %broadcast_in_dim3A_486 = arith.constant 6 : i32
    %broadcast_in_dim3A_487 = vector.broadcast %broadcast_in_dim3A_486 : i32 to vector<32x2048xi32>
    %shift_left3A_488 = arith.shli %xor3A_484, %broadcast_in_dim3A_487 : vector<32x2048xi32>
    %broadcast_in_dim3A_489 = arith.constant 26 : i32
    %broadcast_in_dim3A_490 = vector.broadcast %broadcast_in_dim3A_489 : i32 to vector<32x2048xi32>
    %shift_right_logical3A_491 = arith.shrui %xor3A_484, %broadcast_in_dim3A_490 : vector<32x2048xi32>
    %or3A_492 = arith.ori %shift_left3A_488, %shift_right_logical3A_491 : vector<32x2048xi32>
    %xor3A_493 = arith.xori %or3A_492, %add3A_485 : vector<32x2048xi32>
    %broadcast_in_dim3A_494 = arith.constant 603280156 : i32
    %broadcast_in_dim3A_495 = vector.broadcast %broadcast_in_dim3A_494 : i32 to vector<32x2048xi32>
    %add3A_496 = arith.addi %add3A_485, %broadcast_in_dim3A_495 : vector<32x2048xi32>
    %broadcast_in_dim3A_497 = arith.constant 1172214599 : i32
    %broadcast_in_dim3A_498 = vector.broadcast %broadcast_in_dim3A_497 : i32 to vector<32x2048xi32>
    %add3A_499 = arith.addi %xor3A_493, %broadcast_in_dim3A_498 : vector<32x2048xi32>
    %add3A_500 = arith.addi %add3A_496, %add3A_499 : vector<32x2048xi32>
    %broadcast_in_dim3A_501 = arith.constant 17 : i32
    %broadcast_in_dim3A_502 = vector.broadcast %broadcast_in_dim3A_501 : i32 to vector<32x2048xi32>
    %shift_left3A_503 = arith.shli %add3A_499, %broadcast_in_dim3A_502 : vector<32x2048xi32>
    %broadcast_in_dim3A_504 = arith.constant 15 : i32
    %broadcast_in_dim3A_505 = vector.broadcast %broadcast_in_dim3A_504 : i32 to vector<32x2048xi32>
    %shift_right_logical3A_506 = arith.shrui %add3A_499, %broadcast_in_dim3A_505 : vector<32x2048xi32>
    %or3A_507 = arith.ori %shift_left3A_503, %shift_right_logical3A_506 : vector<32x2048xi32>
    %xor3A_508 = arith.xori %or3A_507, %add3A_500 : vector<32x2048xi32>
    %add3A_509 = arith.addi %add3A_500, %xor3A_508 : vector<32x2048xi32>
    %broadcast_in_dim3A_510 = arith.constant 29 : i32
    %broadcast_in_dim3A_511 = vector.broadcast %broadcast_in_dim3A_510 : i32 to vector<32x2048xi32>
    %shift_left3A_512 = arith.shli %xor3A_508, %broadcast_in_dim3A_511 : vector<32x2048xi32>
    %broadcast_in_dim3A_513 = arith.constant 3 : i32
    %broadcast_in_dim3A_514 = vector.broadcast %broadcast_in_dim3A_513 : i32 to vector<32x2048xi32>
    %shift_right_logical3A_515 = arith.shrui %xor3A_508, %broadcast_in_dim3A_514 : vector<32x2048xi32>
    %or3A_516 = arith.ori %shift_left3A_512, %shift_right_logical3A_515 : vector<32x2048xi32>
    %xor3A_517 = arith.xori %or3A_516, %add3A_509 : vector<32x2048xi32>
    %add3A_518 = arith.addi %add3A_509, %xor3A_517 : vector<32x2048xi32>
    %broadcast_in_dim3A_519 = arith.constant 16 : i32
    %broadcast_in_dim3A_520 = vector.broadcast %broadcast_in_dim3A_519 : i32 to vector<32x2048xi32>
    %shift_left3A_521 = arith.shli %xor3A_517, %broadcast_in_dim3A_520 : vector<32x2048xi32>
    %broadcast_in_dim3A_522 = arith.constant 16 : i32
    %broadcast_in_dim3A_523 = vector.broadcast %broadcast_in_dim3A_522 : i32 to vector<32x2048xi32>
    %shift_right_logical3A_524 = arith.shrui %xor3A_517, %broadcast_in_dim3A_523 : vector<32x2048xi32>
    %or3A_525 = arith.ori %shift_left3A_521, %shift_right_logical3A_524 : vector<32x2048xi32>
    %xor3A_526 = arith.xori %or3A_525, %add3A_518 : vector<32x2048xi32>
    %add3A_527 = arith.addi %add3A_518, %xor3A_526 : vector<32x2048xi32>
    %broadcast_in_dim3A_528 = arith.constant 24 : i32
    %broadcast_in_dim3A_529 = vector.broadcast %broadcast_in_dim3A_528 : i32 to vector<32x2048xi32>
    %shift_left3A_530 = arith.shli %xor3A_526, %broadcast_in_dim3A_529 : vector<32x2048xi32>
    %broadcast_in_dim3A_531 = arith.constant 8 : i32
    %broadcast_in_dim3A_532 = vector.broadcast %broadcast_in_dim3A_531 : i32 to vector<32x2048xi32>
    %shift_right_logical3A_533 = arith.shrui %xor3A_526, %broadcast_in_dim3A_532 : vector<32x2048xi32>
    %or3A_534 = arith.ori %shift_left3A_530, %shift_right_logical3A_533 : vector<32x2048xi32>
    %xor3A_535 = arith.xori %or3A_534, %add3A_527 : vector<32x2048xi32>
    %broadcast_in_dim3A_536 = arith.constant 1172214598 : i32
    %broadcast_in_dim3A_537 = vector.broadcast %broadcast_in_dim3A_536 : i32 to vector<32x2048xi32>
    %add3A_538 = arith.addi %add3A_527, %broadcast_in_dim3A_537 : vector<32x2048xi32>
    %broadcast_in_dim3A_539 = arith.constant 2113592194 : i32
    %broadcast_in_dim3A_540 = vector.broadcast %broadcast_in_dim3A_539 : i32 to vector<32x2048xi32>
    %add3A_541 = arith.addi %xor3A_535, %broadcast_in_dim3A_540 : vector<32x2048xi32>
    %add3A_542 = arith.addi %add3A_538, %add3A_541 : vector<32x2048xi32>
    %broadcast_in_dim3A_543 = arith.constant 13 : i32
    %broadcast_in_dim3A_544 = vector.broadcast %broadcast_in_dim3A_543 : i32 to vector<32x2048xi32>
    %shift_left3A_545 = arith.shli %add3A_541, %broadcast_in_dim3A_544 : vector<32x2048xi32>
    %broadcast_in_dim3A_546 = arith.constant 19 : i32
    %broadcast_in_dim3A_547 = vector.broadcast %broadcast_in_dim3A_546 : i32 to vector<32x2048xi32>
    %shift_right_logical3A_548 = arith.shrui %add3A_541, %broadcast_in_dim3A_547 : vector<32x2048xi32>
    %or3A_549 = arith.ori %shift_left3A_545, %shift_right_logical3A_548 : vector<32x2048xi32>
    %xor3A_550 = arith.xori %or3A_549, %add3A_542 : vector<32x2048xi32>
    %add3A_551 = arith.addi %add3A_542, %xor3A_550 : vector<32x2048xi32>
    %broadcast_in_dim3A_552 = arith.constant 15 : i32
    %broadcast_in_dim3A_553 = vector.broadcast %broadcast_in_dim3A_552 : i32 to vector<32x2048xi32>
    %shift_left3A_554 = arith.shli %xor3A_550, %broadcast_in_dim3A_553 : vector<32x2048xi32>
    %broadcast_in_dim3A_555 = arith.constant 17 : i32
    %broadcast_in_dim3A_556 = vector.broadcast %broadcast_in_dim3A_555 : i32 to vector<32x2048xi32>
    %shift_right_logical3A_557 = arith.shrui %xor3A_550, %broadcast_in_dim3A_556 : vector<32x2048xi32>
    %or3A_558 = arith.ori %shift_left3A_554, %shift_right_logical3A_557 : vector<32x2048xi32>
    %xor3A_559 = arith.xori %or3A_558, %add3A_551 : vector<32x2048xi32>
    %add3A_560 = arith.addi %add3A_551, %xor3A_559 : vector<32x2048xi32>
    %broadcast_in_dim3A_561 = arith.constant 26 : i32
    %broadcast_in_dim3A_562 = vector.broadcast %broadcast_in_dim3A_561 : i32 to vector<32x2048xi32>
    %shift_left3A_563 = arith.shli %xor3A_559, %broadcast_in_dim3A_562 : vector<32x2048xi32>
    %broadcast_in_dim3A_564 = arith.constant 6 : i32
    %broadcast_in_dim3A_565 = vector.broadcast %broadcast_in_dim3A_564 : i32 to vector<32x2048xi32>
    %shift_right_logical3A_566 = arith.shrui %xor3A_559, %broadcast_in_dim3A_565 : vector<32x2048xi32>
    %or3A_567 = arith.ori %shift_left3A_563, %shift_right_logical3A_566 : vector<32x2048xi32>
    %xor3A_568 = arith.xori %or3A_567, %add3A_560 : vector<32x2048xi32>
    %add3A_569 = arith.addi %add3A_560, %xor3A_568 : vector<32x2048xi32>
    %broadcast_in_dim3A_570 = arith.constant 6 : i32
    %broadcast_in_dim3A_571 = vector.broadcast %broadcast_in_dim3A_570 : i32 to vector<32x2048xi32>
    %shift_left3A_572 = arith.shli %xor3A_568, %broadcast_in_dim3A_571 : vector<32x2048xi32>
    %broadcast_in_dim3A_573 = arith.constant 26 : i32
    %broadcast_in_dim3A_574 = vector.broadcast %broadcast_in_dim3A_573 : i32 to vector<32x2048xi32>
    %shift_right_logical3A_575 = arith.shrui %xor3A_568, %broadcast_in_dim3A_574 : vector<32x2048xi32>
    %or3A_576 = arith.ori %shift_left3A_572, %shift_right_logical3A_575 : vector<32x2048xi32>
    %xor3A_577 = arith.xori %or3A_576, %add3A_569 : vector<32x2048xi32>
    %broadcast_in_dim3A_578 = arith.constant 2113592192 : i32
    %broadcast_in_dim3A_579 = vector.broadcast %broadcast_in_dim3A_578 : i32 to vector<32x2048xi32>
    %add3A_580 = arith.addi %add3A_569, %broadcast_in_dim3A_579 : vector<32x2048xi32>
    %broadcast_in_dim3A_581 = arith.constant 603280159 : i32
    %broadcast_in_dim3A_582 = vector.broadcast %broadcast_in_dim3A_581 : i32 to vector<32x2048xi32>
    %add3A_583 = arith.addi %xor3A_577, %broadcast_in_dim3A_582 : vector<32x2048xi32>
    %add3A_584 = arith.addi %add3A_580, %add3A_583 : vector<32x2048xi32>
    %broadcast_in_dim3A_585 = arith.constant 17 : i32
    %broadcast_in_dim3A_586 = vector.broadcast %broadcast_in_dim3A_585 : i32 to vector<32x2048xi32>
    %shift_left3A_587 = arith.shli %add3A_583, %broadcast_in_dim3A_586 : vector<32x2048xi32>
    %broadcast_in_dim3A_588 = arith.constant 15 : i32
    %broadcast_in_dim3A_589 = vector.broadcast %broadcast_in_dim3A_588 : i32 to vector<32x2048xi32>
    %shift_right_logical3A_590 = arith.shrui %add3A_583, %broadcast_in_dim3A_589 : vector<32x2048xi32>
    %or3A_591 = arith.ori %shift_left3A_587, %shift_right_logical3A_590 : vector<32x2048xi32>
    %xor3A_592 = arith.xori %or3A_591, %add3A_584 : vector<32x2048xi32>
    %add3A_593 = arith.addi %add3A_584, %xor3A_592 : vector<32x2048xi32>
    %broadcast_in_dim3A_594 = arith.constant 29 : i32
    %broadcast_in_dim3A_595 = vector.broadcast %broadcast_in_dim3A_594 : i32 to vector<32x2048xi32>
    %shift_left3A_596 = arith.shli %xor3A_592, %broadcast_in_dim3A_595 : vector<32x2048xi32>
    %broadcast_in_dim3A_597 = arith.constant 3 : i32
    %broadcast_in_dim3A_598 = vector.broadcast %broadcast_in_dim3A_597 : i32 to vector<32x2048xi32>
    %shift_right_logical3A_599 = arith.shrui %xor3A_592, %broadcast_in_dim3A_598 : vector<32x2048xi32>
    %or3A_600 = arith.ori %shift_left3A_596, %shift_right_logical3A_599 : vector<32x2048xi32>
    %xor3A_601 = arith.xori %or3A_600, %add3A_593 : vector<32x2048xi32>
    %add3A_602 = arith.addi %add3A_593, %xor3A_601 : vector<32x2048xi32>
    %broadcast_in_dim3A_603 = arith.constant 16 : i32
    %broadcast_in_dim3A_604 = vector.broadcast %broadcast_in_dim3A_603 : i32 to vector<32x2048xi32>
    %shift_left3A_605 = arith.shli %xor3A_601, %broadcast_in_dim3A_604 : vector<32x2048xi32>
    %broadcast_in_dim3A_606 = arith.constant 16 : i32
    %broadcast_in_dim3A_607 = vector.broadcast %broadcast_in_dim3A_606 : i32 to vector<32x2048xi32>
    %shift_right_logical3A_608 = arith.shrui %xor3A_601, %broadcast_in_dim3A_607 : vector<32x2048xi32>
    %or3A_609 = arith.ori %shift_left3A_605, %shift_right_logical3A_608 : vector<32x2048xi32>
    %xor3A_610 = arith.xori %or3A_609, %add3A_602 : vector<32x2048xi32>
    %add3A_611 = arith.addi %add3A_602, %xor3A_610 : vector<32x2048xi32>
    %broadcast_in_dim3A_612 = arith.constant 24 : i32
    %broadcast_in_dim3A_613 = vector.broadcast %broadcast_in_dim3A_612 : i32 to vector<32x2048xi32>
    %shift_left3A_614 = arith.shli %xor3A_610, %broadcast_in_dim3A_613 : vector<32x2048xi32>
    %broadcast_in_dim3A_615 = arith.constant 8 : i32
    %broadcast_in_dim3A_616 = vector.broadcast %broadcast_in_dim3A_615 : i32 to vector<32x2048xi32>
    %shift_right_logical3A_617 = arith.shrui %xor3A_610, %broadcast_in_dim3A_616 : vector<32x2048xi32>
    %or3A_618 = arith.ori %shift_left3A_614, %shift_right_logical3A_617 : vector<32x2048xi32>
    %xor3A_619 = arith.xori %or3A_618, %add3A_611 : vector<32x2048xi32>
    %broadcast_in_dim3A_620 = arith.constant 603280156 : i32
    %broadcast_in_dim3A_621 = vector.broadcast %broadcast_in_dim3A_620 : i32 to vector<32x2048xi32>
    %add3A_622 = arith.addi %add3A_611, %broadcast_in_dim3A_621 : vector<32x2048xi32>
    %broadcast_in_dim3A_623 = arith.constant 1172214602 : i32
    %broadcast_in_dim3A_624 = vector.broadcast %broadcast_in_dim3A_623 : i32 to vector<32x2048xi32>
    %add3A_625 = arith.addi %xor3A_619, %broadcast_in_dim3A_624 : vector<32x2048xi32>
    %add3A_626 = arith.addi %add3A_622, %add3A_625 : vector<32x2048xi32>
    %broadcast_in_dim3A_627 = arith.constant 13 : i32
    %broadcast_in_dim3A_628 = vector.broadcast %broadcast_in_dim3A_627 : i32 to vector<32x2048xi32>
    %shift_left3A_629 = arith.shli %add3A_625, %broadcast_in_dim3A_628 : vector<32x2048xi32>
    %broadcast_in_dim3A_630 = arith.constant 19 : i32
    %broadcast_in_dim3A_631 = vector.broadcast %broadcast_in_dim3A_630 : i32 to vector<32x2048xi32>
    %shift_right_logical3A_632 = arith.shrui %add3A_625, %broadcast_in_dim3A_631 : vector<32x2048xi32>
    %or3A_633 = arith.ori %shift_left3A_629, %shift_right_logical3A_632 : vector<32x2048xi32>
    %xor3A_634 = arith.xori %or3A_633, %add3A_626 : vector<32x2048xi32>
    %add3A_635 = arith.addi %add3A_626, %xor3A_634 : vector<32x2048xi32>
    %broadcast_in_dim3A_636 = arith.constant 15 : i32
    %broadcast_in_dim3A_637 = vector.broadcast %broadcast_in_dim3A_636 : i32 to vector<32x2048xi32>
    %shift_left3A_638 = arith.shli %xor3A_634, %broadcast_in_dim3A_637 : vector<32x2048xi32>
    %broadcast_in_dim3A_639 = arith.constant 17 : i32
    %broadcast_in_dim3A_640 = vector.broadcast %broadcast_in_dim3A_639 : i32 to vector<32x2048xi32>
    %shift_right_logical3A_641 = arith.shrui %xor3A_634, %broadcast_in_dim3A_640 : vector<32x2048xi32>
    %or3A_642 = arith.ori %shift_left3A_638, %shift_right_logical3A_641 : vector<32x2048xi32>
    %xor3A_643 = arith.xori %or3A_642, %add3A_635 : vector<32x2048xi32>
    %add3A_644 = arith.addi %add3A_635, %xor3A_643 : vector<32x2048xi32>
    %broadcast_in_dim3A_645 = arith.constant 26 : i32
    %broadcast_in_dim3A_646 = vector.broadcast %broadcast_in_dim3A_645 : i32 to vector<32x2048xi32>
    %shift_left3A_647 = arith.shli %xor3A_643, %broadcast_in_dim3A_646 : vector<32x2048xi32>
    %broadcast_in_dim3A_648 = arith.constant 6 : i32
    %broadcast_in_dim3A_649 = vector.broadcast %broadcast_in_dim3A_648 : i32 to vector<32x2048xi32>
    %shift_right_logical3A_650 = arith.shrui %xor3A_643, %broadcast_in_dim3A_649 : vector<32x2048xi32>
    %or3A_651 = arith.ori %shift_left3A_647, %shift_right_logical3A_650 : vector<32x2048xi32>
    %xor3A_652 = arith.xori %or3A_651, %add3A_644 : vector<32x2048xi32>
    %add3A_653 = arith.addi %add3A_644, %xor3A_652 : vector<32x2048xi32>
    %broadcast_in_dim3A_654 = arith.constant 6 : i32
    %broadcast_in_dim3A_655 = vector.broadcast %broadcast_in_dim3A_654 : i32 to vector<32x2048xi32>
    %shift_left3A_656 = arith.shli %xor3A_652, %broadcast_in_dim3A_655 : vector<32x2048xi32>
    %broadcast_in_dim3A_657 = arith.constant 26 : i32
    %broadcast_in_dim3A_658 = vector.broadcast %broadcast_in_dim3A_657 : i32 to vector<32x2048xi32>
    %shift_right_logical3A_659 = arith.shrui %xor3A_652, %broadcast_in_dim3A_658 : vector<32x2048xi32>
    %or3A_660 = arith.ori %shift_left3A_656, %shift_right_logical3A_659 : vector<32x2048xi32>
    %xor3A_661 = arith.xori %or3A_660, %add3A_653 : vector<32x2048xi32>
    %broadcast_in_dim3A_662 = arith.constant 1172214598 : i32
    %broadcast_in_dim3A_663 = vector.broadcast %broadcast_in_dim3A_662 : i32 to vector<32x2048xi32>
    %add3A_664 = arith.addi %add3A_653, %broadcast_in_dim3A_663 : vector<32x2048xi32>
    %broadcast_in_dim3A_665 = arith.constant 2113592197 : i32
    %broadcast_in_dim3A_666 = vector.broadcast %broadcast_in_dim3A_665 : i32 to vector<32x2048xi32>
    %add3A_667 = arith.addi %xor3A_661, %broadcast_in_dim3A_666 : vector<32x2048xi32>
    %xor3A_668 = arith.xori %add3A_664, %add3A_667 : vector<32x2048xi32>
    %broadcast_in_dim3A_669 = arith.constant 9 : i32
    %broadcast_in_dim3A_670 = vector.broadcast %broadcast_in_dim3A_669 : i32 to vector<32x2048xi32>
    %shift_right_logical3A_671 = arith.shrui %xor3A_668, %broadcast_in_dim3A_670 : vector<32x2048xi32>
    %le3A_672 = arith.constant 838860 : i32
    %le3A_673 = vector.broadcast %le3A_672 : i32 to vector<32x2048xi32>
    %le3A_674 = arith.cmpi sle, %shift_right_logical3A_671, %le3A_673 : vector<32x2048xi32>
    %and3A_675 = arith.andi %le3A_674, %and3A : vector<32x2048xi1>
    %not3A_676 = arith.constant dense<true> : vector<32x2048xi1>
    %not3A_677 = arith.xori %and3A_452, %not3A_676 : vector<32x2048xi1>
    %and3A_678 = arith.andi %and3A_675, %not3A_677 : vector<32x2048xi1>
    %jit3A = arith.constant 0 : i32
    %broadcast_in_dim3A_679 = vector.broadcast %jit3A : i32 to vector<32x2048xi32>
    %select_n3A = arith.select %and3A, %broadcast_in_dim3A_679, %get3A_11 : vector<32x2048xi1>, vector<32x2048xi32>
    %swap3A = arith.constant 0 : index
    %swap3A_680 = arith.constant 0 : index
    %swap3A_681 = vector.load %arg5[%swap3A, %swap3A_680] : memref<32x2048xi32, #tpu.memory_space<vmem>>, vector<32x2048xi32>
    tpu.vector_store %arg5[%swap3A, %swap3A_680], %select_n3A {strides = array<i32>} : memref<32x2048xi32, #tpu.memory_space<vmem>>, vector<32x2048xi32>,
    %jit3A_682 = arith.constant 0 : i32
    %broadcast_in_dim3A_683 = vector.broadcast %jit3A_682 : i32 to vector<32x2048xi32>
    %select_n3A_684 = arith.select %and3A, %get3A_8, %broadcast_in_dim3A_683 : vector<32x2048xi1>, vector<32x2048xi32>
    %swap3A_685 = arith.constant 0 : index
    %swap3A_686 = arith.constant 0 : index
    %swap3A_687 = vector.load %arg6[%swap3A_685, %swap3A_686] : memref<32x2048xi32, #tpu.memory_space<vmem>>, vector<32x2048xi32>
    tpu.vector_store %arg6[%swap3A_685, %swap3A_686], %select_n3A_684 {strides = array<i32>} : memref<32x2048xi32, #tpu.memory_space<vmem>>, vector<32x2048xi32>,
    %jit3A_688 = arith.constant 103 : i32
    %broadcast_in_dim3A_689 = vector.broadcast %jit3A_688 : i32 to vector<32x2048xi32>
    %select_n3A_690 = arith.select %and3A_452, %broadcast_in_dim3A_689, %get3A_8 : vector<32x2048xi1>, vector<32x2048xi32>
    %swap3A_691 = arith.constant 0 : index
    %swap3A_692 = arith.constant 0 : index
    %swap3A_693 = vector.load %arg4[%swap3A_691, %swap3A_692] : memref<32x2048xi32, #tpu.memory_space<vmem>>, vector<32x2048xi32>
    tpu.vector_store %arg4[%swap3A_691, %swap3A_692], %select_n3A_690 {strides = array<i32>} : memref<32x2048xi32, #tpu.memory_space<vmem>>, vector<32x2048xi32>,
    %shift_left3A_694 = arith.constant 1 : i32
    %shift_left3A_695 = vector.broadcast %shift_left3A_694 : i32 to vector<32x2048xi32>
    %shift_left3A_696 = arith.shli %shift_left3A_695, %iota3A : vector<32x2048xi32>
    %jit3A_697 = arith.constant 0 : i32
    %broadcast_in_dim3A_698 = vector.broadcast %jit3A_697 : i32 to vector<32x2048xi32>
    %select_n3A_699 = arith.select %and3A_678, %shift_left3A_696, %broadcast_in_dim3A_698 : vector<32x2048xi1>, vector<32x2048xi32>
    %reduce_sum3A = arith.constant dense<0> : vector<2048xi32>
    %reduce_sum3A_700 = vector.multi_reduction <add>, %select_n3A_699, %reduce_sum3A [0] : vector<32x2048xi32> to vector<2048xi32>
    %reshape3A = vector.shape_cast %reduce_sum3A_700 : vector<2048xi32> to vector<1x1x2048xi32>
    %swap3A_701 = arith.constant 0 : index
    %swap3A_702 = arith.constant 0 : index
    %swap3A_703 = arith.constant 0 : index
    %swap3A_704 = vector.load %arg7[%swap3A_701, %swap3A_702, %swap3A_703] : memref<1x1x2048xi32, #tpu.memory_space<vmem>>, vector<1x1x2048xi32>
    tpu.vector_store %arg7[%swap3A_701, %swap3A_702, %swap3A_703], %reshape3A {strides = array<i32>} : memref<1x1x2048xi32, #tpu.memory_space<vmem>>, vector<1x1x2048xi32>,
    return
  }
  func.func @transform_0(%arg0: i32) -> (i32, i32) {
    %c0_i32 = arith.constant 0 : i32
    %c0_i32_0 = arith.constant 0 : i32
    return %arg0, %c0_i32 : i32, i32
  }
  func.func @transform_1(%arg0: i32) -> (i32, i32) {
    %c0_i32 = arith.constant 0 : i32
    %c0_i32_0 = arith.constant 0 : i32
    return %arg0, %c0_i32 : i32, i32
  }
  func.func @transform_2(%arg0: i32) -> (i32, i32) {
    %c0_i32 = arith.constant 0 : i32
    %c0_i32_0 = arith.constant 0 : i32
    return %arg0, %c0_i32 : i32, i32
  }
  func.func @transform_3(%arg0: i32) -> (i32, i32) {
    %c0_i32 = arith.constant 0 : i32
    %c0_i32_0 = arith.constant 0 : i32
    return %arg0, %c0_i32 : i32, i32
  }
  func.func @transform_4(%arg0: i32) -> (i32, i32) {
    %c0_i32 = arith.constant 0 : i32
    %c0_i32_0 = arith.constant 0 : i32
    return %arg0, %c0_i32 : i32, i32
  }
  func.func @transform_5(%arg0: i32) -> (i32, i32) {
    %c0_i32 = arith.constant 0 : i32
    %c0_i32_0 = arith.constant 0 : i32
    return %arg0, %c0_i32 : i32, i32
  }
  func.func @transform_6(%arg0: i32) -> (i32, i32, i32) {
    %c0_i32 = arith.constant 0 : i32
    %c0_i32_0 = arith.constant 0 : i32
    %c0_i32_1 = arith.constant 0 : i32
    return %arg0, %c0_i32, %c0_i32_0 : i32, i32, i32
  }
}

</mosaic_0001>

<sc_bundles>
// kernel: kernel.4.cloned.1.call-start
scs
__scs_entry_jumppad:
0x0: {  	(pc) =	sbr.rel $0x88, $3  }
0x1: {  	(tag) =	ssettag $0x0;
	lr =	simm.s32 $0x1  }
0x2: {  	[smem:$0x3F9E] =	sst lr;
	_ =	strace $0xD0000000  }
0x3: {  	_ = 	snop  }
0x4: {  	_ = 	snop  }
0x5: {  	_ = 	snop  }
0x6: {  	_ = 	snop  }
0x7: {  	_ = 	snop  }
__scs_overlays_trampoline_lowered:
0x8: {  	[smem:$0x3FAD] =	sst s0  }
0x9: {  	[smem:$0x3FAE] =	sst s1  }
0xa: {  	[smem:$0x3FAF] =	sst s2  }
0xb: {  	[smem:$0x3FB0] =	sst s3  }
0xc: {  	[smem:$0x3FB1] =	sst s4  }
0xd: {  	[smem:$0x3FB2] =	sst s5  }
0xe: {  	[smem:$0x3FB3] =	sst s6  }
0xf: {  	[smem:$0x3FB4] =	sst s7  }
0x10: {  	[smem:$0x3FB5] =	sst s8  }
0x11: {  	[smem:$0x3FB6] =	sst s9;
	s0 =	simm.s32 @!p0 $0x0  }
0x12: {  	s1 =	sld [smem:$0x3F9C];
	s0 =	simm.s32 @p0 $0x1  }
0x13: {  	[smem:$0x3FB7] =	sst s0;
	s0 =	simm.s32 @!p1 $0x0  }
0x14: {  	s2 =	sld [smem:$0x3F9B];
	s0 =	simm.s32 @p1 $0x1  }
0x15: {  	[smem:$0x3FB8] =	sst s0;
	s0 =	simm.s32 @!p2 $0x0  }
0x16: {  	s3 =	sld [smem:$0x3FDB];
	s0 =	simm.s32 @p2 $0x1  }
0x17: {  	s4 =	simm.s32 $0x1BF5;
	[smem:$0x3FBA] =	sst s0  }
0x18: {  	s0 =	sld [smem:$0x3F9D];
	_ =	swait.ge [sflag:s4], $0x0  }
0x19: {  	s7 =	sld [smem:$0x3F9E]  }
0x1a: {  	s8 =	sadd.s32 $0xFFFFE003, lr  }
0x1b: {  	s9 =	sadd.s32 $0xFFFFFEF7, lr;
	s5 =	simm.s32 $0xFFFFFFFF;
	p2 =	slt.u32 s8, $0xFFFFF086  }
0x1c: {  	p1 =	slt.u32 s9, $0xF7A;
	s5 =	simm.s32 @!p2 $0x0  }
0x1d: {  	s5 =	simm.s32 @p1 $0x1;
	p0 =	seq.s32 s7, s2  }
0x1e: {  	s7 =	smul.u32 @!p0 $0xF7A, s2;
	p2 =	seq.s32 @!p0 s5, $0x0  }
0x1f: {  	s9 =	smul.u32 $0xF7A, s1;
	s8 =	simm.s32 @!p0 $0x1BF5;
	p2 =	por !p2, p0  }
0x20: {  	[sflag:s8] =	ssyncset.s32 @!p0 $0xFFFFF086;
	s6 =	sadd.s32 @!p0 s3, s7;
	s7 =	simm.s32 @!p0 $0x108  }
0x21: {  	s3 =	sadd.s32 s3, s9;
	s6 =	sadd.s32 @!p0 $0x88, s6;
	s7 =	simm.s32 @p2 $0x1082  }
0x22: {  	[simem:s7], [sflag:s8] =	dma.local @!p0 [hbm:s6], $0xF7A  }
0x23: {  	s9 =	sor.u32 $0xD0000000, s2;
	s6 =	simm.s32 $0x108;
	_ =	swait.ge @!p0 [sflag:s8], $0x0  }
0x24: {  	s3 =	sadd.s32 $0x88, s3;
	s6 =	simm.s32 @!p1 $0x1082;
	[sflag:s4] =	ssyncset.s32 $0xFFFFF086  }
0x25: {  	[simem:s6], [sflag:s4] =	dma.local [hbm:s3], $0xF7A  }
0x26: {  	[smem:$0x3F9E] =	sst s1;
	(tag) =	ssettag s2;
	_ =	strace s9  }
0x27: {  	s1 =	sld [smem:$0x3FAE]  }
0x28: {  	s2 =	sld [smem:$0x3FAF]  }
0x29: {  	s4 =	sld [smem:$0x3FB1]  }
0x2a: {  	p0 =	seq.s32 s5, $0x0;
	s5 =	sld [smem:$0x3FB2]  }
0x2b: {  	s6 =	sld [smem:$0x3FB3]  }
0x2c: {  	s7 =	sld [smem:$0x3FB4]  }
0x2d: {  	s3 =	simm.s32 $0x108;
	s8 =	sld [smem:$0x3FB5]  }
0x2e: {  	s3 =	simm.s32 @!p0 $0x1082;
	s9 =	sld [smem:$0x3FB6]  }
0x2f: {  	lr =	sadd.s32 s0, s3;
	s0 =	sld [smem:$0x3FAD]  }
0x30: {  	s3 =	sld [smem:$0x3FB0]  }
0x31: {  	[smem:$0x3FB9] =	sst s10  }
0x32: {  	s10 =	sld [smem:$0x3FB7];
	_ =	sdelay $0x3  }
0x33: {  	p0 =	seq.s32 s10, $0x1;
	s10 =	sld [smem:$0x3FB9];
	_ =	sdelay $0x3  }
0x34: {  	[smem:$0x3FB9] =	sst s10  }
0x35: {  	s10 =	sld [smem:$0x3FB8];
	_ =	sdelay $0x3  }
0x36: {  	p1 =	seq.s32 s10, $0x1;
	s10 =	sld [smem:$0x3FB9];
	_ =	sdelay $0x3  }
0x37: {  	[smem:$0x3FB9] =	sst s10  }
0x38: {  	s10 =	sld [smem:$0x3FBA]  }
0x39: {  	_ = 	snop;
	(pc) =	sbr.ind lr, $3  }
0x3a: {  	_ = 	snop  }
0x3b: {  	_ = 	snop  }
0x3c: {  	p2 =	seq.s32 s10, $0x1;
	s10 =	sld [smem:$0x3FB9]  }
0x3d: {  	_ =	shalt  }
0x3e: {  	_ =	shalt  }
0x3f: {  	_ =	shalt  }
0x40: {  	_ =	shalt  }
0x41: {  	_ =	shalt  }
0x42: {  	_ =	shalt  }
0x43: {  	_ =	shalt  }
0x44: {  	_ =	shalt  }
0x45: {  	_ =	shalt  }
0x46: {  	_ =	shalt  }
0x47: {  	_ =	shalt  }
0x48: {  	_ =	shalt  }
0x49: {  	_ =	shalt  }
0x4a: {  	_ =	shalt  }
0x4b: {  	_ =	shalt  }
0x4c: {  	_ =	shalt  }
0x4d: {  	_ =	shalt  }
0x4e: {  	_ =	shalt  }
0x4f: {  	_ =	shalt  }
0x50: {  	_ =	shalt  }
0x51: {  	_ =	shalt  }
0x52: {  	_ =	shalt  }
0x53: {  	_ =	shalt  }
0x54: {  	_ =	shalt  }
0x55: {  	_ =	shalt  }
0x56: {  	_ =	shalt  }
0x57: {  	_ =	shalt  }
0x58: {  	_ =	shalt  }
0x59: {  	_ =	shalt  }
0x5a: {  	_ =	shalt  }
0x5b: {  	_ =	shalt  }
0x5c: {  	_ =	shalt  }
0x5d: {  	_ =	shalt  }
0x5e: {  	_ =	shalt  }
0x5f: {  	_ =	shalt  }
0x60: {  	_ =	shalt  }
0x61: {  	_ =	shalt  }
0x62: {  	_ =	shalt  }
0x63: {  	_ =	shalt  }
0x64: {  	_ =	shalt  }
0x65: {  	_ =	shalt  }
0x66: {  	_ =	shalt  }
0x67: {  	_ =	shalt  }
0x68: {  	_ =	shalt  }
0x69: {  	_ =	shalt  }
0x6a: {  	_ =	shalt  }
0x6b: {  	_ =	shalt  }
0x6c: {  	_ =	shalt  }
0x6d: {  	_ =	shalt  }
0x6e: {  	_ =	shalt  }
0x6f: {  	_ =	shalt  }
0x70: {  	_ =	shalt  }
0x71: {  	_ =	shalt  }
0x72: {  	_ =	shalt  }
0x73: {  	_ =	shalt  }
0x74: {  	_ =	shalt  }
0x75: {  	_ =	shalt  }
0x76: {  	_ =	shalt  }
0x77: {  	_ =	shalt  }
0x78: {  	_ =	shalt  }
0x79: {  	_ =	shalt  }
0x7a: {  	_ =	shalt  }
0x7b: {  	_ =	shalt  }
0x7c: {  	_ =	shalt  }
0x7d: {  	_ =	shalt  }
0x7e: {  	_ =	shalt  }
0x7f: {  	_ =	shalt  }
0x80: {  	_ =	shalt  }
0x81: {  	_ =	shalt  }
0x82: {  	_ =	shalt  }
0x83: {  	_ =	shalt  }
0x84: {  	_ =	shalt  }
0x85: {  	_ =	shalt  }
0x86: {  	_ =	shalt  }
0x87: {  	_ =	shalt  }
.Lfunc_end0:
.L_simem_size_0:
called_computation_lowered:
.L_overlay_start_0:
0x88: {  	s2 =	sld [smem:$0x3FD9]  }
0x89: {  	s3 =	sld [smem:$0x3FFE];
	_ =	sdelay $0x1  }
0x8a: {  	s1 =	srdreg.scid  }
0x8b: {  	s0 =	sand.u32 $0x1, s1  }
0x8c: {  	s14 =	sshll.u32 s0, $0xA;
	s2 =	sadd.s32 s3, s2  }
0x8d: {  	s2 =	sadd.s32 s2, s14  }
0x8e: {  	[smem:$0x3FC5] =	sst s2  }
0x8f: {  	_ = 	snop  }
0x90: {  	s2 =	sld [smem:$0x3FD0];
	_ =	sdelay $0x2  }
0x91: {  	s15 =	simm.s32 $0xA;
	s4 =	simm.s32 $0x10  }
0x92: {  	[smem:s4], [sflag:s15] =	dma.local [hbm:s2], $0x1  }
0x93: {  	_ =	swait.eq [sflag:s15], $0x1  }
0x94: {  	[sflag:s15] =	ssyncset.done $0x0  }
0x95: {  	[sflag:s15] =	ssyncadd.s32 $0xFFFFFFFF  }
0x96: {  	s16 =	sld [smem:$0x10];
	(tm) =	ssettm $0x1  }
0x97: {  	s17 =	sld [smem:$0x3FFB];
	_ =	sdelay $0x3  }
0x98: {  	_ =	strace s17  }
0x99: {  	s3 =	sld [smem:$0x3FFC];
	_ =	sdelay $0x3  }
0x9a: {  	_ =	strace s3  }
0x9b: {  	s3 =	sld [smem:$0x3FFD];
	_ =	sdelay $0x3  }
0x9c: {  	_ =	strace s3  }
0x9d: {  	_ =	strace $0x8FFFFFFF  }
0x9e: {  	s18 =	sld [smem:$0x3FDB];
	_ =	sdelay $0x1  }
0x9f: {  	s19 =	simm.s32 $_scs_section_size  }
0xa0: {  	s5 =	simm.s32 $_size__tile_overlayer_lowered;
	s6 =	simm.s32 $_tile_overlayer_lowered  }
0xa1: {  	s22 =	simm.s32 $0x1BFF;
	s21 =	sshll.u32 s6, $0x1;
	s3 =	sadd.s32 s19, s18  }
0xa2: {  	s7 =	simm.s32 $0x0;
	s20 =	sshll.u32 s5, $0x1;
	s5 =	sadd.s32 s21, s3  }
0xa3: {  	[timem:s7], [sflag:s22] =	dma.local [hbm:s5], s20  }
0xa4: {  	_ =	swait.ge [sflag:s22], s20  }
0xa5: {  	s4 =	ssub.s32 $0x0, s20;
	[sflag:s22] =	ssyncset.done $0x0  }
0xa6: {  	[sflag:s22] =	ssyncadd.s32 s4;
	_ =	sdelay $0x1  }
0xa7: {  	s23 =	simm.s32 $0x1B8B  }
0xa8: {  	_ =	swait.ge [sflag:s23], $0x1  }
0xa9: {  	[sflag:s23] =	ssyncset.done $0x0  }
0xaa: {  	s25 =	simm.s32 $0x1B8E;
	s24 =	sld [smem:$0x3FFE];
	[sflag:s23] =	ssyncadd.s32 $0xFFFFFFFF  }
0xab: {  	s26 =	simm.s32 $execute0_lowered;
	[smem:$0x3FD2] =	sst s25  }
0xac: {  	s5 =	sshll.u32 s26, $0x1;
	_ =	strace $0x80000046;
	[dreg:$0x1] =	wrdreg $0xFFFFFFFF  }
0xad: {  	s28 =	simm.s32 $_size_execute0_lowered;
	s3 =	sadd.s32 s3, s5;
	[dreg:$0x0] =	wrdreg $0x0  }
0xae: {  	s5 =	sshll.u32 s28, $0x1;
	[dreg:$0x2] =	wrdreg s3  }
0xaf: {  	[dreg:$0x3] =	wrdreg s5  }
0xb0: {  	[dreg:$0x4] =	wrdreg $0xC0  }
0xb1: {  	_ =	task [dreg:s7], $0x5FFFF  }
0xb2: {  	[dreg:$0x1] =	wrdreg $0xFFFFFFFF  }
0xb3: {  	[dreg:$0x0] =	wrdreg $0x60  }
0xb4: {  	[dreg:$0x2] =	wrdreg s24  }
0xb5: {  	[dreg:$0x3] =	wrdreg s16  }
0xb6: {  	[dreg:$0x4] =	wrdreg $0x9  }
0xb7: {  	_ =	task.clear_ibuf [dreg:s7], $0x5FFFF;
	_ =	strace $0x90000046  }
0xb8: {  	s29 =	simm.s32 $0x9;
	_ =	strace $0x80000048  }
0xb9: {  	_ =	swait.ge [sflag:s29], $0x1  }
0xba: {  	[sflag:s29] =	ssyncadd.s32 $0xFFFFFFFF  }
0xbb: {  	_ =	strace $0x90000048  }
0xbc: {  	_ =	sfence  }
0xbd: {  	s30 =	sld [smem:$0x0];
	_ =	sdelay $0x2  }
0xbe: {  	s31 =	sshll.u32 s1, $0xD;
	s1 =	sshrl.u32 s1, $0x2  }
0xbf: {  	s3 =	sand.u32 $0x4000, s31;
	s1 =	sadd.s32 s1, s30  }
0xc0: {  	s0 =	sor.u32 s3, s0;
	s1 =	sshll.u32 s1, $0x11  }
0xc1: {  	s0 =	sor.u32 s1, s0  }
0xc2: {  	s0 =	sadd.s32 $0x8F2B, s0  }
0xc3: {  	[sflag:s0] =	ssyncadd.remote.s32 $0x1  }
0xc4: {  	_ =	sfence.sel $0xFFFF  }
0xc5: {  	[dreg:$0x0] =	wrdreg $0xFFFFFFFF;
	(pc) =	sbr.abs _section_cstart, $3  }
0xc6: {  	[dreg:$0x1] =	wrdreg $0xFFFFFFFF  }
0xc7: {  	_ =	task.clear_ibuf [dreg:s7], $0x2FFFF;
	_ =	strace $0x9FFFFFFF  }
0xc8: {  	(tm) =	ssettm $0x7FFFFFFF  }
0xc9: {  	_ =	shalt  }
tec
execute0_lowered:
.L_overlay_start_1:
0x0: {  	(tag) =	ssettag $0x1  }
0x1: {  	s0 =	srdreg.scid  }
0x2: {  	s0 =	sand.u32 $0x1, s0  }
0x3: {  	s1 =	rddreg [dreg:$0x0];
	s5 =	stileid.u32;
	s2 =	sshll.u32 s0, $0x4  }
0x4: {  	s3 =	rddreg [dreg:$0x1];
	s0 =	ssub.s32 $0x2, s0;
	s7 =	sor.u32 s5, s2  }
0x5: {  	s8 =	sshll.u32 s5, $0x8;
	s20 =	sshrl.u32 s0, $0x1;
	s4 =	sshrl.u32 s7, $0x3  }
0x6: {  	s2 =	simm.s32 $0x0;
	s0 =	ssub.s32 s0, s20;
	s10 =	sshll.u32 s4, $0x10  }
0x7: {  	[smem:$0x7FF] =	sst s2;
	s0 =	smax.u32 s0, $0x1;
	s9 =	sor.u32 s8, s10  }
0x8: {  	_ =	strace $0x80000047;
	[dreg:$0x16] =	wrdreg s0;
	s10 =	sor.u32 $0x800, s9  }
0x9: {  	s12 =	sor.u32 $0x1800, s9;
	[dreg:$0x3] =	wrdreg s10  }
0xa: {  	s13 =	sor.u32 $0x2800, s9;
	[dreg:$0x4] =	wrdreg s12  }
0xb: {  	s14 =	sor.u32 $0x3800, s9;
	[dreg:$0x5] =	wrdreg s13  }
0xc: {  	s16 =	sor.u32 $0x4800, s9;
	[dreg:$0x6] =	wrdreg s14  }
0xd: {  	s11 =	sand.u32 $0x700, s8;
	s17 =	sor.u32 $0x5800, s9;
	[dreg:$0x7] =	wrdreg s16  }
0xe: {  	s30 =	sshll.u32 s7, $0xD;
	s18 =	sor.u32 $0x6800, s9;
	[dreg:$0x8] =	wrdreg s17  }
0xf: {  	s6 =	sshll.u32 s4, $0xD;
	s19 =	sor.u32 $0x7800, s9;
	[dreg:$0x9] =	wrdreg s18  }
0x10: {  	s4 =	sshll.u32 s4, $0xB;
	s21 =	sor.u32 $0x8800, s9;
	[dreg:$0xa] =	wrdreg s19  }
0x11: {  	s6 =	sor.u32 s11, s6;
	s22 =	sor.u32 $0x9800, s9;
	[dreg:$0xb] =	wrdreg s21  }
0x12: {  	s4 =	sor.u32 s11, s4;
	s24 =	sor.u32 $0xA800, s9;
	[dreg:$0xc] =	wrdreg s22  }
0x13: {  	s11 =	simm.s32 $0x0;
	s3 =	sadd.s32 s3, s6;
	[dreg:$0xd] =	wrdreg s24  }
0x14: {  	s15 =	sadd.s32 s6, s1;
	s25 =	sor.u32 $0xB800, s9;
	[dreg:$0x15] =	wrdreg s3  }
0x15: {  	s4 =	sshrl.u32 s4, $0x3;
	s26 =	sor.u32 $0xC800, s9;
	[dreg:$0xe] =	wrdreg s25  }
0x16: {  	s28 =	sor.u32 $0xD800, s9;
	s29 =	sor.u32 $0xE800, s9;
	[dreg:$0xf] =	wrdreg s26  }
.Ltmp0:
0x17: {  	s31 =	sor.u32 $0xF800, s9;
	[dreg:$0x10] =	wrdreg s28;
	(pc) =	sbr.rel .LBB2_1-.Ltmp0, $4  }
0x18: {  	s1 =	sadd.s32 s4, s1;
	s23 =	sadd.s32 $0xE00, s15;
	[dreg:$0x11] =	wrdreg s29  }
0x19: {  	[dreg:$0x12] =	wrdreg s31;
	s3 =	simm.s32 $0x4000;
	s1 =	sadd.s32 $0x8E00, s1  }
0x1a: {  	s10 =	simm.s32 $0x1;
	[dreg:$0x14] =	wrdreg s1;
	s1 =	sor.u32 s8, s30  }
0x1b: {  	v0 =	vlaneseq.u32;
	v1 =	vimm.s32 $0x67;
	[dreg:$0x13] =	wrdreg s23;
	s7 =	sand.u32 $0x30700, s1;
	s1 =	simm.s32 $0x800  }
.LBB2_6:
0x1c: {  	v7 =	vmul.f32 $2.004128510e-05, v7;
	_ =	sdelay $0x1  }
0x1d: {  	v7 =	vtrunc.f32 v7  }
0x1e: {  	v7 =	vcvt.f32.s32 v7;
	_ =	sdelay $0x1  }
0x1f: {  	v7 =	vmul.u32 $0xFFFF3D17, v7;
	_ =	sdelay $0x1  }
0x20: {  	vm0 =	vlt.s32 v3, v2;
	v3 =	vand.u32 $0x380, v5;
	v2 =	vadd.s32 v6, v7  }
0x21: {  	v3 =	vor.u32 v3, v4;
	vm1 =	vlt.s32 v2, $0x0;
	v62 =	vadd.s32 $0xC2E9, v2  }
0x22: {  	v2 =	vsel vm1, v62, v2  }
0x23: {  	vm1 =	vgt.s32 v2, $0xC2E8  }
0x24: {  	v63 =	vsel vm1, $0xFFFF3D7E, v1  }
0x25: {  	v2 =	vadd.s32 v2, v63  }
0x26: {  	[tilespmem:v3+s2+$0x0] =	vst.idx.msk vm0, v2  }
.LBB2_7:
0x27: {  	s0 =	rddreg [dreg:$0x15]  }
0x28: {  	[hbm4b:s0+s1] =	stream.strided.scatter [tilespmem:s2], [sflag:$0x1], $0x2000, s3, s1, $0x38;
	[tilespmem:$0x2300] =	vst v63  }
0x29: {  	_ =	swait.ge [sflag:s10], $0x2000  }
0x2a: {  	s11 =	sadd.s32 $0x1, s11;
	s31 =	rddreg [dreg:$0x16]  }
0x2b: {  	p0 =	sne.s32 s11, s31  }
.Ltmp1:
0x2c: {  	_ = 	snop;
	(pc) =	sbr.rel @!p0 .LBB2_8-.Ltmp1, $3  }
0x2d: {  	_ =	sdelay $0x1  }
0x2e: {  	[sflag:s10] =	ssyncset.done $0x0  }
0x2f: {  	[sflag:s10] =	ssyncadd.s32 $0xFFFFE000  }
.LBB2_1:
0x30: {  	s0 =	rddreg [dreg:$0x13]  }
0x31: {  	[tilespmem:s2], [sflag:$0x1] =	stream.strided.gather [hbm4b:s0+s1], $0x2000, s3, s1, $0x38;
	[tilespmem:$0x2300] =	vst v63  }
0x32: {  	_ =	swait.ge [sflag:s10], $0x2000  }
0x33: {  	[sflag:s10] =	ssyncset.done $0x0  }
0x34: {  	s12 =	simm.s32 $0x2000;
	s31 =	rddreg [dreg:$0x14];
	[sflag:s10] =	ssyncadd.s32 $0xFFFFE000  }
0x35: {  	[tilespmem:s12], [sflag:$0x1] =	stream.linear.gather [hbm4b:s31+s2], $0x100, $0x38;
	[tilespmem:$0x2300] =	vst v63  }
0x36: {  	_ =	swait.ge [sflag:s10], $0x100  }
0x37: {  	[sflag:s10] =	ssyncset.done $0x0  }
0x38: {  	[sflag:s10] =	ssyncadd.s32 $0xFFFFFF00  }
0x39: {  	s13 =	simm.s32 $0x0;
	s14 =	simm.s32 $0x0;
	[smem:$0x0] =	sst s2  }
.LBB2_2:
0x3a: {  	v2 =	vld [tilespmem:s12+$0x0];
	_ =	sdelay $0x4  }
0x3b: {  	v3 =	vand.u32 $0x1, v2  }
0x3c: {  	vm0 =	veq.s32 v3, $0x1  }
0x3d: {  	v26 =	vand.u32 $0x2, v2;
	v3 =	vmpcnt.ones.xlane vm0  }
0x3e: {  	vm1 =	vne.s32 v26, $0x0  }
0x3f: {  	v25 =	vand.u32 $0x4, v2;
	(v2sf) =	vpush v3, $0x0;
	v3 =	vmpcnt.ones.xlane vm1  }
0x40: {  	vm10 =	vne.s32 v25, $0x0  }
0x41: {  	v24 =	vand.u32 $0x8, v2;
	(v2sf) =	vpush v3, $0x0;
	v3 =	vmpcnt.ones.xlane vm10  }
0x42: {  	vm11 =	vne.s32 v24, $0x0  }
0x43: {  	v23 =	vand.u32 $0x10, v2;
	(v2sf) =	vpush v3, $0x0;
	v3 =	vmpcnt.ones.xlane vm11  }
0x44: {  	vm12 =	vne.s32 v23, $0x0  }
0x45: {  	v16 =	vand.u32 $0x20, v2;
	v4 =	vmpcnt.ones.xlane vm12;
	(v2sf) =	vpush v3, $0x0  }
0x46: {  	vm13 =	vne.s32 v16, $0x0  }
0x47: {  	v3 =	vmpcnt.ones.xlane vm13;
	(v2sf) =	vpush v4, $0x0  }
0x48: {  	v19 =	vand.u32 $0x40, v2  }
0x49: {  	vm14 =	vne.s32 v19, $0x0;
	(v2sf) =	vpush v3, $0x0  }
0x4a: {  	v22 =	vand.u32 $0x80, v2;
	v48 =	vmpcnt.ones.xlane vm14  }
0x4b: {  	v21 =	vand.u32 $0x100, v2;
	vm15 =	vne.s32 v22, $0x0  }
0x4c: {  	v20 =	vand.u32 $0x200, v2;
	v3 =	vmpcnt.ones.xlane vm15;
	(v2sf) =	vpush v48, $0x0  }
0x4d: {  	v18 =	vand.u32 $0x400, v2;
	v17 =	vand.u32 $0x800, v2;
	vm4 =	vne.s32 v21, $0x0  }
0x4e: {  	vm5 =	vne.s32 v20, $0x0;
	v49 =	vmpcnt.ones.xlane vm4;
	s0 =	spop (v2sf);
	(v2sf) =	vpush v3, $0x0  }
0x4f: {  	v15 =	vand.u32 $0x1000, v2;
	vm6 =	vne.s32 v18, $0x0;
	v3 =	vmpcnt.ones.xlane vm5;
	p6 =	seq.s32 s0, $0x0  }
0x50: {  	vm7 =	vne.s32 v17, $0x0;
	v50 =	vmpcnt.ones.xlane vm6;
	(v2sf) =	vpush v49, $0x0;
	s25 =	sadd.s32 @!p6 s0, s14;
	s0 =	spop (v2sf)  }
0x51: {  	vm8 =	vne.s32 v15, $0x0;
	(v2sf) =	vpush v3, $0x0;
	v3 =	vmpcnt.ones.xlane vm7;
	[smem:$0x0] =	sst @!p6 s25;
	s25 =	smov.u32 @p6 s14;
	p4 =	seq.s32 s0, $0x0  }
0x52: {  	v14 =	vand.u32 $0x2000, v2;
	v51 =	vmpcnt.ones.xlane vm8;
	(v2sf) =	vpush v50, $0x0;
	s28 =	sadd.s32 @!p4 s0, s25;
	s0 =	spop (v2sf)  }
0x53: {  	vm9 =	vne.s32 v14, $0x0;
	(v2sf) =	vpush v3, $0x0;
	[smem:$0x0] =	sst @!p4 s28;
	s28 =	smov.u32 @p4 s25;
	p2 =	seq.s32 s0, $0x0  }
0x54: {  	v13 =	vand.u32 $0x4000, v2;
	v3 =	vmpcnt.ones.xlane vm9;
	(v2sf) =	vpush v51, $0x0;
	s29 =	sadd.s32 @!p2 s0, s28;
	s0 =	spop (v2sf)  }
0x55: {  	v12 =	vand.u32 $0x8000, v2;
	vm10 =	vne.s32 v13, $0x0;
	[smem:$0x0] =	sst @!p2 s29;
	s29 =	smov.u32 @p2 s28;
	p3 =	seq.s32 s0, $0x0  }
0x56: {  	v52 =	vmpcnt.ones.xlane vm10;
	vm11 =	vne.s32 v12, $0x0;
	(v2sf) =	vpush v3, $0x0;
	s30 =	sadd.s32 @!p3 s0, s29;
	s0 =	spop (v2sf)  }
0x57: {  	v11 =	vand.u32 $0x10000, v2;
	v10 =	vand.u32 $0x20000, v2;
	v3 =	vmpcnt.ones.xlane vm11;
	[smem:$0x0] =	sst @!p3 s30;
	s30 =	smov.u32 @p3 s29;
	p1 =	seq.s32 s0, $0x0  }
0x58: {  	v8 =	vand.u32 $0x40000, v2;
	vm12 =	vne.s32 v11, $0x0;
	(v2sf) =	vpush v52, $0x0;
	s26 =	sadd.s32 @!p1 s0, s30;
	s0 =	spop (v2sf)  }
0x59: {  	s19 =	rddreg [dreg:$0x3];
	v53 =	vmpcnt.ones.xlane vm12;
	vm13 =	vne.s32 v10, $0x0;
	(v2sf) =	vpush v3, $0x0;
	p0 =	seq.s32 s0, $0x0  }
0x5a: {  	vm14 =	vne.s32 v8, $0x0;
	v4 =	vand.u32 $0x80000, v2;
	v3 =	vmpcnt.ones.xlane vm13;
	[smem:$0x0] =	sst @!p1 s26;
	s26 =	smov.u32 @p1 s30;
	s1 =	simm.s32 @!p0 $0x0  }
0x5b: {  	v5 =	vmpcnt.ones.xlane vm14;
	vm15 =	vne.s32 v4, $0x0;
	(v2sf) =	vpush v53, $0x0;
	s24 =	sadd.s32 @!p0 s0, s26;
	s0 =	spop (v2sf);
	s1 =	simm.s32 @p0 $0x1  }
0x5c: {  	v6 =	vmpcnt.ones.xlane vm15;
	(v2sf) =	vpush v3, $0x0;
	[smem:$0x0] =	sst @!p0 s24;
	s24 =	smov.u32 @p0 s26;
	p5 =	seq.s32 s0, $0x0  }
0x5d: {  	(v2sf) =	vpush v5, $0x0;
	[smem:$0x7F6] =	sst s1;
	s22 =	sadd.s32 @!p5 s0, s24;
	s1 =	spop (v2sf)  }
0x5e: {  	s9 =	sor.u32 @!p4 s19, s13;
	(v2sf) =	vpush v6, $0x0;
	[smem:$0x0] =	sst @!p5 s22;
	p0 =	seq.s32 s1, $0x0  }
0x5f: {  	s22 =	smov.u32 @p5 s24;
	s0 =	spop (v2sf);
	s3 =	simm.s32 @!p0 $0x0  }
0x60: {  	v3 =	vand.u32 $0x100000, v2;
	s15 =	spop (v2sf);
	s20 =	sadd.s32 @!p0 s1, s22;
	s3 =	simm.s32 @p0 $0x1  }
0x61: {  	vm4 =	vne.s32 v3, $0x0;
	s18 =	spop (v2sf);
	[smem:$0x0] =	sst @!p0 s20;
	s20 =	smov.u32 @p0 s22  }
0x62: {  	v54 =	vmpcnt.ones.xlane vm4;
	p0 =	seq.s32 s0, $0x0;
	[smem:$0x7F7] =	sst s3;
	s21 =	spop (v2sf)  }
0x63: {  	s1 =	simm.s32 @!p0 $0x0;
	s17 =	sadd.s32 @!p0 s0, s20;
	s3 =	spop (v2sf)  }
0x64: {  	(v2sf) =	vpush v54, $0x0;
	s1 =	simm.s32 @p0 $0x1;
	[smem:$0x0] =	sst @!p0 s17;
	s17 =	smov.u32 @p0 s20  }
0x65: {  	p0 =	seq.s32 s15, $0x0;
	[smem:$0x7F8] =	sst s1;
	s8 =	spop (v2sf)  }
0x66: {  	s4 =	simm.s32 @!p0 $0x0;
	s16 =	sadd.s32 @!p0 s15, s17;
	s15 =	sadd.s32 @!p6 s13, s7  }
0x67: {  	v9 =	vand.u32 $0x200000, v2;
	s0 =	spop (v2sf);
	s4 =	simm.s32 @p0 $0x1;
	[smem:$0x0] =	sst @!p0 s16  }
0x68: {  	vm5 =	vne.s32 v9, $0x0;
	v6 =	vand.u32 $0x400000, v2;
	s16 =	smov.u32 @p0 s17;
	p0 =	seq.s32 s18, $0x0;
	s1 =	spop (v2sf)  }
0x69: {  	v7 =	vmpcnt.ones.xlane vm5;
	v5 =	vand.u32 $0x800000, v2;
	vm6 =	vne.s32 v6, $0x0;
	[smem:$0x7F9] =	sst s4;
	s4 =	simm.s32 @!p0 $0x0;
	s18 =	sadd.s32 @!p0 s18, s16  }
0x6a: {  	vm7 =	vne.s32 v5, $0x0;
	v27 =	vmpcnt.ones.xlane vm6;
	s31 =	spop (v2sf);
	s4 =	simm.s32 @p0 $0x1;
	[smem:$0x0] =	sst @!p0 s18  }
0x6b: {  	v55 =	vmpcnt.ones.xlane vm7;
	(v2sf) =	vpush v7, $0x0;
	v7 =	vlaneseq.u32 @!p6;
	s18 =	smov.u32 @p0 s16;
	s23 =	spop (v2sf);
	[smem:$0x7FA] =	sst s4  }
0x6c: {  	v28 =	vor.u32 @!p6 s15, v7;
	(v2sf) =	vpush v27, $0x0;
	p0 =	seq.s32 s21, $0x0;
	s4 =	rddreg [dreg:$0x4];
	s19 =	spop (v2sf)  }
0x6d: {  	[tilespmem:s14+$0x2100] =	vst.msk @!p6 vm0, v28;
	(v2sf) =	vpush v55, $0x0;
	s15 =	spop (v2sf);
	[smem:$0x7F5] =	sst s0;
	s0 =	simm.s32 @!p0 $0x0  }
0x6e: {  	s6 =	sadd.s32 @!p2 s13, s7;
	s0 =	simm.s32 @p0 $0x1  }
0x6f: {  	s5 =	sadd.s32 @!p4 $0x100, s13;
	s6 =	sadd.s32 @!p2 $0x1000, s6;
	v29 =	vor.u32 @!p6 s13, v7;
	v27 =	vlaneseq.u32 @!p4;
	[smem:$0x7FB] =	sst s0  }
0x70: {  	s21 =	sadd.s32 @!p0 s21, s18;
	s4 =	sor.u32 @!p3 s4, s13;
	s0 =	sld [smem:$0x7F5];
	[tilespmem:s14+$0x2200] =	vst.msk @!p6 vm0, v29;
	vm0 =	vne.s32 @!p4 v26, $0x0;
	v26 =	vor.u32 @!p4 s9, v27  }
0x71: {  	v27 =	vor.u32 @!p4 s5, v27;
	[smem:$0x0] =	sst @!p0 s21;
	s21 =	smov.u32 @p0 s18;
	p6 =	seq.s32 s3, $0x0;
	[tilespmem:s25+$0x2100] =	vst.msk @!p4 vm0, v26;
	v26 =	vlaneseq.u32 @!p2  }
0x72: {  	s9 =	sadd.s32 @!p2 $0x200, s13;
	s5 =	rddreg [dreg:$0x5];
	[tilespmem:s25+$0x2200] =	vst.msk @!p4 vm0, v27;
	vm0 =	vne.s32 @!p2 v25, $0x0;
	v25 =	vor.u32 @!p2 s6, v26;
	s25 =	sadd.s32 @!p6 s3, s21  }
0x73: {  	s14 =	spop (v2sf);
	v26 =	vor.u32 @!p2 s9, v26;
	s9 =	sadd.s32 @!p1 s13, s7;
	[tilespmem:s28+$0x2100] =	vst.msk @!p2 vm0, v25;
	v25 =	vlaneseq.u32 @!p3;
	[smem:$0x0] =	sst @!p6 s25  }
0x74: {  	s6 =	sadd.s32 @!p3 $0x300, s13;
	s3 =	sadd.s32 @!p1 $0x2000, s9;
	s9 =	sld [smem:$0x7FB];
	[tilespmem:s28+$0x2200] =	vst.msk @!p2 vm0, v26;
	vm0 =	vne.s32 @!p3 v24, $0x0;
	v24 =	vor.u32 @!p3 s4, v25  }
0x75: {  	v7 =	vand.u32 $0x1000000, v2;
	s4 =	sadd.s32 @!p1 $0x400, s13;
	v25 =	vor.u32 @!p3 s6, v25;
	s28 =	sld [smem:$0x7F6];
	p2 =	seq.s32 s8, $0x0;
	[tilespmem:s29+$0x2100] =	vst.msk @!p3 vm0, v24;
	v24 =	vlaneseq.u32 @!p1  }
0x76: {  	s25 =	smov.u32 @p6 s21;
	s6 =	simm.s32 @!p2 $0x0;
	[tilespmem:s29+$0x2200] =	vst.msk @!p3 vm0, v25;
	vm0 =	vne.s32 @!p1 v23, $0x0;
	v23 =	vor.u32 @!p1 s3, v24;
	v24 =	vor.u32 @!p1 s4, v24;
	s4 =	rddreg [dreg:$0x6]  }
0x77: {  	vm8 =	vne.s32 v7, $0x0;
	s6 =	simm.s32 @p2 $0x1;
	s3 =	sadd.s32 @!p5 s13, s7;
	s29 =	sld [smem:$0x7F7]  }
0x78: {  	v56 =	vmpcnt.ones.xlane vm8;
	p0 =	seq.s32 s28, $0x1;
	[smem:$0x7FC] =	sst s6;
	s28 =	sadd.s32 @!p2 s8, s25  }
0x79: {  	s3 =	sadd.s32 @!p5 $0x3000, s3;
	s8 =	sld [smem:$0x7FA];
	s5 =	sor.u32 @!p0 s5, s13  }
0x7a: {  	(v2sf) =	vpush v56, $0x0;
	[tilespmem:s30+$0x2100] =	vst.msk @!p1 vm0, v23;
	s6 =	sadd.s32 @!p0 $0x500, s13;
	[smem:$0x0] =	sst @!p2 s28;
	s28 =	smov.u32 @p2 s25  }
0x7b: {  	v23 =	vlaneseq.u32 @!p0;
	[tilespmem:s30+$0x2200] =	vst.msk @!p1 vm0, v24;
	p1 =	seq.s32 s0, $0x0;
	s30 =	sld [smem:$0x7F8];
	p2 =	seq.s32 s1, $0x0  }
0x7c: {  	v24 =	vor.u32 @!p0 s5, v23;
	v23 =	vor.u32 @!p0 s6, v23;
	p3 =	seq.s32 s29, $0x1;
	s6 =	rddreg [dreg:$0x7];
	s29 =	sadd.s32 @!p1 s0, s28  }
0x7d: {  	vm1 =	vne.s32 @!p0 v16, $0x0;
	vm0 =	vne.s32 @!p5 v19, $0x0;
	v19 =	vlaneseq.u32 @!p5;
	s5 =	sadd.s32 @!p5 $0x600, s13;
	s4 =	sor.u32 @!p3 s4, s13;
	[smem:$0x0] =	sst @!p1 s29  }
0x7e: {  	[tilespmem:s26+$0x2100] =	vst.msk @!p0 vm1, v24;
	v25 =	vor.u32 @!p5 s5, v19;
	s0 =	sadd.s32 @!p3 $0x700, s13;
	s29 =	smov.u32 @p1 s28;
	s5 =	sld [smem:$0x7F9]  }
0x7f: {  	v16 =	vand.u32 $0x2000000, v2;
	[tilespmem:s26+$0x2200] =	vst.msk @!p0 vm1, v23;
	v23 =	vor.u32 @!p5 s3, v19;
	p4 =	seq.s32 s30, $0x1;
	s30 =	spop (v2sf);
	s26 =	sadd.s32 @!p2 s1, s29  }
0x80: {  	vm9 =	vne.s32 v16, $0x0;
	v26 =	vlaneseq.u32 @!p3;
	s3 =	sadd.s32 @!p4 s13, s7;
	[tilespmem:s24+$0x2100] =	vst.msk @!p5 vm0, v23;
	s1 =	sadd.s32 @!p4 $0x800, s13;
	[smem:$0x0] =	sst @!p2 s26  }
0x81: {  	v57 =	vmpcnt.ones.xlane vm9;
	v23 =	vor.u32 @!p3 s4, v26;
	s26 =	smov.u32 @p2 s29;
	s4 =	rddreg [dreg:$0x8];
	[tilespmem:s24+$0x2200] =	vst.msk @!p5 vm0, v25;
	s24 =	spop (v2sf);
	vm0 =	vne.s32 @!p3 v22, $0x0  }
0x82: {  	vm1 =	vne.s32 @!p4 v21, $0x0;
	v21 =	vlaneseq.u32 @!p4;
	v22 =	vor.u32 @!p3 s0, v26;
	s0 =	sadd.s32 @!p4 $0x4000, s3;
	p0 =	seq.s32 s5, $0x1;
	p5 =	seq.s32 s8, $0x1;
	[tilespmem:s22+$0x2100] =	vst.msk @!p3 vm0, v23  }
0x83: {  	v19 =	vand.u32 $0x4000000, v2;
	(v2sf) =	vpush v57, $0x0;
	s3 =	sor.u32 @!p0 s6, s13;
	s6 =	rddreg [dreg:$0xe];
	[tilespmem:s22+$0x2200] =	vst.msk @!p3 vm0, v22;
	v22 =	vor.u32 @!p4 s0, v21;
	p3 =	seq.s32 s31, $0x0  }
0x84: {  	vm10 =	vne.s32 v19, $0x0;
	v24 =	vor.u32 @!p4 s1, v21;
	s22 =	spop (v2sf);
	s0 =	sadd.s32 @!p5 s13, s7;
	[tilespmem:s20+$0x2100] =	vst.msk @!p4 vm1, v22;
	v22 =	vlaneseq.u32 @!p0;
	s1 =	sadd.s32 @!p3 s31, s26  }
0x85: {  	v58 =	vmpcnt.ones.xlane vm10;
	s0 =	sadd.s32 @!p5 $0x5000, s0;
	[tilespmem:s20+$0x2200] =	vst.msk @!p4 vm1, v24;
	vm1 =	vne.s32 @!p0 v20, $0x0;
	v20 =	vor.u32 @!p0 s3, v22;
	s3 =	sadd.s32 @!p0 $0x900, s13;
	p4 =	seq.s32 s23, $0x0  }
0x86: {  	[smem:$0x0] =	sst @!p3 s1;
	s1 =	smov.u32 @p3 s26;
	v22 =	vor.u32 @!p0 s3, v22;
	[tilespmem:s17+$0x2100] =	vst.msk @!p0 vm1, v20;
	s3 =	simm.s32 @!p4 $0x0  }
0x87: {  	(v2sf) =	vpush v58, $0x0;
	v20 =	vlaneseq.u32 @!p5;
	s3 =	simm.s32 @p4 $0x1;
	[tilespmem:s17+$0x2200] =	vst.msk @!p0 vm1, v22;
	s17 =	sadd.s32 @!p4 s23, s1;
	s23 =	sld [smem:$0x7FC]  }
0x88: {  	v21 =	vand.u32 $0x8000000, v2;
	vm0 =	vne.s32 @!p5 v18, $0x0;
	v18 =	vor.u32 @!p5 s0, v20;
	s0 =	sadd.s32 @!p5 $0xA00, s13;
	p0 =	seq.s32 s9, $0x1;
	[smem:$0x7FD] =	sst s3  }
0x89: {  	vm11 =	vne.s32 v21, $0x0;
	s20 =	spop (v2sf);
	s3 =	rddreg [dreg:$0x9];
	v20 =	vor.u32 @!p5 s0, v20;
	s0 =	sor.u32 @!p0 s4, s13  }
0x8a: {  	v59 =	vmpcnt.ones.xlane vm11;
	[tilespmem:s16+$0x2100] =	vst.msk @!p5 vm0, v18;
	v18 =	vlaneseq.u32 @!p0;
	s4 =	sadd.s32 @!p0 $0xB00, s13;
	[smem:$0x0] =	sst @!p4 s17;
	s17 =	smov.u32 @p4 s1  }
0x8b: {  	p4 =	seq.s32 s15, $0x0;
	[tilespmem:s16+$0x2200] =	vst.msk @!p5 vm0, v20;
	vm0 =	vne.s32 @!p0 v17, $0x0;
	v17 =	vor.u32 @!p0 s0, v18;
	s0 =	sadd.s32 @!p6 s13, s7;
	v18 =	vor.u32 @!p0 s4, v18;
	s4 =	rddreg [dreg:$0xa]  }
0x8c: {  	(v2sf) =	vpush v59, $0x0;
	p5 =	seq.s32 s19, $0x0;
	s31 =	sld [smem:$0x7FD];
	[tilespmem:s18+$0x2100] =	vst.msk @!p0 vm0, v17;
	s0 =	sadd.s32 @!p6 $0x6000, s0;
	v17 =	vlaneseq.u32 @!p6  }
0x8d: {  	s16 =	sadd.s32 @!p5 s19, s17;
	[tilespmem:s18+$0x2200] =	vst.msk @!p0 vm0, v18;
	vm0 =	vne.s32 @!p6 v15, $0x0;
	v18 =	vor.u32 @!p6 s0, v17;
	s0 =	sadd.s32 @!p6 $0xC00, s13;
	p0 =	seq.s32 s23, $0x1  }
0x8e: {  	vm1 =	vne.s32 @!p1 v13, $0x0;
	s4 =	sor.u32 @!p2 s4, s13;
	[smem:$0x0] =	sst @!p5 s16;
	s3 =	sor.u32 @!p0 s3, s13;
	v17 =	vor.u32 @!p6 s0, v17;
	[tilespmem:s21+$0x2100] =	vst.msk @!p6 vm0, v18;
	v18 =	vlaneseq.u32 @!p0  }
0x8f: {  	v15 =	vand.u32 $0x10000000, v2;
	s16 =	smov.u32 @p5 s17;
	s0 =	sadd.s32 @!p1 s13, s7;
	[tilespmem:s21+$0x2200] =	vst.msk @!p6 vm0, v17;
	vm0 =	vne.s32 @!p0 v14, $0x0;
	v14 =	vor.u32 @!p0 s3, v18;
	s3 =	sadd.s32 @!p0 $0xD00, s13  }
0x90: {  	vm12 =	vne.s32 v15, $0x0;
	s5 =	sadd.s32 @!p1 $0x7000, s0;
	s0 =	sadd.s32 @!p4 s15, s16;
	p6 =	seq.s32 s14, $0x0;
	[tilespmem:s25+$0x2100] =	vst.msk @!p0 vm0, v14;
	v14 =	vor.u32 @!p0 s3, v18;
	v18 =	vlaneseq.u32 @!p1  }
0x91: {  	v13 =	vand.u32 $0x20000000, v2;
	v60 =	vmpcnt.ones.xlane vm12;
	s3 =	sadd.s32 @!p1 $0xE00, s13;
	[smem:$0x0] =	sst @!p4 s0;
	s0 =	smov.u32 @p4 s16;
	[tilespmem:s25+$0x2200] =	vst.msk @!p0 vm0, v14;
	v14 =	vor.u32 @!p1 s5, v18  }
0x92: {  	vm13 =	vne.s32 v13, $0x0;
	s15 =	spop (v2sf);
	v17 =	vor.u32 @!p1 s3, v18;
	s3 =	sadd.s32 @!p3 s13, s7;
	s5 =	rddreg [dreg:$0xb];
	[tilespmem:s28+$0x2100] =	vst.msk @!p1 vm1, v14;
	v14 =	vlaneseq.u32 @!p2  }
0x93: {  	(v2sf) =	vpush v60, $0x0;
	s18 =	sadd.s32 @!p6 s14, s0;
	s3 =	sadd.s32 @!p3 $0x8000, s3;
	[tilespmem:s28+$0x2200] =	vst.msk @!p1 vm1, v17;
	vm1 =	vne.s32 @!p2 v12, $0x0;
	v12 =	vor.u32 @!p2 s4, v14;
	s4 =	sadd.s32 @!p2 $0xF00, s13  }
0x94: {  	v61 =	vmpcnt.ones.xlane vm13;
	[smem:$0x0] =	sst @!p6 s18;
	s18 =	smov.u32 @p6 s0;
	p1 =	seq.s32 s30, $0x0;
	[tilespmem:s29+$0x2100] =	vst.msk @!p2 vm1, v12;
	v12 =	vor.u32 @!p2 s4, v14;
	v14 =	vlaneseq.u32 @!p3  }
0x95: {  	vm0 =	vne.s32 @!p3 v11, $0x0;
	p0 =	seq.s32 s31, $0x1;
	s4 =	sadd.s32 @!p3 $0x1000, s13;
	s8 =	sadd.s32 @!p1 s30, s18;
	[tilespmem:s29+$0x2200] =	vst.msk @!p2 vm1, v12;
	v12 =	vor.u32 @!p3 s3, v14  }
0x96: {  	s14 =	spop (v2sf);
	(v2sf) =	vpush v61, $0x0;
	s3 =	rddreg [dreg:$0xc];
	v14 =	vor.u32 @!p3 s4, v14;
	s4 =	sor.u32 @!p0 s5, s13;
	[tilespmem:s26+$0x2100] =	vst.msk @!p3 vm0, v12;
	v12 =	vlaneseq.u32 @!p0  }
0x97: {  	v11 =	vand.u32 $0x40000000, v2;
	s5 =	sadd.s32 @!p0 $0x1100, s13;
	[smem:$0x0] =	sst @!p1 s8;
	[tilespmem:s26+$0x2200] =	vst.msk @!p3 vm0, v14;
	vm0 =	vne.s32 @!p0 v10, $0x0;
	v10 =	vor.u32 @!p0 s4, v12;
	s4 =	sadd.s32 @!p5 s13, s7  }
0x98: {  	vm14 =	vne.s32 v11, $0x0;
	s8 =	smov.u32 @p1 s18;
	p2 =	seq.s32 s24, $0x0;
	v12 =	vor.u32 @!p0 s5, v12;
	[tilespmem:s1+$0x2100] =	vst.msk @!p0 vm0, v10;
	s4 =	sadd.s32 @!p5 $0x9000, s4;
	v10 =	vlaneseq.u32 @!p5  }
0x99: {  	v62 =	vmpcnt.ones.xlane vm14;
	s21 =	sadd.s32 @!p2 s24, s8;
	s3 =	sor.u32 @!p4 s3, s13;
	[tilespmem:s1+$0x2200] =	vst.msk @!p0 vm0, v12;
	vm0 =	vne.s32 @!p5 v8, $0x0;
	v8 =	vor.u32 @!p5 s4, v10;
	s1 =	sadd.s32 @!p5 $0x1200, s13  }
0x9a: {  	[smem:$0x0] =	sst @!p2 s21;
	s21 =	smov.u32 @p2 s8;
	p3 =	seq.s32 s22, $0x0;
	v10 =	vor.u32 @!p5 s1, v10;
	[tilespmem:s17+$0x2100] =	vst.msk @!p5 vm0, v8;
	v8 =	vlaneseq.u32 @!p4  }
0x9b: {  	(v2sf) =	vpush v62, $0x0;
	s5 =	sadd.s32 @!p6 s13, s7;
	s19 =	spop (v2sf);
	[tilespmem:s17+$0x2200] =	vst.msk @!p5 vm0, v10;
	vm0 =	vne.s32 @!p4 v4, $0x0;
	v4 =	vor.u32 @!p4 s3, v8;
	s3 =	sadd.s32 @!p4 $0x1300, s13  }
0x9c: {  	s4 =	rddreg [dreg:$0xd];
	p0 =	seq.s32 s20, $0x0;
	v8 =	vor.u32 @!p4 s3, v8;
	[tilespmem:s16+$0x2100] =	vst.msk @!p4 vm0, v4;
	s3 =	sadd.s32 @!p6 $0xA000, s5;
	v4 =	vlaneseq.u32 @!p6  }
0x9d: {  	s1 =	sadd.s32 @!p3 s22, s21;
	s4 =	sor.u32 @!p1 s4, s13;
	s5 =	sadd.s32 @!p6 $0x1400, s13;
	[tilespmem:s16+$0x2200] =	vst.msk @!p4 vm0, v8;
	vm0 =	vne.s32 @!p6 v3, $0x0;
	v3 =	vor.u32 @!p6 s3, v4  }
0x9e: {  	vm15 =	vlt.s32 v2, $0x0;
	[smem:$0x0] =	sst @!p3 s1;
	s1 =	smov.u32 @p3 s21;
	v4 =	vor.u32 @!p6 s5, v4;
	s5 =	sadd.s32 @!p2 s13, s7;
	[tilespmem:s0+$0x2100] =	vst.msk @!p6 vm0, v3;
	v3 =	vlaneseq.u32 @!p1  }
0x9f: {  	v63 =	vmpcnt.ones.xlane vm15;
	s3 =	sadd.s32 @!p0 s20, s1;
	p4 =	seq.s32 s15, $0x0;
	[tilespmem:s0+$0x2200] =	vst.msk @!p6 vm0, v4;
	vm0 =	vne.s32 @!p1 v9, $0x0;
	v8 =	vor.u32 @!p1 s4, v3;
	s0 =	sadd.s32 @!p1 $0x1500, s13  }
0xa0: {  	[smem:$0x0] =	sst @!p0 s3;
	s3 =	smov.u32 @p0 s1;
	s4 =	sadd.s32 @!p2 $0xB000, s5;
	v3 =	vor.u32 @!p1 s0, v3;
	[tilespmem:s18+$0x2100] =	vst.msk @!p1 vm0, v8;
	v8 =	vlaneseq.u32 @!p2  }
0xa1: {  	(v2sf) =	vpush v63, $0x0;
	s5 =	rddreg [dreg:$0xf];
	s9 =	sadd.s32 @!p4 s15, s3;
	[tilespmem:s18+$0x2200] =	vst.msk @!p1 vm0, v3;
	vm0 =	vne.s32 @!p2 v6, $0x0;
	v3 =	vor.u32 @!p2 s4, v8;
	s4 =	sadd.s32 @!p2 $0x1600, s13  }
0xa2: {  	s0 =	spop (v2sf);
	[smem:$0x0] =	sst @!p4 s9;
	v4 =	vor.u32 @!p2 s4, v8;
	[tilespmem:s8+$0x2100] =	vst.msk @!p2 vm0, v3;
	s4 =	sor.u32 @!p3 s6, s13;
	v3 =	vlaneseq.u32 @!p3  }
0xa3: {  	s9 =	smov.u32 @p4 s3;
	s6 =	sadd.s32 @!p3 $0x1700, s13;
	[tilespmem:s8+$0x2200] =	vst.msk @!p2 vm0, v4;
	vm0 =	vne.s32 @!p3 v5, $0x0;
	v4 =	vor.u32 @!p3 s4, v3;
	s4 =	sadd.s32 @!p0 s13, s7  }
0xa4: {  	s5 =	sor.u32 @!p4 s5, s13;
	p1 =	seq.s32 s14, $0x0;
	v3 =	vor.u32 @!p3 s6, v3;
	[tilespmem:s21+$0x2100] =	vst.msk @!p3 vm0, v4;
	s4 =	sadd.s32 @!p0 $0xC000, s4;
	v4 =	vlaneseq.u32 @!p0  }
0xa5: {  	s6 =	spop (v2sf);
	s8 =	sadd.s32 @!p1 s14, s9;
	[tilespmem:s21+$0x2200] =	vst.msk @!p3 vm0, v3;
	vm0 =	vne.s32 @!p0 v7, $0x0;
	v3 =	vor.u32 @!p0 s4, v4;
	s4 =	sadd.s32 @!p0 $0x1800, s13  }
0xa6: {  	p2 =	seq.s32 s19, $0x0;
	[smem:$0x0] =	sst @!p1 s8;
	s8 =	smov.u32 @p1 s9;
	v4 =	vor.u32 @!p0 s4, v4;
	[tilespmem:s1+$0x2100] =	vst.msk @!p0 vm0, v3;
	v3 =	vlaneseq.u32 @!p4  }
0xa7: {  	s14 =	sadd.s32 @!p2 s19, s8;
	s4 =	sadd.s32 @!p4 $0x1900, s13;
	[tilespmem:s1+$0x2200] =	vst.msk @!p0 vm0, v4;
	vm0 =	vne.s32 @!p4 v16, $0x0;
	v4 =	vor.u32 @!p4 s5, v3;
	s1 =	sadd.s32 @!p1 s13, s7  }
0xa8: {  	[smem:$0x0] =	sst @!p2 s14;
	s14 =	smov.u32 @p2 s8;
	v3 =	vor.u32 @!p4 s4, v3;
	[tilespmem:s3+$0x2100] =	vst.msk @!p4 vm0, v4;
	s1 =	sadd.s32 @!p1 $0xD000, s1;
	v4 =	vlaneseq.u32 @!p1  }
0xa9: {  	s5 =	rddreg [dreg:$0x10];
	p0 =	seq.s32 s0, $0x0;
	[tilespmem:s3+$0x2200] =	vst.msk @!p4 vm0, v3;
	vm0 =	vne.s32 @!p1 v19, $0x0;
	v3 =	vor.u32 @!p1 s1, v4;
	s1 =	sadd.s32 @!p1 $0x1A00, s13  }
0xaa: {  	s4 =	spop (v2sf);
	s0 =	sadd.s32 @!p0 s0, s14;
	v4 =	vor.u32 @!p1 s1, v4;
	[tilespmem:s9+$0x2100] =	vst.msk @!p1 vm0, v3;
	s1 =	sor.u32 @!p2 s5, s13;
	v3 =	vlaneseq.u32 @!p2  }
0xab: {  	[smem:$0x0] =	sst @!p0 s0;
	s5 =	sadd.s32 @!p0 s13, s7;
	[tilespmem:s9+$0x2200] =	vst.msk @!p1 vm0, v4;
	vm0 =	vne.s32 @!p2 v21, $0x0;
	v4 =	vor.u32 @!p2 s1, v3;
	s1 =	sadd.s32 @!p2 $0x1B00, s13  }
0xac: {  	s0 =	smov.u32 @p0 s14;
	p1 =	seq.s32 s6, $0x0;
	v3 =	vor.u32 @!p2 s1, v3;
	[tilespmem:s8+$0x2100] =	vst.msk @!p2 vm0, v4;
	s1 =	sadd.s32 @!p0 $0xE000, s5;
	v4 =	vlaneseq.u32 @!p0  }
0xad: {  	s3 =	rddreg [dreg:$0x11];
	s5 =	sadd.s32 @!p1 s6, s0;
	[tilespmem:s8+$0x2200] =	vst.msk @!p2 vm0, v3;
	vm0 =	vne.s32 @!p0 v15, $0x0;
	v3 =	vor.u32 @!p0 s1, v4;
	s1 =	sadd.s32 @!p0 $0x1C00, s13  }
0xae: {  	s3 =	sor.u32 @!p1 s3, s13;
	[smem:$0x0] =	sst @!p1 s5;
	p2 =	seq.s32 s4, $0x0;
	v4 =	vor.u32 @!p0 s1, v4;
	[tilespmem:s14+$0x2100] =	vst.msk @!p0 vm0, v3;
	v3 =	vlaneseq.u32 @!p1  }
0xaf: {  	s5 =	smov.u32 @p1 s0;
	s1 =	sadd.s32 @!p1 $0x1D00, s13;
	[tilespmem:s14+$0x2200] =	vst.msk @!p0 vm0, v4;
	vm0 =	vne.s32 @!p1 v13, $0x0;
	v4 =	vor.u32 @!p1 s3, v3;
	s3 =	sadd.s32 @!p2 s13, s7  }
0xb0: {  	v3 =	vor.u32 @!p1 s1, v3;
	[tilespmem:s0+$0x2100] =	vst.msk @!p1 vm0, v4;
	s1 =	sadd.s32 @!p2 $0xF000, s3;
	s3 =	sadd.s32 @!p2 s4, s5;
	s4 =	spop (v2sf)  }
0xb1: {  	s6 =	rddreg [dreg:$0x12];
	v4 =	vlaneseq.u32 @!p2;
	[tilespmem:s0+$0x2200] =	vst.msk @!p1 vm0, v3;
	s0 =	sadd.s32 @!p2 $0x1E00, s13;
	p0 =	seq.s32 s4, $0x0  }
0xb2: {  	v3 =	vor.u32 @!p2 s1, v4;
	v4 =	vor.u32 @!p2 s0, v4;
	s0 =	sor.u32 @!p0 s6, s13;
	s1 =	sadd.s32 @!p0 $0x1F00, s13;
	s13 =	sadd.s32 $0x10, s13  }
0xb3: {  	p1 =	sne.s32 s13, $0x100  }
.Ltmp2:
0xb4: {  	vm0 =	vne.s32 @!p2 v11, $0x0;
	(pc) =	sbr.rel @p1 .LBB2_2-.Ltmp2, $4  }
0xb5: {  	[tilespmem:s5+$0x2100] =	vst.msk @!p2 vm0, v3;
	v3 =	vlaneseq.u32 @!p0  }
0xb6: {  	[smem:$0x0] =	sst @!p2 s3;
	s3 =	smov.u32 @p2 s5;
	[tilespmem:s5+$0x2200] =	vst.msk @!p2 vm0, v4;
	v4 =	vor.u32 @!p0 s0, v3;
	vm0 =	vlt.s32 @!p0 v2, $0x0  }
0xb7: {  	s14 =	sadd.s32 @!p0 s4, s3;
	v2 =	vor.u32 @!p0 s1, v3;
	[tilespmem:s3+$0x2100] =	vst.msk @!p0 vm0, v4  }
0xb8: {  	s12 =	sadd.s32 $0x10, s12;
	[smem:$0x0] =	sst @!p0 s14;
	s14 =	smov.u32 @p0 s3;
	[tilespmem:s3+$0x2200] =	vst.msk @!p0 vm0, v2  }
0xb9: {  	s0 =	sadd.s32 $0xF, s14  }
0xba: {  	s15 =	sshra.s32 s0, $0x4  }
0xbb: {  	p0 =	slt.s32 s15, $0x1  }
.Ltmp3:
0xbc: {  	_ = 	snop;
	(pc) =	sbr.rel @p0 .LBB2_7-.Ltmp3, $2  }
0xbd: {  	_ =	sdelay $0x2  }
0xbe: {  	s1 =	simm.s32 $0x800;
	s3 =	simm.s32 $0x4000  }
0xbf: {  	s12 =	simm.s32 $0x2100  }
0xc0: {  	v2 =	vld [tilespmem:s12+$0x0];
	_ =	sdelay $0x4  }
0xc1: {  	v3 =	vadd.s32 $0xE95D677E, v2  }
0xc2: {  	v4 =	vadd.s32 $0x7190D325, v2;
	v5 =	vadd.s32 $0x7E628041, v2;
	v6 =	vshrl.u32 v3, $0x13  }
0xc3: {  	v3 =	vshll.u32 v3, $0xD;
	v7 =	vshrl.u32 v4, $0x13;
	v4 =	vshll.u32 v4, $0xD  }
0xc4: {  	v2 =	vadd.s32 $0xFC338BB7, v2;
	v3 =	vor.u32 v6, v3;
	v4 =	vor.u32 v7, v4  }
0xc5: {  	v3 =	vxor.u32 v5, v3;
	v4 =	vxor.u32 v2, v4  }
0xc6: {  	v6 =	vshrl.u32 v3, $0x11;
	v7 =	vshrl.u32 v4, $0x11;
	v8 =	vshll.u32 v3, $0xF  }
0xc7: {  	v9 =	vshll.u32 v4, $0xF;
	v3 =	vadd.s32 v5, v3;
	v5 =	vor.u32 v6, v8  }
0xc8: {  	v2 =	vadd.s32 v2, v4;
	v6 =	vor.u32 v7, v9;
	v4 =	vxor.u32 v3, v5  }
0xc9: {  	v5 =	vxor.u32 v2, v6;
	v6 =	vshrl.u32 v4, $0x6;
	v7 =	vshll.u32 v4, $0x1A  }
0xca: {  	v8 =	vshrl.u32 v5, $0x6;
	v2 =	vadd.s32 v2, v5;
	v5 =	vshll.u32 v5, $0x1A  }
0xcb: {  	v3 =	vadd.s32 v3, v4;
	v4 =	vor.u32 v6, v7;
	v5 =	vor.u32 v8, v5  }
0xcc: {  	v4 =	vxor.u32 v3, v4;
	v5 =	vxor.u32 v2, v5  }
0xcd: {  	v6 =	vshrl.u32 v4, $0x1A;
	v7 =	vshll.u32 v4, $0x6;
	v8 =	vshll.u32 v5, $0x6  }
0xce: {  	v3 =	vadd.s32 v3, v4;
	v6 =	vor.u32 v6, v7;
	v7 =	vshrl.u32 v5, $0x1A  }
0xcf: {  	v2 =	vadd.s32 v2, v5;
	v4 =	vor.u32 v7, v8;
	v5 =	vxor.u32 v3, v6  }
0xd0: {  	v4 =	vxor.u32 v2, v4;
	v5 =	vadd.s32 $0x67896468, v5  }
0xd1: {  	v4 =	vadd.s32 $0xE0E3706E, v4;
	v6 =	vshll.u32 v5, $0x11  }
0xd2: {  	v3 =	vadd.s32 v5, v3;
	v5 =	vshrl.u32 v5, $0xF;
	v7 =	vshll.u32 v4, $0x11  }
0xd3: {  	v2 =	vadd.s32 v4, v2;
	v4 =	vshrl.u32 v4, $0xF;
	v3 =	vadd.s32 $0xE95D677E, v3  }
0xd4: {  	v5 =	vor.u32 v5, v6;
	v2 =	vadd.s32 $0x7190D325, v2;
	v4 =	vor.u32 v4, v7  }
0xd5: {  	v5 =	vxor.u32 v3, v5;
	v4 =	vxor.u32 v2, v4  }
0xd6: {  	v8 =	vshrl.u32 v5, $0x3;
	v6 =	vshrl.u32 v4, $0x3;
	v7 =	vshll.u32 v4, $0x1D  }
0xd7: {  	v2 =	vadd.s32 v2, v4;
	v4 =	vor.u32 v6, v7;
	v6 =	vshll.u32 v5, $0x1D  }
0xd8: {  	v3 =	vadd.s32 v3, v5;
	v4 =	vxor.u32 v2, v4;
	v5 =	vor.u32 v8, v6  }
0xd9: {  	v6 =	vshrl.u32 v4, $0x10;
	v7 =	vshll.u32 v4, $0x10;
	v5 =	vxor.u32 v3, v5  }
0xda: {  	v2 =	vadd.s32 v2, v4;
	v4 =	vor.u32 v6, v7;
	v6 =	vshrl.u32 v5, $0x10  }
0xdb: {  	v3 =	vadd.s32 v3, v5;
	v5 =	vshll.u32 v5, $0x10;
	v4 =	vxor.u32 v2, v4  }
0xdc: {  	v5 =	vor.u32 v6, v5;
	v7 =	vshrl.u32 v4, $0x8;
	v8 =	vshll.u32 v4, $0x18  }
0xdd: {  	v2 =	vadd.s32 v2, v4;
	v5 =	vxor.u32 v3, v5;
	v4 =	vor.u32 v7, v8  }
0xde: {  	v6 =	vshrl.u32 v5, $0x8;
	v4 =	vxor.u32 v2, v4  }
0xdf: {  	v7 =	vshll.u32 v5, $0x18;
	v3 =	vadd.s32 v3, v5;
	v4 =	vadd.s32 $0x8AA2B894, v4  }
0xe0: {  	v2 =	vadd.s32 v4, v2;
	v5 =	vshrl.u32 v4, $0x13;
	v4 =	vshll.u32 v4, $0xD  }
0xe1: {  	v6 =	vor.u32 v6, v7;
	v2 =	vadd.s32 $0xE0E3706D, v2;
	v4 =	vor.u32 v5, v4  }
0xe2: {  	v5 =	vxor.u32 v3, v6;
	v4 =	vxor.u32 v2, v4  }
0xe3: {  	v5 =	vadd.s32 $0x950518C5, v5;
	v6 =	vshrl.u32 v4, $0x11  }
0xe4: {  	v7 =	vshll.u32 v4, $0xF;
	v3 =	vadd.s32 v5, v3;
	v2 =	vadd.s32 v2, v4  }
0xe5: {  	v4 =	vor.u32 v6, v7;
	v6 =	vshrl.u32 v5, $0x13;
	v5 =	vshll.u32 v5, $0xD  }
0xe6: {  	v3 =	vadd.s32 $0x67896467, v3;
	v4 =	vxor.u32 v2, v4;
	v5 =	vor.u32 v6, v5  }
0xe7: {  	v2 =	vadd.s32 v2, v4;
	v7 =	vshrl.u32 v4, $0x6;
	v4 =	vshll.u32 v4, $0x1A  }
0xe8: {  	v5 =	vxor.u32 v3, v5;
	v4 =	vor.u32 v7, v4  }
0xe9: {  	v7 =	vshrl.u32 v5, $0x11;
	v8 =	vshll.u32 v5, $0xF;
	v4 =	vxor.u32 v2, v4  }
0xea: {  	v3 =	vadd.s32 v3, v5;
	v5 =	vor.u32 v7, v8;
	v6 =	vshll.u32 v4, $0x6  }
0xeb: {  	v61 =	vshrl.u32 v4, $0x1A;
	v2 =	vadd.s32 v2, v4;
	v5 =	vxor.u32 v3, v5  }
0xec: {  	v4 =	vor.u32 v61, v6;
	v6 =	vshrl.u32 v5, $0x6;
	v7 =	vshll.u32 v5, $0x1A  }
0xed: {  	v3 =	vadd.s32 v3, v5;
	v4 =	vxor.u32 v2, v4;
	v5 =	vor.u32 v6, v7  }
0xee: {  	v4 =	vadd.s32 $0x7190D328, v4;
	v5 =	vxor.u32 v3, v5  }
0xef: {  	v2 =	vadd.s32 v4, v2;
	v6 =	vshrl.u32 v4, $0xF;
	v7 =	vshrl.u32 v5, $0x1A  }
0xf0: {  	v8 =	vshll.u32 v5, $0x6;
	v4 =	vshll.u32 v4, $0x11;
	v3 =	vadd.s32 v3, v5  }
0xf1: {  	v2 =	vadd.s32 $0x8AA2B892, v2;
	v5 =	vor.u32 v7, v8;
	v4 =	vor.u32 v6, v4  }
0xf2: {  	v5 =	vxor.u32 v3, v5;
	v4 =	vxor.u32 v2, v4  }
0xf3: {  	v5 =	vadd.s32 $0xE95D6781, v5;
	v6 =	vshrl.u32 v4, $0x3  }
0xf4: {  	v8 =	vshll.u32 v4, $0x1D;
	v2 =	vadd.s32 v2, v4;
	v3 =	vadd.s32 v5, v3  }
0xf5: {  	v7 =	vshrl.u32 v5, $0xF;
	v5 =	vshll.u32 v5, $0x11;
	v4 =	vor.u32 v6, v8  }
0xf6: {  	v3 =	vadd.s32 $0x950518C3, v3;
	v5 =	vor.u32 v7, v5;
	v4 =	vxor.u32 v2, v4  }
0xf7: {  	v5 =	vxor.u32 v3, v5;
	v7 =	vshrl.u32 v4, $0x10;
	v8 =	vshll.u32 v4, $0x10  }
0xf8: {  	v3 =	vadd.s32 v3, v5;
	v6 =	vshrl.u32 v5, $0x3;
	v5 =	vshll.u32 v5, $0x1D  }
0xf9: {  	v2 =	vadd.s32 v2, v4;
	v4 =	vor.u32 v7, v8;
	v5 =	vor.u32 v6, v5  }
0xfa: {  	v4 =	vxor.u32 v2, v4;
	v5 =	vxor.u32 v3, v5  }
0xfb: {  	v7 =	vshrl.u32 v4, $0x8;
	v8 =	vshll.u32 v4, $0x18;
	v2 =	vadd.s32 v2, v4  }
0xfc: {  	v6 =	vshrl.u32 v5, $0x10;
	v62 =	vshll.u32 v5, $0x10;
	v4 =	vor.u32 v7, v8  }
0xfd: {  	v3 =	vadd.s32 v3, v5;
	v6 =	vor.u32 v6, v62;
	v4 =	vxor.u32 v2, v4  }
0xfe: {  	v5 =	vxor.u32 v3, v6;
	v4 =	vadd.s32 $0xE0E37071, v4  }
0xff: {  	v3 =	vadd.s32 v3, v5;
	v6 =	vshrl.u32 v5, $0x8;
	v2 =	vadd.s32 v4, v2  }
0x100: {  	v7 =	vshrl.u32 v4, $0x13;
	v5 =	vshll.u32 v5, $0x18;
	v4 =	vshll.u32 v4, $0xD  }
0x101: {  	v2 =	vadd.s32 $0x7190D325, v2;
	v5 =	vor.u32 v6, v5;
	v4 =	vor.u32 v7, v4  }
0x102: {  	v5 =	vxor.u32 v3, v5;
	v4 =	vxor.u32 v2, v4  }
0x103: {  	v5 =	vadd.s32 $0x6789646B, v5;
	v6 =	vshrl.u32 v4, $0x11;
	v7 =	vshll.u32 v4, $0xF  }
0x104: {  	v2 =	vadd.s32 v2, v4;
	v4 =	vor.u32 v6, v7;
	v3 =	vadd.s32 v5, v3  }
0x105: {  	v6 =	vshrl.u32 v5, $0x13;
	v5 =	vshll.u32 v5, $0xD;
	v4 =	vxor.u32 v2, v4  }
0x106: {  	v3 =	vadd.s32 $0xE95D677E, v3;
	v5 =	vor.u32 v6, v5;
	v7 =	vshrl.u32 v4, $0x6  }
0x107: {  	v6 =	vshll.u32 v4, $0x1A;
	v2 =	vadd.s32 v2, v4;
	v4 =	vxor.u32 v3, v5  }
0x108: {  	v5 =	vor.u32 v7, v6;
	v6 =	vshrl.u32 v4, $0x11;
	v7 =	vshll.u32 v4, $0xF  }
0x109: {  	v3 =	vadd.s32 v3, v4;
	v5 =	vxor.u32 v2, v5;
	v4 =	vor.u32 v6, v7  }
0x10a: {  	v6 =	vshrl.u32 v5, $0x1A;
	v2 =	vadd.s32 v2, v5;
	v4 =	vxor.u32 v3, v4  }
0x10b: {  	v5 =	vshll.u32 v5, $0x6;
	v7 =	vshrl.u32 v4, $0x6;
	v8 =	vshll.u32 v4, $0x1A  }
0x10c: {  	v5 =	vor.u32 v6, v5;
	v3 =	vadd.s32 v3, v4;
	v4 =	vor.u32 v7, v8  }
0x10d: {  	v5 =	vxor.u32 v2, v5;
	v2 =	vadd.s32 $0xE0E3706D, v2;
	v4 =	vxor.u32 v3, v4  }
0x10e: {  	v5 =	vadd.s32 $0x8AA2B897, v5;
	v6 =	vshrl.u32 v4, $0x1A;
	v7 =	vshll.u32 v4, $0x6  }
0x10f: {  	v3 =	vadd.s32 v3, v4;
	v2 =	vxor.u32 v2, v5;
	v4 =	vor.u32 v6, v7  }
0x110: {  	v5 =	vshrl.u32 v2, $0x10;
	vm0 =	vgt.u32 v2, $0xC2E8FFFF;
	v4 =	vxor.u32 v3, v4  }
0x111: {  	v6 =	vadd.s32 $0xFFFF3D17, v5;
	v3 =	vadd.s32 $0x67896467, v3;
	v4 =	vadd.s32 $0x950518C8, v4  }
0x112: {  	v5 =	vsel vm0, v6, v5;
	v3 =	vxor.u32 v3, v4  }
0x113: {  	v4 =	vmul.u32 $0x3D17, v5;
	v5 =	vshrl.u32 v3, $0x10  }
0x114: {  	v2 =	vand.u32 $0xFFFF, v2;
	vm13 =	vgt.u32 v3, $0xC2E8FFFF;
	v6 =	vadd.s32 $0xFFFF3D17, v5  }
0x115: {  	v2 =	vadd.s32 v2, v4;
	v4 =	vsel vm13, v6, v5  }
0x116: {  	v5 =	vcvt.s32.f32 v2;
	v4 =	vmul.u32 $0x3D17, v4  }
0x117: {  	v3 =	vand.u32 $0xFFFF, v3  }
0x118: {  	v5 =	vmul.f32 $2.004128510e-05, v5;
	v3 =	vadd.s32 v3, v4  }
0x119: {  	v4 =	vcvt.s32.f32 v3  }
0x11a: {  	v5 =	vtrunc.f32 v5  }
0x11b: {  	v5 =	vcvt.f32.s32 v5;
	v4 =	vmul.f32 $2.004128510e-05, v4;
	_ =	sdelay $0x1  }
0x11c: {  	v5 =	vmul.u32 $0xFFFF3D17, v5;
	v4 =	vtrunc.f32 v4  }
0x11d: {  	v4 =	vcvt.f32.s32 v4  }
0x11e: {  	v2 =	vadd.s32 v2, v5  }
0x11f: {  	s13 =	simm.s32 $0x2200;
	vm14 =	vlt.s32 v2, $0x0;
	v5 =	vadd.s32 $0xC2E9, v2;
	v4 =	vmul.u32 $0xFFFF3D17, v4  }
0x120: {  	v7 =	vld [tilespmem:s13+$0x0];
	v5 =	vsel vm14, v5, v2  }
0x121: {  	vm0 =	vgt.s32 v5, $0xC2E8;
	v3 =	vadd.s32 v3, v4  }
0x122: {  	v4 =	vadd.s32 $0xFFFF3D17, v5;
	vm1 =	vlt.s32 v3, $0x0;
	v6 =	vadd.s32 $0xC2E9, v3  }
0x123: {  	p0 =	sne.s32 s15, $0x1;
	v4 =	vsel vm0, v4, v5;
	v5 =	vsel vm1, v6, v3  }
.Ltmp4:
0x124: {  	v4 =	vmul.u32 $0x8164, v4;
	vm15 =	vgt.s32 v5, $0xC2E8;
	v6 =	vadd.s32 $0xFFFF3D17, v5;
	(pc) =	sbr.rel @!p0 .LBB2_6-.Ltmp4, $4  }
0x125: {  	v8 =	vshll.u32 v7, $0x3;
	v5 =	vsel vm15, v6, v5  }
0x126: {  	v63 =	vand.u32 $0xFFFFF87F, v7;
	v8 =	vand.u32 $0x400, v8;
	v6 =	vadd.s32 v5, v4  }
0x127: {  	v2 =	vmov s14;
	s14 =	simm.s32 $0x0;
	v5 =	vshrl.u32 v7, $0x1;
	v7 =	vcvt.s32.f32 v6  }
0x128: {  	s15 =	sadd.s32 $0xFFFFFFFF, s15;
	v3 =	vor.u32 s14, v0;
	v4 =	vor.u32 v8, v63  }
.LBB2_5:
0x129: {  	s12 =	sadd.s32 $0x10, s12;
	s13 =	sadd.s32 $0x10, s13;
	s14 =	sadd.s32 $0x10, s14  }
0x12a: {  	p0 =	sne.s32 s15, $0x1;
	s15 =	sadd.s32 $0xFFFFFFFF, s15;
	v7 =	vmul.f32 $2.004128510e-05, v7;
	v8 =	vor.u32 s14, v0;
	_ =	sdelay $0x1  }
0x12b: {  	v7 =	vtrunc.f32 v7  }
0x12c: {  	v7 =	vcvt.f32.s32 v7;
	_ =	sdelay $0x1  }
0x12d: {  	v7 =	vmul.u32 $0xFFFF3D17, v7;
	_ =	sdelay $0x1  }
0x12e: {  	vm0 =	vlt.s32 v3, v2;
	v5 =	vand.u32 $0x380, v5;
	v3 =	vmovc v8;
	v6 =	vadd.s32 v6, v7  }
0x12f: {  	v4 =	vor.u32 v5, v4;
	vm1 =	vlt.s32 v6, $0x0;
	v7 =	vadd.s32 $0xC2E9, v6  }
0x130: {  	v5 =	vsel vm1, v7, v6  }
0x131: {  	vm1 =	vgt.s32 v5, $0xC2E8  }
0x132: {  	v6 =	vsel vm1, $0xFFFF3D7E, v1  }
0x133: {  	v5 =	vadd.s32 v5, v6  }
0x134: {  	[tilespmem:v4+s2+$0x0] =	vst.idx.msk vm0, v5;
	_ =	sdelay $0x1  }
0x135: {  	v4 =	vld [tilespmem:s12+$0x0];
	_ =	sdelay $0x4  }
0x136: {  	v5 =	vadd.s32 $0x7190D325, v4;
	v6 =	vadd.s32 $0x7E628041, v4;
	v7 =	vadd.s32 $0xE95D677E, v4  }
0x137: {  	v4 =	vadd.s32 $0xFC338BB7, v4;
	v8 =	vshrl.u32 v7, $0x13;
	v7 =	vshll.u32 v7, $0xD  }
0x138: {  	v9 =	vshrl.u32 v5, $0x13;
	v5 =	vshll.u32 v5, $0xD;
	v7 =	vor.u32 v8, v7  }
0x139: {  	v5 =	vor.u32 v9, v5;
	v7 =	vxor.u32 v6, v7  }
0x13a: {  	v5 =	vxor.u32 v4, v5;
	v8 =	vshrl.u32 v7, $0x11  }
0x13b: {  	v9 =	vshrl.u32 v5, $0x11;
	v10 =	vshll.u32 v5, $0xF;
	v11 =	vshll.u32 v7, $0xF  }
0x13c: {  	v6 =	vadd.s32 v6, v7;
	v9 =	vor.u32 v9, v10;
	v7 =	vor.u32 v8, v11  }
0x13d: {  	v4 =	vadd.s32 v4, v5;
	v5 =	vxor.u32 v6, v7  }
0x13e: {  	v7 =	vxor.u32 v4, v9;
	v8 =	vshrl.u32 v5, $0x6;
	v9 =	vshll.u32 v5, $0x1A  }
0x13f: {  	v10 =	vshrl.u32 v7, $0x6;
	v5 =	vadd.s32 v6, v5;
	v6 =	vor.u32 v8, v9  }
0x140: {  	v4 =	vadd.s32 v4, v7;
	v7 =	vshll.u32 v7, $0x1A;
	v6 =	vxor.u32 v5, v6  }
0x141: {  	v7 =	vor.u32 v10, v7;
	v8 =	vshrl.u32 v6, $0x1A;
	v9 =	vshll.u32 v6, $0x6  }
0x142: {  	v7 =	vxor.u32 v4, v7;
	v8 =	vor.u32 v8, v9  }
0x143: {  	v10 =	vshll.u32 v7, $0x6;
	v5 =	vadd.s32 v5, v6;
	v9 =	vshrl.u32 v7, $0x1A  }
0x144: {  	v4 =	vadd.s32 v4, v7;
	v6 =	vor.u32 v9, v10;
	v7 =	vxor.u32 v5, v8  }
0x145: {  	v6 =	vxor.u32 v4, v6;
	v7 =	vadd.s32 $0x67896468, v7  }
0x146: {  	v6 =	vadd.s32 $0xE0E3706E, v6;
	v8 =	vshll.u32 v7, $0x11  }
0x147: {  	v5 =	vadd.s32 v7, v5;
	v7 =	vshrl.u32 v7, $0xF;
	v9 =	vshll.u32 v6, $0x11  }
0x148: {  	v4 =	vadd.s32 v6, v4;
	v6 =	vshrl.u32 v6, $0xF;
	v5 =	vadd.s32 $0xE95D677E, v5  }
0x149: {  	v7 =	vor.u32 v7, v8;
	v4 =	vadd.s32 $0x7190D325, v4;
	v6 =	vor.u32 v6, v9  }
0x14a: {  	v7 =	vxor.u32 v5, v7;
	v6 =	vxor.u32 v4, v6  }
0x14b: {  	v10 =	vshrl.u32 v7, $0x3;
	v8 =	vshrl.u32 v6, $0x3;
	v9 =	vshll.u32 v6, $0x1D  }
0x14c: {  	v4 =	vadd.s32 v4, v6;
	v6 =	vor.u32 v8, v9;
	v8 =	vshll.u32 v7, $0x1D  }
0x14d: {  	v5 =	vadd.s32 v5, v7;
	v6 =	vxor.u32 v4, v6;
	v7 =	vor.u32 v10, v8  }
0x14e: {  	v8 =	vshrl.u32 v6, $0x10;
	v9 =	vshll.u32 v6, $0x10;
	v7 =	vxor.u32 v5, v7  }
0x14f: {  	v4 =	vadd.s32 v4, v6;
	v6 =	vor.u32 v8, v9;
	v8 =	vshrl.u32 v7, $0x10  }
0x150: {  	v5 =	vadd.s32 v5, v7;
	v7 =	vshll.u32 v7, $0x10;
	v6 =	vxor.u32 v4, v6  }
0x151: {  	v7 =	vor.u32 v8, v7;
	v9 =	vshrl.u32 v6, $0x8;
	v10 =	vshll.u32 v6, $0x18  }
0x152: {  	v4 =	vadd.s32 v4, v6;
	v7 =	vxor.u32 v5, v7;
	v6 =	vor.u32 v9, v10  }
0x153: {  	v8 =	vshrl.u32 v7, $0x8;
	v9 =	vshll.u32 v7, $0x18;
	v6 =	vxor.u32 v4, v6  }
0x154: {  	v5 =	vadd.s32 v5, v7;
	v7 =	vor.u32 v8, v9;
	v6 =	vadd.s32 $0x8AA2B894, v6  }
0x155: {  	v4 =	vadd.s32 v6, v4;
	v8 =	vshrl.u32 v6, $0x13;
	v6 =	vshll.u32 v6, $0xD  }
0x156: {  	v7 =	vxor.u32 v5, v7;
	v4 =	vadd.s32 $0xE0E3706D, v4;
	v6 =	vor.u32 v8, v6  }
0x157: {  	v7 =	vadd.s32 $0x950518C5, v7;
	v6 =	vxor.u32 v4, v6  }
0x158: {  	v5 =	vadd.s32 v7, v5;
	v8 =	vshrl.u32 v6, $0x11;
	v9 =	vshll.u32 v6, $0xF  }
0x159: {  	v4 =	vadd.s32 v4, v6;
	v6 =	vor.u32 v8, v9;
	v8 =	vshrl.u32 v7, $0x13  }
0x15a: {  	v7 =	vshll.u32 v7, $0xD;
	v6 =	vxor.u32 v4, v6  }
0x15b: {  	v4 =	vadd.s32 v4, v6;
	v9 =	vshrl.u32 v6, $0x6;
	v6 =	vshll.u32 v6, $0x1A  }
0x15c: {  	v5 =	vadd.s32 $0x67896467, v5;
	v7 =	vor.u32 v8, v7;
	v6 =	vor.u32 v9, v6  }
0x15d: {  	v7 =	vxor.u32 v5, v7;
	v6 =	vxor.u32 v4, v6  }
0x15e: {  	v9 =	vshrl.u32 v7, $0x11;
	v10 =	vshll.u32 v7, $0xF;
	v8 =	vshll.u32 v6, $0x6  }
0x15f: {  	v5 =	vadd.s32 v5, v7;
	v7 =	vor.u32 v9, v10;
	v11 =	vshrl.u32 v6, $0x1A  }
0x160: {  	v4 =	vadd.s32 v4, v6;
	v7 =	vxor.u32 v5, v7;
	v6 =	vor.u32 v11, v8  }
0x161: {  	v8 =	vshrl.u32 v7, $0x6;
	v9 =	vshll.u32 v7, $0x1A;
	v6 =	vxor.u32 v4, v6  }
0x162: {  	v5 =	vadd.s32 v5, v7;
	v7 =	vor.u32 v8, v9;
	v6 =	vadd.s32 $0x7190D328, v6  }
0x163: {  	v7 =	vxor.u32 v5, v7;
	v4 =	vadd.s32 v6, v4;
	v8 =	vshrl.u32 v6, $0xF  }
0x164: {  	v9 =	vshrl.u32 v7, $0x1A;
	v10 =	vshll.u32 v7, $0x6;
	v4 =	vadd.s32 $0x8AA2B892, v4  }
0x165: {  	v6 =	vshll.u32 v6, $0x11;
	v5 =	vadd.s32 v5, v7;
	v7 =	vor.u32 v9, v10  }
0x166: {  	v6 =	vor.u32 v8, v6;
	v7 =	vxor.u32 v5, v7  }
0x167: {  	v6 =	vxor.u32 v4, v6;
	v7 =	vadd.s32 $0xE95D6781, v7  }
0x168: {  	v8 =	vshrl.u32 v6, $0x3;
	v5 =	vadd.s32 v7, v5;
	v9 =	vshrl.u32 v7, $0xF  }
0x169: {  	v10 =	vshll.u32 v6, $0x1D;
	v7 =	vshll.u32 v7, $0x11;
	v5 =	vadd.s32 $0x950518C3, v5  }
0x16a: {  	v4 =	vadd.s32 v4, v6;
	v6 =	vor.u32 v8, v10;
	v7 =	vor.u32 v9, v7  }
0x16b: {  	v6 =	vxor.u32 v4, v6;
	v7 =	vxor.u32 v5, v7  }
0x16c: {  	v5 =	vadd.s32 v5, v7;
	v8 =	vshrl.u32 v7, $0x3;
	v7 =	vshll.u32 v7, $0x1D  }
0x16d: {  	v9 =	vshrl.u32 v6, $0x10;
	v10 =	vshll.u32 v6, $0x10;
	v7 =	vor.u32 v8, v7  }
0x16e: {  	v4 =	vadd.s32 v4, v6;
	v6 =	vor.u32 v9, v10;
	v7 =	vxor.u32 v5, v7  }
0x16f: {  	v6 =	vxor.u32 v4, v6;
	v8 =	vshrl.u32 v7, $0x10;
	v9 =	vshll.u32 v7, $0x10  }
0x170: {  	v10 =	vshrl.u32 v6, $0x8;
	v11 =	vshll.u32 v6, $0x18;
	v8 =	vor.u32 v8, v9  }
0x171: {  	v4 =	vadd.s32 v4, v6;
	v6 =	vor.u32 v10, v11;
	v5 =	vadd.s32 v5, v7  }
0x172: {  	v6 =	vxor.u32 v4, v6;
	v7 =	vxor.u32 v5, v8  }
0x173: {  	v6 =	vadd.s32 $0xE0E37071, v6;
	v5 =	vadd.s32 v5, v7;
	v8 =	vshrl.u32 v7, $0x8  }
0x174: {  	v4 =	vadd.s32 v6, v4;
	v9 =	vshrl.u32 v6, $0x13;
	v7 =	vshll.u32 v7, $0x18  }
0x175: {  	v6 =	vshll.u32 v6, $0xD;
	v4 =	vadd.s32 $0x7190D325, v4;
	v7 =	vor.u32 v8, v7  }
0x176: {  	v6 =	vor.u32 v9, v6;
	v7 =	vxor.u32 v5, v7  }
0x177: {  	v6 =	vxor.u32 v4, v6;
	v7 =	vadd.s32 $0x6789646B, v7  }
0x178: {  	v4 =	vadd.s32 v4, v6;
	v8 =	vshrl.u32 v6, $0x11;
	v6 =	vshll.u32 v6, $0xF  }
0x179: {  	v6 =	vor.u32 v8, v6;
	v5 =	vadd.s32 v7, v5;
	v8 =	vshrl.u32 v7, $0x13  }
0x17a: {  	v7 =	vshll.u32 v7, $0xD;
	v6 =	vxor.u32 v4, v6;
	v5 =	vadd.s32 $0xE95D677E, v5  }
0x17b: {  	v7 =	vor.u32 v8, v7;
	v9 =	vshrl.u32 v6, $0x6;
	v10 =	vshll.u32 v6, $0x1A  }
0x17c: {  	v4 =	vadd.s32 v4, v6;
	v7 =	vxor.u32 v5, v7;
	v6 =	vor.u32 v9, v10  }
0x17d: {  	v8 =	vshrl.u32 v7, $0x11;
	v9 =	vshll.u32 v7, $0xF;
	v6 =	vxor.u32 v4, v6  }
0x17e: {  	v5 =	vadd.s32 v5, v7;
	v7 =	vor.u32 v8, v9;
	v10 =	vshrl.u32 v6, $0x1A  }
0x17f: {  	v4 =	vadd.s32 v4, v6;
	v6 =	vshll.u32 v6, $0x6;
	v7 =	vxor.u32 v5, v7  }
0x180: {  	v6 =	vor.u32 v10, v6;
	v8 =	vshrl.u32 v7, $0x6;
	v9 =	vshll.u32 v7, $0x1A  }
0x181: {  	v5 =	vadd.s32 v5, v7;
	v6 =	vxor.u32 v4, v6;
	v7 =	vor.u32 v8, v9  }
0x182: {  	v4 =	vadd.s32 $0xE0E3706D, v4;
	v6 =	vadd.s32 $0x8AA2B897, v6;
	v7 =	vxor.u32 v5, v7  }
0x183: {  	v5 =	vadd.s32 v5, v7;
	v8 =	vshrl.u32 v7, $0x1A;
	v7 =	vshll.u32 v7, $0x6  }
0x184: {  	v4 =	vxor.u32 v4, v6;
	v6 =	vor.u32 v8, v7  }
0x185: {  	v7 =	vshrl.u32 v4, $0x10;
	vm0 =	vgt.u32 v4, $0xC2E8FFFF;
	v6 =	vxor.u32 v5, v6  }
0x186: {  	v8 =	vadd.s32 $0xFFFF3D17, v7;
	v5 =	vadd.s32 $0x67896467, v5;
	v6 =	vadd.s32 $0x950518C8, v6  }
0x187: {  	v7 =	vsel vm0, v8, v7;
	v5 =	vxor.u32 v5, v6  }
0x188: {  	v6 =	vmul.u32 $0x3D17, v7;
	v7 =	vshrl.u32 v5, $0x10  }
0x189: {  	v4 =	vand.u32 $0xFFFF, v4;
	vm0 =	vgt.u32 v5, $0xC2E8FFFF;
	v8 =	vadd.s32 $0xFFFF3D17, v7  }
0x18a: {  	v4 =	vadd.s32 v4, v6;
	v6 =	vsel vm0, v8, v7  }
0x18b: {  	v7 =	vcvt.s32.f32 v4;
	v6 =	vmul.u32 $0x3D17, v6  }
0x18c: {  	v5 =	vand.u32 $0xFFFF, v5  }
0x18d: {  	v7 =	vmul.f32 $2.004128510e-05, v7;
	v5 =	vadd.s32 v5, v6  }
0x18e: {  	v6 =	vcvt.s32.f32 v5  }
0x18f: {  	v7 =	vtrunc.f32 v7  }
0x190: {  	v7 =	vcvt.f32.s32 v7;
	v6 =	vmul.f32 $2.004128510e-05, v6  }
0x191: {  	v8 =	vld [tilespmem:s13+$0x0]  }
0x192: {  	v7 =	vmul.u32 $0xFFFF3D17, v7;
	v6 =	vtrunc.f32 v6  }
0x193: {  	v6 =	vcvt.f32.s32 v6  }
0x194: {  	v4 =	vadd.s32 v4, v7  }
0x195: {  	vm0 =	vlt.s32 v4, $0x0;
	v7 =	vadd.s32 $0xC2E9, v4;
	v6 =	vmul.u32 $0xFFFF3D17, v6  }
0x196: {  	v4 =	vsel vm0, v7, v4;
	v7 =	vshll.u32 v8, $0x3;
	v9 =	vand.u32 $0xFFFFF87F, v8  }
0x197: {  	vm0 =	vgt.s32 v4, $0xC2E8;
	v10 =	vadd.s32 $0xFFFF3D17, v4;
	v5 =	vadd.s32 v5, v6  }
0x198: {  	vm1 =	vlt.s32 v5, $0x0;
	v6 =	vadd.s32 $0xC2E9, v5;
	v7 =	vand.u32 $0x400, v7  }
.Ltmp5:
0x199: {  	v10 =	vsel vm0, v10, v4;
	v5 =	vsel vm1, v6, v5;
	v4 =	vor.u32 v7, v9;
	(pc) =	sbr.rel @p0 .LBB2_5-.Ltmp5, $4  }
0x19a: {  	vm0 =	vgt.s32 v5, $0xC2E8;
	v6 =	vadd.s32 $0xFFFF3D17, v5;
	v7 =	vmul.u32 $0x8164, v10  }
0x19b: {  	v6 =	vsel vm0, v6, v5;
	v5 =	vshrl.u32 v8, $0x1  }
0x19c: {  	v6 =	vadd.s32 v6, v7  }
0x19d: {  	v7 =	vcvt.s32.f32 v6  }
.Ltmp6:
0x19e: {  	_ = 	snop;
	(pc) =	sbr.rel .LBB2_6-.Ltmp6, $1  }
0x19f: {  	_ =	sdelay $0x3  }
.LBB2_8:
0x1a0: {  	_ =	sfence.sel $0x180000  }
0x1a1: {  	[bflag:$0x0] =	sbarrier.arrive $0xFFFF  }
0x1a2: {  	_ =	strace $0x90000047  }
0x1a3: {  	s0 =	stileid.u32;
	[bflag:$0x2] =	sbarrier.arrive $0xFFFF  }
0x1a4: {  	p0 =	sne.s32 s0, $0x0;
	s0 =	rddreg [dreg:$0x2]  }
0x1a5: {  	s0 =	sadd.s32 @!p0 $0x100000, s0  }
0x1a6: {  	[sflag:s0] =	ssyncadd.tile.s32 @!p0 $0x1;
	_ =	shalt  }
.Lfunc_end2:
_tile_overlayer_lowered:
.L_overlay_start_2:
0x1a7: {  	(tag) =	ssettag $0x2  }
0x1a8: {  	s0 =	rddreg [dreg:$0x0];
	s2 =	stileid.u32  }
0x1a9: {  	s1 =	rddreg [dreg:$0x1];
	p0 =	sne.s32 s2, $0x0  }
0x1aa: {  	s3 =	rddreg [dreg:$0x2];
	[bflag:$0x3] =	sbarrier.arrive $0xFFFF;
	s2 =	simm.s32 @!p0 $0x1C01  }
0x1ab: {  	[timem:s3], [sflag:s2] =	dma.local @!p0 [hbm:s0], s1  }
0x1ac: {  	s0 =	simm.s32 @!p0 $0x1  }
0x1ad: {  	_ =	swait.ge @!p0 [sflag:s0], s1  }
0x1ae: {  	s1 =	ssub.s32 @!p0 $0x0, s1;
	[sflag:s0] =	ssyncset.done @!p0 $0x0  }
0x1af: {  	[sflag:s0] =	ssyncadd.s32 @!p0 s1  }
0x1b0: {  	[bflag:$0x3] =	sbarrier.arrive $0xFFFF  }
0x1b1: {  	_ =	shalt  }

</sc_bundles>
